<compile_context>
chip_gen: v7x
topology: tpu7x:2x2x1
jax: 0.10.2.dev20260603
libtpu: 0.0.44.dev20260713+nightly
codegen_flags: <defaults>
</compile_context>

<pallas_src>
import functools

import jax
import jax.numpy as jnp
from jax import lax
from jax.experimental import pallas as pl
from jax.experimental.pallas import tpu as pltpu
from jax.experimental.pallas import tpu_sc as plsc

N_FACTORS = 64
BATCH = 16384
NC = 2
NS = 16
NW = NC * NS
B_PER_W = BATCH // NW
ROWS_PER_DMA = 128
N_DMA = B_PER_W // ROWS_PER_DMA
GROUPS = B_PER_W // 16


def _body(uidx_hbm, midx_hbm, ut_hbm, mt_hbm, w_hbm, b_hbm, out_hbm,
          uidx_v, midx_v, urows_v, mrows_v, w_v, b_v, out_v, sem):
    wid = lax.axis_index("s") * NC + lax.axis_index("c")
    base = wid * N_DMA

    pltpu.sync_copy(w_hbm, w_v)
    pltpu.sync_copy(b_hbm, b_v)
    pltpu.sync_copy(uidx_hbm.at[pl.ds(base, N_DMA)], uidx_v)
    pltpu.sync_copy(midx_hbm.at[pl.ds(base, N_DMA)], midx_v)

    copies = []
    for j in range(N_DMA):
        dst = pl.ds(j * ROWS_PER_DMA, ROWS_PER_DMA)
        copies.append(pltpu.async_copy(ut_hbm.at[uidx_v.at[j]],
                                       urows_v.at[dst], sem))
        copies.append(pltpu.async_copy(mt_hbm.at[midx_v.at[j]],
                                       mrows_v.at[dst], sem))
    for cp in copies:
        cp.wait()

    wchunks = [w_v[pl.ds(k * 16, 16)] for k in range(2 * N_FACTORS // 16)]

    def group(g, carry):
        rid = g * 16 + lax.iota(jnp.int32, 16)
        acc = b_v[...]
        for c in range(N_FACTORS):
            cc = jnp.full((16,), c, jnp.int32)
            lane = jnp.full((16,), c % 16, jnp.int32)
            wu = wchunks[c // 16].at[lane].get(mode="promise_in_bounds")
            wm = wchunks[N_FACTORS // 16 + c // 16].at[lane].get(
                mode="promise_in_bounds")
            ucol = plsc.load_gather(urows_v, [rid, cc])
            mcol = plsc.load_gather(mrows_v, [rid, cc])
            acc = acc + ucol * wu + mcol * wm
        out_v[pl.ds(g * 16, 16)] = acc
        return carry

    lax.fori_loop(0, GROUPS, group, 0)

    pltpu.sync_copy(out_v, out_hbm.at[pl.ds(wid * B_PER_W, B_PER_W)])


@functools.partial(jax.jit, static_argnames=())
def _run(uidx, midx, ut, mt, w, bvec):
    mesh = plsc.VectorSubcoreMesh(core_axis_name="c", subcore_axis_name="s",
                                  num_cores=NC, num_subcores=NS)
    fn = pl.kernel(
        _body,
        out_type=jax.ShapeDtypeStruct((BATCH,), jnp.float32),
        mesh=mesh,
        compiler_params=pltpu.CompilerParams(needs_layout_passes=False,
                                             use_tc_tiling_on_sc=False),
        scratch_types=[
            pltpu.VMEM((N_DMA, ROWS_PER_DMA), jnp.int32),
            pltpu.VMEM((N_DMA, ROWS_PER_DMA), jnp.int32),
            pltpu.VMEM((B_PER_W, N_FACTORS), jnp.float32),
            pltpu.VMEM((B_PER_W, N_FACTORS), jnp.float32),
            pltpu.VMEM((2 * N_FACTORS,), jnp.float32),
            pltpu.VMEM((16,), jnp.float32),
            pltpu.VMEM((B_PER_W,), jnp.float32),
            pltpu.SemaphoreType.DMA,
        ],
    )
    return fn(uidx, midx, ut, mt, w, bvec)


def kernel(user, movie, user_table, movie_table, W, b):
    uidx = user.astype(jnp.int32).reshape(NW * N_DMA, ROWS_PER_DMA)
    midx = movie.astype(jnp.int32).reshape(NW * N_DMA, ROWS_PER_DMA)
    w = W.reshape(2 * N_FACTORS)
    bvec = jnp.broadcast_to(b, (16,))
    out = _run(uidx, midx, user_table, movie_table, w, bvec)
    return out.reshape(BATCH, 1)

# --- scband reference (transcript-rebuilt; emitter-appended) ---
"""Pipeline reference for scband-net-1211180777957 (READ-ONLY COPY).

The authoritative reference and input builder live on the scoring server;
editing this copy changes nothing except your own understanding.
"""

import jax, jax.numpy as jnp
import numpy as np

N_USERS = 1000000
N_MOVIES = 100000
N_FACTORS = 64
BATCH = 16384

def setup_inputs(seed: int = 0) -> dict:
    key = jax.random.key(seed)
    k1, k2, k3, k4, k5, k6 = jax.random.split(key, 6)
    user = jax.random.randint(k1, (BATCH,), 0, N_USERS, dtype=jnp.int64 if jax.config.jax_enable_x64 else jnp.int32)
    movie = jax.random.randint(k2, (BATCH,), 0, N_MOVIES, dtype=jnp.int64 if jax.config.jax_enable_x64 else jnp.int32)
    user_table = jax.random.normal(k3, (N_USERS, N_FACTORS), dtype=jnp.float32)
    movie_table = jax.random.normal(k4, (N_MOVIES, N_FACTORS), dtype=jnp.float32)
    # nn.Linear(n_factors*2, 1): weight [1, 128], bias [1]
    bound = 1.0 / np.sqrt(N_FACTORS * 2)
    W = jax.random.uniform(k5, (1, N_FACTORS * 2), minval=-bound, maxval=bound, dtype=jnp.float32)
    b = jax.random.uniform(k6, (1,), minval=-bound, maxval=bound, dtype=jnp.float32)
    return {"user": user, "movie": movie, "user_table": user_table, "movie_table": movie_table, "W": W, "b": b}

def reference(user, movie, user_table, movie_table, W, b):
    user_embedding = jnp.take(user_table, user, axis=0)   # [B, F]
    movie_embedding = jnp.take(movie_table, movie, axis=0)  # [B, F]
    x = jnp.concatenate([user_embedding, movie_embedding], axis=1)  # [B, 2F]
    x = x @ W.T + b  # [B, 1]
    return x

if __name__ == "__main__":
    import jax
    _d = setup_inputs()
    print(jax.jit(kernel)(*tuple(_d.values())))

</pallas_src>

<mosaic_0001>
#map = affine_map<(d0, d1) -> (0, 0)>
#map1 = affine_map<(d0, d1) -> (0)>
module attributes {stable_mosaic.version = 14 : i64} {
  func.func @_body(%arg0: i32, %arg1: i32, %arg2: memref<128x128xi32, #tpu.memory_space<hbm>>, %arg3: memref<128x128xi32, #tpu.memory_space<hbm>>, %arg4: memref<1000000x64xf32, #tpu.memory_space<hbm>>, %arg5: memref<100000x64xf32, #tpu.memory_space<hbm>>, %arg6: memref<128xf32, #tpu.memory_space<hbm>>, %arg7: memref<16xf32, #tpu.memory_space<hbm>>, %arg8: memref<16384xf32, #tpu.memory_space<hbm>>, %arg9: memref<4x128xi32, #tpu.memory_space<vmem>>, %arg10: memref<4x128xi32, #tpu.memory_space<vmem>>, %arg11: memref<512x64xf32, #tpu.memory_space<vmem>>, %arg12: memref<512x64xf32, #tpu.memory_space<vmem>>, %arg13: memref<128xf32, #tpu.memory_space<vmem>>, %arg14: memref<16xf32, #tpu.memory_space<vmem>>, %arg15: memref<512xf32, #tpu.memory_space<vmem>>, %arg16: memref<!tpu.dma_semaphore, #tpu.memory_space<semaphore_mem>>) attributes {dimension_semantics = [#tpu.dimension_semantics<core_parallel>, #tpu.dimension_semantics<subcore_parallel>], iteration_bounds = array<i64: 2, 16>, scalar_prefetch = 0 : i64, scratch_operands = 8 : i64, tpu.core_type = #tpu.core_type<sc_vector_subcore>, window_params = [{transform_indices = #map}, {transform_indices = #map}, {transform_indices = #map}, {transform_indices = #map}, {transform_indices = #map1}, {transform_indices = #map1}, {transform_indices = #map1}]} {
    %mul3A = arith.constant 2 : i32
    %mul3A_0 = arith.muli %arg1, %mul3A : i32
    %add3A = arith.addi %mul3A_0, %arg0 : i32
    %mul3A_1 = arith.constant 4 : i32
    %mul3A_2 = arith.muli %add3A, %mul3A_1 : i32
    "tpu.region"() ({
      %run_scoped3A = tpu.sem_alloc : memref<!tpu.dma_semaphore, #tpu.memory_space<semaphore_mem>>
      tpu.enqueue_dma source(%arg6 : memref<128xf32, #tpu.memory_space<hbm>>) target(%arg13 : memref<128xf32, #tpu.memory_space<vmem>>) target_semaphore(%run_scoped3A : memref<!tpu.dma_semaphore, #tpu.memory_space<semaphore_mem>>)
      tpu.wait_dma2 semaphore(%run_scoped3A : memref<!tpu.dma_semaphore, #tpu.memory_space<semaphore_mem>>) src(%arg6 : memref<128xf32, #tpu.memory_space<hbm>>) dst(%arg13 : memref<128xf32, #tpu.memory_space<vmem>>)
      tpu.yield
    }) : () -> ()
    "tpu.region"() ({
      %run_scoped3A = tpu.sem_alloc : memref<!tpu.dma_semaphore, #tpu.memory_space<semaphore_mem>>
      tpu.enqueue_dma source(%arg7 : memref<16xf32, #tpu.memory_space<hbm>>) target(%arg14 : memref<16xf32, #tpu.memory_space<vmem>>) target_semaphore(%run_scoped3A : memref<!tpu.dma_semaphore, #tpu.memory_space<semaphore_mem>>)
      tpu.wait_dma2 semaphore(%run_scoped3A : memref<!tpu.dma_semaphore, #tpu.memory_space<semaphore_mem>>) src(%arg7 : memref<16xf32, #tpu.memory_space<hbm>>) dst(%arg14 : memref<16xf32, #tpu.memory_space<vmem>>)
      tpu.yield
    }) : () -> ()
    "tpu.region"() ({
      %run_scoped3A = tpu.sem_alloc : memref<!tpu.dma_semaphore, #tpu.memory_space<semaphore_mem>>
      %dma_start3A_183 = arith.constant 0 : i32
      %dma_start3A_184 = tpu.memref_slice %arg2[%mul3A_2, %dma_start3A_183] : memref<128x128xi32, #tpu.memory_space<hbm>> -> memref<4x128xi32, #tpu.memory_space<hbm>>
      %dma_start3A_185 = arith.constant 0 : i32
      %dma_start3A_186 = tpu.memref_slice %arg2[%mul3A_2, %dma_start3A_185] : memref<128x128xi32, #tpu.memory_space<hbm>> -> memref<4x128xi32, #tpu.memory_space<hbm>>
      tpu.enqueue_dma source(%dma_start3A_186 : memref<4x128xi32, #tpu.memory_space<hbm>>) target(%arg9 : memref<4x128xi32, #tpu.memory_space<vmem>>) target_semaphore(%run_scoped3A : memref<!tpu.dma_semaphore, #tpu.memory_space<semaphore_mem>>)
      %dma_wait3A_187 = arith.constant 0 : i32
      %dma_wait3A_188 = tpu.memref_slice %arg2[%mul3A_2, %dma_wait3A_187] : memref<128x128xi32, #tpu.memory_space<hbm>> -> memref<4x128xi32, #tpu.memory_space<hbm>>
      %dma_wait3A_189 = arith.constant 0 : i32
      %dma_wait3A_190 = tpu.memref_slice %arg2[%mul3A_2, %dma_wait3A_189] : memref<128x128xi32, #tpu.memory_space<hbm>> -> memref<4x128xi32, #tpu.memory_space<hbm>>
      tpu.wait_dma2 semaphore(%run_scoped3A : memref<!tpu.dma_semaphore, #tpu.memory_space<semaphore_mem>>) src(%dma_wait3A_190 : memref<4x128xi32, #tpu.memory_space<hbm>>) dst(%arg9 : memref<4x128xi32, #tpu.memory_space<vmem>>)
      tpu.yield
    }) : () -> ()
    "tpu.region"() ({
      %run_scoped3A = tpu.sem_alloc : memref<!tpu.dma_semaphore, #tpu.memory_space<semaphore_mem>>
      %dma_start3A_183 = arith.constant 0 : i32
      %dma_start3A_184 = tpu.memref_slice %arg3[%mul3A_2, %dma_start3A_183] : memref<128x128xi32, #tpu.memory_space<hbm>> -> memref<4x128xi32, #tpu.memory_space<hbm>>
      %dma_start3A_185 = arith.constant 0 : i32
      %dma_start3A_186 = tpu.memref_slice %arg3[%mul3A_2, %dma_start3A_185] : memref<128x128xi32, #tpu.memory_space<hbm>> -> memref<4x128xi32, #tpu.memory_space<hbm>>
      tpu.enqueue_dma source(%dma_start3A_186 : memref<4x128xi32, #tpu.memory_space<hbm>>) target(%arg10 : memref<4x128xi32, #tpu.memory_space<vmem>>) target_semaphore(%run_scoped3A : memref<!tpu.dma_semaphore, #tpu.memory_space<semaphore_mem>>)
      %dma_wait3A_187 = arith.constant 0 : i32
      %dma_wait3A_188 = tpu.memref_slice %arg3[%mul3A_2, %dma_wait3A_187] : memref<128x128xi32, #tpu.memory_space<hbm>> -> memref<4x128xi32, #tpu.memory_space<hbm>>
      %dma_wait3A_189 = arith.constant 0 : i32
      %dma_wait3A_190 = tpu.memref_slice %arg3[%mul3A_2, %dma_wait3A_189] : memref<128x128xi32, #tpu.memory_space<hbm>> -> memref<4x128xi32, #tpu.memory_space<hbm>>
      tpu.wait_dma2 semaphore(%run_scoped3A : memref<!tpu.dma_semaphore, #tpu.memory_space<semaphore_mem>>) src(%dma_wait3A_190 : memref<4x128xi32, #tpu.memory_space<hbm>>) dst(%arg10 : memref<4x128xi32, #tpu.memory_space<vmem>>)
      tpu.yield
    }) : () -> ()
    %dma_start3A = arith.constant 0 : i32
    %dma_start3A_3 = arith.constant 0 : i32
    %dma_start3A_4 = arith.constant 0 : i32
    %dma_start3A_5 = tpu.memref_slice %arg11[%dma_start3A_3, %dma_start3A_4] : memref<512x64xf32, #tpu.memory_space<vmem>> -> memref<128x64xf32, #tpu.memory_space<vmem>>
    %dma_start3A_6 = arith.constant 0 : i32
    %dma_start3A_7 = tpu.memref_slice %arg9[%dma_start3A, %dma_start3A_6] : memref<4x128xi32, #tpu.memory_space<vmem>> -> memref<1x128xi32, #tpu.memory_space<vmem>>
    %dma_start3A_8 = tpu.memref_squeeze %dma_start3A_7 : memref<1x128xi32, #tpu.memory_space<vmem>> -> memref<128xi32, #tpu.memory_space<vmem>>
    %dma_start3A_9 = arith.constant 0 : i32
    %dma_start3A_10 = arith.constant 0 : i32
    %dma_start3A_11 = tpu.memref_slice %arg4[%dma_start3A_9, %dma_start3A_10] : memref<1000000x64xf32, #tpu.memory_space<hbm>> -> memref<1000000x64xf32, #tpu.memory_space<hbm>>
    tpu.enqueue_indirect_dma source(%dma_start3A_11 : memref<1000000x64xf32, #tpu.memory_space<hbm>>) target(%dma_start3A_5 : memref<128x64xf32, #tpu.memory_space<vmem>>) offsets(%dma_start3A_8 : memref<128xi32, #tpu.memory_space<vmem>>) semaphore(%arg16 : memref<!tpu.dma_semaphore, #tpu.memory_space<semaphore_mem>>)
    %dma_start3A_12 = arith.constant 0 : i32
    %dma_start3A_13 = arith.constant 0 : i32
    %dma_start3A_14 = arith.constant 0 : i32
    %dma_start3A_15 = tpu.memref_slice %arg12[%dma_start3A_13, %dma_start3A_14] : memref<512x64xf32, #tpu.memory_space<vmem>> -> memref<128x64xf32, #tpu.memory_space<vmem>>
    %dma_start3A_16 = arith.constant 0 : i32
    %dma_start3A_17 = tpu.memref_slice %arg10[%dma_start3A_12, %dma_start3A_16] : memref<4x128xi32, #tpu.memory_space<vmem>> -> memref<1x128xi32, #tpu.memory_space<vmem>>
    %dma_start3A_18 = tpu.memref_squeeze %dma_start3A_17 : memref<1x128xi32, #tpu.memory_space<vmem>> -> memref<128xi32, #tpu.memory_space<vmem>>
    %dma_start3A_19 = arith.constant 0 : i32
    %dma_start3A_20 = arith.constant 0 : i32
    %dma_start3A_21 = tpu.memref_slice %arg5[%dma_start3A_19, %dma_start3A_20] : memref<100000x64xf32, #tpu.memory_space<hbm>> -> memref<100000x64xf32, #tpu.memory_space<hbm>>
    tpu.enqueue_indirect_dma source(%dma_start3A_21 : memref<100000x64xf32, #tpu.memory_space<hbm>>) target(%dma_start3A_15 : memref<128x64xf32, #tpu.memory_space<vmem>>) offsets(%dma_start3A_18 : memref<128xi32, #tpu.memory_space<vmem>>) semaphore(%arg16 : memref<!tpu.dma_semaphore, #tpu.memory_space<semaphore_mem>>)
    %dma_start3A_22 = arith.constant 1 : i32
    %dma_start3A_23 = arith.constant 128 : i32
    %dma_start3A_24 = arith.constant 0 : i32
    %dma_start3A_25 = tpu.memref_slice %arg11[%dma_start3A_23, %dma_start3A_24] : memref<512x64xf32, #tpu.memory_space<vmem>> -> memref<128x64xf32, #tpu.memory_space<vmem>>
    %dma_start3A_26 = arith.constant 0 : i32
    %dma_start3A_27 = tpu.memref_slice %arg9[%dma_start3A_22, %dma_start3A_26] : memref<4x128xi32, #tpu.memory_space<vmem>> -> memref<1x128xi32, #tpu.memory_space<vmem>>
    %dma_start3A_28 = tpu.memref_squeeze %dma_start3A_27 : memref<1x128xi32, #tpu.memory_space<vmem>> -> memref<128xi32, #tpu.memory_space<vmem>>
    %dma_start3A_29 = arith.constant 0 : i32
    %dma_start3A_30 = arith.constant 0 : i32
    %dma_start3A_31 = tpu.memref_slice %arg4[%dma_start3A_29, %dma_start3A_30] : memref<1000000x64xf32, #tpu.memory_space<hbm>> -> memref<1000000x64xf32, #tpu.memory_space<hbm>>
    tpu.enqueue_indirect_dma source(%dma_start3A_31 : memref<1000000x64xf32, #tpu.memory_space<hbm>>) target(%dma_start3A_25 : memref<128x64xf32, #tpu.memory_space<vmem>>) offsets(%dma_start3A_28 : memref<128xi32, #tpu.memory_space<vmem>>) semaphore(%arg16 : memref<!tpu.dma_semaphore, #tpu.memory_space<semaphore_mem>>)
    %dma_start3A_32 = arith.constant 1 : i32
    %dma_start3A_33 = arith.constant 128 : i32
    %dma_start3A_34 = arith.constant 0 : i32
    %dma_start3A_35 = tpu.memref_slice %arg12[%dma_start3A_33, %dma_start3A_34] : memref<512x64xf32, #tpu.memory_space<vmem>> -> memref<128x64xf32, #tpu.memory_space<vmem>>
    %dma_start3A_36 = arith.constant 0 : i32
    %dma_start3A_37 = tpu.memref_slice %arg10[%dma_start3A_32, %dma_start3A_36] : memref<4x128xi32, #tpu.memory_space<vmem>> -> memref<1x128xi32, #tpu.memory_space<vmem>>
    %dma_start3A_38 = tpu.memref_squeeze %dma_start3A_37 : memref<1x128xi32, #tpu.memory_space<vmem>> -> memref<128xi32, #tpu.memory_space<vmem>>
    %dma_start3A_39 = arith.constant 0 : i32
    %dma_start3A_40 = arith.constant 0 : i32
    %dma_start3A_41 = tpu.memref_slice %arg5[%dma_start3A_39, %dma_start3A_40] : memref<100000x64xf32, #tpu.memory_space<hbm>> -> memref<100000x64xf32, #tpu.memory_space<hbm>>
    tpu.enqueue_indirect_dma source(%dma_start3A_41 : memref<100000x64xf32, #tpu.memory_space<hbm>>) target(%dma_start3A_35 : memref<128x64xf32, #tpu.memory_space<vmem>>) offsets(%dma_start3A_38 : memref<128xi32, #tpu.memory_space<vmem>>) semaphore(%arg16 : memref<!tpu.dma_semaphore, #tpu.memory_space<semaphore_mem>>)
    %dma_start3A_42 = arith.constant 2 : i32
    %dma_start3A_43 = arith.constant 256 : i32
    %dma_start3A_44 = arith.constant 0 : i32
    %dma_start3A_45 = tpu.memref_slice %arg11[%dma_start3A_43, %dma_start3A_44] : memref<512x64xf32, #tpu.memory_space<vmem>> -> memref<128x64xf32, #tpu.memory_space<vmem>>
    %dma_start3A_46 = arith.constant 0 : i32
    %dma_start3A_47 = tpu.memref_slice %arg9[%dma_start3A_42, %dma_start3A_46] : memref<4x128xi32, #tpu.memory_space<vmem>> -> memref<1x128xi32, #tpu.memory_space<vmem>>
    %dma_start3A_48 = tpu.memref_squeeze %dma_start3A_47 : memref<1x128xi32, #tpu.memory_space<vmem>> -> memref<128xi32, #tpu.memory_space<vmem>>
    %dma_start3A_49 = arith.constant 0 : i32
    %dma_start3A_50 = arith.constant 0 : i32
    %dma_start3A_51 = tpu.memref_slice %arg4[%dma_start3A_49, %dma_start3A_50] : memref<1000000x64xf32, #tpu.memory_space<hbm>> -> memref<1000000x64xf32, #tpu.memory_space<hbm>>
    tpu.enqueue_indirect_dma source(%dma_start3A_51 : memref<1000000x64xf32, #tpu.memory_space<hbm>>) target(%dma_start3A_45 : memref<128x64xf32, #tpu.memory_space<vmem>>) offsets(%dma_start3A_48 : memref<128xi32, #tpu.memory_space<vmem>>) semaphore(%arg16 : memref<!tpu.dma_semaphore, #tpu.memory_space<semaphore_mem>>)
    %dma_start3A_52 = arith.constant 2 : i32
    %dma_start3A_53 = arith.constant 256 : i32
    %dma_start3A_54 = arith.constant 0 : i32
    %dma_start3A_55 = tpu.memref_slice %arg12[%dma_start3A_53, %dma_start3A_54] : memref<512x64xf32, #tpu.memory_space<vmem>> -> memref<128x64xf32, #tpu.memory_space<vmem>>
    %dma_start3A_56 = arith.constant 0 : i32
    %dma_start3A_57 = tpu.memref_slice %arg10[%dma_start3A_52, %dma_start3A_56] : memref<4x128xi32, #tpu.memory_space<vmem>> -> memref<1x128xi32, #tpu.memory_space<vmem>>
    %dma_start3A_58 = tpu.memref_squeeze %dma_start3A_57 : memref<1x128xi32, #tpu.memory_space<vmem>> -> memref<128xi32, #tpu.memory_space<vmem>>
    %dma_start3A_59 = arith.constant 0 : i32
    %dma_start3A_60 = arith.constant 0 : i32
    %dma_start3A_61 = tpu.memref_slice %arg5[%dma_start3A_59, %dma_start3A_60] : memref<100000x64xf32, #tpu.memory_space<hbm>> -> memref<100000x64xf32, #tpu.memory_space<hbm>>
    tpu.enqueue_indirect_dma source(%dma_start3A_61 : memref<100000x64xf32, #tpu.memory_space<hbm>>) target(%dma_start3A_55 : memref<128x64xf32, #tpu.memory_space<vmem>>) offsets(%dma_start3A_58 : memref<128xi32, #tpu.memory_space<vmem>>) semaphore(%arg16 : memref<!tpu.dma_semaphore, #tpu.memory_space<semaphore_mem>>)
    %dma_start3A_62 = arith.constant 3 : i32
    %dma_start3A_63 = arith.constant 384 : i32
    %dma_start3A_64 = arith.constant 0 : i32
    %dma_start3A_65 = tpu.memref_slice %arg11[%dma_start3A_63, %dma_start3A_64] : memref<512x64xf32, #tpu.memory_space<vmem>> -> memref<128x64xf32, #tpu.memory_space<vmem>>
    %dma_start3A_66 = arith.constant 0 : i32
    %dma_start3A_67 = tpu.memref_slice %arg9[%dma_start3A_62, %dma_start3A_66] : memref<4x128xi32, #tpu.memory_space<vmem>> -> memref<1x128xi32, #tpu.memory_space<vmem>>
    %dma_start3A_68 = tpu.memref_squeeze %dma_start3A_67 : memref<1x128xi32, #tpu.memory_space<vmem>> -> memref<128xi32, #tpu.memory_space<vmem>>
    %dma_start3A_69 = arith.constant 0 : i32
    %dma_start3A_70 = arith.constant 0 : i32
    %dma_start3A_71 = tpu.memref_slice %arg4[%dma_start3A_69, %dma_start3A_70] : memref<1000000x64xf32, #tpu.memory_space<hbm>> -> memref<1000000x64xf32, #tpu.memory_space<hbm>>
    tpu.enqueue_indirect_dma source(%dma_start3A_71 : memref<1000000x64xf32, #tpu.memory_space<hbm>>) target(%dma_start3A_65 : memref<128x64xf32, #tpu.memory_space<vmem>>) offsets(%dma_start3A_68 : memref<128xi32, #tpu.memory_space<vmem>>) semaphore(%arg16 : memref<!tpu.dma_semaphore, #tpu.memory_space<semaphore_mem>>)
    %dma_start3A_72 = arith.constant 3 : i32
    %dma_start3A_73 = arith.constant 384 : i32
    %dma_start3A_74 = arith.constant 0 : i32
    %dma_start3A_75 = tpu.memref_slice %arg12[%dma_start3A_73, %dma_start3A_74] : memref<512x64xf32, #tpu.memory_space<vmem>> -> memref<128x64xf32, #tpu.memory_space<vmem>>
    %dma_start3A_76 = arith.constant 0 : i32
    %dma_start3A_77 = tpu.memref_slice %arg10[%dma_start3A_72, %dma_start3A_76] : memref<4x128xi32, #tpu.memory_space<vmem>> -> memref<1x128xi32, #tpu.memory_space<vmem>>
    %dma_start3A_78 = tpu.memref_squeeze %dma_start3A_77 : memref<1x128xi32, #tpu.memory_space<vmem>> -> memref<128xi32, #tpu.memory_space<vmem>>
    %dma_start3A_79 = arith.constant 0 : i32
    %dma_start3A_80 = arith.constant 0 : i32
    %dma_start3A_81 = tpu.memref_slice %arg5[%dma_start3A_79, %dma_start3A_80] : memref<100000x64xf32, #tpu.memory_space<hbm>> -> memref<100000x64xf32, #tpu.memory_space<hbm>>
    tpu.enqueue_indirect_dma source(%dma_start3A_81 : memref<100000x64xf32, #tpu.memory_space<hbm>>) target(%dma_start3A_75 : memref<128x64xf32, #tpu.memory_space<vmem>>) offsets(%dma_start3A_78 : memref<128xi32, #tpu.memory_space<vmem>>) semaphore(%arg16 : memref<!tpu.dma_semaphore, #tpu.memory_space<semaphore_mem>>)
    %dma_wait3A = arith.constant 0 : i32
    %dma_wait3A_82 = arith.constant 0 : i32
    %dma_wait3A_83 = arith.constant 0 : i32
    %dma_wait3A_84 = tpu.memref_slice %arg11[%dma_wait3A_82, %dma_wait3A_83] : memref<512x64xf32, #tpu.memory_space<vmem>> -> memref<128x64xf32, #tpu.memory_space<vmem>>
    %dma_wait3A_85 = arith.constant 0 : i32
    %dma_wait3A_86 = tpu.memref_slice %arg9[%dma_wait3A, %dma_wait3A_85] : memref<4x128xi32, #tpu.memory_space<vmem>> -> memref<1x128xi32, #tpu.memory_space<vmem>>
    %dma_wait3A_87 = tpu.memref_squeeze %dma_wait3A_86 : memref<1x128xi32, #tpu.memory_space<vmem>> -> memref<128xi32, #tpu.memory_space<vmem>>
    %dma_wait3A_88 = arith.constant 0 : i32
    %dma_wait3A_89 = arith.constant 0 : i32
    %dma_wait3A_90 = tpu.memref_slice %arg4[%dma_wait3A_88, %dma_wait3A_89] : memref<1000000x64xf32, #tpu.memory_space<hbm>> -> memref<1000000x64xf32, #tpu.memory_space<hbm>>
    tpu.wait_indirect_dma semaphore(%arg16 : memref<!tpu.dma_semaphore, #tpu.memory_space<semaphore_mem>>) src(%dma_wait3A_90 : memref<1000000x64xf32, #tpu.memory_space<hbm>>) dst(%dma_wait3A_84 : memref<128x64xf32, #tpu.memory_space<vmem>>)
    %dma_wait3A_91 = arith.constant 0 : i32
    %dma_wait3A_92 = arith.constant 0 : i32
    %dma_wait3A_93 = arith.constant 0 : i32
    %dma_wait3A_94 = tpu.memref_slice %arg12[%dma_wait3A_92, %dma_wait3A_93] : memref<512x64xf32, #tpu.memory_space<vmem>> -> memref<128x64xf32, #tpu.memory_space<vmem>>
    %dma_wait3A_95 = arith.constant 0 : i32
    %dma_wait3A_96 = tpu.memref_slice %arg10[%dma_wait3A_91, %dma_wait3A_95] : memref<4x128xi32, #tpu.memory_space<vmem>> -> memref<1x128xi32, #tpu.memory_space<vmem>>
    %dma_wait3A_97 = tpu.memref_squeeze %dma_wait3A_96 : memref<1x128xi32, #tpu.memory_space<vmem>> -> memref<128xi32, #tpu.memory_space<vmem>>
    %dma_wait3A_98 = arith.constant 0 : i32
    %dma_wait3A_99 = arith.constant 0 : i32
    %dma_wait3A_100 = tpu.memref_slice %arg5[%dma_wait3A_98, %dma_wait3A_99] : memref<100000x64xf32, #tpu.memory_space<hbm>> -> memref<100000x64xf32, #tpu.memory_space<hbm>>
    tpu.wait_indirect_dma semaphore(%arg16 : memref<!tpu.dma_semaphore, #tpu.memory_space<semaphore_mem>>) src(%dma_wait3A_100 : memref<100000x64xf32, #tpu.memory_space<hbm>>) dst(%dma_wait3A_94 : memref<128x64xf32, #tpu.memory_space<vmem>>)
    %dma_wait3A_101 = arith.constant 1 : i32
    %dma_wait3A_102 = arith.constant 128 : i32
    %dma_wait3A_103 = arith.constant 0 : i32
    %dma_wait3A_104 = tpu.memref_slice %arg11[%dma_wait3A_102, %dma_wait3A_103] : memref<512x64xf32, #tpu.memory_space<vmem>> -> memref<128x64xf32, #tpu.memory_space<vmem>>
    %dma_wait3A_105 = arith.constant 0 : i32
    %dma_wait3A_106 = tpu.memref_slice %arg9[%dma_wait3A_101, %dma_wait3A_105] : memref<4x128xi32, #tpu.memory_space<vmem>> -> memref<1x128xi32, #tpu.memory_space<vmem>>
    %dma_wait3A_107 = tpu.memref_squeeze %dma_wait3A_106 : memref<1x128xi32, #tpu.memory_space<vmem>> -> memref<128xi32, #tpu.memory_space<vmem>>
    %dma_wait3A_108 = arith.constant 0 : i32
    %dma_wait3A_109 = arith.constant 0 : i32
    %dma_wait3A_110 = tpu.memref_slice %arg4[%dma_wait3A_108, %dma_wait3A_109] : memref<1000000x64xf32, #tpu.memory_space<hbm>> -> memref<1000000x64xf32, #tpu.memory_space<hbm>>
    tpu.wait_indirect_dma semaphore(%arg16 : memref<!tpu.dma_semaphore, #tpu.memory_space<semaphore_mem>>) src(%dma_wait3A_110 : memref<1000000x64xf32, #tpu.memory_space<hbm>>) dst(%dma_wait3A_104 : memref<128x64xf32, #tpu.memory_space<vmem>>)
    %dma_wait3A_111 = arith.constant 1 : i32
    %dma_wait3A_112 = arith.constant 128 : i32
    %dma_wait3A_113 = arith.constant 0 : i32
    %dma_wait3A_114 = tpu.memref_slice %arg12[%dma_wait3A_112, %dma_wait3A_113] : memref<512x64xf32, #tpu.memory_space<vmem>> -> memref<128x64xf32, #tpu.memory_space<vmem>>
    %dma_wait3A_115 = arith.constant 0 : i32
    %dma_wait3A_116 = tpu.memref_slice %arg10[%dma_wait3A_111, %dma_wait3A_115] : memref<4x128xi32, #tpu.memory_space<vmem>> -> memref<1x128xi32, #tpu.memory_space<vmem>>
    %dma_wait3A_117 = tpu.memref_squeeze %dma_wait3A_116 : memref<1x128xi32, #tpu.memory_space<vmem>> -> memref<128xi32, #tpu.memory_space<vmem>>
    %dma_wait3A_118 = arith.constant 0 : i32
    %dma_wait3A_119 = arith.constant 0 : i32
    %dma_wait3A_120 = tpu.memref_slice %arg5[%dma_wait3A_118, %dma_wait3A_119] : memref<100000x64xf32, #tpu.memory_space<hbm>> -> memref<100000x64xf32, #tpu.memory_space<hbm>>
    tpu.wait_indirect_dma semaphore(%arg16 : memref<!tpu.dma_semaphore, #tpu.memory_space<semaphore_mem>>) src(%dma_wait3A_120 : memref<100000x64xf32, #tpu.memory_space<hbm>>) dst(%dma_wait3A_114 : memref<128x64xf32, #tpu.memory_space<vmem>>)
    %dma_wait3A_121 = arith.constant 2 : i32
    %dma_wait3A_122 = arith.constant 256 : i32
    %dma_wait3A_123 = arith.constant 0 : i32
    %dma_wait3A_124 = tpu.memref_slice %arg11[%dma_wait3A_122, %dma_wait3A_123] : memref<512x64xf32, #tpu.memory_space<vmem>> -> memref<128x64xf32, #tpu.memory_space<vmem>>
    %dma_wait3A_125 = arith.constant 0 : i32
    %dma_wait3A_126 = tpu.memref_slice %arg9[%dma_wait3A_121, %dma_wait3A_125] : memref<4x128xi32, #tpu.memory_space<vmem>> -> memref<1x128xi32, #tpu.memory_space<vmem>>
    %dma_wait3A_127 = tpu.memref_squeeze %dma_wait3A_126 : memref<1x128xi32, #tpu.memory_space<vmem>> -> memref<128xi32, #tpu.memory_space<vmem>>
    %dma_wait3A_128 = arith.constant 0 : i32
    %dma_wait3A_129 = arith.constant 0 : i32
    %dma_wait3A_130 = tpu.memref_slice %arg4[%dma_wait3A_128, %dma_wait3A_129] : memref<1000000x64xf32, #tpu.memory_space<hbm>> -> memref<1000000x64xf32, #tpu.memory_space<hbm>>
    tpu.wait_indirect_dma semaphore(%arg16 : memref<!tpu.dma_semaphore, #tpu.memory_space<semaphore_mem>>) src(%dma_wait3A_130 : memref<1000000x64xf32, #tpu.memory_space<hbm>>) dst(%dma_wait3A_124 : memref<128x64xf32, #tpu.memory_space<vmem>>)
    %dma_wait3A_131 = arith.constant 2 : i32
    %dma_wait3A_132 = arith.constant 256 : i32
    %dma_wait3A_133 = arith.constant 0 : i32
    %dma_wait3A_134 = tpu.memref_slice %arg12[%dma_wait3A_132, %dma_wait3A_133] : memref<512x64xf32, #tpu.memory_space<vmem>> -> memref<128x64xf32, #tpu.memory_space<vmem>>
    %dma_wait3A_135 = arith.constant 0 : i32
    %dma_wait3A_136 = tpu.memref_slice %arg10[%dma_wait3A_131, %dma_wait3A_135] : memref<4x128xi32, #tpu.memory_space<vmem>> -> memref<1x128xi32, #tpu.memory_space<vmem>>
    %dma_wait3A_137 = tpu.memref_squeeze %dma_wait3A_136 : memref<1x128xi32, #tpu.memory_space<vmem>> -> memref<128xi32, #tpu.memory_space<vmem>>
    %dma_wait3A_138 = arith.constant 0 : i32
    %dma_wait3A_139 = arith.constant 0 : i32
    %dma_wait3A_140 = tpu.memref_slice %arg5[%dma_wait3A_138, %dma_wait3A_139] : memref<100000x64xf32, #tpu.memory_space<hbm>> -> memref<100000x64xf32, #tpu.memory_space<hbm>>
    tpu.wait_indirect_dma semaphore(%arg16 : memref<!tpu.dma_semaphore, #tpu.memory_space<semaphore_mem>>) src(%dma_wait3A_140 : memref<100000x64xf32, #tpu.memory_space<hbm>>) dst(%dma_wait3A_134 : memref<128x64xf32, #tpu.memory_space<vmem>>)
    %dma_wait3A_141 = arith.constant 3 : i32
    %dma_wait3A_142 = arith.constant 384 : i32
    %dma_wait3A_143 = arith.constant 0 : i32
    %dma_wait3A_144 = tpu.memref_slice %arg11[%dma_wait3A_142, %dma_wait3A_143] : memref<512x64xf32, #tpu.memory_space<vmem>> -> memref<128x64xf32, #tpu.memory_space<vmem>>
    %dma_wait3A_145 = arith.constant 0 : i32
    %dma_wait3A_146 = tpu.memref_slice %arg9[%dma_wait3A_141, %dma_wait3A_145] : memref<4x128xi32, #tpu.memory_space<vmem>> -> memref<1x128xi32, #tpu.memory_space<vmem>>
    %dma_wait3A_147 = tpu.memref_squeeze %dma_wait3A_146 : memref<1x128xi32, #tpu.memory_space<vmem>> -> memref<128xi32, #tpu.memory_space<vmem>>
    %dma_wait3A_148 = arith.constant 0 : i32
    %dma_wait3A_149 = arith.constant 0 : i32
    %dma_wait3A_150 = tpu.memref_slice %arg4[%dma_wait3A_148, %dma_wait3A_149] : memref<1000000x64xf32, #tpu.memory_space<hbm>> -> memref<1000000x64xf32, #tpu.memory_space<hbm>>
    tpu.wait_indirect_dma semaphore(%arg16 : memref<!tpu.dma_semaphore, #tpu.memory_space<semaphore_mem>>) src(%dma_wait3A_150 : memref<1000000x64xf32, #tpu.memory_space<hbm>>) dst(%dma_wait3A_144 : memref<128x64xf32, #tpu.memory_space<vmem>>)
    %dma_wait3A_151 = arith.constant 3 : i32
    %dma_wait3A_152 = arith.constant 384 : i32
    %dma_wait3A_153 = arith.constant 0 : i32
    %dma_wait3A_154 = tpu.memref_slice %arg12[%dma_wait3A_152, %dma_wait3A_153] : memref<512x64xf32, #tpu.memory_space<vmem>> -> memref<128x64xf32, #tpu.memory_space<vmem>>
    %dma_wait3A_155 = arith.constant 0 : i32
    %dma_wait3A_156 = tpu.memref_slice %arg10[%dma_wait3A_151, %dma_wait3A_155] : memref<4x128xi32, #tpu.memory_space<vmem>> -> memref<1x128xi32, #tpu.memory_space<vmem>>
    %dma_wait3A_157 = tpu.memref_squeeze %dma_wait3A_156 : memref<1x128xi32, #tpu.memory_space<vmem>> -> memref<128xi32, #tpu.memory_space<vmem>>
    %dma_wait3A_158 = arith.constant 0 : i32
    %dma_wait3A_159 = arith.constant 0 : i32
    %dma_wait3A_160 = tpu.memref_slice %arg5[%dma_wait3A_158, %dma_wait3A_159] : memref<100000x64xf32, #tpu.memory_space<hbm>> -> memref<100000x64xf32, #tpu.memory_space<hbm>>
    tpu.wait_indirect_dma semaphore(%arg16 : memref<!tpu.dma_semaphore, #tpu.memory_space<semaphore_mem>>) src(%dma_wait3A_160 : memref<100000x64xf32, #tpu.memory_space<hbm>>) dst(%dma_wait3A_154 : memref<128x64xf32, #tpu.memory_space<vmem>>)
    %get3A = arith.constant 0 : index
    %get3A_161 = tpu.vector_load %arg13[%get3A] {strides = array<i32>} : memref<128xf32, #tpu.memory_space<vmem>>, vector<16xf32>,
    %get3A_162 = arith.constant 16 : index
    %get3A_163 = tpu.vector_load %arg13[%get3A_162] {strides = array<i32>} : memref<128xf32, #tpu.memory_space<vmem>>, vector<16xf32>,
    %get3A_164 = arith.constant 32 : index
    %get3A_165 = tpu.vector_load %arg13[%get3A_164] {strides = array<i32>} : memref<128xf32, #tpu.memory_space<vmem>>, vector<16xf32>,
    %get3A_166 = arith.constant 48 : index
    %get3A_167 = tpu.vector_load %arg13[%get3A_166] {strides = array<i32>} : memref<128xf32, #tpu.memory_space<vmem>>, vector<16xf32>,
    %get3A_168 = arith.constant 64 : index
    %get3A_169 = tpu.vector_load %arg13[%get3A_168] {strides = array<i32>} : memref<128xf32, #tpu.memory_space<vmem>>, vector<16xf32>,
    %get3A_170 = arith.constant 80 : index
    %get3A_171 = tpu.vector_load %arg13[%get3A_170] {strides = array<i32>} : memref<128xf32, #tpu.memory_space<vmem>>, vector<16xf32>,
    %get3A_172 = arith.constant 96 : index
    %get3A_173 = tpu.vector_load %arg13[%get3A_172] {strides = array<i32>} : memref<128xf32, #tpu.memory_space<vmem>>, vector<16xf32>,
    %get3A_174 = arith.constant 112 : index
    %get3A_175 = tpu.vector_load %arg13[%get3A_174] {strides = array<i32>} : memref<128xf32, #tpu.memory_space<vmem>>, vector<16xf32>,
    %scan3A = arith.constant 0 : i32
    %scan3A_176 = arith.constant 0 : i32
    %scan3A_177 = arith.constant 32 : i32
    %scan3A_178 = arith.addi %scan3A_176, %scan3A_177 : i32
    %scan3A_179 = arith.constant 1 : i32
    scf.for %scan3A_183 = %scan3A_176 to %scan3A_178 step %scan3A_179  : i32 {
      %mul3A_184 = arith.constant 16 : i32
      %mul3A_185 = arith.muli %scan3A_183, %mul3A_184 : i32
      %iota3A = tpu.iota {dimensions = array<i32: 0>} : vector<16xi32>
      %add3A_186 = vector.broadcast %mul3A_185 : i32 to vector<16xi32>
      %add3A_187 = arith.addi %add3A_186, %iota3A : vector<16xi32>
      %get3A_188 = arith.constant 0 : index
      %get3A_189 = tpu.vector_load %arg14[%get3A_188] {strides = array<i32>} : memref<16xf32, #tpu.memory_space<vmem>>, vector<16xf32>,
      %broadcast_in_dim3A = arith.constant 0 : i32
      %broadcast_in_dim3A_190 = vector.broadcast %broadcast_in_dim3A : i32 to vector<16xi32>
      %broadcast_in_dim3A_191 = arith.constant 0 : i32
      %broadcast_in_dim3A_192 = vector.broadcast %broadcast_in_dim3A_191 : i32 to vector<16xi32>
      %lt3A = arith.constant 0 : i32
      %lt3A_193 = vector.broadcast %lt3A : i32 to vector<16xi32>
      %lt3A_194 = arith.cmpi slt, %broadcast_in_dim3A_192, %lt3A_193 : vector<16xi32>
      %add3A_195 = arith.constant 16 : i32
      %add3A_196 = vector.broadcast %add3A_195 : i32 to vector<16xi32>
      %add3A_197 = arith.addi %broadcast_in_dim3A_192, %add3A_196 : vector<16xi32>
      %select_n3A = arith.select %lt3A_194, %add3A_197, %broadcast_in_dim3A_192 : vector<16xi1>, vector<16xi32>
      %broadcast_in_dim3A_198 = vector.shape_cast %select_n3A : vector<16xi32> to vector<16x1xi32>
      %gather3A = vector.shape_cast %broadcast_in_dim3A_198 : vector<16x1xi32> to vector<16xi32>
      %gather3A_199 = tpu.dynamic_gather %get3A_161[%gather3A] in [0] : vector<16xf32>, vector<16xi32> -> vector<16xf32>
      %lt3A_200 = arith.constant 0 : i32
      %lt3A_201 = vector.broadcast %lt3A_200 : i32 to vector<16xi32>
      %lt3A_202 = arith.cmpi slt, %broadcast_in_dim3A_192, %lt3A_201 : vector<16xi32>
      %add3A_203 = arith.constant 16 : i32
      %add3A_204 = vector.broadcast %add3A_203 : i32 to vector<16xi32>
      %add3A_205 = arith.addi %broadcast_in_dim3A_192, %add3A_204 : vector<16xi32>
      %select_n3A_206 = arith.select %lt3A_202, %add3A_205, %broadcast_in_dim3A_192 : vector<16xi1>, vector<16xi32>
      %broadcast_in_dim3A_207 = vector.shape_cast %select_n3A_206 : vector<16xi32> to vector<16x1xi32>
      %gather3A_208 = vector.shape_cast %broadcast_in_dim3A_207 : vector<16x1xi32> to vector<16xi32>
      %gather3A_209 = tpu.dynamic_gather %get3A_169[%gather3A_208] in [0] : vector<16xf32>, vector<16xi32> -> vector<16xf32>
      %gather3A_210 = tpu.vector_load_idx %arg11[%add3A_187, %broadcast_in_dim3A_190] : memref<512x64xf32, #tpu.memory_space<vmem>>[vector<16xi32>, vector<16xi32>], vector<16xf32>,
      %gather3A_211 = tpu.vector_load_idx %arg12[%add3A_187, %broadcast_in_dim3A_190] : memref<512x64xf32, #tpu.memory_space<vmem>>[vector<16xi32>, vector<16xi32>], vector<16xf32>,
      %mul3A_212 = arith.mulf %gather3A_210, %gather3A_199 : vector<16xf32>
      %add3A_213 = arith.addf %get3A_189, %mul3A_212 : vector<16xf32>
      %mul3A_214 = arith.mulf %gather3A_211, %gather3A_209 : vector<16xf32>
      %add3A_215 = arith.addf %add3A_213, %mul3A_214 : vector<16xf32>
      %broadcast_in_dim3A_216 = arith.constant 1 : i32
      %broadcast_in_dim3A_217 = vector.broadcast %broadcast_in_dim3A_216 : i32 to vector<16xi32>
      %broadcast_in_dim3A_218 = arith.constant 1 : i32
      %broadcast_in_dim3A_219 = vector.broadcast %broadcast_in_dim3A_218 : i32 to vector<16xi32>
      %lt3A_220 = arith.constant 0 : i32
      %lt3A_221 = vector.broadcast %lt3A_220 : i32 to vector<16xi32>
      %lt3A_222 = arith.cmpi slt, %broadcast_in_dim3A_219, %lt3A_221 : vector<16xi32>
      %add3A_223 = arith.constant 16 : i32
      %add3A_224 = vector.broadcast %add3A_223 : i32 to vector<16xi32>
      %add3A_225 = arith.addi %broadcast_in_dim3A_219, %add3A_224 : vector<16xi32>
      %select_n3A_226 = arith.select %lt3A_222, %add3A_225, %broadcast_in_dim3A_219 : vector<16xi1>, vector<16xi32>
      %broadcast_in_dim3A_227 = vector.shape_cast %select_n3A_226 : vector<16xi32> to vector<16x1xi32>
      %gather3A_228 = vector.shape_cast %broadcast_in_dim3A_227 : vector<16x1xi32> to vector<16xi32>
      %gather3A_229 = tpu.dynamic_gather %get3A_161[%gather3A_228] in [0] : vector<16xf32>, vector<16xi32> -> vector<16xf32>
      %lt3A_230 = arith.constant 0 : i32
      %lt3A_231 = vector.broadcast %lt3A_230 : i32 to vector<16xi32>
      %lt3A_232 = arith.cmpi slt, %broadcast_in_dim3A_219, %lt3A_231 : vector<16xi32>
      %add3A_233 = arith.constant 16 : i32
      %add3A_234 = vector.broadcast %add3A_233 : i32 to vector<16xi32>
      %add3A_235 = arith.addi %broadcast_in_dim3A_219, %add3A_234 : vector<16xi32>
      %select_n3A_236 = arith.select %lt3A_232, %add3A_235, %broadcast_in_dim3A_219 : vector<16xi1>, vector<16xi32>
      %broadcast_in_dim3A_237 = vector.shape_cast %select_n3A_236 : vector<16xi32> to vector<16x1xi32>
      %gather3A_238 = vector.shape_cast %broadcast_in_dim3A_237 : vector<16x1xi32> to vector<16xi32>
      %gather3A_239 = tpu.dynamic_gather %get3A_169[%gather3A_238] in [0] : vector<16xf32>, vector<16xi32> -> vector<16xf32>
      %gather3A_240 = tpu.vector_load_idx %arg11[%add3A_187, %broadcast_in_dim3A_217] : memref<512x64xf32, #tpu.memory_space<vmem>>[vector<16xi32>, vector<16xi32>], vector<16xf32>,
      %gather3A_241 = tpu.vector_load_idx %arg12[%add3A_187, %broadcast_in_dim3A_217] : memref<512x64xf32, #tpu.memory_space<vmem>>[vector<16xi32>, vector<16xi32>], vector<16xf32>,
      %mul3A_242 = arith.mulf %gather3A_240, %gather3A_229 : vector<16xf32>
      %add3A_243 = arith.addf %add3A_215, %mul3A_242 : vector<16xf32>
      %mul3A_244 = arith.mulf %gather3A_241, %gather3A_239 : vector<16xf32>
      %add3A_245 = arith.addf %add3A_243, %mul3A_244 : vector<16xf32>
      %broadcast_in_dim3A_246 = arith.constant 2 : i32
      %broadcast_in_dim3A_247 = vector.broadcast %broadcast_in_dim3A_246 : i32 to vector<16xi32>
      %broadcast_in_dim3A_248 = arith.constant 2 : i32
      %broadcast_in_dim3A_249 = vector.broadcast %broadcast_in_dim3A_248 : i32 to vector<16xi32>
      %lt3A_250 = arith.constant 0 : i32
      %lt3A_251 = vector.broadcast %lt3A_250 : i32 to vector<16xi32>
      %lt3A_252 = arith.cmpi slt, %broadcast_in_dim3A_249, %lt3A_251 : vector<16xi32>
      %add3A_253 = arith.constant 16 : i32
      %add3A_254 = vector.broadcast %add3A_253 : i32 to vector<16xi32>
      %add3A_255 = arith.addi %broadcast_in_dim3A_249, %add3A_254 : vector<16xi32>
      %select_n3A_256 = arith.select %lt3A_252, %add3A_255, %broadcast_in_dim3A_249 : vector<16xi1>, vector<16xi32>
      %broadcast_in_dim3A_257 = vector.shape_cast %select_n3A_256 : vector<16xi32> to vector<16x1xi32>
      %gather3A_258 = vector.shape_cast %broadcast_in_dim3A_257 : vector<16x1xi32> to vector<16xi32>
      %gather3A_259 = tpu.dynamic_gather %get3A_161[%gather3A_258] in [0] : vector<16xf32>, vector<16xi32> -> vector<16xf32>
      %lt3A_260 = arith.constant 0 : i32
      %lt3A_261 = vector.broadcast %lt3A_260 : i32 to vector<16xi32>
      %lt3A_262 = arith.cmpi slt, %broadcast_in_dim3A_249, %lt3A_261 : vector<16xi32>
      %add3A_263 = arith.constant 16 : i32
      %add3A_264 = vector.broadcast %add3A_263 : i32 to vector<16xi32>
      %add3A_265 = arith.addi %broadcast_in_dim3A_249, %add3A_264 : vector<16xi32>
      %select_n3A_266 = arith.select %lt3A_262, %add3A_265, %broadcast_in_dim3A_249 : vector<16xi1>, vector<16xi32>
      %broadcast_in_dim3A_267 = vector.shape_cast %select_n3A_266 : vector<16xi32> to vector<16x1xi32>
      %gather3A_268 = vector.shape_cast %broadcast_in_dim3A_267 : vector<16x1xi32> to vector<16xi32>
      %gather3A_269 = tpu.dynamic_gather %get3A_169[%gather3A_268] in [0] : vector<16xf32>, vector<16xi32> -> vector<16xf32>
      %gather3A_270 = tpu.vector_load_idx %arg11[%add3A_187, %broadcast_in_dim3A_247] : memref<512x64xf32, #tpu.memory_space<vmem>>[vector<16xi32>, vector<16xi32>], vector<16xf32>,
      %gather3A_271 = tpu.vector_load_idx %arg12[%add3A_187, %broadcast_in_dim3A_247] : memref<512x64xf32, #tpu.memory_space<vmem>>[vector<16xi32>, vector<16xi32>], vector<16xf32>,
      %mul3A_272 = arith.mulf %gather3A_270, %gather3A_259 : vector<16xf32>
      %add3A_273 = arith.addf %add3A_245, %mul3A_272 : vector<16xf32>
      %mul3A_274 = arith.mulf %gather3A_271, %gather3A_269 : vector<16xf32>
      %add3A_275 = arith.addf %add3A_273, %mul3A_274 : vector<16xf32>
      %broadcast_in_dim3A_276 = arith.constant 3 : i32
      %broadcast_in_dim3A_277 = vector.broadcast %broadcast_in_dim3A_276 : i32 to vector<16xi32>
      %broadcast_in_dim3A_278 = arith.constant 3 : i32
      %broadcast_in_dim3A_279 = vector.broadcast %broadcast_in_dim3A_278 : i32 to vector<16xi32>
      %lt3A_280 = arith.constant 0 : i32
      %lt3A_281 = vector.broadcast %lt3A_280 : i32 to vector<16xi32>
      %lt3A_282 = arith.cmpi slt, %broadcast_in_dim3A_279, %lt3A_281 : vector<16xi32>
      %add3A_283 = arith.constant 16 : i32
      %add3A_284 = vector.broadcast %add3A_283 : i32 to vector<16xi32>
      %add3A_285 = arith.addi %broadcast_in_dim3A_279, %add3A_284 : vector<16xi32>
      %select_n3A_286 = arith.select %lt3A_282, %add3A_285, %broadcast_in_dim3A_279 : vector<16xi1>, vector<16xi32>
      %broadcast_in_dim3A_287 = vector.shape_cast %select_n3A_286 : vector<16xi32> to vector<16x1xi32>
      %gather3A_288 = vector.shape_cast %broadcast_in_dim3A_287 : vector<16x1xi32> to vector<16xi32>
      %gather3A_289 = tpu.dynamic_gather %get3A_161[%gather3A_288] in [0] : vector<16xf32>, vector<16xi32> -> vector<16xf32>
      %lt3A_290 = arith.constant 0 : i32
      %lt3A_291 = vector.broadcast %lt3A_290 : i32 to vector<16xi32>
      %lt3A_292 = arith.cmpi slt, %broadcast_in_dim3A_279, %lt3A_291 : vector<16xi32>
      %add3A_293 = arith.constant 16 : i32
      %add3A_294 = vector.broadcast %add3A_293 : i32 to vector<16xi32>
      %add3A_295 = arith.addi %broadcast_in_dim3A_279, %add3A_294 : vector<16xi32>
      %select_n3A_296 = arith.select %lt3A_292, %add3A_295, %broadcast_in_dim3A_279 : vector<16xi1>, vector<16xi32>
      %broadcast_in_dim3A_297 = vector.shape_cast %select_n3A_296 : vector<16xi32> to vector<16x1xi32>
      %gather3A_298 = vector.shape_cast %broadcast_in_dim3A_297 : vector<16x1xi32> to vector<16xi32>
      %gather3A_299 = tpu.dynamic_gather %get3A_169[%gather3A_298] in [0] : vector<16xf32>, vector<16xi32> -> vector<16xf32>
      %gather3A_300 = tpu.vector_load_idx %arg11[%add3A_187, %broadcast_in_dim3A_277] : memref<512x64xf32, #tpu.memory_space<vmem>>[vector<16xi32>, vector<16xi32>], vector<16xf32>,
      %gather3A_301 = tpu.vector_load_idx %arg12[%add3A_187, %broadcast_in_dim3A_277] : memref<512x64xf32, #tpu.memory_space<vmem>>[vector<16xi32>, vector<16xi32>], vector<16xf32>,
      %mul3A_302 = arith.mulf %gather3A_300, %gather3A_289 : vector<16xf32>
      %add3A_303 = arith.addf %add3A_275, %mul3A_302 : vector<16xf32>
      %mul3A_304 = arith.mulf %gather3A_301, %gather3A_299 : vector<16xf32>
      %add3A_305 = arith.addf %add3A_303, %mul3A_304 : vector<16xf32>
      %broadcast_in_dim3A_306 = arith.constant 4 : i32
      %broadcast_in_dim3A_307 = vector.broadcast %broadcast_in_dim3A_306 : i32 to vector<16xi32>
      %broadcast_in_dim3A_308 = arith.constant 4 : i32
      %broadcast_in_dim3A_309 = vector.broadcast %broadcast_in_dim3A_308 : i32 to vector<16xi32>
      %lt3A_310 = arith.constant 0 : i32
      %lt3A_311 = vector.broadcast %lt3A_310 : i32 to vector<16xi32>
      %lt3A_312 = arith.cmpi slt, %broadcast_in_dim3A_309, %lt3A_311 : vector<16xi32>
      %add3A_313 = arith.constant 16 : i32
      %add3A_314 = vector.broadcast %add3A_313 : i32 to vector<16xi32>
      %add3A_315 = arith.addi %broadcast_in_dim3A_309, %add3A_314 : vector<16xi32>
      %select_n3A_316 = arith.select %lt3A_312, %add3A_315, %broadcast_in_dim3A_309 : vector<16xi1>, vector<16xi32>
      %broadcast_in_dim3A_317 = vector.shape_cast %select_n3A_316 : vector<16xi32> to vector<16x1xi32>
      %gather3A_318 = vector.shape_cast %broadcast_in_dim3A_317 : vector<16x1xi32> to vector<16xi32>
      %gather3A_319 = tpu.dynamic_gather %get3A_161[%gather3A_318] in [0] : vector<16xf32>, vector<16xi32> -> vector<16xf32>
      %lt3A_320 = arith.constant 0 : i32
      %lt3A_321 = vector.broadcast %lt3A_320 : i32 to vector<16xi32>
      %lt3A_322 = arith.cmpi slt, %broadcast_in_dim3A_309, %lt3A_321 : vector<16xi32>
      %add3A_323 = arith.constant 16 : i32
      %add3A_324 = vector.broadcast %add3A_323 : i32 to vector<16xi32>
      %add3A_325 = arith.addi %broadcast_in_dim3A_309, %add3A_324 : vector<16xi32>
      %select_n3A_326 = arith.select %lt3A_322, %add3A_325, %broadcast_in_dim3A_309 : vector<16xi1>, vector<16xi32>
      %broadcast_in_dim3A_327 = vector.shape_cast %select_n3A_326 : vector<16xi32> to vector<16x1xi32>
      %gather3A_328 = vector.shape_cast %broadcast_in_dim3A_327 : vector<16x1xi32> to vector<16xi32>
      %gather3A_329 = tpu.dynamic_gather %get3A_169[%gather3A_328] in [0] : vector<16xf32>, vector<16xi32> -> vector<16xf32>
      %gather3A_330 = tpu.vector_load_idx %arg11[%add3A_187, %broadcast_in_dim3A_307] : memref<512x64xf32, #tpu.memory_space<vmem>>[vector<16xi32>, vector<16xi32>], vector<16xf32>,
      %gather3A_331 = tpu.vector_load_idx %arg12[%add3A_187, %broadcast_in_dim3A_307] : memref<512x64xf32, #tpu.memory_space<vmem>>[vector<16xi32>, vector<16xi32>], vector<16xf32>,
      %mul3A_332 = arith.mulf %gather3A_330, %gather3A_319 : vector<16xf32>
      %add3A_333 = arith.addf %add3A_305, %mul3A_332 : vector<16xf32>
      %mul3A_334 = arith.mulf %gather3A_331, %gather3A_329 : vector<16xf32>
      %add3A_335 = arith.addf %add3A_333, %mul3A_334 : vector<16xf32>
      %broadcast_in_dim3A_336 = arith.constant 5 : i32
      %broadcast_in_dim3A_337 = vector.broadcast %broadcast_in_dim3A_336 : i32 to vector<16xi32>
      %broadcast_in_dim3A_338 = arith.constant 5 : i32
      %broadcast_in_dim3A_339 = vector.broadcast %broadcast_in_dim3A_338 : i32 to vector<16xi32>
      %lt3A_340 = arith.constant 0 : i32
      %lt3A_341 = vector.broadcast %lt3A_340 : i32 to vector<16xi32>
      %lt3A_342 = arith.cmpi slt, %broadcast_in_dim3A_339, %lt3A_341 : vector<16xi32>
      %add3A_343 = arith.constant 16 : i32
      %add3A_344 = vector.broadcast %add3A_343 : i32 to vector<16xi32>
      %add3A_345 = arith.addi %broadcast_in_dim3A_339, %add3A_344 : vector<16xi32>
      %select_n3A_346 = arith.select %lt3A_342, %add3A_345, %broadcast_in_dim3A_339 : vector<16xi1>, vector<16xi32>
      %broadcast_in_dim3A_347 = vector.shape_cast %select_n3A_346 : vector<16xi32> to vector<16x1xi32>
      %gather3A_348 = vector.shape_cast %broadcast_in_dim3A_347 : vector<16x1xi32> to vector<16xi32>
      %gather3A_349 = tpu.dynamic_gather %get3A_161[%gather3A_348] in [0] : vector<16xf32>, vector<16xi32> -> vector<16xf32>
      %lt3A_350 = arith.constant 0 : i32
      %lt3A_351 = vector.broadcast %lt3A_350 : i32 to vector<16xi32>
      %lt3A_352 = arith.cmpi slt, %broadcast_in_dim3A_339, %lt3A_351 : vector<16xi32>
      %add3A_353 = arith.constant 16 : i32
      %add3A_354 = vector.broadcast %add3A_353 : i32 to vector<16xi32>
      %add3A_355 = arith.addi %broadcast_in_dim3A_339, %add3A_354 : vector<16xi32>
      %select_n3A_356 = arith.select %lt3A_352, %add3A_355, %broadcast_in_dim3A_339 : vector<16xi1>, vector<16xi32>
      %broadcast_in_dim3A_357 = vector.shape_cast %select_n3A_356 : vector<16xi32> to vector<16x1xi32>
      %gather3A_358 = vector.shape_cast %broadcast_in_dim3A_357 : vector<16x1xi32> to vector<16xi32>
      %gather3A_359 = tpu.dynamic_gather %get3A_169[%gather3A_358] in [0] : vector<16xf32>, vector<16xi32> -> vector<16xf32>
      %gather3A_360 = tpu.vector_load_idx %arg11[%add3A_187, %broadcast_in_dim3A_337] : memref<512x64xf32, #tpu.memory_space<vmem>>[vector<16xi32>, vector<16xi32>], vector<16xf32>,
      %gather3A_361 = tpu.vector_load_idx %arg12[%add3A_187, %broadcast_in_dim3A_337] : memref<512x64xf32, #tpu.memory_space<vmem>>[vector<16xi32>, vector<16xi32>], vector<16xf32>,
      %mul3A_362 = arith.mulf %gather3A_360, %gather3A_349 : vector<16xf32>
      %add3A_363 = arith.addf %add3A_335, %mul3A_362 : vector<16xf32>
      %mul3A_364 = arith.mulf %gather3A_361, %gather3A_359 : vector<16xf32>
      %add3A_365 = arith.addf %add3A_363, %mul3A_364 : vector<16xf32>
      %broadcast_in_dim3A_366 = arith.constant 6 : i32
      %broadcast_in_dim3A_367 = vector.broadcast %broadcast_in_dim3A_366 : i32 to vector<16xi32>
      %broadcast_in_dim3A_368 = arith.constant 6 : i32
      %broadcast_in_dim3A_369 = vector.broadcast %broadcast_in_dim3A_368 : i32 to vector<16xi32>
      %lt3A_370 = arith.constant 0 : i32
      %lt3A_371 = vector.broadcast %lt3A_370 : i32 to vector<16xi32>
      %lt3A_372 = arith.cmpi slt, %broadcast_in_dim3A_369, %lt3A_371 : vector<16xi32>
      %add3A_373 = arith.constant 16 : i32
      %add3A_374 = vector.broadcast %add3A_373 : i32 to vector<16xi32>
      %add3A_375 = arith.addi %broadcast_in_dim3A_369, %add3A_374 : vector<16xi32>
      %select_n3A_376 = arith.select %lt3A_372, %add3A_375, %broadcast_in_dim3A_369 : vector<16xi1>, vector<16xi32>
      %broadcast_in_dim3A_377 = vector.shape_cast %select_n3A_376 : vector<16xi32> to vector<16x1xi32>
      %gather3A_378 = vector.shape_cast %broadcast_in_dim3A_377 : vector<16x1xi32> to vector<16xi32>
      %gather3A_379 = tpu.dynamic_gather %get3A_161[%gather3A_378] in [0] : vector<16xf32>, vector<16xi32> -> vector<16xf32>
      %lt3A_380 = arith.constant 0 : i32
      %lt3A_381 = vector.broadcast %lt3A_380 : i32 to vector<16xi32>
      %lt3A_382 = arith.cmpi slt, %broadcast_in_dim3A_369, %lt3A_381 : vector<16xi32>
      %add3A_383 = arith.constant 16 : i32
      %add3A_384 = vector.broadcast %add3A_383 : i32 to vector<16xi32>
      %add3A_385 = arith.addi %broadcast_in_dim3A_369, %add3A_384 : vector<16xi32>
      %select_n3A_386 = arith.select %lt3A_382, %add3A_385, %broadcast_in_dim3A_369 : vector<16xi1>, vector<16xi32>
      %broadcast_in_dim3A_387 = vector.shape_cast %select_n3A_386 : vector<16xi32> to vector<16x1xi32>
      %gather3A_388 = vector.shape_cast %broadcast_in_dim3A_387 : vector<16x1xi32> to vector<16xi32>
      %gather3A_389 = tpu.dynamic_gather %get3A_169[%gather3A_388] in [0] : vector<16xf32>, vector<16xi32> -> vector<16xf32>
      %gather3A_390 = tpu.vector_load_idx %arg11[%add3A_187, %broadcast_in_dim3A_367] : memref<512x64xf32, #tpu.memory_space<vmem>>[vector<16xi32>, vector<16xi32>], vector<16xf32>,
      %gather3A_391 = tpu.vector_load_idx %arg12[%add3A_187, %broadcast_in_dim3A_367] : memref<512x64xf32, #tpu.memory_space<vmem>>[vector<16xi32>, vector<16xi32>], vector<16xf32>,
      %mul3A_392 = arith.mulf %gather3A_390, %gather3A_379 : vector<16xf32>
      %add3A_393 = arith.addf %add3A_365, %mul3A_392 : vector<16xf32>
      %mul3A_394 = arith.mulf %gather3A_391, %gather3A_389 : vector<16xf32>
      %add3A_395 = arith.addf %add3A_393, %mul3A_394 : vector<16xf32>
      %broadcast_in_dim3A_396 = arith.constant 7 : i32
      %broadcast_in_dim3A_397 = vector.broadcast %broadcast_in_dim3A_396 : i32 to vector<16xi32>
      %broadcast_in_dim3A_398 = arith.constant 7 : i32
      %broadcast_in_dim3A_399 = vector.broadcast %broadcast_in_dim3A_398 : i32 to vector<16xi32>
      %lt3A_400 = arith.constant 0 : i32
      %lt3A_401 = vector.broadcast %lt3A_400 : i32 to vector<16xi32>
      %lt3A_402 = arith.cmpi slt, %broadcast_in_dim3A_399, %lt3A_401 : vector<16xi32>
      %add3A_403 = arith.constant 16 : i32
      %add3A_404 = vector.broadcast %add3A_403 : i32 to vector<16xi32>
      %add3A_405 = arith.addi %broadcast_in_dim3A_399, %add3A_404 : vector<16xi32>
      %select_n3A_406 = arith.select %lt3A_402, %add3A_405, %broadcast_in_dim3A_399 : vector<16xi1>, vector<16xi32>
      %broadcast_in_dim3A_407 = vector.shape_cast %select_n3A_406 : vector<16xi32> to vector<16x1xi32>
      %gather3A_408 = vector.shape_cast %broadcast_in_dim3A_407 : vector<16x1xi32> to vector<16xi32>
      %gather3A_409 = tpu.dynamic_gather %get3A_161[%gather3A_408] in [0] : vector<16xf32>, vector<16xi32> -> vector<16xf32>
      %lt3A_410 = arith.constant 0 : i32
      %lt3A_411 = vector.broadcast %lt3A_410 : i32 to vector<16xi32>
      %lt3A_412 = arith.cmpi slt, %broadcast_in_dim3A_399, %lt3A_411 : vector<16xi32>
      %add3A_413 = arith.constant 16 : i32
      %add3A_414 = vector.broadcast %add3A_413 : i32 to vector<16xi32>
      %add3A_415 = arith.addi %broadcast_in_dim3A_399, %add3A_414 : vector<16xi32>
      %select_n3A_416 = arith.select %lt3A_412, %add3A_415, %broadcast_in_dim3A_399 : vector<16xi1>, vector<16xi32>
      %broadcast_in_dim3A_417 = vector.shape_cast %select_n3A_416 : vector<16xi32> to vector<16x1xi32>
      %gather3A_418 = vector.shape_cast %broadcast_in_dim3A_417 : vector<16x1xi32> to vector<16xi32>
      %gather3A_419 = tpu.dynamic_gather %get3A_169[%gather3A_418] in [0] : vector<16xf32>, vector<16xi32> -> vector<16xf32>
      %gather3A_420 = tpu.vector_load_idx %arg11[%add3A_187, %broadcast_in_dim3A_397] : memref<512x64xf32, #tpu.memory_space<vmem>>[vector<16xi32>, vector<16xi32>], vector<16xf32>,
      %gather3A_421 = tpu.vector_load_idx %arg12[%add3A_187, %broadcast_in_dim3A_397] : memref<512x64xf32, #tpu.memory_space<vmem>>[vector<16xi32>, vector<16xi32>], vector<16xf32>,
      %mul3A_422 = arith.mulf %gather3A_420, %gather3A_409 : vector<16xf32>
      %add3A_423 = arith.addf %add3A_395, %mul3A_422 : vector<16xf32>
      %mul3A_424 = arith.mulf %gather3A_421, %gather3A_419 : vector<16xf32>
      %add3A_425 = arith.addf %add3A_423, %mul3A_424 : vector<16xf32>
      %broadcast_in_dim3A_426 = arith.constant 8 : i32
      %broadcast_in_dim3A_427 = vector.broadcast %broadcast_in_dim3A_426 : i32 to vector<16xi32>
      %broadcast_in_dim3A_428 = arith.constant 8 : i32
      %broadcast_in_dim3A_429 = vector.broadcast %broadcast_in_dim3A_428 : i32 to vector<16xi32>
      %lt3A_430 = arith.constant 0 : i32
      %lt3A_431 = vector.broadcast %lt3A_430 : i32 to vector<16xi32>
      %lt3A_432 = arith.cmpi slt, %broadcast_in_dim3A_429, %lt3A_431 : vector<16xi32>
      %add3A_433 = arith.constant 16 : i32
      %add3A_434 = vector.broadcast %add3A_433 : i32 to vector<16xi32>
      %add3A_435 = arith.addi %broadcast_in_dim3A_429, %add3A_434 : vector<16xi32>
      %select_n3A_436 = arith.select %lt3A_432, %add3A_435, %broadcast_in_dim3A_429 : vector<16xi1>, vector<16xi32>
      %broadcast_in_dim3A_437 = vector.shape_cast %select_n3A_436 : vector<16xi32> to vector<16x1xi32>
      %gather3A_438 = vector.shape_cast %broadcast_in_dim3A_437 : vector<16x1xi32> to vector<16xi32>
      %gather3A_439 = tpu.dynamic_gather %get3A_161[%gather3A_438] in [0] : vector<16xf32>, vector<16xi32> -> vector<16xf32>
      %lt3A_440 = arith.constant 0 : i32
      %lt3A_441 = vector.broadcast %lt3A_440 : i32 to vector<16xi32>
      %lt3A_442 = arith.cmpi slt, %broadcast_in_dim3A_429, %lt3A_441 : vector<16xi32>
      %add3A_443 = arith.constant 16 : i32
      %add3A_444 = vector.broadcast %add3A_443 : i32 to vector<16xi32>
      %add3A_445 = arith.addi %broadcast_in_dim3A_429, %add3A_444 : vector<16xi32>
      %select_n3A_446 = arith.select %lt3A_442, %add3A_445, %broadcast_in_dim3A_429 : vector<16xi1>, vector<16xi32>
      %broadcast_in_dim3A_447 = vector.shape_cast %select_n3A_446 : vector<16xi32> to vector<16x1xi32>
      %gather3A_448 = vector.shape_cast %broadcast_in_dim3A_447 : vector<16x1xi32> to vector<16xi32>
      %gather3A_449 = tpu.dynamic_gather %get3A_169[%gather3A_448] in [0] : vector<16xf32>, vector<16xi32> -> vector<16xf32>
      %gather3A_450 = tpu.vector_load_idx %arg11[%add3A_187, %broadcast_in_dim3A_427] : memref<512x64xf32, #tpu.memory_space<vmem>>[vector<16xi32>, vector<16xi32>], vector<16xf32>,
      %gather3A_451 = tpu.vector_load_idx %arg12[%add3A_187, %broadcast_in_dim3A_427] : memref<512x64xf32, #tpu.memory_space<vmem>>[vector<16xi32>, vector<16xi32>], vector<16xf32>,
      %mul3A_452 = arith.mulf %gather3A_450, %gather3A_439 : vector<16xf32>
      %add3A_453 = arith.addf %add3A_425, %mul3A_452 : vector<16xf32>
      %mul3A_454 = arith.mulf %gather3A_451, %gather3A_449 : vector<16xf32>
      %add3A_455 = arith.addf %add3A_453, %mul3A_454 : vector<16xf32>
      %broadcast_in_dim3A_456 = arith.constant 9 : i32
      %broadcast_in_dim3A_457 = vector.broadcast %broadcast_in_dim3A_456 : i32 to vector<16xi32>
      %broadcast_in_dim3A_458 = arith.constant 9 : i32
      %broadcast_in_dim3A_459 = vector.broadcast %broadcast_in_dim3A_458 : i32 to vector<16xi32>
      %lt3A_460 = arith.constant 0 : i32
      %lt3A_461 = vector.broadcast %lt3A_460 : i32 to vector<16xi32>
      %lt3A_462 = arith.cmpi slt, %broadcast_in_dim3A_459, %lt3A_461 : vector<16xi32>
      %add3A_463 = arith.constant 16 : i32
      %add3A_464 = vector.broadcast %add3A_463 : i32 to vector<16xi32>
      %add3A_465 = arith.addi %broadcast_in_dim3A_459, %add3A_464 : vector<16xi32>
      %select_n3A_466 = arith.select %lt3A_462, %add3A_465, %broadcast_in_dim3A_459 : vector<16xi1>, vector<16xi32>
      %broadcast_in_dim3A_467 = vector.shape_cast %select_n3A_466 : vector<16xi32> to vector<16x1xi32>
      %gather3A_468 = vector.shape_cast %broadcast_in_dim3A_467 : vector<16x1xi32> to vector<16xi32>
      %gather3A_469 = tpu.dynamic_gather %get3A_161[%gather3A_468] in [0] : vector<16xf32>, vector<16xi32> -> vector<16xf32>
      %lt3A_470 = arith.constant 0 : i32
      %lt3A_471 = vector.broadcast %lt3A_470 : i32 to vector<16xi32>
      %lt3A_472 = arith.cmpi slt, %broadcast_in_dim3A_459, %lt3A_471 : vector<16xi32>
      %add3A_473 = arith.constant 16 : i32
      %add3A_474 = vector.broadcast %add3A_473 : i32 to vector<16xi32>
      %add3A_475 = arith.addi %broadcast_in_dim3A_459, %add3A_474 : vector<16xi32>
      %select_n3A_476 = arith.select %lt3A_472, %add3A_475, %broadcast_in_dim3A_459 : vector<16xi1>, vector<16xi32>
      %broadcast_in_dim3A_477 = vector.shape_cast %select_n3A_476 : vector<16xi32> to vector<16x1xi32>
      %gather3A_478 = vector.shape_cast %broadcast_in_dim3A_477 : vector<16x1xi32> to vector<16xi32>
      %gather3A_479 = tpu.dynamic_gather %get3A_169[%gather3A_478] in [0] : vector<16xf32>, vector<16xi32> -> vector<16xf32>
      %gather3A_480 = tpu.vector_load_idx %arg11[%add3A_187, %broadcast_in_dim3A_457] : memref<512x64xf32, #tpu.memory_space<vmem>>[vector<16xi32>, vector<16xi32>], vector<16xf32>,
      %gather3A_481 = tpu.vector_load_idx %arg12[%add3A_187, %broadcast_in_dim3A_457] : memref<512x64xf32, #tpu.memory_space<vmem>>[vector<16xi32>, vector<16xi32>], vector<16xf32>,
      %mul3A_482 = arith.mulf %gather3A_480, %gather3A_469 : vector<16xf32>
      %add3A_483 = arith.addf %add3A_455, %mul3A_482 : vector<16xf32>
      %mul3A_484 = arith.mulf %gather3A_481, %gather3A_479 : vector<16xf32>
      %add3A_485 = arith.addf %add3A_483, %mul3A_484 : vector<16xf32>
      %broadcast_in_dim3A_486 = arith.constant 10 : i32
      %broadcast_in_dim3A_487 = vector.broadcast %broadcast_in_dim3A_486 : i32 to vector<16xi32>
      %broadcast_in_dim3A_488 = arith.constant 10 : i32
      %broadcast_in_dim3A_489 = vector.broadcast %broadcast_in_dim3A_488 : i32 to vector<16xi32>
      %lt3A_490 = arith.constant 0 : i32
      %lt3A_491 = vector.broadcast %lt3A_490 : i32 to vector<16xi32>
      %lt3A_492 = arith.cmpi slt, %broadcast_in_dim3A_489, %lt3A_491 : vector<16xi32>
      %add3A_493 = arith.constant 16 : i32
      %add3A_494 = vector.broadcast %add3A_493 : i32 to vector<16xi32>
      %add3A_495 = arith.addi %broadcast_in_dim3A_489, %add3A_494 : vector<16xi32>
      %select_n3A_496 = arith.select %lt3A_492, %add3A_495, %broadcast_in_dim3A_489 : vector<16xi1>, vector<16xi32>
      %broadcast_in_dim3A_497 = vector.shape_cast %select_n3A_496 : vector<16xi32> to vector<16x1xi32>
      %gather3A_498 = vector.shape_cast %broadcast_in_dim3A_497 : vector<16x1xi32> to vector<16xi32>
      %gather3A_499 = tpu.dynamic_gather %get3A_161[%gather3A_498] in [0] : vector<16xf32>, vector<16xi32> -> vector<16xf32>
      %lt3A_500 = arith.constant 0 : i32
      %lt3A_501 = vector.broadcast %lt3A_500 : i32 to vector<16xi32>
      %lt3A_502 = arith.cmpi slt, %broadcast_in_dim3A_489, %lt3A_501 : vector<16xi32>
      %add3A_503 = arith.constant 16 : i32
      %add3A_504 = vector.broadcast %add3A_503 : i32 to vector<16xi32>
      %add3A_505 = arith.addi %broadcast_in_dim3A_489, %add3A_504 : vector<16xi32>
      %select_n3A_506 = arith.select %lt3A_502, %add3A_505, %broadcast_in_dim3A_489 : vector<16xi1>, vector<16xi32>
      %broadcast_in_dim3A_507 = vector.shape_cast %select_n3A_506 : vector<16xi32> to vector<16x1xi32>
      %gather3A_508 = vector.shape_cast %broadcast_in_dim3A_507 : vector<16x1xi32> to vector<16xi32>
      %gather3A_509 = tpu.dynamic_gather %get3A_169[%gather3A_508] in [0] : vector<16xf32>, vector<16xi32> -> vector<16xf32>
      %gather3A_510 = tpu.vector_load_idx %arg11[%add3A_187, %broadcast_in_dim3A_487] : memref<512x64xf32, #tpu.memory_space<vmem>>[vector<16xi32>, vector<16xi32>], vector<16xf32>,
      %gather3A_511 = tpu.vector_load_idx %arg12[%add3A_187, %broadcast_in_dim3A_487] : memref<512x64xf32, #tpu.memory_space<vmem>>[vector<16xi32>, vector<16xi32>], vector<16xf32>,
      %mul3A_512 = arith.mulf %gather3A_510, %gather3A_499 : vector<16xf32>
      %add3A_513 = arith.addf %add3A_485, %mul3A_512 : vector<16xf32>
      %mul3A_514 = arith.mulf %gather3A_511, %gather3A_509 : vector<16xf32>
      %add3A_515 = arith.addf %add3A_513, %mul3A_514 : vector<16xf32>
      %broadcast_in_dim3A_516 = arith.constant 11 : i32
      %broadcast_in_dim3A_517 = vector.broadcast %broadcast_in_dim3A_516 : i32 to vector<16xi32>
      %broadcast_in_dim3A_518 = arith.constant 11 : i32
      %broadcast_in_dim3A_519 = vector.broadcast %broadcast_in_dim3A_518 : i32 to vector<16xi32>
      %lt3A_520 = arith.constant 0 : i32
      %lt3A_521 = vector.broadcast %lt3A_520 : i32 to vector<16xi32>
      %lt3A_522 = arith.cmpi slt, %broadcast_in_dim3A_519, %lt3A_521 : vector<16xi32>
      %add3A_523 = arith.constant 16 : i32
      %add3A_524 = vector.broadcast %add3A_523 : i32 to vector<16xi32>
      %add3A_525 = arith.addi %broadcast_in_dim3A_519, %add3A_524 : vector<16xi32>
      %select_n3A_526 = arith.select %lt3A_522, %add3A_525, %broadcast_in_dim3A_519 : vector<16xi1>, vector<16xi32>
      %broadcast_in_dim3A_527 = vector.shape_cast %select_n3A_526 : vector<16xi32> to vector<16x1xi32>
      %gather3A_528 = vector.shape_cast %broadcast_in_dim3A_527 : vector<16x1xi32> to vector<16xi32>
      %gather3A_529 = tpu.dynamic_gather %get3A_161[%gather3A_528] in [0] : vector<16xf32>, vector<16xi32> -> vector<16xf32>
      %lt3A_530 = arith.constant 0 : i32
      %lt3A_531 = vector.broadcast %lt3A_530 : i32 to vector<16xi32>
      %lt3A_532 = arith.cmpi slt, %broadcast_in_dim3A_519, %lt3A_531 : vector<16xi32>
      %add3A_533 = arith.constant 16 : i32
      %add3A_534 = vector.broadcast %add3A_533 : i32 to vector<16xi32>
      %add3A_535 = arith.addi %broadcast_in_dim3A_519, %add3A_534 : vector<16xi32>
      %select_n3A_536 = arith.select %lt3A_532, %add3A_535, %broadcast_in_dim3A_519 : vector<16xi1>, vector<16xi32>
      %broadcast_in_dim3A_537 = vector.shape_cast %select_n3A_536 : vector<16xi32> to vector<16x1xi32>
      %gather3A_538 = vector.shape_cast %broadcast_in_dim3A_537 : vector<16x1xi32> to vector<16xi32>
      %gather3A_539 = tpu.dynamic_gather %get3A_169[%gather3A_538] in [0] : vector<16xf32>, vector<16xi32> -> vector<16xf32>
      %gather3A_540 = tpu.vector_load_idx %arg11[%add3A_187, %broadcast_in_dim3A_517] : memref<512x64xf32, #tpu.memory_space<vmem>>[vector<16xi32>, vector<16xi32>], vector<16xf32>,
      %gather3A_541 = tpu.vector_load_idx %arg12[%add3A_187, %broadcast_in_dim3A_517] : memref<512x64xf32, #tpu.memory_space<vmem>>[vector<16xi32>, vector<16xi32>], vector<16xf32>,
      %mul3A_542 = arith.mulf %gather3A_540, %gather3A_529 : vector<16xf32>
      %add3A_543 = arith.addf %add3A_515, %mul3A_542 : vector<16xf32>
      %mul3A_544 = arith.mulf %gather3A_541, %gather3A_539 : vector<16xf32>
      %add3A_545 = arith.addf %add3A_543, %mul3A_544 : vector<16xf32>
      %broadcast_in_dim3A_546 = arith.constant 12 : i32
      %broadcast_in_dim3A_547 = vector.broadcast %broadcast_in_dim3A_546 : i32 to vector<16xi32>
      %broadcast_in_dim3A_548 = arith.constant 12 : i32
      %broadcast_in_dim3A_549 = vector.broadcast %broadcast_in_dim3A_548 : i32 to vector<16xi32>
      %lt3A_550 = arith.constant 0 : i32
      %lt3A_551 = vector.broadcast %lt3A_550 : i32 to vector<16xi32>
      %lt3A_552 = arith.cmpi slt, %broadcast_in_dim3A_549, %lt3A_551 : vector<16xi32>
      %add3A_553 = arith.constant 16 : i32
      %add3A_554 = vector.broadcast %add3A_553 : i32 to vector<16xi32>
      %add3A_555 = arith.addi %broadcast_in_dim3A_549, %add3A_554 : vector<16xi32>
      %select_n3A_556 = arith.select %lt3A_552, %add3A_555, %broadcast_in_dim3A_549 : vector<16xi1>, vector<16xi32>
      %broadcast_in_dim3A_557 = vector.shape_cast %select_n3A_556 : vector<16xi32> to vector<16x1xi32>
      %gather3A_558 = vector.shape_cast %broadcast_in_dim3A_557 : vector<16x1xi32> to vector<16xi32>
      %gather3A_559 = tpu.dynamic_gather %get3A_161[%gather3A_558] in [0] : vector<16xf32>, vector<16xi32> -> vector<16xf32>
      %lt3A_560 = arith.constant 0 : i32
      %lt3A_561 = vector.broadcast %lt3A_560 : i32 to vector<16xi32>
      %lt3A_562 = arith.cmpi slt, %broadcast_in_dim3A_549, %lt3A_561 : vector<16xi32>
      %add3A_563 = arith.constant 16 : i32
      %add3A_564 = vector.broadcast %add3A_563 : i32 to vector<16xi32>
      %add3A_565 = arith.addi %broadcast_in_dim3A_549, %add3A_564 : vector<16xi32>
      %select_n3A_566 = arith.select %lt3A_562, %add3A_565, %broadcast_in_dim3A_549 : vector<16xi1>, vector<16xi32>
      %broadcast_in_dim3A_567 = vector.shape_cast %select_n3A_566 : vector<16xi32> to vector<16x1xi32>
      %gather3A_568 = vector.shape_cast %broadcast_in_dim3A_567 : vector<16x1xi32> to vector<16xi32>
      %gather3A_569 = tpu.dynamic_gather %get3A_169[%gather3A_568] in [0] : vector<16xf32>, vector<16xi32> -> vector<16xf32>
      %gather3A_570 = tpu.vector_load_idx %arg11[%add3A_187, %broadcast_in_dim3A_547] : memref<512x64xf32, #tpu.memory_space<vmem>>[vector<16xi32>, vector<16xi32>], vector<16xf32>,
      %gather3A_571 = tpu.vector_load_idx %arg12[%add3A_187, %broadcast_in_dim3A_547] : memref<512x64xf32, #tpu.memory_space<vmem>>[vector<16xi32>, vector<16xi32>], vector<16xf32>,
      %mul3A_572 = arith.mulf %gather3A_570, %gather3A_559 : vector<16xf32>
      %add3A_573 = arith.addf %add3A_545, %mul3A_572 : vector<16xf32>
      %mul3A_574 = arith.mulf %gather3A_571, %gather3A_569 : vector<16xf32>
      %add3A_575 = arith.addf %add3A_573, %mul3A_574 : vector<16xf32>
      %broadcast_in_dim3A_576 = arith.constant 13 : i32
      %broadcast_in_dim3A_577 = vector.broadcast %broadcast_in_dim3A_576 : i32 to vector<16xi32>
      %broadcast_in_dim3A_578 = arith.constant 13 : i32
      %broadcast_in_dim3A_579 = vector.broadcast %broadcast_in_dim3A_578 : i32 to vector<16xi32>
      %lt3A_580 = arith.constant 0 : i32
      %lt3A_581 = vector.broadcast %lt3A_580 : i32 to vector<16xi32>
      %lt3A_582 = arith.cmpi slt, %broadcast_in_dim3A_579, %lt3A_581 : vector<16xi32>
      %add3A_583 = arith.constant 16 : i32
      %add3A_584 = vector.broadcast %add3A_583 : i32 to vector<16xi32>
      %add3A_585 = arith.addi %broadcast_in_dim3A_579, %add3A_584 : vector<16xi32>
      %select_n3A_586 = arith.select %lt3A_582, %add3A_585, %broadcast_in_dim3A_579 : vector<16xi1>, vector<16xi32>
      %broadcast_in_dim3A_587 = vector.shape_cast %select_n3A_586 : vector<16xi32> to vector<16x1xi32>
      %gather3A_588 = vector.shape_cast %broadcast_in_dim3A_587 : vector<16x1xi32> to vector<16xi32>
      %gather3A_589 = tpu.dynamic_gather %get3A_161[%gather3A_588] in [0] : vector<16xf32>, vector<16xi32> -> vector<16xf32>
      %lt3A_590 = arith.constant 0 : i32
      %lt3A_591 = vector.broadcast %lt3A_590 : i32 to vector<16xi32>
      %lt3A_592 = arith.cmpi slt, %broadcast_in_dim3A_579, %lt3A_591 : vector<16xi32>
      %add3A_593 = arith.constant 16 : i32
      %add3A_594 = vector.broadcast %add3A_593 : i32 to vector<16xi32>
      %add3A_595 = arith.addi %broadcast_in_dim3A_579, %add3A_594 : vector<16xi32>
      %select_n3A_596 = arith.select %lt3A_592, %add3A_595, %broadcast_in_dim3A_579 : vector<16xi1>, vector<16xi32>
      %broadcast_in_dim3A_597 = vector.shape_cast %select_n3A_596 : vector<16xi32> to vector<16x1xi32>
      %gather3A_598 = vector.shape_cast %broadcast_in_dim3A_597 : vector<16x1xi32> to vector<16xi32>
      %gather3A_599 = tpu.dynamic_gather %get3A_169[%gather3A_598] in [0] : vector<16xf32>, vector<16xi32> -> vector<16xf32>
      %gather3A_600 = tpu.vector_load_idx %arg11[%add3A_187, %broadcast_in_dim3A_577] : memref<512x64xf32, #tpu.memory_space<vmem>>[vector<16xi32>, vector<16xi32>], vector<16xf32>,
      %gather3A_601 = tpu.vector_load_idx %arg12[%add3A_187, %broadcast_in_dim3A_577] : memref<512x64xf32, #tpu.memory_space<vmem>>[vector<16xi32>, vector<16xi32>], vector<16xf32>,
      %mul3A_602 = arith.mulf %gather3A_600, %gather3A_589 : vector<16xf32>
      %add3A_603 = arith.addf %add3A_575, %mul3A_602 : vector<16xf32>
      %mul3A_604 = arith.mulf %gather3A_601, %gather3A_599 : vector<16xf32>
      %add3A_605 = arith.addf %add3A_603, %mul3A_604 : vector<16xf32>
      %broadcast_in_dim3A_606 = arith.constant 14 : i32
      %broadcast_in_dim3A_607 = vector.broadcast %broadcast_in_dim3A_606 : i32 to vector<16xi32>
      %broadcast_in_dim3A_608 = arith.constant 14 : i32
      %broadcast_in_dim3A_609 = vector.broadcast %broadcast_in_dim3A_608 : i32 to vector<16xi32>
      %lt3A_610 = arith.constant 0 : i32
      %lt3A_611 = vector.broadcast %lt3A_610 : i32 to vector<16xi32>
      %lt3A_612 = arith.cmpi slt, %broadcast_in_dim3A_609, %lt3A_611 : vector<16xi32>
      %add3A_613 = arith.constant 16 : i32
      %add3A_614 = vector.broadcast %add3A_613 : i32 to vector<16xi32>
      %add3A_615 = arith.addi %broadcast_in_dim3A_609, %add3A_614 : vector<16xi32>
      %select_n3A_616 = arith.select %lt3A_612, %add3A_615, %broadcast_in_dim3A_609 : vector<16xi1>, vector<16xi32>
      %broadcast_in_dim3A_617 = vector.shape_cast %select_n3A_616 : vector<16xi32> to vector<16x1xi32>
      %gather3A_618 = vector.shape_cast %broadcast_in_dim3A_617 : vector<16x1xi32> to vector<16xi32>
      %gather3A_619 = tpu.dynamic_gather %get3A_161[%gather3A_618] in [0] : vector<16xf32>, vector<16xi32> -> vector<16xf32>
      %lt3A_620 = arith.constant 0 : i32
      %lt3A_621 = vector.broadcast %lt3A_620 : i32 to vector<16xi32>
      %lt3A_622 = arith.cmpi slt, %broadcast_in_dim3A_609, %lt3A_621 : vector<16xi32>
      %add3A_623 = arith.constant 16 : i32
      %add3A_624 = vector.broadcast %add3A_623 : i32 to vector<16xi32>
      %add3A_625 = arith.addi %broadcast_in_dim3A_609, %add3A_624 : vector<16xi32>
      %select_n3A_626 = arith.select %lt3A_622, %add3A_625, %broadcast_in_dim3A_609 : vector<16xi1>, vector<16xi32>
      %broadcast_in_dim3A_627 = vector.shape_cast %select_n3A_626 : vector<16xi32> to vector<16x1xi32>
      %gather3A_628 = vector.shape_cast %broadcast_in_dim3A_627 : vector<16x1xi32> to vector<16xi32>
      %gather3A_629 = tpu.dynamic_gather %get3A_169[%gather3A_628] in [0] : vector<16xf32>, vector<16xi32> -> vector<16xf32>
      %gather3A_630 = tpu.vector_load_idx %arg11[%add3A_187, %broadcast_in_dim3A_607] : memref<512x64xf32, #tpu.memory_space<vmem>>[vector<16xi32>, vector<16xi32>], vector<16xf32>,
      %gather3A_631 = tpu.vector_load_idx %arg12[%add3A_187, %broadcast_in_dim3A_607] : memref<512x64xf32, #tpu.memory_space<vmem>>[vector<16xi32>, vector<16xi32>], vector<16xf32>,
      %mul3A_632 = arith.mulf %gather3A_630, %gather3A_619 : vector<16xf32>
      %add3A_633 = arith.addf %add3A_605, %mul3A_632 : vector<16xf32>
      %mul3A_634 = arith.mulf %gather3A_631, %gather3A_629 : vector<16xf32>
      %add3A_635 = arith.addf %add3A_633, %mul3A_634 : vector<16xf32>
      %broadcast_in_dim3A_636 = arith.constant 15 : i32
      %broadcast_in_dim3A_637 = vector.broadcast %broadcast_in_dim3A_636 : i32 to vector<16xi32>
      %broadcast_in_dim3A_638 = arith.constant 15 : i32
      %broadcast_in_dim3A_639 = vector.broadcast %broadcast_in_dim3A_638 : i32 to vector<16xi32>
      %lt3A_640 = arith.constant 0 : i32
      %lt3A_641 = vector.broadcast %lt3A_640 : i32 to vector<16xi32>
      %lt3A_642 = arith.cmpi slt, %broadcast_in_dim3A_639, %lt3A_641 : vector<16xi32>
      %add3A_643 = arith.constant 16 : i32
      %add3A_644 = vector.broadcast %add3A_643 : i32 to vector<16xi32>
      %add3A_645 = arith.addi %broadcast_in_dim3A_639, %add3A_644 : vector<16xi32>
      %select_n3A_646 = arith.select %lt3A_642, %add3A_645, %broadcast_in_dim3A_639 : vector<16xi1>, vector<16xi32>
      %broadcast_in_dim3A_647 = vector.shape_cast %select_n3A_646 : vector<16xi32> to vector<16x1xi32>
      %gather3A_648 = vector.shape_cast %broadcast_in_dim3A_647 : vector<16x1xi32> to vector<16xi32>
      %gather3A_649 = tpu.dynamic_gather %get3A_161[%gather3A_648] in [0] : vector<16xf32>, vector<16xi32> -> vector<16xf32>
      %lt3A_650 = arith.constant 0 : i32
      %lt3A_651 = vector.broadcast %lt3A_650 : i32 to vector<16xi32>
      %lt3A_652 = arith.cmpi slt, %broadcast_in_dim3A_639, %lt3A_651 : vector<16xi32>
      %add3A_653 = arith.constant 16 : i32
      %add3A_654 = vector.broadcast %add3A_653 : i32 to vector<16xi32>
      %add3A_655 = arith.addi %broadcast_in_dim3A_639, %add3A_654 : vector<16xi32>
      %select_n3A_656 = arith.select %lt3A_652, %add3A_655, %broadcast_in_dim3A_639 : vector<16xi1>, vector<16xi32>
      %broadcast_in_dim3A_657 = vector.shape_cast %select_n3A_656 : vector<16xi32> to vector<16x1xi32>
      %gather3A_658 = vector.shape_cast %broadcast_in_dim3A_657 : vector<16x1xi32> to vector<16xi32>
      %gather3A_659 = tpu.dynamic_gather %get3A_169[%gather3A_658] in [0] : vector<16xf32>, vector<16xi32> -> vector<16xf32>
      %gather3A_660 = tpu.vector_load_idx %arg11[%add3A_187, %broadcast_in_dim3A_637] : memref<512x64xf32, #tpu.memory_space<vmem>>[vector<16xi32>, vector<16xi32>], vector<16xf32>,
      %gather3A_661 = tpu.vector_load_idx %arg12[%add3A_187, %broadcast_in_dim3A_637] : memref<512x64xf32, #tpu.memory_space<vmem>>[vector<16xi32>, vector<16xi32>], vector<16xf32>,
      %mul3A_662 = arith.mulf %gather3A_660, %gather3A_649 : vector<16xf32>
      %add3A_663 = arith.addf %add3A_635, %mul3A_662 : vector<16xf32>
      %mul3A_664 = arith.mulf %gather3A_661, %gather3A_659 : vector<16xf32>
      %add3A_665 = arith.addf %add3A_663, %mul3A_664 : vector<16xf32>
      %broadcast_in_dim3A_666 = arith.constant 16 : i32
      %broadcast_in_dim3A_667 = vector.broadcast %broadcast_in_dim3A_666 : i32 to vector<16xi32>
      %broadcast_in_dim3A_668 = arith.constant 0 : i32
      %broadcast_in_dim3A_669 = vector.broadcast %broadcast_in_dim3A_668 : i32 to vector<16xi32>
      %lt3A_670 = arith.constant 0 : i32
      %lt3A_671 = vector.broadcast %lt3A_670 : i32 to vector<16xi32>
      %lt3A_672 = arith.cmpi slt, %broadcast_in_dim3A_669, %lt3A_671 : vector<16xi32>
      %add3A_673 = arith.constant 16 : i32
      %add3A_674 = vector.broadcast %add3A_673 : i32 to vector<16xi32>
      %add3A_675 = arith.addi %broadcast_in_dim3A_669, %add3A_674 : vector<16xi32>
      %select_n3A_676 = arith.select %lt3A_672, %add3A_675, %broadcast_in_dim3A_669 : vector<16xi1>, vector<16xi32>
      %broadcast_in_dim3A_677 = vector.shape_cast %select_n3A_676 : vector<16xi32> to vector<16x1xi32>
      %gather3A_678 = vector.shape_cast %broadcast_in_dim3A_677 : vector<16x1xi32> to vector<16xi32>
      %gather3A_679 = tpu.dynamic_gather %get3A_163[%gather3A_678] in [0] : vector<16xf32>, vector<16xi32> -> vector<16xf32>
      %lt3A_680 = arith.constant 0 : i32
      %lt3A_681 = vector.broadcast %lt3A_680 : i32 to vector<16xi32>
      %lt3A_682 = arith.cmpi slt, %broadcast_in_dim3A_669, %lt3A_681 : vector<16xi32>
      %add3A_683 = arith.constant 16 : i32
      %add3A_684 = vector.broadcast %add3A_683 : i32 to vector<16xi32>
      %add3A_685 = arith.addi %broadcast_in_dim3A_669, %add3A_684 : vector<16xi32>
      %select_n3A_686 = arith.select %lt3A_682, %add3A_685, %broadcast_in_dim3A_669 : vector<16xi1>, vector<16xi32>
      %broadcast_in_dim3A_687 = vector.shape_cast %select_n3A_686 : vector<16xi32> to vector<16x1xi32>
      %gather3A_688 = vector.shape_cast %broadcast_in_dim3A_687 : vector<16x1xi32> to vector<16xi32>
      %gather3A_689 = tpu.dynamic_gather %get3A_171[%gather3A_688] in [0] : vector<16xf32>, vector<16xi32> -> vector<16xf32>
      %gather3A_690 = tpu.vector_load_idx %arg11[%add3A_187, %broadcast_in_dim3A_667] : memref<512x64xf32, #tpu.memory_space<vmem>>[vector<16xi32>, vector<16xi32>], vector<16xf32>,
      %gather3A_691 = tpu.vector_load_idx %arg12[%add3A_187, %broadcast_in_dim3A_667] : memref<512x64xf32, #tpu.memory_space<vmem>>[vector<16xi32>, vector<16xi32>], vector<16xf32>,
      %mul3A_692 = arith.mulf %gather3A_690, %gather3A_679 : vector<16xf32>
      %add3A_693 = arith.addf %add3A_665, %mul3A_692 : vector<16xf32>
      %mul3A_694 = arith.mulf %gather3A_691, %gather3A_689 : vector<16xf32>
      %add3A_695 = arith.addf %add3A_693, %mul3A_694 : vector<16xf32>
      %broadcast_in_dim3A_696 = arith.constant 17 : i32
      %broadcast_in_dim3A_697 = vector.broadcast %broadcast_in_dim3A_696 : i32 to vector<16xi32>
      %broadcast_in_dim3A_698 = arith.constant 1 : i32
      %broadcast_in_dim3A_699 = vector.broadcast %broadcast_in_dim3A_698 : i32 to vector<16xi32>
      %lt3A_700 = arith.constant 0 : i32
      %lt3A_701 = vector.broadcast %lt3A_700 : i32 to vector<16xi32>
      %lt3A_702 = arith.cmpi slt, %broadcast_in_dim3A_699, %lt3A_701 : vector<16xi32>
      %add3A_703 = arith.constant 16 : i32
      %add3A_704 = vector.broadcast %add3A_703 : i32 to vector<16xi32>
      %add3A_705 = arith.addi %broadcast_in_dim3A_699, %add3A_704 : vector<16xi32>
      %select_n3A_706 = arith.select %lt3A_702, %add3A_705, %broadcast_in_dim3A_699 : vector<16xi1>, vector<16xi32>
      %broadcast_in_dim3A_707 = vector.shape_cast %select_n3A_706 : vector<16xi32> to vector<16x1xi32>
      %gather3A_708 = vector.shape_cast %broadcast_in_dim3A_707 : vector<16x1xi32> to vector<16xi32>
      %gather3A_709 = tpu.dynamic_gather %get3A_163[%gather3A_708] in [0] : vector<16xf32>, vector<16xi32> -> vector<16xf32>
      %lt3A_710 = arith.constant 0 : i32
      %lt3A_711 = vector.broadcast %lt3A_710 : i32 to vector<16xi32>
      %lt3A_712 = arith.cmpi slt, %broadcast_in_dim3A_699, %lt3A_711 : vector<16xi32>
      %add3A_713 = arith.constant 16 : i32
      %add3A_714 = vector.broadcast %add3A_713 : i32 to vector<16xi32>
      %add3A_715 = arith.addi %broadcast_in_dim3A_699, %add3A_714 : vector<16xi32>
      %select_n3A_716 = arith.select %lt3A_712, %add3A_715, %broadcast_in_dim3A_699 : vector<16xi1>, vector<16xi32>
      %broadcast_in_dim3A_717 = vector.shape_cast %select_n3A_716 : vector<16xi32> to vector<16x1xi32>
      %gather3A_718 = vector.shape_cast %broadcast_in_dim3A_717 : vector<16x1xi32> to vector<16xi32>
      %gather3A_719 = tpu.dynamic_gather %get3A_171[%gather3A_718] in [0] : vector<16xf32>, vector<16xi32> -> vector<16xf32>
      %gather3A_720 = tpu.vector_load_idx %arg11[%add3A_187, %broadcast_in_dim3A_697] : memref<512x64xf32, #tpu.memory_space<vmem>>[vector<16xi32>, vector<16xi32>], vector<16xf32>,
      %gather3A_721 = tpu.vector_load_idx %arg12[%add3A_187, %broadcast_in_dim3A_697] : memref<512x64xf32, #tpu.memory_space<vmem>>[vector<16xi32>, vector<16xi32>], vector<16xf32>,
      %mul3A_722 = arith.mulf %gather3A_720, %gather3A_709 : vector<16xf32>
      %add3A_723 = arith.addf %add3A_695, %mul3A_722 : vector<16xf32>
      %mul3A_724 = arith.mulf %gather3A_721, %gather3A_719 : vector<16xf32>
      %add3A_725 = arith.addf %add3A_723, %mul3A_724 : vector<16xf32>
      %broadcast_in_dim3A_726 = arith.constant 18 : i32
      %broadcast_in_dim3A_727 = vector.broadcast %broadcast_in_dim3A_726 : i32 to vector<16xi32>
      %broadcast_in_dim3A_728 = arith.constant 2 : i32
      %broadcast_in_dim3A_729 = vector.broadcast %broadcast_in_dim3A_728 : i32 to vector<16xi32>
      %lt3A_730 = arith.constant 0 : i32
      %lt3A_731 = vector.broadcast %lt3A_730 : i32 to vector<16xi32>
      %lt3A_732 = arith.cmpi slt, %broadcast_in_dim3A_729, %lt3A_731 : vector<16xi32>
      %add3A_733 = arith.constant 16 : i32
      %add3A_734 = vector.broadcast %add3A_733 : i32 to vector<16xi32>
      %add3A_735 = arith.addi %broadcast_in_dim3A_729, %add3A_734 : vector<16xi32>
      %select_n3A_736 = arith.select %lt3A_732, %add3A_735, %broadcast_in_dim3A_729 : vector<16xi1>, vector<16xi32>
      %broadcast_in_dim3A_737 = vector.shape_cast %select_n3A_736 : vector<16xi32> to vector<16x1xi32>
      %gather3A_738 = vector.shape_cast %broadcast_in_dim3A_737 : vector<16x1xi32> to vector<16xi32>
      %gather3A_739 = tpu.dynamic_gather %get3A_163[%gather3A_738] in [0] : vector<16xf32>, vector<16xi32> -> vector<16xf32>
      %lt3A_740 = arith.constant 0 : i32
      %lt3A_741 = vector.broadcast %lt3A_740 : i32 to vector<16xi32>
      %lt3A_742 = arith.cmpi slt, %broadcast_in_dim3A_729, %lt3A_741 : vector<16xi32>
      %add3A_743 = arith.constant 16 : i32
      %add3A_744 = vector.broadcast %add3A_743 : i32 to vector<16xi32>
      %add3A_745 = arith.addi %broadcast_in_dim3A_729, %add3A_744 : vector<16xi32>
      %select_n3A_746 = arith.select %lt3A_742, %add3A_745, %broadcast_in_dim3A_729 : vector<16xi1>, vector<16xi32>
      %broadcast_in_dim3A_747 = vector.shape_cast %select_n3A_746 : vector<16xi32> to vector<16x1xi32>
      %gather3A_748 = vector.shape_cast %broadcast_in_dim3A_747 : vector<16x1xi32> to vector<16xi32>
      %gather3A_749 = tpu.dynamic_gather %get3A_171[%gather3A_748] in [0] : vector<16xf32>, vector<16xi32> -> vector<16xf32>
      %gather3A_750 = tpu.vector_load_idx %arg11[%add3A_187, %broadcast_in_dim3A_727] : memref<512x64xf32, #tpu.memory_space<vmem>>[vector<16xi32>, vector<16xi32>], vector<16xf32>,
      %gather3A_751 = tpu.vector_load_idx %arg12[%add3A_187, %broadcast_in_dim3A_727] : memref<512x64xf32, #tpu.memory_space<vmem>>[vector<16xi32>, vector<16xi32>], vector<16xf32>,
      %mul3A_752 = arith.mulf %gather3A_750, %gather3A_739 : vector<16xf32>
      %add3A_753 = arith.addf %add3A_725, %mul3A_752 : vector<16xf32>
      %mul3A_754 = arith.mulf %gather3A_751, %gather3A_749 : vector<16xf32>
      %add3A_755 = arith.addf %add3A_753, %mul3A_754 : vector<16xf32>
      %broadcast_in_dim3A_756 = arith.constant 19 : i32
      %broadcast_in_dim3A_757 = vector.broadcast %broadcast_in_dim3A_756 : i32 to vector<16xi32>
      %broadcast_in_dim3A_758 = arith.constant 3 : i32
      %broadcast_in_dim3A_759 = vector.broadcast %broadcast_in_dim3A_758 : i32 to vector<16xi32>
      %lt3A_760 = arith.constant 0 : i32
      %lt3A_761 = vector.broadcast %lt3A_760 : i32 to vector<16xi32>
      %lt3A_762 = arith.cmpi slt, %broadcast_in_dim3A_759, %lt3A_761 : vector<16xi32>
      %add3A_763 = arith.constant 16 : i32
      %add3A_764 = vector.broadcast %add3A_763 : i32 to vector<16xi32>
      %add3A_765 = arith.addi %broadcast_in_dim3A_759, %add3A_764 : vector<16xi32>
      %select_n3A_766 = arith.select %lt3A_762, %add3A_765, %broadcast_in_dim3A_759 : vector<16xi1>, vector<16xi32>
      %broadcast_in_dim3A_767 = vector.shape_cast %select_n3A_766 : vector<16xi32> to vector<16x1xi32>
      %gather3A_768 = vector.shape_cast %broadcast_in_dim3A_767 : vector<16x1xi32> to vector<16xi32>
      %gather3A_769 = tpu.dynamic_gather %get3A_163[%gather3A_768] in [0] : vector<16xf32>, vector<16xi32> -> vector<16xf32>
      %lt3A_770 = arith.constant 0 : i32
      %lt3A_771 = vector.broadcast %lt3A_770 : i32 to vector<16xi32>
      %lt3A_772 = arith.cmpi slt, %broadcast_in_dim3A_759, %lt3A_771 : vector<16xi32>
      %add3A_773 = arith.constant 16 : i32
      %add3A_774 = vector.broadcast %add3A_773 : i32 to vector<16xi32>
      %add3A_775 = arith.addi %broadcast_in_dim3A_759, %add3A_774 : vector<16xi32>
      %select_n3A_776 = arith.select %lt3A_772, %add3A_775, %broadcast_in_dim3A_759 : vector<16xi1>, vector<16xi32>
      %broadcast_in_dim3A_777 = vector.shape_cast %select_n3A_776 : vector<16xi32> to vector<16x1xi32>
      %gather3A_778 = vector.shape_cast %broadcast_in_dim3A_777 : vector<16x1xi32> to vector<16xi32>
      %gather3A_779 = tpu.dynamic_gather %get3A_171[%gather3A_778] in [0] : vector<16xf32>, vector<16xi32> -> vector<16xf32>
      %gather3A_780 = tpu.vector_load_idx %arg11[%add3A_187, %broadcast_in_dim3A_757] : memref<512x64xf32, #tpu.memory_space<vmem>>[vector<16xi32>, vector<16xi32>], vector<16xf32>,
      %gather3A_781 = tpu.vector_load_idx %arg12[%add3A_187, %broadcast_in_dim3A_757] : memref<512x64xf32, #tpu.memory_space<vmem>>[vector<16xi32>, vector<16xi32>], vector<16xf32>,
      %mul3A_782 = arith.mulf %gather3A_780, %gather3A_769 : vector<16xf32>
      %add3A_783 = arith.addf %add3A_755, %mul3A_782 : vector<16xf32>
      %mul3A_784 = arith.mulf %gather3A_781, %gather3A_779 : vector<16xf32>
      %add3A_785 = arith.addf %add3A_783, %mul3A_784 : vector<16xf32>
      %broadcast_in_dim3A_786 = arith.constant 20 : i32
      %broadcast_in_dim3A_787 = vector.broadcast %broadcast_in_dim3A_786 : i32 to vector<16xi32>
      %broadcast_in_dim3A_788 = arith.constant 4 : i32
      %broadcast_in_dim3A_789 = vector.broadcast %broadcast_in_dim3A_788 : i32 to vector<16xi32>
      %lt3A_790 = arith.constant 0 : i32
      %lt3A_791 = vector.broadcast %lt3A_790 : i32 to vector<16xi32>
      %lt3A_792 = arith.cmpi slt, %broadcast_in_dim3A_789, %lt3A_791 : vector<16xi32>
      %add3A_793 = arith.constant 16 : i32
      %add3A_794 = vector.broadcast %add3A_793 : i32 to vector<16xi32>
      %add3A_795 = arith.addi %broadcast_in_dim3A_789, %add3A_794 : vector<16xi32>
      %select_n3A_796 = arith.select %lt3A_792, %add3A_795, %broadcast_in_dim3A_789 : vector<16xi1>, vector<16xi32>
      %broadcast_in_dim3A_797 = vector.shape_cast %select_n3A_796 : vector<16xi32> to vector<16x1xi32>
      %gather3A_798 = vector.shape_cast %broadcast_in_dim3A_797 : vector<16x1xi32> to vector<16xi32>
      %gather3A_799 = tpu.dynamic_gather %get3A_163[%gather3A_798] in [0] : vector<16xf32>, vector<16xi32> -> vector<16xf32>
      %lt3A_800 = arith.constant 0 : i32
      %lt3A_801 = vector.broadcast %lt3A_800 : i32 to vector<16xi32>
      %lt3A_802 = arith.cmpi slt, %broadcast_in_dim3A_789, %lt3A_801 : vector<16xi32>
      %add3A_803 = arith.constant 16 : i32
      %add3A_804 = vector.broadcast %add3A_803 : i32 to vector<16xi32>
      %add3A_805 = arith.addi %broadcast_in_dim3A_789, %add3A_804 : vector<16xi32>
      %select_n3A_806 = arith.select %lt3A_802, %add3A_805, %broadcast_in_dim3A_789 : vector<16xi1>, vector<16xi32>
      %broadcast_in_dim3A_807 = vector.shape_cast %select_n3A_806 : vector<16xi32> to vector<16x1xi32>
      %gather3A_808 = vector.shape_cast %broadcast_in_dim3A_807 : vector<16x1xi32> to vector<16xi32>
      %gather3A_809 = tpu.dynamic_gather %get3A_171[%gather3A_808] in [0] : vector<16xf32>, vector<16xi32> -> vector<16xf32>
      %gather3A_810 = tpu.vector_load_idx %arg11[%add3A_187, %broadcast_in_dim3A_787] : memref<512x64xf32, #tpu.memory_space<vmem>>[vector<16xi32>, vector<16xi32>], vector<16xf32>,
      %gather3A_811 = tpu.vector_load_idx %arg12[%add3A_187, %broadcast_in_dim3A_787] : memref<512x64xf32, #tpu.memory_space<vmem>>[vector<16xi32>, vector<16xi32>], vector<16xf32>,
      %mul3A_812 = arith.mulf %gather3A_810, %gather3A_799 : vector<16xf32>
      %add3A_813 = arith.addf %add3A_785, %mul3A_812 : vector<16xf32>
      %mul3A_814 = arith.mulf %gather3A_811, %gather3A_809 : vector<16xf32>
      %add3A_815 = arith.addf %add3A_813, %mul3A_814 : vector<16xf32>
      %broadcast_in_dim3A_816 = arith.constant 21 : i32
      %broadcast_in_dim3A_817 = vector.broadcast %broadcast_in_dim3A_816 : i32 to vector<16xi32>
      %broadcast_in_dim3A_818 = arith.constant 5 : i32
      %broadcast_in_dim3A_819 = vector.broadcast %broadcast_in_dim3A_818 : i32 to vector<16xi32>
      %lt3A_820 = arith.constant 0 : i32
      %lt3A_821 = vector.broadcast %lt3A_820 : i32 to vector<16xi32>
      %lt3A_822 = arith.cmpi slt, %broadcast_in_dim3A_819, %lt3A_821 : vector<16xi32>
      %add3A_823 = arith.constant 16 : i32
      %add3A_824 = vector.broadcast %add3A_823 : i32 to vector<16xi32>
      %add3A_825 = arith.addi %broadcast_in_dim3A_819, %add3A_824 : vector<16xi32>
      %select_n3A_826 = arith.select %lt3A_822, %add3A_825, %broadcast_in_dim3A_819 : vector<16xi1>, vector<16xi32>
      %broadcast_in_dim3A_827 = vector.shape_cast %select_n3A_826 : vector<16xi32> to vector<16x1xi32>
      %gather3A_828 = vector.shape_cast %broadcast_in_dim3A_827 : vector<16x1xi32> to vector<16xi32>
      %gather3A_829 = tpu.dynamic_gather %get3A_163[%gather3A_828] in [0] : vector<16xf32>, vector<16xi32> -> vector<16xf32>
      %lt3A_830 = arith.constant 0 : i32
      %lt3A_831 = vector.broadcast %lt3A_830 : i32 to vector<16xi32>
      %lt3A_832 = arith.cmpi slt, %broadcast_in_dim3A_819, %lt3A_831 : vector<16xi32>
      %add3A_833 = arith.constant 16 : i32
      %add3A_834 = vector.broadcast %add3A_833 : i32 to vector<16xi32>
      %add3A_835 = arith.addi %broadcast_in_dim3A_819, %add3A_834 : vector<16xi32>
      %select_n3A_836 = arith.select %lt3A_832, %add3A_835, %broadcast_in_dim3A_819 : vector<16xi1>, vector<16xi32>
      %broadcast_in_dim3A_837 = vector.shape_cast %select_n3A_836 : vector<16xi32> to vector<16x1xi32>
      %gather3A_838 = vector.shape_cast %broadcast_in_dim3A_837 : vector<16x1xi32> to vector<16xi32>
      %gather3A_839 = tpu.dynamic_gather %get3A_171[%gather3A_838] in [0] : vector<16xf32>, vector<16xi32> -> vector<16xf32>
      %gather3A_840 = tpu.vector_load_idx %arg11[%add3A_187, %broadcast_in_dim3A_817] : memref<512x64xf32, #tpu.memory_space<vmem>>[vector<16xi32>, vector<16xi32>], vector<16xf32>,
      %gather3A_841 = tpu.vector_load_idx %arg12[%add3A_187, %broadcast_in_dim3A_817] : memref<512x64xf32, #tpu.memory_space<vmem>>[vector<16xi32>, vector<16xi32>], vector<16xf32>,
      %mul3A_842 = arith.mulf %gather3A_840, %gather3A_829 : vector<16xf32>
      %add3A_843 = arith.addf %add3A_815, %mul3A_842 : vector<16xf32>
      %mul3A_844 = arith.mulf %gather3A_841, %gather3A_839 : vector<16xf32>
      %add3A_845 = arith.addf %add3A_843, %mul3A_844 : vector<16xf32>
      %broadcast_in_dim3A_846 = arith.constant 22 : i32
      %broadcast_in_dim3A_847 = vector.broadcast %broadcast_in_dim3A_846 : i32 to vector<16xi32>
      %broadcast_in_dim3A_848 = arith.constant 6 : i32
      %broadcast_in_dim3A_849 = vector.broadcast %broadcast_in_dim3A_848 : i32 to vector<16xi32>
      %lt3A_850 = arith.constant 0 : i32
      %lt3A_851 = vector.broadcast %lt3A_850 : i32 to vector<16xi32>
      %lt3A_852 = arith.cmpi slt, %broadcast_in_dim3A_849, %lt3A_851 : vector<16xi32>
      %add3A_853 = arith.constant 16 : i32
      %add3A_854 = vector.broadcast %add3A_853 : i32 to vector<16xi32>
      %add3A_855 = arith.addi %broadcast_in_dim3A_849, %add3A_854 : vector<16xi32>
      %select_n3A_856 = arith.select %lt3A_852, %add3A_855, %broadcast_in_dim3A_849 : vector<16xi1>, vector<16xi32>
      %broadcast_in_dim3A_857 = vector.shape_cast %select_n3A_856 : vector<16xi32> to vector<16x1xi32>
      %gather3A_858 = vector.shape_cast %broadcast_in_dim3A_857 : vector<16x1xi32> to vector<16xi32>
      %gather3A_859 = tpu.dynamic_gather %get3A_163[%gather3A_858] in [0] : vector<16xf32>, vector<16xi32> -> vector<16xf32>
      %lt3A_860 = arith.constant 0 : i32
      %lt3A_861 = vector.broadcast %lt3A_860 : i32 to vector<16xi32>
      %lt3A_862 = arith.cmpi slt, %broadcast_in_dim3A_849, %lt3A_861 : vector<16xi32>
      %add3A_863 = arith.constant 16 : i32
      %add3A_864 = vector.broadcast %add3A_863 : i32 to vector<16xi32>
      %add3A_865 = arith.addi %broadcast_in_dim3A_849, %add3A_864 : vector<16xi32>
      %select_n3A_866 = arith.select %lt3A_862, %add3A_865, %broadcast_in_dim3A_849 : vector<16xi1>, vector<16xi32>
      %broadcast_in_dim3A_867 = vector.shape_cast %select_n3A_866 : vector<16xi32> to vector<16x1xi32>
      %gather3A_868 = vector.shape_cast %broadcast_in_dim3A_867 : vector<16x1xi32> to vector<16xi32>
      %gather3A_869 = tpu.dynamic_gather %get3A_171[%gather3A_868] in [0] : vector<16xf32>, vector<16xi32> -> vector<16xf32>
      %gather3A_870 = tpu.vector_load_idx %arg11[%add3A_187, %broadcast_in_dim3A_847] : memref<512x64xf32, #tpu.memory_space<vmem>>[vector<16xi32>, vector<16xi32>], vector<16xf32>,
      %gather3A_871 = tpu.vector_load_idx %arg12[%add3A_187, %broadcast_in_dim3A_847] : memref<512x64xf32, #tpu.memory_space<vmem>>[vector<16xi32>, vector<16xi32>], vector<16xf32>,
      %mul3A_872 = arith.mulf %gather3A_870, %gather3A_859 : vector<16xf32>
      %add3A_873 = arith.addf %add3A_845, %mul3A_872 : vector<16xf32>
      %mul3A_874 = arith.mulf %gather3A_871, %gather3A_869 : vector<16xf32>
      %add3A_875 = arith.addf %add3A_873, %mul3A_874 : vector<16xf32>
      %broadcast_in_dim3A_876 = arith.constant 23 : i32
      %broadcast_in_dim3A_877 = vector.broadcast %broadcast_in_dim3A_876 : i32 to vector<16xi32>
      %broadcast_in_dim3A_878 = arith.constant 7 : i32
      %broadcast_in_dim3A_879 = vector.broadcast %broadcast_in_dim3A_878 : i32 to vector<16xi32>
      %lt3A_880 = arith.constant 0 : i32
      %lt3A_881 = vector.broadcast %lt3A_880 : i32 to vector<16xi32>
      %lt3A_882 = arith.cmpi slt, %broadcast_in_dim3A_879, %lt3A_881 : vector<16xi32>
      %add3A_883 = arith.constant 16 : i32
      %add3A_884 = vector.broadcast %add3A_883 : i32 to vector<16xi32>
      %add3A_885 = arith.addi %broadcast_in_dim3A_879, %add3A_884 : vector<16xi32>
      %select_n3A_886 = arith.select %lt3A_882, %add3A_885, %broadcast_in_dim3A_879 : vector<16xi1>, vector<16xi32>
      %broadcast_in_dim3A_887 = vector.shape_cast %select_n3A_886 : vector<16xi32> to vector<16x1xi32>
      %gather3A_888 = vector.shape_cast %broadcast_in_dim3A_887 : vector<16x1xi32> to vector<16xi32>
      %gather3A_889 = tpu.dynamic_gather %get3A_163[%gather3A_888] in [0] : vector<16xf32>, vector<16xi32> -> vector<16xf32>
      %lt3A_890 = arith.constant 0 : i32
      %lt3A_891 = vector.broadcast %lt3A_890 : i32 to vector<16xi32>
      %lt3A_892 = arith.cmpi slt, %broadcast_in_dim3A_879, %lt3A_891 : vector<16xi32>
      %add3A_893 = arith.constant 16 : i32
      %add3A_894 = vector.broadcast %add3A_893 : i32 to vector<16xi32>
      %add3A_895 = arith.addi %broadcast_in_dim3A_879, %add3A_894 : vector<16xi32>
      %select_n3A_896 = arith.select %lt3A_892, %add3A_895, %broadcast_in_dim3A_879 : vector<16xi1>, vector<16xi32>
      %broadcast_in_dim3A_897 = vector.shape_cast %select_n3A_896 : vector<16xi32> to vector<16x1xi32>
      %gather3A_898 = vector.shape_cast %broadcast_in_dim3A_897 : vector<16x1xi32> to vector<16xi32>
      %gather3A_899 = tpu.dynamic_gather %get3A_171[%gather3A_898] in [0] : vector<16xf32>, vector<16xi32> -> vector<16xf32>
      %gather3A_900 = tpu.vector_load_idx %arg11[%add3A_187, %broadcast_in_dim3A_877] : memref<512x64xf32, #tpu.memory_space<vmem>>[vector<16xi32>, vector<16xi32>], vector<16xf32>,
      %gather3A_901 = tpu.vector_load_idx %arg12[%add3A_187, %broadcast_in_dim3A_877] : memref<512x64xf32, #tpu.memory_space<vmem>>[vector<16xi32>, vector<16xi32>], vector<16xf32>,
      %mul3A_902 = arith.mulf %gather3A_900, %gather3A_889 : vector<16xf32>
      %add3A_903 = arith.addf %add3A_875, %mul3A_902 : vector<16xf32>
      %mul3A_904 = arith.mulf %gather3A_901, %gather3A_899 : vector<16xf32>
      %add3A_905 = arith.addf %add3A_903, %mul3A_904 : vector<16xf32>
      %broadcast_in_dim3A_906 = arith.constant 24 : i32
      %broadcast_in_dim3A_907 = vector.broadcast %broadcast_in_dim3A_906 : i32 to vector<16xi32>
      %broadcast_in_dim3A_908 = arith.constant 8 : i32
      %broadcast_in_dim3A_909 = vector.broadcast %broadcast_in_dim3A_908 : i32 to vector<16xi32>
      %lt3A_910 = arith.constant 0 : i32
      %lt3A_911 = vector.broadcast %lt3A_910 : i32 to vector<16xi32>
      %lt3A_912 = arith.cmpi slt, %broadcast_in_dim3A_909, %lt3A_911 : vector<16xi32>
      %add3A_913 = arith.constant 16 : i32
      %add3A_914 = vector.broadcast %add3A_913 : i32 to vector<16xi32>
      %add3A_915 = arith.addi %broadcast_in_dim3A_909, %add3A_914 : vector<16xi32>
      %select_n3A_916 = arith.select %lt3A_912, %add3A_915, %broadcast_in_dim3A_909 : vector<16xi1>, vector<16xi32>
      %broadcast_in_dim3A_917 = vector.shape_cast %select_n3A_916 : vector<16xi32> to vector<16x1xi32>
      %gather3A_918 = vector.shape_cast %broadcast_in_dim3A_917 : vector<16x1xi32> to vector<16xi32>
      %gather3A_919 = tpu.dynamic_gather %get3A_163[%gather3A_918] in [0] : vector<16xf32>, vector<16xi32> -> vector<16xf32>
      %lt3A_920 = arith.constant 0 : i32
      %lt3A_921 = vector.broadcast %lt3A_920 : i32 to vector<16xi32>
      %lt3A_922 = arith.cmpi slt, %broadcast_in_dim3A_909, %lt3A_921 : vector<16xi32>
      %add3A_923 = arith.constant 16 : i32
      %add3A_924 = vector.broadcast %add3A_923 : i32 to vector<16xi32>
      %add3A_925 = arith.addi %broadcast_in_dim3A_909, %add3A_924 : vector<16xi32>
      %select_n3A_926 = arith.select %lt3A_922, %add3A_925, %broadcast_in_dim3A_909 : vector<16xi1>, vector<16xi32>
      %broadcast_in_dim3A_927 = vector.shape_cast %select_n3A_926 : vector<16xi32> to vector<16x1xi32>
      %gather3A_928 = vector.shape_cast %broadcast_in_dim3A_927 : vector<16x1xi32> to vector<16xi32>
      %gather3A_929 = tpu.dynamic_gather %get3A_171[%gather3A_928] in [0] : vector<16xf32>, vector<16xi32> -> vector<16xf32>
      %gather3A_930 = tpu.vector_load_idx %arg11[%add3A_187, %broadcast_in_dim3A_907] : memref<512x64xf32, #tpu.memory_space<vmem>>[vector<16xi32>, vector<16xi32>], vector<16xf32>,
      %gather3A_931 = tpu.vector_load_idx %arg12[%add3A_187, %broadcast_in_dim3A_907] : memref<512x64xf32, #tpu.memory_space<vmem>>[vector<16xi32>, vector<16xi32>], vector<16xf32>,
      %mul3A_932 = arith.mulf %gather3A_930, %gather3A_919 : vector<16xf32>
      %add3A_933 = arith.addf %add3A_905, %mul3A_932 : vector<16xf32>
      %mul3A_934 = arith.mulf %gather3A_931, %gather3A_929 : vector<16xf32>
      %add3A_935 = arith.addf %add3A_933, %mul3A_934 : vector<16xf32>
      %broadcast_in_dim3A_936 = arith.constant 25 : i32
      %broadcast_in_dim3A_937 = vector.broadcast %broadcast_in_dim3A_936 : i32 to vector<16xi32>
      %broadcast_in_dim3A_938 = arith.constant 9 : i32
      %broadcast_in_dim3A_939 = vector.broadcast %broadcast_in_dim3A_938 : i32 to vector<16xi32>
      %lt3A_940 = arith.constant 0 : i32
      %lt3A_941 = vector.broadcast %lt3A_940 : i32 to vector<16xi32>
      %lt3A_942 = arith.cmpi slt, %broadcast_in_dim3A_939, %lt3A_941 : vector<16xi32>
      %add3A_943 = arith.constant 16 : i32
      %add3A_944 = vector.broadcast %add3A_943 : i32 to vector<16xi32>
      %add3A_945 = arith.addi %broadcast_in_dim3A_939, %add3A_944 : vector<16xi32>
      %select_n3A_946 = arith.select %lt3A_942, %add3A_945, %broadcast_in_dim3A_939 : vector<16xi1>, vector<16xi32>
      %broadcast_in_dim3A_947 = vector.shape_cast %select_n3A_946 : vector<16xi32> to vector<16x1xi32>
      %gather3A_948 = vector.shape_cast %broadcast_in_dim3A_947 : vector<16x1xi32> to vector<16xi32>
      %gather3A_949 = tpu.dynamic_gather %get3A_163[%gather3A_948] in [0] : vector<16xf32>, vector<16xi32> -> vector<16xf32>
      %lt3A_950 = arith.constant 0 : i32
      %lt3A_951 = vector.broadcast %lt3A_950 : i32 to vector<16xi32>
      %lt3A_952 = arith.cmpi slt, %broadcast_in_dim3A_939, %lt3A_951 : vector<16xi32>
      %add3A_953 = arith.constant 16 : i32
      %add3A_954 = vector.broadcast %add3A_953 : i32 to vector<16xi32>
      %add3A_955 = arith.addi %broadcast_in_dim3A_939, %add3A_954 : vector<16xi32>
      %select_n3A_956 = arith.select %lt3A_952, %add3A_955, %broadcast_in_dim3A_939 : vector<16xi1>, vector<16xi32>
      %broadcast_in_dim3A_957 = vector.shape_cast %select_n3A_956 : vector<16xi32> to vector<16x1xi32>
      %gather3A_958 = vector.shape_cast %broadcast_in_dim3A_957 : vector<16x1xi32> to vector<16xi32>
      %gather3A_959 = tpu.dynamic_gather %get3A_171[%gather3A_958] in [0] : vector<16xf32>, vector<16xi32> -> vector<16xf32>
      %gather3A_960 = tpu.vector_load_idx %arg11[%add3A_187, %broadcast_in_dim3A_937] : memref<512x64xf32, #tpu.memory_space<vmem>>[vector<16xi32>, vector<16xi32>], vector<16xf32>,
      %gather3A_961 = tpu.vector_load_idx %arg12[%add3A_187, %broadcast_in_dim3A_937] : memref<512x64xf32, #tpu.memory_space<vmem>>[vector<16xi32>, vector<16xi32>], vector<16xf32>,
      %mul3A_962 = arith.mulf %gather3A_960, %gather3A_949 : vector<16xf32>
      %add3A_963 = arith.addf %add3A_935, %mul3A_962 : vector<16xf32>
      %mul3A_964 = arith.mulf %gather3A_961, %gather3A_959 : vector<16xf32>
      %add3A_965 = arith.addf %add3A_963, %mul3A_964 : vector<16xf32>
      %broadcast_in_dim3A_966 = arith.constant 26 : i32
      %broadcast_in_dim3A_967 = vector.broadcast %broadcast_in_dim3A_966 : i32 to vector<16xi32>
      %broadcast_in_dim3A_968 = arith.constant 10 : i32
      %broadcast_in_dim3A_969 = vector.broadcast %broadcast_in_dim3A_968 : i32 to vector<16xi32>
      %lt3A_970 = arith.constant 0 : i32
      %lt3A_971 = vector.broadcast %lt3A_970 : i32 to vector<16xi32>
      %lt3A_972 = arith.cmpi slt, %broadcast_in_dim3A_969, %lt3A_971 : vector<16xi32>
      %add3A_973 = arith.constant 16 : i32
      %add3A_974 = vector.broadcast %add3A_973 : i32 to vector<16xi32>
      %add3A_975 = arith.addi %broadcast_in_dim3A_969, %add3A_974 : vector<16xi32>
      %select_n3A_976 = arith.select %lt3A_972, %add3A_975, %broadcast_in_dim3A_969 : vector<16xi1>, vector<16xi32>
      %broadcast_in_dim3A_977 = vector.shape_cast %select_n3A_976 : vector<16xi32> to vector<16x1xi32>
      %gather3A_978 = vector.shape_cast %broadcast_in_dim3A_977 : vector<16x1xi32> to vector<16xi32>
      %gather3A_979 = tpu.dynamic_gather %get3A_163[%gather3A_978] in [0] : vector<16xf32>, vector<16xi32> -> vector<16xf32>
      %lt3A_980 = arith.constant 0 : i32
      %lt3A_981 = vector.broadcast %lt3A_980 : i32 to vector<16xi32>
      %lt3A_982 = arith.cmpi slt, %broadcast_in_dim3A_969, %lt3A_981 : vector<16xi32>
      %add3A_983 = arith.constant 16 : i32
      %add3A_984 = vector.broadcast %add3A_983 : i32 to vector<16xi32>
      %add3A_985 = arith.addi %broadcast_in_dim3A_969, %add3A_984 : vector<16xi32>
      %select_n3A_986 = arith.select %lt3A_982, %add3A_985, %broadcast_in_dim3A_969 : vector<16xi1>, vector<16xi32>
      %broadcast_in_dim3A_987 = vector.shape_cast %select_n3A_986 : vector<16xi32> to vector<16x1xi32>
      %gather3A_988 = vector.shape_cast %broadcast_in_dim3A_987 : vector<16x1xi32> to vector<16xi32>
      %gather3A_989 = tpu.dynamic_gather %get3A_171[%gather3A_988] in [0] : vector<16xf32>, vector<16xi32> -> vector<16xf32>
      %gather3A_990 = tpu.vector_load_idx %arg11[%add3A_187, %broadcast_in_dim3A_967] : memref<512x64xf32, #tpu.memory_space<vmem>>[vector<16xi32>, vector<16xi32>], vector<16xf32>,
      %gather3A_991 = tpu.vector_load_idx %arg12[%add3A_187, %broadcast_in_dim3A_967] : memref<512x64xf32, #tpu.memory_space<vmem>>[vector<16xi32>, vector<16xi32>], vector<16xf32>,
      %mul3A_992 = arith.mulf %gather3A_990, %gather3A_979 : vector<16xf32>
      %add3A_993 = arith.addf %add3A_965, %mul3A_992 : vector<16xf32>
      %mul3A_994 = arith.mulf %gather3A_991, %gather3A_989 : vector<16xf32>
      %add3A_995 = arith.addf %add3A_993, %mul3A_994 : vector<16xf32>
      %broadcast_in_dim3A_996 = arith.constant 27 : i32
      %broadcast_in_dim3A_997 = vector.broadcast %broadcast_in_dim3A_996 : i32 to vector<16xi32>
      %broadcast_in_dim3A_998 = arith.constant 11 : i32
      %broadcast_in_dim3A_999 = vector.broadcast %broadcast_in_dim3A_998 : i32 to vector<16xi32>
      %lt3A_1000 = arith.constant 0 : i32
      %lt3A_1001 = vector.broadcast %lt3A_1000 : i32 to vector<16xi32>
      %lt3A_1002 = arith.cmpi slt, %broadcast_in_dim3A_999, %lt3A_1001 : vector<16xi32>
      %add3A_1003 = arith.constant 16 : i32
      %add3A_1004 = vector.broadcast %add3A_1003 : i32 to vector<16xi32>
      %add3A_1005 = arith.addi %broadcast_in_dim3A_999, %add3A_1004 : vector<16xi32>
      %select_n3A_1006 = arith.select %lt3A_1002, %add3A_1005, %broadcast_in_dim3A_999 : vector<16xi1>, vector<16xi32>
      %broadcast_in_dim3A_1007 = vector.shape_cast %select_n3A_1006 : vector<16xi32> to vector<16x1xi32>
      %gather3A_1008 = vector.shape_cast %broadcast_in_dim3A_1007 : vector<16x1xi32> to vector<16xi32>
      %gather3A_1009 = tpu.dynamic_gather %get3A_163[%gather3A_1008] in [0] : vector<16xf32>, vector<16xi32> -> vector<16xf32>
      %lt3A_1010 = arith.constant 0 : i32
      %lt3A_1011 = vector.broadcast %lt3A_1010 : i32 to vector<16xi32>
      %lt3A_1012 = arith.cmpi slt, %broadcast_in_dim3A_999, %lt3A_1011 : vector<16xi32>
      %add3A_1013 = arith.constant 16 : i32
      %add3A_1014 = vector.broadcast %add3A_1013 : i32 to vector<16xi32>
      %add3A_1015 = arith.addi %broadcast_in_dim3A_999, %add3A_1014 : vector<16xi32>
      %select_n3A_1016 = arith.select %lt3A_1012, %add3A_1015, %broadcast_in_dim3A_999 : vector<16xi1>, vector<16xi32>
      %broadcast_in_dim3A_1017 = vector.shape_cast %select_n3A_1016 : vector<16xi32> to vector<16x1xi32>
      %gather3A_1018 = vector.shape_cast %broadcast_in_dim3A_1017 : vector<16x1xi32> to vector<16xi32>
      %gather3A_1019 = tpu.dynamic_gather %get3A_171[%gather3A_1018] in [0] : vector<16xf32>, vector<16xi32> -> vector<16xf32>
      %gather3A_1020 = tpu.vector_load_idx %arg11[%add3A_187, %broadcast_in_dim3A_997] : memref<512x64xf32, #tpu.memory_space<vmem>>[vector<16xi32>, vector<16xi32>], vector<16xf32>,
      %gather3A_1021 = tpu.vector_load_idx %arg12[%add3A_187, %broadcast_in_dim3A_997] : memref<512x64xf32, #tpu.memory_space<vmem>>[vector<16xi32>, vector<16xi32>], vector<16xf32>,
      %mul3A_1022 = arith.mulf %gather3A_1020, %gather3A_1009 : vector<16xf32>
      %add3A_1023 = arith.addf %add3A_995, %mul3A_1022 : vector<16xf32>
      %mul3A_1024 = arith.mulf %gather3A_1021, %gather3A_1019 : vector<16xf32>
      %add3A_1025 = arith.addf %add3A_1023, %mul3A_1024 : vector<16xf32>
      %broadcast_in_dim3A_1026 = arith.constant 28 : i32
      %broadcast_in_dim3A_1027 = vector.broadcast %broadcast_in_dim3A_1026 : i32 to vector<16xi32>
      %broadcast_in_dim3A_1028 = arith.constant 12 : i32
      %broadcast_in_dim3A_1029 = vector.broadcast %broadcast_in_dim3A_1028 : i32 to vector<16xi32>
      %lt3A_1030 = arith.constant 0 : i32
      %lt3A_1031 = vector.broadcast %lt3A_1030 : i32 to vector<16xi32>
      %lt3A_1032 = arith.cmpi slt, %broadcast_in_dim3A_1029, %lt3A_1031 : vector<16xi32>
      %add3A_1033 = arith.constant 16 : i32
      %add3A_1034 = vector.broadcast %add3A_1033 : i32 to vector<16xi32>
      %add3A_1035 = arith.addi %broadcast_in_dim3A_1029, %add3A_1034 : vector<16xi32>
      %select_n3A_1036 = arith.select %lt3A_1032, %add3A_1035, %broadcast_in_dim3A_1029 : vector<16xi1>, vector<16xi32>
      %broadcast_in_dim3A_1037 = vector.shape_cast %select_n3A_1036 : vector<16xi32> to vector<16x1xi32>
      %gather3A_1038 = vector.shape_cast %broadcast_in_dim3A_1037 : vector<16x1xi32> to vector<16xi32>
      %gather3A_1039 = tpu.dynamic_gather %get3A_163[%gather3A_1038] in [0] : vector<16xf32>, vector<16xi32> -> vector<16xf32>
      %lt3A_1040 = arith.constant 0 : i32
      %lt3A_1041 = vector.broadcast %lt3A_1040 : i32 to vector<16xi32>
      %lt3A_1042 = arith.cmpi slt, %broadcast_in_dim3A_1029, %lt3A_1041 : vector<16xi32>
      %add3A_1043 = arith.constant 16 : i32
      %add3A_1044 = vector.broadcast %add3A_1043 : i32 to vector<16xi32>
      %add3A_1045 = arith.addi %broadcast_in_dim3A_1029, %add3A_1044 : vector<16xi32>
      %select_n3A_1046 = arith.select %lt3A_1042, %add3A_1045, %broadcast_in_dim3A_1029 : vector<16xi1>, vector<16xi32>
      %broadcast_in_dim3A_1047 = vector.shape_cast %select_n3A_1046 : vector<16xi32> to vector<16x1xi32>
      %gather3A_1048 = vector.shape_cast %broadcast_in_dim3A_1047 : vector<16x1xi32> to vector<16xi32>
      %gather3A_1049 = tpu.dynamic_gather %get3A_171[%gather3A_1048] in [0] : vector<16xf32>, vector<16xi32> -> vector<16xf32>
      %gather3A_1050 = tpu.vector_load_idx %arg11[%add3A_187, %broadcast_in_dim3A_1027] : memref<512x64xf32, #tpu.memory_space<vmem>>[vector<16xi32>, vector<16xi32>], vector<16xf32>,
      %gather3A_1051 = tpu.vector_load_idx %arg12[%add3A_187, %broadcast_in_dim3A_1027] : memref<512x64xf32, #tpu.memory_space<vmem>>[vector<16xi32>, vector<16xi32>], vector<16xf32>,
      %mul3A_1052 = arith.mulf %gather3A_1050, %gather3A_1039 : vector<16xf32>
      %add3A_1053 = arith.addf %add3A_1025, %mul3A_1052 : vector<16xf32>
      %mul3A_1054 = arith.mulf %gather3A_1051, %gather3A_1049 : vector<16xf32>
      %add3A_1055 = arith.addf %add3A_1053, %mul3A_1054 : vector<16xf32>
      %broadcast_in_dim3A_1056 = arith.constant 29 : i32
      %broadcast_in_dim3A_1057 = vector.broadcast %broadcast_in_dim3A_1056 : i32 to vector<16xi32>
      %broadcast_in_dim3A_1058 = arith.constant 13 : i32
      %broadcast_in_dim3A_1059 = vector.broadcast %broadcast_in_dim3A_1058 : i32 to vector<16xi32>
      %lt3A_1060 = arith.constant 0 : i32
      %lt3A_1061 = vector.broadcast %lt3A_1060 : i32 to vector<16xi32>
      %lt3A_1062 = arith.cmpi slt, %broadcast_in_dim3A_1059, %lt3A_1061 : vector<16xi32>
      %add3A_1063 = arith.constant 16 : i32
      %add3A_1064 = vector.broadcast %add3A_1063 : i32 to vector<16xi32>
      %add3A_1065 = arith.addi %broadcast_in_dim3A_1059, %add3A_1064 : vector<16xi32>
      %select_n3A_1066 = arith.select %lt3A_1062, %add3A_1065, %broadcast_in_dim3A_1059 : vector<16xi1>, vector<16xi32>
      %broadcast_in_dim3A_1067 = vector.shape_cast %select_n3A_1066 : vector<16xi32> to vector<16x1xi32>
      %gather3A_1068 = vector.shape_cast %broadcast_in_dim3A_1067 : vector<16x1xi32> to vector<16xi32>
      %gather3A_1069 = tpu.dynamic_gather %get3A_163[%gather3A_1068] in [0] : vector<16xf32>, vector<16xi32> -> vector<16xf32>
      %lt3A_1070 = arith.constant 0 : i32
      %lt3A_1071 = vector.broadcast %lt3A_1070 : i32 to vector<16xi32>
      %lt3A_1072 = arith.cmpi slt, %broadcast_in_dim3A_1059, %lt3A_1071 : vector<16xi32>
      %add3A_1073 = arith.constant 16 : i32
      %add3A_1074 = vector.broadcast %add3A_1073 : i32 to vector<16xi32>
      %add3A_1075 = arith.addi %broadcast_in_dim3A_1059, %add3A_1074 : vector<16xi32>
      %select_n3A_1076 = arith.select %lt3A_1072, %add3A_1075, %broadcast_in_dim3A_1059 : vector<16xi1>, vector<16xi32>
      %broadcast_in_dim3A_1077 = vector.shape_cast %select_n3A_1076 : vector<16xi32> to vector<16x1xi32>
      %gather3A_1078 = vector.shape_cast %broadcast_in_dim3A_1077 : vector<16x1xi32> to vector<16xi32>
      %gather3A_1079 = tpu.dynamic_gather %get3A_171[%gather3A_1078] in [0] : vector<16xf32>, vector<16xi32> -> vector<16xf32>
      %gather3A_1080 = tpu.vector_load_idx %arg11[%add3A_187, %broadcast_in_dim3A_1057] : memref<512x64xf32, #tpu.memory_space<vmem>>[vector<16xi32>, vector<16xi32>], vector<16xf32>,
      %gather3A_1081 = tpu.vector_load_idx %arg12[%add3A_187, %broadcast_in_dim3A_1057] : memref<512x64xf32, #tpu.memory_space<vmem>>[vector<16xi32>, vector<16xi32>], vector<16xf32>,
      %mul3A_1082 = arith.mulf %gather3A_1080, %gather3A_1069 : vector<16xf32>
      %add3A_1083 = arith.addf %add3A_1055, %mul3A_1082 : vector<16xf32>
      %mul3A_1084 = arith.mulf %gather3A_1081, %gather3A_1079 : vector<16xf32>
      %add3A_1085 = arith.addf %add3A_1083, %mul3A_1084 : vector<16xf32>
      %broadcast_in_dim3A_1086 = arith.constant 30 : i32
      %broadcast_in_dim3A_1087 = vector.broadcast %broadcast_in_dim3A_1086 : i32 to vector<16xi32>
      %broadcast_in_dim3A_1088 = arith.constant 14 : i32
      %broadcast_in_dim3A_1089 = vector.broadcast %broadcast_in_dim3A_1088 : i32 to vector<16xi32>
      %lt3A_1090 = arith.constant 0 : i32
      %lt3A_1091 = vector.broadcast %lt3A_1090 : i32 to vector<16xi32>
      %lt3A_1092 = arith.cmpi slt, %broadcast_in_dim3A_1089, %lt3A_1091 : vector<16xi32>
      %add3A_1093 = arith.constant 16 : i32
      %add3A_1094 = vector.broadcast %add3A_1093 : i32 to vector<16xi32>
      %add3A_1095 = arith.addi %broadcast_in_dim3A_1089, %add3A_1094 : vector<16xi32>
      %select_n3A_1096 = arith.select %lt3A_1092, %add3A_1095, %broadcast_in_dim3A_1089 : vector<16xi1>, vector<16xi32>
      %broadcast_in_dim3A_1097 = vector.shape_cast %select_n3A_1096 : vector<16xi32> to vector<16x1xi32>
      %gather3A_1098 = vector.shape_cast %broadcast_in_dim3A_1097 : vector<16x1xi32> to vector<16xi32>
      %gather3A_1099 = tpu.dynamic_gather %get3A_163[%gather3A_1098] in [0] : vector<16xf32>, vector<16xi32> -> vector<16xf32>
      %lt3A_1100 = arith.constant 0 : i32
      %lt3A_1101 = vector.broadcast %lt3A_1100 : i32 to vector<16xi32>
      %lt3A_1102 = arith.cmpi slt, %broadcast_in_dim3A_1089, %lt3A_1101 : vector<16xi32>
      %add3A_1103 = arith.constant 16 : i32
      %add3A_1104 = vector.broadcast %add3A_1103 : i32 to vector<16xi32>
      %add3A_1105 = arith.addi %broadcast_in_dim3A_1089, %add3A_1104 : vector<16xi32>
      %select_n3A_1106 = arith.select %lt3A_1102, %add3A_1105, %broadcast_in_dim3A_1089 : vector<16xi1>, vector<16xi32>
      %broadcast_in_dim3A_1107 = vector.shape_cast %select_n3A_1106 : vector<16xi32> to vector<16x1xi32>
      %gather3A_1108 = vector.shape_cast %broadcast_in_dim3A_1107 : vector<16x1xi32> to vector<16xi32>
      %gather3A_1109 = tpu.dynamic_gather %get3A_171[%gather3A_1108] in [0] : vector<16xf32>, vector<16xi32> -> vector<16xf32>
      %gather3A_1110 = tpu.vector_load_idx %arg11[%add3A_187, %broadcast_in_dim3A_1087] : memref<512x64xf32, #tpu.memory_space<vmem>>[vector<16xi32>, vector<16xi32>], vector<16xf32>,
      %gather3A_1111 = tpu.vector_load_idx %arg12[%add3A_187, %broadcast_in_dim3A_1087] : memref<512x64xf32, #tpu.memory_space<vmem>>[vector<16xi32>, vector<16xi32>], vector<16xf32>,
      %mul3A_1112 = arith.mulf %gather3A_1110, %gather3A_1099 : vector<16xf32>
      %add3A_1113 = arith.addf %add3A_1085, %mul3A_1112 : vector<16xf32>
      %mul3A_1114 = arith.mulf %gather3A_1111, %gather3A_1109 : vector<16xf32>
      %add3A_1115 = arith.addf %add3A_1113, %mul3A_1114 : vector<16xf32>
      %broadcast_in_dim3A_1116 = arith.constant 31 : i32
      %broadcast_in_dim3A_1117 = vector.broadcast %broadcast_in_dim3A_1116 : i32 to vector<16xi32>
      %broadcast_in_dim3A_1118 = arith.constant 15 : i32
      %broadcast_in_dim3A_1119 = vector.broadcast %broadcast_in_dim3A_1118 : i32 to vector<16xi32>
      %lt3A_1120 = arith.constant 0 : i32
      %lt3A_1121 = vector.broadcast %lt3A_1120 : i32 to vector<16xi32>
      %lt3A_1122 = arith.cmpi slt, %broadcast_in_dim3A_1119, %lt3A_1121 : vector<16xi32>
      %add3A_1123 = arith.constant 16 : i32
      %add3A_1124 = vector.broadcast %add3A_1123 : i32 to vector<16xi32>
      %add3A_1125 = arith.addi %broadcast_in_dim3A_1119, %add3A_1124 : vector<16xi32>
      %select_n3A_1126 = arith.select %lt3A_1122, %add3A_1125, %broadcast_in_dim3A_1119 : vector<16xi1>, vector<16xi32>
      %broadcast_in_dim3A_1127 = vector.shape_cast %select_n3A_1126 : vector<16xi32> to vector<16x1xi32>
      %gather3A_1128 = vector.shape_cast %broadcast_in_dim3A_1127 : vector<16x1xi32> to vector<16xi32>
      %gather3A_1129 = tpu.dynamic_gather %get3A_163[%gather3A_1128] in [0] : vector<16xf32>, vector<16xi32> -> vector<16xf32>
      %lt3A_1130 = arith.constant 0 : i32
      %lt3A_1131 = vector.broadcast %lt3A_1130 : i32 to vector<16xi32>
      %lt3A_1132 = arith.cmpi slt, %broadcast_in_dim3A_1119, %lt3A_1131 : vector<16xi32>
      %add3A_1133 = arith.constant 16 : i32
      %add3A_1134 = vector.broadcast %add3A_1133 : i32 to vector<16xi32>
      %add3A_1135 = arith.addi %broadcast_in_dim3A_1119, %add3A_1134 : vector<16xi32>
      %select_n3A_1136 = arith.select %lt3A_1132, %add3A_1135, %broadcast_in_dim3A_1119 : vector<16xi1>, vector<16xi32>
      %broadcast_in_dim3A_1137 = vector.shape_cast %select_n3A_1136 : vector<16xi32> to vector<16x1xi32>
      %gather3A_1138 = vector.shape_cast %broadcast_in_dim3A_1137 : vector<16x1xi32> to vector<16xi32>
      %gather3A_1139 = tpu.dynamic_gather %get3A_171[%gather3A_1138] in [0] : vector<16xf32>, vector<16xi32> -> vector<16xf32>
      %gather3A_1140 = tpu.vector_load_idx %arg11[%add3A_187, %broadcast_in_dim3A_1117] : memref<512x64xf32, #tpu.memory_space<vmem>>[vector<16xi32>, vector<16xi32>], vector<16xf32>,
      %gather3A_1141 = tpu.vector_load_idx %arg12[%add3A_187, %broadcast_in_dim3A_1117] : memref<512x64xf32, #tpu.memory_space<vmem>>[vector<16xi32>, vector<16xi32>], vector<16xf32>,
      %mul3A_1142 = arith.mulf %gather3A_1140, %gather3A_1129 : vector<16xf32>
      %add3A_1143 = arith.addf %add3A_1115, %mul3A_1142 : vector<16xf32>
      %mul3A_1144 = arith.mulf %gather3A_1141, %gather3A_1139 : vector<16xf32>
      %add3A_1145 = arith.addf %add3A_1143, %mul3A_1144 : vector<16xf32>
      %broadcast_in_dim3A_1146 = arith.constant 32 : i32
      %broadcast_in_dim3A_1147 = vector.broadcast %broadcast_in_dim3A_1146 : i32 to vector<16xi32>
      %broadcast_in_dim3A_1148 = arith.constant 0 : i32
      %broadcast_in_dim3A_1149 = vector.broadcast %broadcast_in_dim3A_1148 : i32 to vector<16xi32>
      %lt3A_1150 = arith.constant 0 : i32
      %lt3A_1151 = vector.broadcast %lt3A_1150 : i32 to vector<16xi32>
      %lt3A_1152 = arith.cmpi slt, %broadcast_in_dim3A_1149, %lt3A_1151 : vector<16xi32>
      %add3A_1153 = arith.constant 16 : i32
      %add3A_1154 = vector.broadcast %add3A_1153 : i32 to vector<16xi32>
      %add3A_1155 = arith.addi %broadcast_in_dim3A_1149, %add3A_1154 : vector<16xi32>
      %select_n3A_1156 = arith.select %lt3A_1152, %add3A_1155, %broadcast_in_dim3A_1149 : vector<16xi1>, vector<16xi32>
      %broadcast_in_dim3A_1157 = vector.shape_cast %select_n3A_1156 : vector<16xi32> to vector<16x1xi32>
      %gather3A_1158 = vector.shape_cast %broadcast_in_dim3A_1157 : vector<16x1xi32> to vector<16xi32>
      %gather3A_1159 = tpu.dynamic_gather %get3A_165[%gather3A_1158] in [0] : vector<16xf32>, vector<16xi32> -> vector<16xf32>
      %lt3A_1160 = arith.constant 0 : i32
      %lt3A_1161 = vector.broadcast %lt3A_1160 : i32 to vector<16xi32>
      %lt3A_1162 = arith.cmpi slt, %broadcast_in_dim3A_1149, %lt3A_1161 : vector<16xi32>
      %add3A_1163 = arith.constant 16 : i32
      %add3A_1164 = vector.broadcast %add3A_1163 : i32 to vector<16xi32>
      %add3A_1165 = arith.addi %broadcast_in_dim3A_1149, %add3A_1164 : vector<16xi32>
      %select_n3A_1166 = arith.select %lt3A_1162, %add3A_1165, %broadcast_in_dim3A_1149 : vector<16xi1>, vector<16xi32>
      %broadcast_in_dim3A_1167 = vector.shape_cast %select_n3A_1166 : vector<16xi32> to vector<16x1xi32>
      %gather3A_1168 = vector.shape_cast %broadcast_in_dim3A_1167 : vector<16x1xi32> to vector<16xi32>
      %gather3A_1169 = tpu.dynamic_gather %get3A_173[%gather3A_1168] in [0] : vector<16xf32>, vector<16xi32> -> vector<16xf32>
      %gather3A_1170 = tpu.vector_load_idx %arg11[%add3A_187, %broadcast_in_dim3A_1147] : memref<512x64xf32, #tpu.memory_space<vmem>>[vector<16xi32>, vector<16xi32>], vector<16xf32>,
      %gather3A_1171 = tpu.vector_load_idx %arg12[%add3A_187, %broadcast_in_dim3A_1147] : memref<512x64xf32, #tpu.memory_space<vmem>>[vector<16xi32>, vector<16xi32>], vector<16xf32>,
      %mul3A_1172 = arith.mulf %gather3A_1170, %gather3A_1159 : vector<16xf32>
      %add3A_1173 = arith.addf %add3A_1145, %mul3A_1172 : vector<16xf32>
      %mul3A_1174 = arith.mulf %gather3A_1171, %gather3A_1169 : vector<16xf32>
      %add3A_1175 = arith.addf %add3A_1173, %mul3A_1174 : vector<16xf32>
      %broadcast_in_dim3A_1176 = arith.constant 33 : i32
      %broadcast_in_dim3A_1177 = vector.broadcast %broadcast_in_dim3A_1176 : i32 to vector<16xi32>
      %broadcast_in_dim3A_1178 = arith.constant 1 : i32
      %broadcast_in_dim3A_1179 = vector.broadcast %broadcast_in_dim3A_1178 : i32 to vector<16xi32>
      %lt3A_1180 = arith.constant 0 : i32
      %lt3A_1181 = vector.broadcast %lt3A_1180 : i32 to vector<16xi32>
      %lt3A_1182 = arith.cmpi slt, %broadcast_in_dim3A_1179, %lt3A_1181 : vector<16xi32>
      %add3A_1183 = arith.constant 16 : i32
      %add3A_1184 = vector.broadcast %add3A_1183 : i32 to vector<16xi32>
      %add3A_1185 = arith.addi %broadcast_in_dim3A_1179, %add3A_1184 : vector<16xi32>
      %select_n3A_1186 = arith.select %lt3A_1182, %add3A_1185, %broadcast_in_dim3A_1179 : vector<16xi1>, vector<16xi32>
      %broadcast_in_dim3A_1187 = vector.shape_cast %select_n3A_1186 : vector<16xi32> to vector<16x1xi32>
      %gather3A_1188 = vector.shape_cast %broadcast_in_dim3A_1187 : vector<16x1xi32> to vector<16xi32>
      %gather3A_1189 = tpu.dynamic_gather %get3A_165[%gather3A_1188] in [0] : vector<16xf32>, vector<16xi32> -> vector<16xf32>
      %lt3A_1190 = arith.constant 0 : i32
      %lt3A_1191 = vector.broadcast %lt3A_1190 : i32 to vector<16xi32>
      %lt3A_1192 = arith.cmpi slt, %broadcast_in_dim3A_1179, %lt3A_1191 : vector<16xi32>
      %add3A_1193 = arith.constant 16 : i32
      %add3A_1194 = vector.broadcast %add3A_1193 : i32 to vector<16xi32>
      %add3A_1195 = arith.addi %broadcast_in_dim3A_1179, %add3A_1194 : vector<16xi32>
      %select_n3A_1196 = arith.select %lt3A_1192, %add3A_1195, %broadcast_in_dim3A_1179 : vector<16xi1>, vector<16xi32>
      %broadcast_in_dim3A_1197 = vector.shape_cast %select_n3A_1196 : vector<16xi32> to vector<16x1xi32>
      %gather3A_1198 = vector.shape_cast %broadcast_in_dim3A_1197 : vector<16x1xi32> to vector<16xi32>
      %gather3A_1199 = tpu.dynamic_gather %get3A_173[%gather3A_1198] in [0] : vector<16xf32>, vector<16xi32> -> vector<16xf32>
      %gather3A_1200 = tpu.vector_load_idx %arg11[%add3A_187, %broadcast_in_dim3A_1177] : memref<512x64xf32, #tpu.memory_space<vmem>>[vector<16xi32>, vector<16xi32>], vector<16xf32>,
      %gather3A_1201 = tpu.vector_load_idx %arg12[%add3A_187, %broadcast_in_dim3A_1177] : memref<512x64xf32, #tpu.memory_space<vmem>>[vector<16xi32>, vector<16xi32>], vector<16xf32>,
      %mul3A_1202 = arith.mulf %gather3A_1200, %gather3A_1189 : vector<16xf32>
      %add3A_1203 = arith.addf %add3A_1175, %mul3A_1202 : vector<16xf32>
      %mul3A_1204 = arith.mulf %gather3A_1201, %gather3A_1199 : vector<16xf32>
      %add3A_1205 = arith.addf %add3A_1203, %mul3A_1204 : vector<16xf32>
      %broadcast_in_dim3A_1206 = arith.constant 34 : i32
      %broadcast_in_dim3A_1207 = vector.broadcast %broadcast_in_dim3A_1206 : i32 to vector<16xi32>
      %broadcast_in_dim3A_1208 = arith.constant 2 : i32
      %broadcast_in_dim3A_1209 = vector.broadcast %broadcast_in_dim3A_1208 : i32 to vector<16xi32>
      %lt3A_1210 = arith.constant 0 : i32
      %lt3A_1211 = vector.broadcast %lt3A_1210 : i32 to vector<16xi32>
      %lt3A_1212 = arith.cmpi slt, %broadcast_in_dim3A_1209, %lt3A_1211 : vector<16xi32>
      %add3A_1213 = arith.constant 16 : i32
      %add3A_1214 = vector.broadcast %add3A_1213 : i32 to vector<16xi32>
      %add3A_1215 = arith.addi %broadcast_in_dim3A_1209, %add3A_1214 : vector<16xi32>
      %select_n3A_1216 = arith.select %lt3A_1212, %add3A_1215, %broadcast_in_dim3A_1209 : vector<16xi1>, vector<16xi32>
      %broadcast_in_dim3A_1217 = vector.shape_cast %select_n3A_1216 : vector<16xi32> to vector<16x1xi32>
      %gather3A_1218 = vector.shape_cast %broadcast_in_dim3A_1217 : vector<16x1xi32> to vector<16xi32>
      %gather3A_1219 = tpu.dynamic_gather %get3A_165[%gather3A_1218] in [0] : vector<16xf32>, vector<16xi32> -> vector<16xf32>
      %lt3A_1220 = arith.constant 0 : i32
      %lt3A_1221 = vector.broadcast %lt3A_1220 : i32 to vector<16xi32>
      %lt3A_1222 = arith.cmpi slt, %broadcast_in_dim3A_1209, %lt3A_1221 : vector<16xi32>
      %add3A_1223 = arith.constant 16 : i32
      %add3A_1224 = vector.broadcast %add3A_1223 : i32 to vector<16xi32>
      %add3A_1225 = arith.addi %broadcast_in_dim3A_1209, %add3A_1224 : vector<16xi32>
      %select_n3A_1226 = arith.select %lt3A_1222, %add3A_1225, %broadcast_in_dim3A_1209 : vector<16xi1>, vector<16xi32>
      %broadcast_in_dim3A_1227 = vector.shape_cast %select_n3A_1226 : vector<16xi32> to vector<16x1xi32>
      %gather3A_1228 = vector.shape_cast %broadcast_in_dim3A_1227 : vector<16x1xi32> to vector<16xi32>
      %gather3A_1229 = tpu.dynamic_gather %get3A_173[%gather3A_1228] in [0] : vector<16xf32>, vector<16xi32> -> vector<16xf32>
      %gather3A_1230 = tpu.vector_load_idx %arg11[%add3A_187, %broadcast_in_dim3A_1207] : memref<512x64xf32, #tpu.memory_space<vmem>>[vector<16xi32>, vector<16xi32>], vector<16xf32>,
      %gather3A_1231 = tpu.vector_load_idx %arg12[%add3A_187, %broadcast_in_dim3A_1207] : memref<512x64xf32, #tpu.memory_space<vmem>>[vector<16xi32>, vector<16xi32>], vector<16xf32>,
      %mul3A_1232 = arith.mulf %gather3A_1230, %gather3A_1219 : vector<16xf32>
      %add3A_1233 = arith.addf %add3A_1205, %mul3A_1232 : vector<16xf32>
      %mul3A_1234 = arith.mulf %gather3A_1231, %gather3A_1229 : vector<16xf32>
      %add3A_1235 = arith.addf %add3A_1233, %mul3A_1234 : vector<16xf32>
      %broadcast_in_dim3A_1236 = arith.constant 35 : i32
      %broadcast_in_dim3A_1237 = vector.broadcast %broadcast_in_dim3A_1236 : i32 to vector<16xi32>
      %broadcast_in_dim3A_1238 = arith.constant 3 : i32
      %broadcast_in_dim3A_1239 = vector.broadcast %broadcast_in_dim3A_1238 : i32 to vector<16xi32>
      %lt3A_1240 = arith.constant 0 : i32
      %lt3A_1241 = vector.broadcast %lt3A_1240 : i32 to vector<16xi32>
      %lt3A_1242 = arith.cmpi slt, %broadcast_in_dim3A_1239, %lt3A_1241 : vector<16xi32>
      %add3A_1243 = arith.constant 16 : i32
      %add3A_1244 = vector.broadcast %add3A_1243 : i32 to vector<16xi32>
      %add3A_1245 = arith.addi %broadcast_in_dim3A_1239, %add3A_1244 : vector<16xi32>
      %select_n3A_1246 = arith.select %lt3A_1242, %add3A_1245, %broadcast_in_dim3A_1239 : vector<16xi1>, vector<16xi32>
      %broadcast_in_dim3A_1247 = vector.shape_cast %select_n3A_1246 : vector<16xi32> to vector<16x1xi32>
      %gather3A_1248 = vector.shape_cast %broadcast_in_dim3A_1247 : vector<16x1xi32> to vector<16xi32>
      %gather3A_1249 = tpu.dynamic_gather %get3A_165[%gather3A_1248] in [0] : vector<16xf32>, vector<16xi32> -> vector<16xf32>
      %lt3A_1250 = arith.constant 0 : i32
      %lt3A_1251 = vector.broadcast %lt3A_1250 : i32 to vector<16xi32>
      %lt3A_1252 = arith.cmpi slt, %broadcast_in_dim3A_1239, %lt3A_1251 : vector<16xi32>
      %add3A_1253 = arith.constant 16 : i32
      %add3A_1254 = vector.broadcast %add3A_1253 : i32 to vector<16xi32>
      %add3A_1255 = arith.addi %broadcast_in_dim3A_1239, %add3A_1254 : vector<16xi32>
      %select_n3A_1256 = arith.select %lt3A_1252, %add3A_1255, %broadcast_in_dim3A_1239 : vector<16xi1>, vector<16xi32>
      %broadcast_in_dim3A_1257 = vector.shape_cast %select_n3A_1256 : vector<16xi32> to vector<16x1xi32>
      %gather3A_1258 = vector.shape_cast %broadcast_in_dim3A_1257 : vector<16x1xi32> to vector<16xi32>
      %gather3A_1259 = tpu.dynamic_gather %get3A_173[%gather3A_1258] in [0] : vector<16xf32>, vector<16xi32> -> vector<16xf32>
      %gather3A_1260 = tpu.vector_load_idx %arg11[%add3A_187, %broadcast_in_dim3A_1237] : memref<512x64xf32, #tpu.memory_space<vmem>>[vector<16xi32>, vector<16xi32>], vector<16xf32>,
      %gather3A_1261 = tpu.vector_load_idx %arg12[%add3A_187, %broadcast_in_dim3A_1237] : memref<512x64xf32, #tpu.memory_space<vmem>>[vector<16xi32>, vector<16xi32>], vector<16xf32>,
      %mul3A_1262 = arith.mulf %gather3A_1260, %gather3A_1249 : vector<16xf32>
      %add3A_1263 = arith.addf %add3A_1235, %mul3A_1262 : vector<16xf32>
      %mul3A_1264 = arith.mulf %gather3A_1261, %gather3A_1259 : vector<16xf32>
      %add3A_1265 = arith.addf %add3A_1263, %mul3A_1264 : vector<16xf32>
      %broadcast_in_dim3A_1266 = arith.constant 36 : i32
      %broadcast_in_dim3A_1267 = vector.broadcast %broadcast_in_dim3A_1266 : i32 to vector<16xi32>
      %broadcast_in_dim3A_1268 = arith.constant 4 : i32
      %broadcast_in_dim3A_1269 = vector.broadcast %broadcast_in_dim3A_1268 : i32 to vector<16xi32>
      %lt3A_1270 = arith.constant 0 : i32
      %lt3A_1271 = vector.broadcast %lt3A_1270 : i32 to vector<16xi32>
      %lt3A_1272 = arith.cmpi slt, %broadcast_in_dim3A_1269, %lt3A_1271 : vector<16xi32>
      %add3A_1273 = arith.constant 16 : i32
      %add3A_1274 = vector.broadcast %add3A_1273 : i32 to vector<16xi32>
      %add3A_1275 = arith.addi %broadcast_in_dim3A_1269, %add3A_1274 : vector<16xi32>
      %select_n3A_1276 = arith.select %lt3A_1272, %add3A_1275, %broadcast_in_dim3A_1269 : vector<16xi1>, vector<16xi32>
      %broadcast_in_dim3A_1277 = vector.shape_cast %select_n3A_1276 : vector<16xi32> to vector<16x1xi32>
      %gather3A_1278 = vector.shape_cast %broadcast_in_dim3A_1277 : vector<16x1xi32> to vector<16xi32>
      %gather3A_1279 = tpu.dynamic_gather %get3A_165[%gather3A_1278] in [0] : vector<16xf32>, vector<16xi32> -> vector<16xf32>
      %lt3A_1280 = arith.constant 0 : i32
      %lt3A_1281 = vector.broadcast %lt3A_1280 : i32 to vector<16xi32>
      %lt3A_1282 = arith.cmpi slt, %broadcast_in_dim3A_1269, %lt3A_1281 : vector<16xi32>
      %add3A_1283 = arith.constant 16 : i32
      %add3A_1284 = vector.broadcast %add3A_1283 : i32 to vector<16xi32>
      %add3A_1285 = arith.addi %broadcast_in_dim3A_1269, %add3A_1284 : vector<16xi32>
      %select_n3A_1286 = arith.select %lt3A_1282, %add3A_1285, %broadcast_in_dim3A_1269 : vector<16xi1>, vector<16xi32>
      %broadcast_in_dim3A_1287 = vector.shape_cast %select_n3A_1286 : vector<16xi32> to vector<16x1xi32>
      %gather3A_1288 = vector.shape_cast %broadcast_in_dim3A_1287 : vector<16x1xi32> to vector<16xi32>
      %gather3A_1289 = tpu.dynamic_gather %get3A_173[%gather3A_1288] in [0] : vector<16xf32>, vector<16xi32> -> vector<16xf32>
      %gather3A_1290 = tpu.vector_load_idx %arg11[%add3A_187, %broadcast_in_dim3A_1267] : memref<512x64xf32, #tpu.memory_space<vmem>>[vector<16xi32>, vector<16xi32>], vector<16xf32>,
      %gather3A_1291 = tpu.vector_load_idx %arg12[%add3A_187, %broadcast_in_dim3A_1267] : memref<512x64xf32, #tpu.memory_space<vmem>>[vector<16xi32>, vector<16xi32>], vector<16xf32>,
      %mul3A_1292 = arith.mulf %gather3A_1290, %gather3A_1279 : vector<16xf32>
      %add3A_1293 = arith.addf %add3A_1265, %mul3A_1292 : vector<16xf32>
      %mul3A_1294 = arith.mulf %gather3A_1291, %gather3A_1289 : vector<16xf32>
      %add3A_1295 = arith.addf %add3A_1293, %mul3A_1294 : vector<16xf32>
      %broadcast_in_dim3A_1296 = arith.constant 37 : i32
      %broadcast_in_dim3A_1297 = vector.broadcast %broadcast_in_dim3A_1296 : i32 to vector<16xi32>
      %broadcast_in_dim3A_1298 = arith.constant 5 : i32
      %broadcast_in_dim3A_1299 = vector.broadcast %broadcast_in_dim3A_1298 : i32 to vector<16xi32>
      %lt3A_1300 = arith.constant 0 : i32
      %lt3A_1301 = vector.broadcast %lt3A_1300 : i32 to vector<16xi32>
      %lt3A_1302 = arith.cmpi slt, %broadcast_in_dim3A_1299, %lt3A_1301 : vector<16xi32>
      %add3A_1303 = arith.constant 16 : i32
      %add3A_1304 = vector.broadcast %add3A_1303 : i32 to vector<16xi32>
      %add3A_1305 = arith.addi %broadcast_in_dim3A_1299, %add3A_1304 : vector<16xi32>
      %select_n3A_1306 = arith.select %lt3A_1302, %add3A_1305, %broadcast_in_dim3A_1299 : vector<16xi1>, vector<16xi32>
      %broadcast_in_dim3A_1307 = vector.shape_cast %select_n3A_1306 : vector<16xi32> to vector<16x1xi32>
      %gather3A_1308 = vector.shape_cast %broadcast_in_dim3A_1307 : vector<16x1xi32> to vector<16xi32>
      %gather3A_1309 = tpu.dynamic_gather %get3A_165[%gather3A_1308] in [0] : vector<16xf32>, vector<16xi32> -> vector<16xf32>
      %lt3A_1310 = arith.constant 0 : i32
      %lt3A_1311 = vector.broadcast %lt3A_1310 : i32 to vector<16xi32>
      %lt3A_1312 = arith.cmpi slt, %broadcast_in_dim3A_1299, %lt3A_1311 : vector<16xi32>
      %add3A_1313 = arith.constant 16 : i32
      %add3A_1314 = vector.broadcast %add3A_1313 : i32 to vector<16xi32>
      %add3A_1315 = arith.addi %broadcast_in_dim3A_1299, %add3A_1314 : vector<16xi32>
      %select_n3A_1316 = arith.select %lt3A_1312, %add3A_1315, %broadcast_in_dim3A_1299 : vector<16xi1>, vector<16xi32>
      %broadcast_in_dim3A_1317 = vector.shape_cast %select_n3A_1316 : vector<16xi32> to vector<16x1xi32>
      %gather3A_1318 = vector.shape_cast %broadcast_in_dim3A_1317 : vector<16x1xi32> to vector<16xi32>
      %gather3A_1319 = tpu.dynamic_gather %get3A_173[%gather3A_1318] in [0] : vector<16xf32>, vector<16xi32> -> vector<16xf32>
      %gather3A_1320 = tpu.vector_load_idx %arg11[%add3A_187, %broadcast_in_dim3A_1297] : memref<512x64xf32, #tpu.memory_space<vmem>>[vector<16xi32>, vector<16xi32>], vector<16xf32>,
      %gather3A_1321 = tpu.vector_load_idx %arg12[%add3A_187, %broadcast_in_dim3A_1297] : memref<512x64xf32, #tpu.memory_space<vmem>>[vector<16xi32>, vector<16xi32>], vector<16xf32>,
      %mul3A_1322 = arith.mulf %gather3A_1320, %gather3A_1309 : vector<16xf32>
      %add3A_1323 = arith.addf %add3A_1295, %mul3A_1322 : vector<16xf32>
      %mul3A_1324 = arith.mulf %gather3A_1321, %gather3A_1319 : vector<16xf32>
      %add3A_1325 = arith.addf %add3A_1323, %mul3A_1324 : vector<16xf32>
      %broadcast_in_dim3A_1326 = arith.constant 38 : i32
      %broadcast_in_dim3A_1327 = vector.broadcast %broadcast_in_dim3A_1326 : i32 to vector<16xi32>
      %broadcast_in_dim3A_1328 = arith.constant 6 : i32
      %broadcast_in_dim3A_1329 = vector.broadcast %broadcast_in_dim3A_1328 : i32 to vector<16xi32>
      %lt3A_1330 = arith.constant 0 : i32
      %lt3A_1331 = vector.broadcast %lt3A_1330 : i32 to vector<16xi32>
      %lt3A_1332 = arith.cmpi slt, %broadcast_in_dim3A_1329, %lt3A_1331 : vector<16xi32>
      %add3A_1333 = arith.constant 16 : i32
      %add3A_1334 = vector.broadcast %add3A_1333 : i32 to vector<16xi32>
      %add3A_1335 = arith.addi %broadcast_in_dim3A_1329, %add3A_1334 : vector<16xi32>
      %select_n3A_1336 = arith.select %lt3A_1332, %add3A_1335, %broadcast_in_dim3A_1329 : vector<16xi1>, vector<16xi32>
      %broadcast_in_dim3A_1337 = vector.shape_cast %select_n3A_1336 : vector<16xi32> to vector<16x1xi32>
      %gather3A_1338 = vector.shape_cast %broadcast_in_dim3A_1337 : vector<16x1xi32> to vector<16xi32>
      %gather3A_1339 = tpu.dynamic_gather %get3A_165[%gather3A_1338] in [0] : vector<16xf32>, vector<16xi32> -> vector<16xf32>
      %lt3A_1340 = arith.constant 0 : i32
      %lt3A_1341 = vector.broadcast %lt3A_1340 : i32 to vector<16xi32>
      %lt3A_1342 = arith.cmpi slt, %broadcast_in_dim3A_1329, %lt3A_1341 : vector<16xi32>
      %add3A_1343 = arith.constant 16 : i32
      %add3A_1344 = vector.broadcast %add3A_1343 : i32 to vector<16xi32>
      %add3A_1345 = arith.addi %broadcast_in_dim3A_1329, %add3A_1344 : vector<16xi32>
      %select_n3A_1346 = arith.select %lt3A_1342, %add3A_1345, %broadcast_in_dim3A_1329 : vector<16xi1>, vector<16xi32>
      %broadcast_in_dim3A_1347 = vector.shape_cast %select_n3A_1346 : vector<16xi32> to vector<16x1xi32>
      %gather3A_1348 = vector.shape_cast %broadcast_in_dim3A_1347 : vector<16x1xi32> to vector<16xi32>
      %gather3A_1349 = tpu.dynamic_gather %get3A_173[%gather3A_1348] in [0] : vector<16xf32>, vector<16xi32> -> vector<16xf32>
      %gather3A_1350 = tpu.vector_load_idx %arg11[%add3A_187, %broadcast_in_dim3A_1327] : memref<512x64xf32, #tpu.memory_space<vmem>>[vector<16xi32>, vector<16xi32>], vector<16xf32>,
      %gather3A_1351 = tpu.vector_load_idx %arg12[%add3A_187, %broadcast_in_dim3A_1327] : memref<512x64xf32, #tpu.memory_space<vmem>>[vector<16xi32>, vector<16xi32>], vector<16xf32>,
      %mul3A_1352 = arith.mulf %gather3A_1350, %gather3A_1339 : vector<16xf32>
      %add3A_1353 = arith.addf %add3A_1325, %mul3A_1352 : vector<16xf32>
      %mul3A_1354 = arith.mulf %gather3A_1351, %gather3A_1349 : vector<16xf32>
      %add3A_1355 = arith.addf %add3A_1353, %mul3A_1354 : vector<16xf32>
      %broadcast_in_dim3A_1356 = arith.constant 39 : i32
      %broadcast_in_dim3A_1357 = vector.broadcast %broadcast_in_dim3A_1356 : i32 to vector<16xi32>
      %broadcast_in_dim3A_1358 = arith.constant 7 : i32
      %broadcast_in_dim3A_1359 = vector.broadcast %broadcast_in_dim3A_1358 : i32 to vector<16xi32>
      %lt3A_1360 = arith.constant 0 : i32
      %lt3A_1361 = vector.broadcast %lt3A_1360 : i32 to vector<16xi32>
      %lt3A_1362 = arith.cmpi slt, %broadcast_in_dim3A_1359, %lt3A_1361 : vector<16xi32>
      %add3A_1363 = arith.constant 16 : i32
      %add3A_1364 = vector.broadcast %add3A_1363 : i32 to vector<16xi32>
      %add3A_1365 = arith.addi %broadcast_in_dim3A_1359, %add3A_1364 : vector<16xi32>
      %select_n3A_1366 = arith.select %lt3A_1362, %add3A_1365, %broadcast_in_dim3A_1359 : vector<16xi1>, vector<16xi32>
      %broadcast_in_dim3A_1367 = vector.shape_cast %select_n3A_1366 : vector<16xi32> to vector<16x1xi32>
      %gather3A_1368 = vector.shape_cast %broadcast_in_dim3A_1367 : vector<16x1xi32> to vector<16xi32>
      %gather3A_1369 = tpu.dynamic_gather %get3A_165[%gather3A_1368] in [0] : vector<16xf32>, vector<16xi32> -> vector<16xf32>
      %lt3A_1370 = arith.constant 0 : i32
      %lt3A_1371 = vector.broadcast %lt3A_1370 : i32 to vector<16xi32>
      %lt3A_1372 = arith.cmpi slt, %broadcast_in_dim3A_1359, %lt3A_1371 : vector<16xi32>
      %add3A_1373 = arith.constant 16 : i32
      %add3A_1374 = vector.broadcast %add3A_1373 : i32 to vector<16xi32>
      %add3A_1375 = arith.addi %broadcast_in_dim3A_1359, %add3A_1374 : vector<16xi32>
      %select_n3A_1376 = arith.select %lt3A_1372, %add3A_1375, %broadcast_in_dim3A_1359 : vector<16xi1>, vector<16xi32>
      %broadcast_in_dim3A_1377 = vector.shape_cast %select_n3A_1376 : vector<16xi32> to vector<16x1xi32>
      %gather3A_1378 = vector.shape_cast %broadcast_in_dim3A_1377 : vector<16x1xi32> to vector<16xi32>
      %gather3A_1379 = tpu.dynamic_gather %get3A_173[%gather3A_1378] in [0] : vector<16xf32>, vector<16xi32> -> vector<16xf32>
      %gather3A_1380 = tpu.vector_load_idx %arg11[%add3A_187, %broadcast_in_dim3A_1357] : memref<512x64xf32, #tpu.memory_space<vmem>>[vector<16xi32>, vector<16xi32>], vector<16xf32>,
      %gather3A_1381 = tpu.vector_load_idx %arg12[%add3A_187, %broadcast_in_dim3A_1357] : memref<512x64xf32, #tpu.memory_space<vmem>>[vector<16xi32>, vector<16xi32>], vector<16xf32>,
      %mul3A_1382 = arith.mulf %gather3A_1380, %gather3A_1369 : vector<16xf32>
      %add3A_1383 = arith.addf %add3A_1355, %mul3A_1382 : vector<16xf32>
      %mul3A_1384 = arith.mulf %gather3A_1381, %gather3A_1379 : vector<16xf32>
      %add3A_1385 = arith.addf %add3A_1383, %mul3A_1384 : vector<16xf32>
      %broadcast_in_dim3A_1386 = arith.constant 40 : i32
      %broadcast_in_dim3A_1387 = vector.broadcast %broadcast_in_dim3A_1386 : i32 to vector<16xi32>
      %broadcast_in_dim3A_1388 = arith.constant 8 : i32
      %broadcast_in_dim3A_1389 = vector.broadcast %broadcast_in_dim3A_1388 : i32 to vector<16xi32>
      %lt3A_1390 = arith.constant 0 : i32
      %lt3A_1391 = vector.broadcast %lt3A_1390 : i32 to vector<16xi32>
      %lt3A_1392 = arith.cmpi slt, %broadcast_in_dim3A_1389, %lt3A_1391 : vector<16xi32>
      %add3A_1393 = arith.constant 16 : i32
      %add3A_1394 = vector.broadcast %add3A_1393 : i32 to vector<16xi32>
      %add3A_1395 = arith.addi %broadcast_in_dim3A_1389, %add3A_1394 : vector<16xi32>
      %select_n3A_1396 = arith.select %lt3A_1392, %add3A_1395, %broadcast_in_dim3A_1389 : vector<16xi1>, vector<16xi32>
      %broadcast_in_dim3A_1397 = vector.shape_cast %select_n3A_1396 : vector<16xi32> to vector<16x1xi32>
      %gather3A_1398 = vector.shape_cast %broadcast_in_dim3A_1397 : vector<16x1xi32> to vector<16xi32>
      %gather3A_1399 = tpu.dynamic_gather %get3A_165[%gather3A_1398] in [0] : vector<16xf32>, vector<16xi32> -> vector<16xf32>
      %lt3A_1400 = arith.constant 0 : i32
      %lt3A_1401 = vector.broadcast %lt3A_1400 : i32 to vector<16xi32>
      %lt3A_1402 = arith.cmpi slt, %broadcast_in_dim3A_1389, %lt3A_1401 : vector<16xi32>
      %add3A_1403 = arith.constant 16 : i32
      %add3A_1404 = vector.broadcast %add3A_1403 : i32 to vector<16xi32>
      %add3A_1405 = arith.addi %broadcast_in_dim3A_1389, %add3A_1404 : vector<16xi32>
      %select_n3A_1406 = arith.select %lt3A_1402, %add3A_1405, %broadcast_in_dim3A_1389 : vector<16xi1>, vector<16xi32>
      %broadcast_in_dim3A_1407 = vector.shape_cast %select_n3A_1406 : vector<16xi32> to vector<16x1xi32>
      %gather3A_1408 = vector.shape_cast %broadcast_in_dim3A_1407 : vector<16x1xi32> to vector<16xi32>
      %gather3A_1409 = tpu.dynamic_gather %get3A_173[%gather3A_1408] in [0] : vector<16xf32>, vector<16xi32> -> vector<16xf32>
      %gather3A_1410 = tpu.vector_load_idx %arg11[%add3A_187, %broadcast_in_dim3A_1387] : memref<512x64xf32, #tpu.memory_space<vmem>>[vector<16xi32>, vector<16xi32>], vector<16xf32>,
      %gather3A_1411 = tpu.vector_load_idx %arg12[%add3A_187, %broadcast_in_dim3A_1387] : memref<512x64xf32, #tpu.memory_space<vmem>>[vector<16xi32>, vector<16xi32>], vector<16xf32>,
      %mul3A_1412 = arith.mulf %gather3A_1410, %gather3A_1399 : vector<16xf32>
      %add3A_1413 = arith.addf %add3A_1385, %mul3A_1412 : vector<16xf32>
      %mul3A_1414 = arith.mulf %gather3A_1411, %gather3A_1409 : vector<16xf32>
      %add3A_1415 = arith.addf %add3A_1413, %mul3A_1414 : vector<16xf32>
      %broadcast_in_dim3A_1416 = arith.constant 41 : i32
      %broadcast_in_dim3A_1417 = vector.broadcast %broadcast_in_dim3A_1416 : i32 to vector<16xi32>
      %broadcast_in_dim3A_1418 = arith.constant 9 : i32
      %broadcast_in_dim3A_1419 = vector.broadcast %broadcast_in_dim3A_1418 : i32 to vector<16xi32>
      %lt3A_1420 = arith.constant 0 : i32
      %lt3A_1421 = vector.broadcast %lt3A_1420 : i32 to vector<16xi32>
      %lt3A_1422 = arith.cmpi slt, %broadcast_in_dim3A_1419, %lt3A_1421 : vector<16xi32>
      %add3A_1423 = arith.constant 16 : i32
      %add3A_1424 = vector.broadcast %add3A_1423 : i32 to vector<16xi32>
      %add3A_1425 = arith.addi %broadcast_in_dim3A_1419, %add3A_1424 : vector<16xi32>
      %select_n3A_1426 = arith.select %lt3A_1422, %add3A_1425, %broadcast_in_dim3A_1419 : vector<16xi1>, vector<16xi32>
      %broadcast_in_dim3A_1427 = vector.shape_cast %select_n3A_1426 : vector<16xi32> to vector<16x1xi32>
      %gather3A_1428 = vector.shape_cast %broadcast_in_dim3A_1427 : vector<16x1xi32> to vector<16xi32>
      %gather3A_1429 = tpu.dynamic_gather %get3A_165[%gather3A_1428] in [0] : vector<16xf32>, vector<16xi32> -> vector<16xf32>
      %lt3A_1430 = arith.constant 0 : i32
      %lt3A_1431 = vector.broadcast %lt3A_1430 : i32 to vector<16xi32>
      %lt3A_1432 = arith.cmpi slt, %broadcast_in_dim3A_1419, %lt3A_1431 : vector<16xi32>
      %add3A_1433 = arith.constant 16 : i32
      %add3A_1434 = vector.broadcast %add3A_1433 : i32 to vector<16xi32>
      %add3A_1435 = arith.addi %broadcast_in_dim3A_1419, %add3A_1434 : vector<16xi32>
      %select_n3A_1436 = arith.select %lt3A_1432, %add3A_1435, %broadcast_in_dim3A_1419 : vector<16xi1>, vector<16xi32>
      %broadcast_in_dim3A_1437 = vector.shape_cast %select_n3A_1436 : vector<16xi32> to vector<16x1xi32>
      %gather3A_1438 = vector.shape_cast %broadcast_in_dim3A_1437 : vector<16x1xi32> to vector<16xi32>
      %gather3A_1439 = tpu.dynamic_gather %get3A_173[%gather3A_1438] in [0] : vector<16xf32>, vector<16xi32> -> vector<16xf32>
      %gather3A_1440 = tpu.vector_load_idx %arg11[%add3A_187, %broadcast_in_dim3A_1417] : memref<512x64xf32, #tpu.memory_space<vmem>>[vector<16xi32>, vector<16xi32>], vector<16xf32>,
      %gather3A_1441 = tpu.vector_load_idx %arg12[%add3A_187, %broadcast_in_dim3A_1417] : memref<512x64xf32, #tpu.memory_space<vmem>>[vector<16xi32>, vector<16xi32>], vector<16xf32>,
      %mul3A_1442 = arith.mulf %gather3A_1440, %gather3A_1429 : vector<16xf32>
      %add3A_1443 = arith.addf %add3A_1415, %mul3A_1442 : vector<16xf32>
      %mul3A_1444 = arith.mulf %gather3A_1441, %gather3A_1439 : vector<16xf32>
      %add3A_1445 = arith.addf %add3A_1443, %mul3A_1444 : vector<16xf32>
      %broadcast_in_dim3A_1446 = arith.constant 42 : i32
      %broadcast_in_dim3A_1447 = vector.broadcast %broadcast_in_dim3A_1446 : i32 to vector<16xi32>
      %broadcast_in_dim3A_1448 = arith.constant 10 : i32
      %broadcast_in_dim3A_1449 = vector.broadcast %broadcast_in_dim3A_1448 : i32 to vector<16xi32>
      %lt3A_1450 = arith.constant 0 : i32
      %lt3A_1451 = vector.broadcast %lt3A_1450 : i32 to vector<16xi32>
      %lt3A_1452 = arith.cmpi slt, %broadcast_in_dim3A_1449, %lt3A_1451 : vector<16xi32>
      %add3A_1453 = arith.constant 16 : i32
      %add3A_1454 = vector.broadcast %add3A_1453 : i32 to vector<16xi32>
      %add3A_1455 = arith.addi %broadcast_in_dim3A_1449, %add3A_1454 : vector<16xi32>
      %select_n3A_1456 = arith.select %lt3A_1452, %add3A_1455, %broadcast_in_dim3A_1449 : vector<16xi1>, vector<16xi32>
      %broadcast_in_dim3A_1457 = vector.shape_cast %select_n3A_1456 : vector<16xi32> to vector<16x1xi32>
      %gather3A_1458 = vector.shape_cast %broadcast_in_dim3A_1457 : vector<16x1xi32> to vector<16xi32>
      %gather3A_1459 = tpu.dynamic_gather %get3A_165[%gather3A_1458] in [0] : vector<16xf32>, vector<16xi32> -> vector<16xf32>
      %lt3A_1460 = arith.constant 0 : i32
      %lt3A_1461 = vector.broadcast %lt3A_1460 : i32 to vector<16xi32>
      %lt3A_1462 = arith.cmpi slt, %broadcast_in_dim3A_1449, %lt3A_1461 : vector<16xi32>
      %add3A_1463 = arith.constant 16 : i32
      %add3A_1464 = vector.broadcast %add3A_1463 : i32 to vector<16xi32>
      %add3A_1465 = arith.addi %broadcast_in_dim3A_1449, %add3A_1464 : vector<16xi32>
      %select_n3A_1466 = arith.select %lt3A_1462, %add3A_1465, %broadcast_in_dim3A_1449 : vector<16xi1>, vector<16xi32>
      %broadcast_in_dim3A_1467 = vector.shape_cast %select_n3A_1466 : vector<16xi32> to vector<16x1xi32>
      %gather3A_1468 = vector.shape_cast %broadcast_in_dim3A_1467 : vector<16x1xi32> to vector<16xi32>
      %gather3A_1469 = tpu.dynamic_gather %get3A_173[%gather3A_1468] in [0] : vector<16xf32>, vector<16xi32> -> vector<16xf32>
      %gather3A_1470 = tpu.vector_load_idx %arg11[%add3A_187, %broadcast_in_dim3A_1447] : memref<512x64xf32, #tpu.memory_space<vmem>>[vector<16xi32>, vector<16xi32>], vector<16xf32>,
      %gather3A_1471 = tpu.vector_load_idx %arg12[%add3A_187, %broadcast_in_dim3A_1447] : memref<512x64xf32, #tpu.memory_space<vmem>>[vector<16xi32>, vector<16xi32>], vector<16xf32>,
      %mul3A_1472 = arith.mulf %gather3A_1470, %gather3A_1459 : vector<16xf32>
      %add3A_1473 = arith.addf %add3A_1445, %mul3A_1472 : vector<16xf32>
      %mul3A_1474 = arith.mulf %gather3A_1471, %gather3A_1469 : vector<16xf32>
      %add3A_1475 = arith.addf %add3A_1473, %mul3A_1474 : vector<16xf32>
      %broadcast_in_dim3A_1476 = arith.constant 43 : i32
      %broadcast_in_dim3A_1477 = vector.broadcast %broadcast_in_dim3A_1476 : i32 to vector<16xi32>
      %broadcast_in_dim3A_1478 = arith.constant 11 : i32
      %broadcast_in_dim3A_1479 = vector.broadcast %broadcast_in_dim3A_1478 : i32 to vector<16xi32>
      %lt3A_1480 = arith.constant 0 : i32
      %lt3A_1481 = vector.broadcast %lt3A_1480 : i32 to vector<16xi32>
      %lt3A_1482 = arith.cmpi slt, %broadcast_in_dim3A_1479, %lt3A_1481 : vector<16xi32>
      %add3A_1483 = arith.constant 16 : i32
      %add3A_1484 = vector.broadcast %add3A_1483 : i32 to vector<16xi32>
      %add3A_1485 = arith.addi %broadcast_in_dim3A_1479, %add3A_1484 : vector<16xi32>
      %select_n3A_1486 = arith.select %lt3A_1482, %add3A_1485, %broadcast_in_dim3A_1479 : vector<16xi1>, vector<16xi32>
      %broadcast_in_dim3A_1487 = vector.shape_cast %select_n3A_1486 : vector<16xi32> to vector<16x1xi32>
      %gather3A_1488 = vector.shape_cast %broadcast_in_dim3A_1487 : vector<16x1xi32> to vector<16xi32>
      %gather3A_1489 = tpu.dynamic_gather %get3A_165[%gather3A_1488] in [0] : vector<16xf32>, vector<16xi32> -> vector<16xf32>
      %lt3A_1490 = arith.constant 0 : i32
      %lt3A_1491 = vector.broadcast %lt3A_1490 : i32 to vector<16xi32>
      %lt3A_1492 = arith.cmpi slt, %broadcast_in_dim3A_1479, %lt3A_1491 : vector<16xi32>
      %add3A_1493 = arith.constant 16 : i32
      %add3A_1494 = vector.broadcast %add3A_1493 : i32 to vector<16xi32>
      %add3A_1495 = arith.addi %broadcast_in_dim3A_1479, %add3A_1494 : vector<16xi32>
      %select_n3A_1496 = arith.select %lt3A_1492, %add3A_1495, %broadcast_in_dim3A_1479 : vector<16xi1>, vector<16xi32>
      %broadcast_in_dim3A_1497 = vector.shape_cast %select_n3A_1496 : vector<16xi32> to vector<16x1xi32>
      %gather3A_1498 = vector.shape_cast %broadcast_in_dim3A_1497 : vector<16x1xi32> to vector<16xi32>
      %gather3A_1499 = tpu.dynamic_gather %get3A_173[%gather3A_1498] in [0] : vector<16xf32>, vector<16xi32> -> vector<16xf32>
      %gather3A_1500 = tpu.vector_load_idx %arg11[%add3A_187, %broadcast_in_dim3A_1477] : memref<512x64xf32, #tpu.memory_space<vmem>>[vector<16xi32>, vector<16xi32>], vector<16xf32>,
      %gather3A_1501 = tpu.vector_load_idx %arg12[%add3A_187, %broadcast_in_dim3A_1477] : memref<512x64xf32, #tpu.memory_space<vmem>>[vector<16xi32>, vector<16xi32>], vector<16xf32>,
      %mul3A_1502 = arith.mulf %gather3A_1500, %gather3A_1489 : vector<16xf32>
      %add3A_1503 = arith.addf %add3A_1475, %mul3A_1502 : vector<16xf32>
      %mul3A_1504 = arith.mulf %gather3A_1501, %gather3A_1499 : vector<16xf32>
      %add3A_1505 = arith.addf %add3A_1503, %mul3A_1504 : vector<16xf32>
      %broadcast_in_dim3A_1506 = arith.constant 44 : i32
      %broadcast_in_dim3A_1507 = vector.broadcast %broadcast_in_dim3A_1506 : i32 to vector<16xi32>
      %broadcast_in_dim3A_1508 = arith.constant 12 : i32
      %broadcast_in_dim3A_1509 = vector.broadcast %broadcast_in_dim3A_1508 : i32 to vector<16xi32>
      %lt3A_1510 = arith.constant 0 : i32
      %lt3A_1511 = vector.broadcast %lt3A_1510 : i32 to vector<16xi32>
      %lt3A_1512 = arith.cmpi slt, %broadcast_in_dim3A_1509, %lt3A_1511 : vector<16xi32>
      %add3A_1513 = arith.constant 16 : i32
      %add3A_1514 = vector.broadcast %add3A_1513 : i32 to vector<16xi32>
      %add3A_1515 = arith.addi %broadcast_in_dim3A_1509, %add3A_1514 : vector<16xi32>
      %select_n3A_1516 = arith.select %lt3A_1512, %add3A_1515, %broadcast_in_dim3A_1509 : vector<16xi1>, vector<16xi32>
      %broadcast_in_dim3A_1517 = vector.shape_cast %select_n3A_1516 : vector<16xi32> to vector<16x1xi32>
      %gather3A_1518 = vector.shape_cast %broadcast_in_dim3A_1517 : vector<16x1xi32> to vector<16xi32>
      %gather3A_1519 = tpu.dynamic_gather %get3A_165[%gather3A_1518] in [0] : vector<16xf32>, vector<16xi32> -> vector<16xf32>
      %lt3A_1520 = arith.constant 0 : i32
      %lt3A_1521 = vector.broadcast %lt3A_1520 : i32 to vector<16xi32>
      %lt3A_1522 = arith.cmpi slt, %broadcast_in_dim3A_1509, %lt3A_1521 : vector<16xi32>
      %add3A_1523 = arith.constant 16 : i32
      %add3A_1524 = vector.broadcast %add3A_1523 : i32 to vector<16xi32>
      %add3A_1525 = arith.addi %broadcast_in_dim3A_1509, %add3A_1524 : vector<16xi32>
      %select_n3A_1526 = arith.select %lt3A_1522, %add3A_1525, %broadcast_in_dim3A_1509 : vector<16xi1>, vector<16xi32>
      %broadcast_in_dim3A_1527 = vector.shape_cast %select_n3A_1526 : vector<16xi32> to vector<16x1xi32>
      %gather3A_1528 = vector.shape_cast %broadcast_in_dim3A_1527 : vector<16x1xi32> to vector<16xi32>
      %gather3A_1529 = tpu.dynamic_gather %get3A_173[%gather3A_1528] in [0] : vector<16xf32>, vector<16xi32> -> vector<16xf32>
      %gather3A_1530 = tpu.vector_load_idx %arg11[%add3A_187, %broadcast_in_dim3A_1507] : memref<512x64xf32, #tpu.memory_space<vmem>>[vector<16xi32>, vector<16xi32>], vector<16xf32>,
      %gather3A_1531 = tpu.vector_load_idx %arg12[%add3A_187, %broadcast_in_dim3A_1507] : memref<512x64xf32, #tpu.memory_space<vmem>>[vector<16xi32>, vector<16xi32>], vector<16xf32>,
      %mul3A_1532 = arith.mulf %gather3A_1530, %gather3A_1519 : vector<16xf32>
      %add3A_1533 = arith.addf %add3A_1505, %mul3A_1532 : vector<16xf32>
      %mul3A_1534 = arith.mulf %gather3A_1531, %gather3A_1529 : vector<16xf32>
      %add3A_1535 = arith.addf %add3A_1533, %mul3A_1534 : vector<16xf32>
      %broadcast_in_dim3A_1536 = arith.constant 45 : i32
      %broadcast_in_dim3A_1537 = vector.broadcast %broadcast_in_dim3A_1536 : i32 to vector<16xi32>
      %broadcast_in_dim3A_1538 = arith.constant 13 : i32
      %broadcast_in_dim3A_1539 = vector.broadcast %broadcast_in_dim3A_1538 : i32 to vector<16xi32>
      %lt3A_1540 = arith.constant 0 : i32
      %lt3A_1541 = vector.broadcast %lt3A_1540 : i32 to vector<16xi32>
      %lt3A_1542 = arith.cmpi slt, %broadcast_in_dim3A_1539, %lt3A_1541 : vector<16xi32>
      %add3A_1543 = arith.constant 16 : i32
      %add3A_1544 = vector.broadcast %add3A_1543 : i32 to vector<16xi32>
      %add3A_1545 = arith.addi %broadcast_in_dim3A_1539, %add3A_1544 : vector<16xi32>
      %select_n3A_1546 = arith.select %lt3A_1542, %add3A_1545, %broadcast_in_dim3A_1539 : vector<16xi1>, vector<16xi32>
      %broadcast_in_dim3A_1547 = vector.shape_cast %select_n3A_1546 : vector<16xi32> to vector<16x1xi32>
      %gather3A_1548 = vector.shape_cast %broadcast_in_dim3A_1547 : vector<16x1xi32> to vector<16xi32>
      %gather3A_1549 = tpu.dynamic_gather %get3A_165[%gather3A_1548] in [0] : vector<16xf32>, vector<16xi32> -> vector<16xf32>
      %lt3A_1550 = arith.constant 0 : i32
      %lt3A_1551 = vector.broadcast %lt3A_1550 : i32 to vector<16xi32>
      %lt3A_1552 = arith.cmpi slt, %broadcast_in_dim3A_1539, %lt3A_1551 : vector<16xi32>
      %add3A_1553 = arith.constant 16 : i32
      %add3A_1554 = vector.broadcast %add3A_1553 : i32 to vector<16xi32>
      %add3A_1555 = arith.addi %broadcast_in_dim3A_1539, %add3A_1554 : vector<16xi32>
      %select_n3A_1556 = arith.select %lt3A_1552, %add3A_1555, %broadcast_in_dim3A_1539 : vector<16xi1>, vector<16xi32>
      %broadcast_in_dim3A_1557 = vector.shape_cast %select_n3A_1556 : vector<16xi32> to vector<16x1xi32>
      %gather3A_1558 = vector.shape_cast %broadcast_in_dim3A_1557 : vector<16x1xi32> to vector<16xi32>
      %gather3A_1559 = tpu.dynamic_gather %get3A_173[%gather3A_1558] in [0] : vector<16xf32>, vector<16xi32> -> vector<16xf32>
      %gather3A_1560 = tpu.vector_load_idx %arg11[%add3A_187, %broadcast_in_dim3A_1537] : memref<512x64xf32, #tpu.memory_space<vmem>>[vector<16xi32>, vector<16xi32>], vector<16xf32>,
      %gather3A_1561 = tpu.vector_load_idx %arg12[%add3A_187, %broadcast_in_dim3A_1537] : memref<512x64xf32, #tpu.memory_space<vmem>>[vector<16xi32>, vector<16xi32>], vector<16xf32>,
      %mul3A_1562 = arith.mulf %gather3A_1560, %gather3A_1549 : vector<16xf32>
      %add3A_1563 = arith.addf %add3A_1535, %mul3A_1562 : vector<16xf32>
      %mul3A_1564 = arith.mulf %gather3A_1561, %gather3A_1559 : vector<16xf32>
      %add3A_1565 = arith.addf %add3A_1563, %mul3A_1564 : vector<16xf32>
      %broadcast_in_dim3A_1566 = arith.constant 46 : i32
      %broadcast_in_dim3A_1567 = vector.broadcast %broadcast_in_dim3A_1566 : i32 to vector<16xi32>
      %broadcast_in_dim3A_1568 = arith.constant 14 : i32
      %broadcast_in_dim3A_1569 = vector.broadcast %broadcast_in_dim3A_1568 : i32 to vector<16xi32>
      %lt3A_1570 = arith.constant 0 : i32
      %lt3A_1571 = vector.broadcast %lt3A_1570 : i32 to vector<16xi32>
      %lt3A_1572 = arith.cmpi slt, %broadcast_in_dim3A_1569, %lt3A_1571 : vector<16xi32>
      %add3A_1573 = arith.constant 16 : i32
      %add3A_1574 = vector.broadcast %add3A_1573 : i32 to vector<16xi32>
      %add3A_1575 = arith.addi %broadcast_in_dim3A_1569, %add3A_1574 : vector<16xi32>
      %select_n3A_1576 = arith.select %lt3A_1572, %add3A_1575, %broadcast_in_dim3A_1569 : vector<16xi1>, vector<16xi32>
      %broadcast_in_dim3A_1577 = vector.shape_cast %select_n3A_1576 : vector<16xi32> to vector<16x1xi32>
      %gather3A_1578 = vector.shape_cast %broadcast_in_dim3A_1577 : vector<16x1xi32> to vector<16xi32>
      %gather3A_1579 = tpu.dynamic_gather %get3A_165[%gather3A_1578] in [0] : vector<16xf32>, vector<16xi32> -> vector<16xf32>
      %lt3A_1580 = arith.constant 0 : i32
      %lt3A_1581 = vector.broadcast %lt3A_1580 : i32 to vector<16xi32>
      %lt3A_1582 = arith.cmpi slt, %broadcast_in_dim3A_1569, %lt3A_1581 : vector<16xi32>
      %add3A_1583 = arith.constant 16 : i32
      %add3A_1584 = vector.broadcast %add3A_1583 : i32 to vector<16xi32>
      %add3A_1585 = arith.addi %broadcast_in_dim3A_1569, %add3A_1584 : vector<16xi32>
      %select_n3A_1586 = arith.select %lt3A_1582, %add3A_1585, %broadcast_in_dim3A_1569 : vector<16xi1>, vector<16xi32>
      %broadcast_in_dim3A_1587 = vector.shape_cast %select_n3A_1586 : vector<16xi32> to vector<16x1xi32>
      %gather3A_1588 = vector.shape_cast %broadcast_in_dim3A_1587 : vector<16x1xi32> to vector<16xi32>
      %gather3A_1589 = tpu.dynamic_gather %get3A_173[%gather3A_1588] in [0] : vector<16xf32>, vector<16xi32> -> vector<16xf32>
      %gather3A_1590 = tpu.vector_load_idx %arg11[%add3A_187, %broadcast_in_dim3A_1567] : memref<512x64xf32, #tpu.memory_space<vmem>>[vector<16xi32>, vector<16xi32>], vector<16xf32>,
      %gather3A_1591 = tpu.vector_load_idx %arg12[%add3A_187, %broadcast_in_dim3A_1567] : memref<512x64xf32, #tpu.memory_space<vmem>>[vector<16xi32>, vector<16xi32>], vector<16xf32>,
      %mul3A_1592 = arith.mulf %gather3A_1590, %gather3A_1579 : vector<16xf32>
      %add3A_1593 = arith.addf %add3A_1565, %mul3A_1592 : vector<16xf32>
      %mul3A_1594 = arith.mulf %gather3A_1591, %gather3A_1589 : vector<16xf32>
      %add3A_1595 = arith.addf %add3A_1593, %mul3A_1594 : vector<16xf32>
      %broadcast_in_dim3A_1596 = arith.constant 47 : i32
      %broadcast_in_dim3A_1597 = vector.broadcast %broadcast_in_dim3A_1596 : i32 to vector<16xi32>
      %broadcast_in_dim3A_1598 = arith.constant 15 : i32
      %broadcast_in_dim3A_1599 = vector.broadcast %broadcast_in_dim3A_1598 : i32 to vector<16xi32>
      %lt3A_1600 = arith.constant 0 : i32
      %lt3A_1601 = vector.broadcast %lt3A_1600 : i32 to vector<16xi32>
      %lt3A_1602 = arith.cmpi slt, %broadcast_in_dim3A_1599, %lt3A_1601 : vector<16xi32>
      %add3A_1603 = arith.constant 16 : i32
      %add3A_1604 = vector.broadcast %add3A_1603 : i32 to vector<16xi32>
      %add3A_1605 = arith.addi %broadcast_in_dim3A_1599, %add3A_1604 : vector<16xi32>
      %select_n3A_1606 = arith.select %lt3A_1602, %add3A_1605, %broadcast_in_dim3A_1599 : vector<16xi1>, vector<16xi32>
      %broadcast_in_dim3A_1607 = vector.shape_cast %select_n3A_1606 : vector<16xi32> to vector<16x1xi32>
      %gather3A_1608 = vector.shape_cast %broadcast_in_dim3A_1607 : vector<16x1xi32> to vector<16xi32>
      %gather3A_1609 = tpu.dynamic_gather %get3A_165[%gather3A_1608] in [0] : vector<16xf32>, vector<16xi32> -> vector<16xf32>
      %lt3A_1610 = arith.constant 0 : i32
      %lt3A_1611 = vector.broadcast %lt3A_1610 : i32 to vector<16xi32>
      %lt3A_1612 = arith.cmpi slt, %broadcast_in_dim3A_1599, %lt3A_1611 : vector<16xi32>
      %add3A_1613 = arith.constant 16 : i32
      %add3A_1614 = vector.broadcast %add3A_1613 : i32 to vector<16xi32>
      %add3A_1615 = arith.addi %broadcast_in_dim3A_1599, %add3A_1614 : vector<16xi32>
      %select_n3A_1616 = arith.select %lt3A_1612, %add3A_1615, %broadcast_in_dim3A_1599 : vector<16xi1>, vector<16xi32>
      %broadcast_in_dim3A_1617 = vector.shape_cast %select_n3A_1616 : vector<16xi32> to vector<16x1xi32>
      %gather3A_1618 = vector.shape_cast %broadcast_in_dim3A_1617 : vector<16x1xi32> to vector<16xi32>
      %gather3A_1619 = tpu.dynamic_gather %get3A_173[%gather3A_1618] in [0] : vector<16xf32>, vector<16xi32> -> vector<16xf32>
      %gather3A_1620 = tpu.vector_load_idx %arg11[%add3A_187, %broadcast_in_dim3A_1597] : memref<512x64xf32, #tpu.memory_space<vmem>>[vector<16xi32>, vector<16xi32>], vector<16xf32>,
      %gather3A_1621 = tpu.vector_load_idx %arg12[%add3A_187, %broadcast_in_dim3A_1597] : memref<512x64xf32, #tpu.memory_space<vmem>>[vector<16xi32>, vector<16xi32>], vector<16xf32>,
      %mul3A_1622 = arith.mulf %gather3A_1620, %gather3A_1609 : vector<16xf32>
      %add3A_1623 = arith.addf %add3A_1595, %mul3A_1622 : vector<16xf32>
      %mul3A_1624 = arith.mulf %gather3A_1621, %gather3A_1619 : vector<16xf32>
      %add3A_1625 = arith.addf %add3A_1623, %mul3A_1624 : vector<16xf32>
      %broadcast_in_dim3A_1626 = arith.constant 48 : i32
      %broadcast_in_dim3A_1627 = vector.broadcast %broadcast_in_dim3A_1626 : i32 to vector<16xi32>
      %broadcast_in_dim3A_1628 = arith.constant 0 : i32
      %broadcast_in_dim3A_1629 = vector.broadcast %broadcast_in_dim3A_1628 : i32 to vector<16xi32>
      %lt3A_1630 = arith.constant 0 : i32
      %lt3A_1631 = vector.broadcast %lt3A_1630 : i32 to vector<16xi32>
      %lt3A_1632 = arith.cmpi slt, %broadcast_in_dim3A_1629, %lt3A_1631 : vector<16xi32>
      %add3A_1633 = arith.constant 16 : i32
      %add3A_1634 = vector.broadcast %add3A_1633 : i32 to vector<16xi32>
      %add3A_1635 = arith.addi %broadcast_in_dim3A_1629, %add3A_1634 : vector<16xi32>
      %select_n3A_1636 = arith.select %lt3A_1632, %add3A_1635, %broadcast_in_dim3A_1629 : vector<16xi1>, vector<16xi32>
      %broadcast_in_dim3A_1637 = vector.shape_cast %select_n3A_1636 : vector<16xi32> to vector<16x1xi32>
      %gather3A_1638 = vector.shape_cast %broadcast_in_dim3A_1637 : vector<16x1xi32> to vector<16xi32>
      %gather3A_1639 = tpu.dynamic_gather %get3A_167[%gather3A_1638] in [0] : vector<16xf32>, vector<16xi32> -> vector<16xf32>
      %lt3A_1640 = arith.constant 0 : i32
      %lt3A_1641 = vector.broadcast %lt3A_1640 : i32 to vector<16xi32>
      %lt3A_1642 = arith.cmpi slt, %broadcast_in_dim3A_1629, %lt3A_1641 : vector<16xi32>
      %add3A_1643 = arith.constant 16 : i32
      %add3A_1644 = vector.broadcast %add3A_1643 : i32 to vector<16xi32>
      %add3A_1645 = arith.addi %broadcast_in_dim3A_1629, %add3A_1644 : vector<16xi32>
      %select_n3A_1646 = arith.select %lt3A_1642, %add3A_1645, %broadcast_in_dim3A_1629 : vector<16xi1>, vector<16xi32>
      %broadcast_in_dim3A_1647 = vector.shape_cast %select_n3A_1646 : vector<16xi32> to vector<16x1xi32>
      %gather3A_1648 = vector.shape_cast %broadcast_in_dim3A_1647 : vector<16x1xi32> to vector<16xi32>
      %gather3A_1649 = tpu.dynamic_gather %get3A_175[%gather3A_1648] in [0] : vector<16xf32>, vector<16xi32> -> vector<16xf32>
      %gather3A_1650 = tpu.vector_load_idx %arg11[%add3A_187, %broadcast_in_dim3A_1627] : memref<512x64xf32, #tpu.memory_space<vmem>>[vector<16xi32>, vector<16xi32>], vector<16xf32>,
      %gather3A_1651 = tpu.vector_load_idx %arg12[%add3A_187, %broadcast_in_dim3A_1627] : memref<512x64xf32, #tpu.memory_space<vmem>>[vector<16xi32>, vector<16xi32>], vector<16xf32>,
      %mul3A_1652 = arith.mulf %gather3A_1650, %gather3A_1639 : vector<16xf32>
      %add3A_1653 = arith.addf %add3A_1625, %mul3A_1652 : vector<16xf32>
      %mul3A_1654 = arith.mulf %gather3A_1651, %gather3A_1649 : vector<16xf32>
      %add3A_1655 = arith.addf %add3A_1653, %mul3A_1654 : vector<16xf32>
      %broadcast_in_dim3A_1656 = arith.constant 49 : i32
      %broadcast_in_dim3A_1657 = vector.broadcast %broadcast_in_dim3A_1656 : i32 to vector<16xi32>
      %broadcast_in_dim3A_1658 = arith.constant 1 : i32
      %broadcast_in_dim3A_1659 = vector.broadcast %broadcast_in_dim3A_1658 : i32 to vector<16xi32>
      %lt3A_1660 = arith.constant 0 : i32
      %lt3A_1661 = vector.broadcast %lt3A_1660 : i32 to vector<16xi32>
      %lt3A_1662 = arith.cmpi slt, %broadcast_in_dim3A_1659, %lt3A_1661 : vector<16xi32>
      %add3A_1663 = arith.constant 16 : i32
      %add3A_1664 = vector.broadcast %add3A_1663 : i32 to vector<16xi32>
      %add3A_1665 = arith.addi %broadcast_in_dim3A_1659, %add3A_1664 : vector<16xi32>
      %select_n3A_1666 = arith.select %lt3A_1662, %add3A_1665, %broadcast_in_dim3A_1659 : vector<16xi1>, vector<16xi32>
      %broadcast_in_dim3A_1667 = vector.shape_cast %select_n3A_1666 : vector<16xi32> to vector<16x1xi32>
      %gather3A_1668 = vector.shape_cast %broadcast_in_dim3A_1667 : vector<16x1xi32> to vector<16xi32>
      %gather3A_1669 = tpu.dynamic_gather %get3A_167[%gather3A_1668] in [0] : vector<16xf32>, vector<16xi32> -> vector<16xf32>
      %lt3A_1670 = arith.constant 0 : i32
      %lt3A_1671 = vector.broadcast %lt3A_1670 : i32 to vector<16xi32>
      %lt3A_1672 = arith.cmpi slt, %broadcast_in_dim3A_1659, %lt3A_1671 : vector<16xi32>
      %add3A_1673 = arith.constant 16 : i32
      %add3A_1674 = vector.broadcast %add3A_1673 : i32 to vector<16xi32>
      %add3A_1675 = arith.addi %broadcast_in_dim3A_1659, %add3A_1674 : vector<16xi32>
      %select_n3A_1676 = arith.select %lt3A_1672, %add3A_1675, %broadcast_in_dim3A_1659 : vector<16xi1>, vector<16xi32>
      %broadcast_in_dim3A_1677 = vector.shape_cast %select_n3A_1676 : vector<16xi32> to vector<16x1xi32>
      %gather3A_1678 = vector.shape_cast %broadcast_in_dim3A_1677 : vector<16x1xi32> to vector<16xi32>
      %gather3A_1679 = tpu.dynamic_gather %get3A_175[%gather3A_1678] in [0] : vector<16xf32>, vector<16xi32> -> vector<16xf32>
      %gather3A_1680 = tpu.vector_load_idx %arg11[%add3A_187, %broadcast_in_dim3A_1657] : memref<512x64xf32, #tpu.memory_space<vmem>>[vector<16xi32>, vector<16xi32>], vector<16xf32>,
      %gather3A_1681 = tpu.vector_load_idx %arg12[%add3A_187, %broadcast_in_dim3A_1657] : memref<512x64xf32, #tpu.memory_space<vmem>>[vector<16xi32>, vector<16xi32>], vector<16xf32>,
      %mul3A_1682 = arith.mulf %gather3A_1680, %gather3A_1669 : vector<16xf32>
      %add3A_1683 = arith.addf %add3A_1655, %mul3A_1682 : vector<16xf32>
      %mul3A_1684 = arith.mulf %gather3A_1681, %gather3A_1679 : vector<16xf32>
      %add3A_1685 = arith.addf %add3A_1683, %mul3A_1684 : vector<16xf32>
      %broadcast_in_dim3A_1686 = arith.constant 50 : i32
      %broadcast_in_dim3A_1687 = vector.broadcast %broadcast_in_dim3A_1686 : i32 to vector<16xi32>
      %broadcast_in_dim3A_1688 = arith.constant 2 : i32
      %broadcast_in_dim3A_1689 = vector.broadcast %broadcast_in_dim3A_1688 : i32 to vector<16xi32>
      %lt3A_1690 = arith.constant 0 : i32
      %lt3A_1691 = vector.broadcast %lt3A_1690 : i32 to vector<16xi32>
      %lt3A_1692 = arith.cmpi slt, %broadcast_in_dim3A_1689, %lt3A_1691 : vector<16xi32>
      %add3A_1693 = arith.constant 16 : i32
      %add3A_1694 = vector.broadcast %add3A_1693 : i32 to vector<16xi32>
      %add3A_1695 = arith.addi %broadcast_in_dim3A_1689, %add3A_1694 : vector<16xi32>
      %select_n3A_1696 = arith.select %lt3A_1692, %add3A_1695, %broadcast_in_dim3A_1689 : vector<16xi1>, vector<16xi32>
      %broadcast_in_dim3A_1697 = vector.shape_cast %select_n3A_1696 : vector<16xi32> to vector<16x1xi32>
      %gather3A_1698 = vector.shape_cast %broadcast_in_dim3A_1697 : vector<16x1xi32> to vector<16xi32>
      %gather3A_1699 = tpu.dynamic_gather %get3A_167[%gather3A_1698] in [0] : vector<16xf32>, vector<16xi32> -> vector<16xf32>
      %lt3A_1700 = arith.constant 0 : i32
      %lt3A_1701 = vector.broadcast %lt3A_1700 : i32 to vector<16xi32>
      %lt3A_1702 = arith.cmpi slt, %broadcast_in_dim3A_1689, %lt3A_1701 : vector<16xi32>
      %add3A_1703 = arith.constant 16 : i32
      %add3A_1704 = vector.broadcast %add3A_1703 : i32 to vector<16xi32>
      %add3A_1705 = arith.addi %broadcast_in_dim3A_1689, %add3A_1704 : vector<16xi32>
      %select_n3A_1706 = arith.select %lt3A_1702, %add3A_1705, %broadcast_in_dim3A_1689 : vector<16xi1>, vector<16xi32>
      %broadcast_in_dim3A_1707 = vector.shape_cast %select_n3A_1706 : vector<16xi32> to vector<16x1xi32>
      %gather3A_1708 = vector.shape_cast %broadcast_in_dim3A_1707 : vector<16x1xi32> to vector<16xi32>
      %gather3A_1709 = tpu.dynamic_gather %get3A_175[%gather3A_1708] in [0] : vector<16xf32>, vector<16xi32> -> vector<16xf32>
      %gather3A_1710 = tpu.vector_load_idx %arg11[%add3A_187, %broadcast_in_dim3A_1687] : memref<512x64xf32, #tpu.memory_space<vmem>>[vector<16xi32>, vector<16xi32>], vector<16xf32>,
      %gather3A_1711 = tpu.vector_load_idx %arg12[%add3A_187, %broadcast_in_dim3A_1687] : memref<512x64xf32, #tpu.memory_space<vmem>>[vector<16xi32>, vector<16xi32>], vector<16xf32>,
      %mul3A_1712 = arith.mulf %gather3A_1710, %gather3A_1699 : vector<16xf32>
      %add3A_1713 = arith.addf %add3A_1685, %mul3A_1712 : vector<16xf32>
      %mul3A_1714 = arith.mulf %gather3A_1711, %gather3A_1709 : vector<16xf32>
      %add3A_1715 = arith.addf %add3A_1713, %mul3A_1714 : vector<16xf32>
      %broadcast_in_dim3A_1716 = arith.constant 51 : i32
      %broadcast_in_dim3A_1717 = vector.broadcast %broadcast_in_dim3A_1716 : i32 to vector<16xi32>
      %broadcast_in_dim3A_1718 = arith.constant 3 : i32
      %broadcast_in_dim3A_1719 = vector.broadcast %broadcast_in_dim3A_1718 : i32 to vector<16xi32>
      %lt3A_1720 = arith.constant 0 : i32
      %lt3A_1721 = vector.broadcast %lt3A_1720 : i32 to vector<16xi32>
      %lt3A_1722 = arith.cmpi slt, %broadcast_in_dim3A_1719, %lt3A_1721 : vector<16xi32>
      %add3A_1723 = arith.constant 16 : i32
      %add3A_1724 = vector.broadcast %add3A_1723 : i32 to vector<16xi32>
      %add3A_1725 = arith.addi %broadcast_in_dim3A_1719, %add3A_1724 : vector<16xi32>
      %select_n3A_1726 = arith.select %lt3A_1722, %add3A_1725, %broadcast_in_dim3A_1719 : vector<16xi1>, vector<16xi32>
      %broadcast_in_dim3A_1727 = vector.shape_cast %select_n3A_1726 : vector<16xi32> to vector<16x1xi32>
      %gather3A_1728 = vector.shape_cast %broadcast_in_dim3A_1727 : vector<16x1xi32> to vector<16xi32>
      %gather3A_1729 = tpu.dynamic_gather %get3A_167[%gather3A_1728] in [0] : vector<16xf32>, vector<16xi32> -> vector<16xf32>
      %lt3A_1730 = arith.constant 0 : i32
      %lt3A_1731 = vector.broadcast %lt3A_1730 : i32 to vector<16xi32>
      %lt3A_1732 = arith.cmpi slt, %broadcast_in_dim3A_1719, %lt3A_1731 : vector<16xi32>
      %add3A_1733 = arith.constant 16 : i32
      %add3A_1734 = vector.broadcast %add3A_1733 : i32 to vector<16xi32>
      %add3A_1735 = arith.addi %broadcast_in_dim3A_1719, %add3A_1734 : vector<16xi32>
      %select_n3A_1736 = arith.select %lt3A_1732, %add3A_1735, %broadcast_in_dim3A_1719 : vector<16xi1>, vector<16xi32>
      %broadcast_in_dim3A_1737 = vector.shape_cast %select_n3A_1736 : vector<16xi32> to vector<16x1xi32>
      %gather3A_1738 = vector.shape_cast %broadcast_in_dim3A_1737 : vector<16x1xi32> to vector<16xi32>
      %gather3A_1739 = tpu.dynamic_gather %get3A_175[%gather3A_1738] in [0] : vector<16xf32>, vector<16xi32> -> vector<16xf32>
      %gather3A_1740 = tpu.vector_load_idx %arg11[%add3A_187, %broadcast_in_dim3A_1717] : memref<512x64xf32, #tpu.memory_space<vmem>>[vector<16xi32>, vector<16xi32>], vector<16xf32>,
      %gather3A_1741 = tpu.vector_load_idx %arg12[%add3A_187, %broadcast_in_dim3A_1717] : memref<512x64xf32, #tpu.memory_space<vmem>>[vector<16xi32>, vector<16xi32>], vector<16xf32>,
      %mul3A_1742 = arith.mulf %gather3A_1740, %gather3A_1729 : vector<16xf32>
      %add3A_1743 = arith.addf %add3A_1715, %mul3A_1742 : vector<16xf32>
      %mul3A_1744 = arith.mulf %gather3A_1741, %gather3A_1739 : vector<16xf32>
      %add3A_1745 = arith.addf %add3A_1743, %mul3A_1744 : vector<16xf32>
      %broadcast_in_dim3A_1746 = arith.constant 52 : i32
      %broadcast_in_dim3A_1747 = vector.broadcast %broadcast_in_dim3A_1746 : i32 to vector<16xi32>
      %broadcast_in_dim3A_1748 = arith.constant 4 : i32
      %broadcast_in_dim3A_1749 = vector.broadcast %broadcast_in_dim3A_1748 : i32 to vector<16xi32>
      %lt3A_1750 = arith.constant 0 : i32
      %lt3A_1751 = vector.broadcast %lt3A_1750 : i32 to vector<16xi32>
      %lt3A_1752 = arith.cmpi slt, %broadcast_in_dim3A_1749, %lt3A_1751 : vector<16xi32>
      %add3A_1753 = arith.constant 16 : i32
      %add3A_1754 = vector.broadcast %add3A_1753 : i32 to vector<16xi32>
      %add3A_1755 = arith.addi %broadcast_in_dim3A_1749, %add3A_1754 : vector<16xi32>
      %select_n3A_1756 = arith.select %lt3A_1752, %add3A_1755, %broadcast_in_dim3A_1749 : vector<16xi1>, vector<16xi32>
      %broadcast_in_dim3A_1757 = vector.shape_cast %select_n3A_1756 : vector<16xi32> to vector<16x1xi32>
      %gather3A_1758 = vector.shape_cast %broadcast_in_dim3A_1757 : vector<16x1xi32> to vector<16xi32>
      %gather3A_1759 = tpu.dynamic_gather %get3A_167[%gather3A_1758] in [0] : vector<16xf32>, vector<16xi32> -> vector<16xf32>
      %lt3A_1760 = arith.constant 0 : i32
      %lt3A_1761 = vector.broadcast %lt3A_1760 : i32 to vector<16xi32>
      %lt3A_1762 = arith.cmpi slt, %broadcast_in_dim3A_1749, %lt3A_1761 : vector<16xi32>
      %add3A_1763 = arith.constant 16 : i32
      %add3A_1764 = vector.broadcast %add3A_1763 : i32 to vector<16xi32>
      %add3A_1765 = arith.addi %broadcast_in_dim3A_1749, %add3A_1764 : vector<16xi32>
      %select_n3A_1766 = arith.select %lt3A_1762, %add3A_1765, %broadcast_in_dim3A_1749 : vector<16xi1>, vector<16xi32>
      %broadcast_in_dim3A_1767 = vector.shape_cast %select_n3A_1766 : vector<16xi32> to vector<16x1xi32>
      %gather3A_1768 = vector.shape_cast %broadcast_in_dim3A_1767 : vector<16x1xi32> to vector<16xi32>
      %gather3A_1769 = tpu.dynamic_gather %get3A_175[%gather3A_1768] in [0] : vector<16xf32>, vector<16xi32> -> vector<16xf32>
      %gather3A_1770 = tpu.vector_load_idx %arg11[%add3A_187, %broadcast_in_dim3A_1747] : memref<512x64xf32, #tpu.memory_space<vmem>>[vector<16xi32>, vector<16xi32>], vector<16xf32>,
      %gather3A_1771 = tpu.vector_load_idx %arg12[%add3A_187, %broadcast_in_dim3A_1747] : memref<512x64xf32, #tpu.memory_space<vmem>>[vector<16xi32>, vector<16xi32>], vector<16xf32>,
      %mul3A_1772 = arith.mulf %gather3A_1770, %gather3A_1759 : vector<16xf32>
      %add3A_1773 = arith.addf %add3A_1745, %mul3A_1772 : vector<16xf32>
      %mul3A_1774 = arith.mulf %gather3A_1771, %gather3A_1769 : vector<16xf32>
      %add3A_1775 = arith.addf %add3A_1773, %mul3A_1774 : vector<16xf32>
      %broadcast_in_dim3A_1776 = arith.constant 53 : i32
      %broadcast_in_dim3A_1777 = vector.broadcast %broadcast_in_dim3A_1776 : i32 to vector<16xi32>
      %broadcast_in_dim3A_1778 = arith.constant 5 : i32
      %broadcast_in_dim3A_1779 = vector.broadcast %broadcast_in_dim3A_1778 : i32 to vector<16xi32>
      %lt3A_1780 = arith.constant 0 : i32
      %lt3A_1781 = vector.broadcast %lt3A_1780 : i32 to vector<16xi32>
      %lt3A_1782 = arith.cmpi slt, %broadcast_in_dim3A_1779, %lt3A_1781 : vector<16xi32>
      %add3A_1783 = arith.constant 16 : i32
      %add3A_1784 = vector.broadcast %add3A_1783 : i32 to vector<16xi32>
      %add3A_1785 = arith.addi %broadcast_in_dim3A_1779, %add3A_1784 : vector<16xi32>
      %select_n3A_1786 = arith.select %lt3A_1782, %add3A_1785, %broadcast_in_dim3A_1779 : vector<16xi1>, vector<16xi32>
      %broadcast_in_dim3A_1787 = vector.shape_cast %select_n3A_1786 : vector<16xi32> to vector<16x1xi32>
      %gather3A_1788 = vector.shape_cast %broadcast_in_dim3A_1787 : vector<16x1xi32> to vector<16xi32>
      %gather3A_1789 = tpu.dynamic_gather %get3A_167[%gather3A_1788] in [0] : vector<16xf32>, vector<16xi32> -> vector<16xf32>
      %lt3A_1790 = arith.constant 0 : i32
      %lt3A_1791 = vector.broadcast %lt3A_1790 : i32 to vector<16xi32>
      %lt3A_1792 = arith.cmpi slt, %broadcast_in_dim3A_1779, %lt3A_1791 : vector<16xi32>
      %add3A_1793 = arith.constant 16 : i32
      %add3A_1794 = vector.broadcast %add3A_1793 : i32 to vector<16xi32>
      %add3A_1795 = arith.addi %broadcast_in_dim3A_1779, %add3A_1794 : vector<16xi32>
      %select_n3A_1796 = arith.select %lt3A_1792, %add3A_1795, %broadcast_in_dim3A_1779 : vector<16xi1>, vector<16xi32>
      %broadcast_in_dim3A_1797 = vector.shape_cast %select_n3A_1796 : vector<16xi32> to vector<16x1xi32>
      %gather3A_1798 = vector.shape_cast %broadcast_in_dim3A_1797 : vector<16x1xi32> to vector<16xi32>
      %gather3A_1799 = tpu.dynamic_gather %get3A_175[%gather3A_1798] in [0] : vector<16xf32>, vector<16xi32> -> vector<16xf32>
      %gather3A_1800 = tpu.vector_load_idx %arg11[%add3A_187, %broadcast_in_dim3A_1777] : memref<512x64xf32, #tpu.memory_space<vmem>>[vector<16xi32>, vector<16xi32>], vector<16xf32>,
      %gather3A_1801 = tpu.vector_load_idx %arg12[%add3A_187, %broadcast_in_dim3A_1777] : memref<512x64xf32, #tpu.memory_space<vmem>>[vector<16xi32>, vector<16xi32>], vector<16xf32>,
      %mul3A_1802 = arith.mulf %gather3A_1800, %gather3A_1789 : vector<16xf32>
      %add3A_1803 = arith.addf %add3A_1775, %mul3A_1802 : vector<16xf32>
      %mul3A_1804 = arith.mulf %gather3A_1801, %gather3A_1799 : vector<16xf32>
      %add3A_1805 = arith.addf %add3A_1803, %mul3A_1804 : vector<16xf32>
      %broadcast_in_dim3A_1806 = arith.constant 54 : i32
      %broadcast_in_dim3A_1807 = vector.broadcast %broadcast_in_dim3A_1806 : i32 to vector<16xi32>
      %broadcast_in_dim3A_1808 = arith.constant 6 : i32
      %broadcast_in_dim3A_1809 = vector.broadcast %broadcast_in_dim3A_1808 : i32 to vector<16xi32>
      %lt3A_1810 = arith.constant 0 : i32
      %lt3A_1811 = vector.broadcast %lt3A_1810 : i32 to vector<16xi32>
      %lt3A_1812 = arith.cmpi slt, %broadcast_in_dim3A_1809, %lt3A_1811 : vector<16xi32>
      %add3A_1813 = arith.constant 16 : i32
      %add3A_1814 = vector.broadcast %add3A_1813 : i32 to vector<16xi32>
      %add3A_1815 = arith.addi %broadcast_in_dim3A_1809, %add3A_1814 : vector<16xi32>
      %select_n3A_1816 = arith.select %lt3A_1812, %add3A_1815, %broadcast_in_dim3A_1809 : vector<16xi1>, vector<16xi32>
      %broadcast_in_dim3A_1817 = vector.shape_cast %select_n3A_1816 : vector<16xi32> to vector<16x1xi32>
      %gather3A_1818 = vector.shape_cast %broadcast_in_dim3A_1817 : vector<16x1xi32> to vector<16xi32>
      %gather3A_1819 = tpu.dynamic_gather %get3A_167[%gather3A_1818] in [0] : vector<16xf32>, vector<16xi32> -> vector<16xf32>
      %lt3A_1820 = arith.constant 0 : i32
      %lt3A_1821 = vector.broadcast %lt3A_1820 : i32 to vector<16xi32>
      %lt3A_1822 = arith.cmpi slt, %broadcast_in_dim3A_1809, %lt3A_1821 : vector<16xi32>
      %add3A_1823 = arith.constant 16 : i32
      %add3A_1824 = vector.broadcast %add3A_1823 : i32 to vector<16xi32>
      %add3A_1825 = arith.addi %broadcast_in_dim3A_1809, %add3A_1824 : vector<16xi32>
      %select_n3A_1826 = arith.select %lt3A_1822, %add3A_1825, %broadcast_in_dim3A_1809 : vector<16xi1>, vector<16xi32>
      %broadcast_in_dim3A_1827 = vector.shape_cast %select_n3A_1826 : vector<16xi32> to vector<16x1xi32>
      %gather3A_1828 = vector.shape_cast %broadcast_in_dim3A_1827 : vector<16x1xi32> to vector<16xi32>
      %gather3A_1829 = tpu.dynamic_gather %get3A_175[%gather3A_1828] in [0] : vector<16xf32>, vector<16xi32> -> vector<16xf32>
      %gather3A_1830 = tpu.vector_load_idx %arg11[%add3A_187, %broadcast_in_dim3A_1807] : memref<512x64xf32, #tpu.memory_space<vmem>>[vector<16xi32>, vector<16xi32>], vector<16xf32>,
      %gather3A_1831 = tpu.vector_load_idx %arg12[%add3A_187, %broadcast_in_dim3A_1807] : memref<512x64xf32, #tpu.memory_space<vmem>>[vector<16xi32>, vector<16xi32>], vector<16xf32>,
      %mul3A_1832 = arith.mulf %gather3A_1830, %gather3A_1819 : vector<16xf32>
      %add3A_1833 = arith.addf %add3A_1805, %mul3A_1832 : vector<16xf32>
      %mul3A_1834 = arith.mulf %gather3A_1831, %gather3A_1829 : vector<16xf32>
      %add3A_1835 = arith.addf %add3A_1833, %mul3A_1834 : vector<16xf32>
      %broadcast_in_dim3A_1836 = arith.constant 55 : i32
      %broadcast_in_dim3A_1837 = vector.broadcast %broadcast_in_dim3A_1836 : i32 to vector<16xi32>
      %broadcast_in_dim3A_1838 = arith.constant 7 : i32
      %broadcast_in_dim3A_1839 = vector.broadcast %broadcast_in_dim3A_1838 : i32 to vector<16xi32>
      %lt3A_1840 = arith.constant 0 : i32
      %lt3A_1841 = vector.broadcast %lt3A_1840 : i32 to vector<16xi32>
      %lt3A_1842 = arith.cmpi slt, %broadcast_in_dim3A_1839, %lt3A_1841 : vector<16xi32>
      %add3A_1843 = arith.constant 16 : i32
      %add3A_1844 = vector.broadcast %add3A_1843 : i32 to vector<16xi32>
      %add3A_1845 = arith.addi %broadcast_in_dim3A_1839, %add3A_1844 : vector<16xi32>
      %select_n3A_1846 = arith.select %lt3A_1842, %add3A_1845, %broadcast_in_dim3A_1839 : vector<16xi1>, vector<16xi32>
      %broadcast_in_dim3A_1847 = vector.shape_cast %select_n3A_1846 : vector<16xi32> to vector<16x1xi32>
      %gather3A_1848 = vector.shape_cast %broadcast_in_dim3A_1847 : vector<16x1xi32> to vector<16xi32>
      %gather3A_1849 = tpu.dynamic_gather %get3A_167[%gather3A_1848] in [0] : vector<16xf32>, vector<16xi32> -> vector<16xf32>
      %lt3A_1850 = arith.constant 0 : i32
      %lt3A_1851 = vector.broadcast %lt3A_1850 : i32 to vector<16xi32>
      %lt3A_1852 = arith.cmpi slt, %broadcast_in_dim3A_1839, %lt3A_1851 : vector<16xi32>
      %add3A_1853 = arith.constant 16 : i32
      %add3A_1854 = vector.broadcast %add3A_1853 : i32 to vector<16xi32>
      %add3A_1855 = arith.addi %broadcast_in_dim3A_1839, %add3A_1854 : vector<16xi32>
      %select_n3A_1856 = arith.select %lt3A_1852, %add3A_1855, %broadcast_in_dim3A_1839 : vector<16xi1>, vector<16xi32>
      %broadcast_in_dim3A_1857 = vector.shape_cast %select_n3A_1856 : vector<16xi32> to vector<16x1xi32>
      %gather3A_1858 = vector.shape_cast %broadcast_in_dim3A_1857 : vector<16x1xi32> to vector<16xi32>
      %gather3A_1859 = tpu.dynamic_gather %get3A_175[%gather3A_1858] in [0] : vector<16xf32>, vector<16xi32> -> vector<16xf32>
      %gather3A_1860 = tpu.vector_load_idx %arg11[%add3A_187, %broadcast_in_dim3A_1837] : memref<512x64xf32, #tpu.memory_space<vmem>>[vector<16xi32>, vector<16xi32>], vector<16xf32>,
      %gather3A_1861 = tpu.vector_load_idx %arg12[%add3A_187, %broadcast_in_dim3A_1837] : memref<512x64xf32, #tpu.memory_space<vmem>>[vector<16xi32>, vector<16xi32>], vector<16xf32>,
      %mul3A_1862 = arith.mulf %gather3A_1860, %gather3A_1849 : vector<16xf32>
      %add3A_1863 = arith.addf %add3A_1835, %mul3A_1862 : vector<16xf32>
      %mul3A_1864 = arith.mulf %gather3A_1861, %gather3A_1859 : vector<16xf32>
      %add3A_1865 = arith.addf %add3A_1863, %mul3A_1864 : vector<16xf32>
      %broadcast_in_dim3A_1866 = arith.constant 56 : i32
      %broadcast_in_dim3A_1867 = vector.broadcast %broadcast_in_dim3A_1866 : i32 to vector<16xi32>
      %broadcast_in_dim3A_1868 = arith.constant 8 : i32
      %broadcast_in_dim3A_1869 = vector.broadcast %broadcast_in_dim3A_1868 : i32 to vector<16xi32>
      %lt3A_1870 = arith.constant 0 : i32
      %lt3A_1871 = vector.broadcast %lt3A_1870 : i32 to vector<16xi32>
      %lt3A_1872 = arith.cmpi slt, %broadcast_in_dim3A_1869, %lt3A_1871 : vector<16xi32>
      %add3A_1873 = arith.constant 16 : i32
      %add3A_1874 = vector.broadcast %add3A_1873 : i32 to vector<16xi32>
      %add3A_1875 = arith.addi %broadcast_in_dim3A_1869, %add3A_1874 : vector<16xi32>
      %select_n3A_1876 = arith.select %lt3A_1872, %add3A_1875, %broadcast_in_dim3A_1869 : vector<16xi1>, vector<16xi32>
      %broadcast_in_dim3A_1877 = vector.shape_cast %select_n3A_1876 : vector<16xi32> to vector<16x1xi32>
      %gather3A_1878 = vector.shape_cast %broadcast_in_dim3A_1877 : vector<16x1xi32> to vector<16xi32>
      %gather3A_1879 = tpu.dynamic_gather %get3A_167[%gather3A_1878] in [0] : vector<16xf32>, vector<16xi32> -> vector<16xf32>
      %lt3A_1880 = arith.constant 0 : i32
      %lt3A_1881 = vector.broadcast %lt3A_1880 : i32 to vector<16xi32>
      %lt3A_1882 = arith.cmpi slt, %broadcast_in_dim3A_1869, %lt3A_1881 : vector<16xi32>
      %add3A_1883 = arith.constant 16 : i32
      %add3A_1884 = vector.broadcast %add3A_1883 : i32 to vector<16xi32>
      %add3A_1885 = arith.addi %broadcast_in_dim3A_1869, %add3A_1884 : vector<16xi32>
      %select_n3A_1886 = arith.select %lt3A_1882, %add3A_1885, %broadcast_in_dim3A_1869 : vector<16xi1>, vector<16xi32>
      %broadcast_in_dim3A_1887 = vector.shape_cast %select_n3A_1886 : vector<16xi32> to vector<16x1xi32>
      %gather3A_1888 = vector.shape_cast %broadcast_in_dim3A_1887 : vector<16x1xi32> to vector<16xi32>
      %gather3A_1889 = tpu.dynamic_gather %get3A_175[%gather3A_1888] in [0] : vector<16xf32>, vector<16xi32> -> vector<16xf32>
      %gather3A_1890 = tpu.vector_load_idx %arg11[%add3A_187, %broadcast_in_dim3A_1867] : memref<512x64xf32, #tpu.memory_space<vmem>>[vector<16xi32>, vector<16xi32>], vector<16xf32>,
      %gather3A_1891 = tpu.vector_load_idx %arg12[%add3A_187, %broadcast_in_dim3A_1867] : memref<512x64xf32, #tpu.memory_space<vmem>>[vector<16xi32>, vector<16xi32>], vector<16xf32>,
      %mul3A_1892 = arith.mulf %gather3A_1890, %gather3A_1879 : vector<16xf32>
      %add3A_1893 = arith.addf %add3A_1865, %mul3A_1892 : vector<16xf32>
      %mul3A_1894 = arith.mulf %gather3A_1891, %gather3A_1889 : vector<16xf32>
      %add3A_1895 = arith.addf %add3A_1893, %mul3A_1894 : vector<16xf32>
      %broadcast_in_dim3A_1896 = arith.constant 57 : i32
      %broadcast_in_dim3A_1897 = vector.broadcast %broadcast_in_dim3A_1896 : i32 to vector<16xi32>
      %broadcast_in_dim3A_1898 = arith.constant 9 : i32
      %broadcast_in_dim3A_1899 = vector.broadcast %broadcast_in_dim3A_1898 : i32 to vector<16xi32>
      %lt3A_1900 = arith.constant 0 : i32
      %lt3A_1901 = vector.broadcast %lt3A_1900 : i32 to vector<16xi32>
      %lt3A_1902 = arith.cmpi slt, %broadcast_in_dim3A_1899, %lt3A_1901 : vector<16xi32>
      %add3A_1903 = arith.constant 16 : i32
      %add3A_1904 = vector.broadcast %add3A_1903 : i32 to vector<16xi32>
      %add3A_1905 = arith.addi %broadcast_in_dim3A_1899, %add3A_1904 : vector<16xi32>
      %select_n3A_1906 = arith.select %lt3A_1902, %add3A_1905, %broadcast_in_dim3A_1899 : vector<16xi1>, vector<16xi32>
      %broadcast_in_dim3A_1907 = vector.shape_cast %select_n3A_1906 : vector<16xi32> to vector<16x1xi32>
      %gather3A_1908 = vector.shape_cast %broadcast_in_dim3A_1907 : vector<16x1xi32> to vector<16xi32>
      %gather3A_1909 = tpu.dynamic_gather %get3A_167[%gather3A_1908] in [0] : vector<16xf32>, vector<16xi32> -> vector<16xf32>
      %lt3A_1910 = arith.constant 0 : i32
      %lt3A_1911 = vector.broadcast %lt3A_1910 : i32 to vector<16xi32>
      %lt3A_1912 = arith.cmpi slt, %broadcast_in_dim3A_1899, %lt3A_1911 : vector<16xi32>
      %add3A_1913 = arith.constant 16 : i32
      %add3A_1914 = vector.broadcast %add3A_1913 : i32 to vector<16xi32>
      %add3A_1915 = arith.addi %broadcast_in_dim3A_1899, %add3A_1914 : vector<16xi32>
      %select_n3A_1916 = arith.select %lt3A_1912, %add3A_1915, %broadcast_in_dim3A_1899 : vector<16xi1>, vector<16xi32>
      %broadcast_in_dim3A_1917 = vector.shape_cast %select_n3A_1916 : vector<16xi32> to vector<16x1xi32>
      %gather3A_1918 = vector.shape_cast %broadcast_in_dim3A_1917 : vector<16x1xi32> to vector<16xi32>
      %gather3A_1919 = tpu.dynamic_gather %get3A_175[%gather3A_1918] in [0] : vector<16xf32>, vector<16xi32> -> vector<16xf32>
      %gather3A_1920 = tpu.vector_load_idx %arg11[%add3A_187, %broadcast_in_dim3A_1897] : memref<512x64xf32, #tpu.memory_space<vmem>>[vector<16xi32>, vector<16xi32>], vector<16xf32>,
      %gather3A_1921 = tpu.vector_load_idx %arg12[%add3A_187, %broadcast_in_dim3A_1897] : memref<512x64xf32, #tpu.memory_space<vmem>>[vector<16xi32>, vector<16xi32>], vector<16xf32>,
      %mul3A_1922 = arith.mulf %gather3A_1920, %gather3A_1909 : vector<16xf32>
      %add3A_1923 = arith.addf %add3A_1895, %mul3A_1922 : vector<16xf32>
      %mul3A_1924 = arith.mulf %gather3A_1921, %gather3A_1919 : vector<16xf32>
      %add3A_1925 = arith.addf %add3A_1923, %mul3A_1924 : vector<16xf32>
      %broadcast_in_dim3A_1926 = arith.constant 58 : i32
      %broadcast_in_dim3A_1927 = vector.broadcast %broadcast_in_dim3A_1926 : i32 to vector<16xi32>
      %broadcast_in_dim3A_1928 = arith.constant 10 : i32
      %broadcast_in_dim3A_1929 = vector.broadcast %broadcast_in_dim3A_1928 : i32 to vector<16xi32>
      %lt3A_1930 = arith.constant 0 : i32
      %lt3A_1931 = vector.broadcast %lt3A_1930 : i32 to vector<16xi32>
      %lt3A_1932 = arith.cmpi slt, %broadcast_in_dim3A_1929, %lt3A_1931 : vector<16xi32>
      %add3A_1933 = arith.constant 16 : i32
      %add3A_1934 = vector.broadcast %add3A_1933 : i32 to vector<16xi32>
      %add3A_1935 = arith.addi %broadcast_in_dim3A_1929, %add3A_1934 : vector<16xi32>
      %select_n3A_1936 = arith.select %lt3A_1932, %add3A_1935, %broadcast_in_dim3A_1929 : vector<16xi1>, vector<16xi32>
      %broadcast_in_dim3A_1937 = vector.shape_cast %select_n3A_1936 : vector<16xi32> to vector<16x1xi32>
      %gather3A_1938 = vector.shape_cast %broadcast_in_dim3A_1937 : vector<16x1xi32> to vector<16xi32>
      %gather3A_1939 = tpu.dynamic_gather %get3A_167[%gather3A_1938] in [0] : vector<16xf32>, vector<16xi32> -> vector<16xf32>
      %lt3A_1940 = arith.constant 0 : i32
      %lt3A_1941 = vector.broadcast %lt3A_1940 : i32 to vector<16xi32>
      %lt3A_1942 = arith.cmpi slt, %broadcast_in_dim3A_1929, %lt3A_1941 : vector<16xi32>
      %add3A_1943 = arith.constant 16 : i32
      %add3A_1944 = vector.broadcast %add3A_1943 : i32 to vector<16xi32>
      %add3A_1945 = arith.addi %broadcast_in_dim3A_1929, %add3A_1944 : vector<16xi32>
      %select_n3A_1946 = arith.select %lt3A_1942, %add3A_1945, %broadcast_in_dim3A_1929 : vector<16xi1>, vector<16xi32>
      %broadcast_in_dim3A_1947 = vector.shape_cast %select_n3A_1946 : vector<16xi32> to vector<16x1xi32>
      %gather3A_1948 = vector.shape_cast %broadcast_in_dim3A_1947 : vector<16x1xi32> to vector<16xi32>
      %gather3A_1949 = tpu.dynamic_gather %get3A_175[%gather3A_1948] in [0] : vector<16xf32>, vector<16xi32> -> vector<16xf32>
      %gather3A_1950 = tpu.vector_load_idx %arg11[%add3A_187, %broadcast_in_dim3A_1927] : memref<512x64xf32, #tpu.memory_space<vmem>>[vector<16xi32>, vector<16xi32>], vector<16xf32>,
      %gather3A_1951 = tpu.vector_load_idx %arg12[%add3A_187, %broadcast_in_dim3A_1927] : memref<512x64xf32, #tpu.memory_space<vmem>>[vector<16xi32>, vector<16xi32>], vector<16xf32>,
      %mul3A_1952 = arith.mulf %gather3A_1950, %gather3A_1939 : vector<16xf32>
      %add3A_1953 = arith.addf %add3A_1925, %mul3A_1952 : vector<16xf32>
      %mul3A_1954 = arith.mulf %gather3A_1951, %gather3A_1949 : vector<16xf32>
      %add3A_1955 = arith.addf %add3A_1953, %mul3A_1954 : vector<16xf32>
      %broadcast_in_dim3A_1956 = arith.constant 59 : i32
      %broadcast_in_dim3A_1957 = vector.broadcast %broadcast_in_dim3A_1956 : i32 to vector<16xi32>
      %broadcast_in_dim3A_1958 = arith.constant 11 : i32
      %broadcast_in_dim3A_1959 = vector.broadcast %broadcast_in_dim3A_1958 : i32 to vector<16xi32>
      %lt3A_1960 = arith.constant 0 : i32
      %lt3A_1961 = vector.broadcast %lt3A_1960 : i32 to vector<16xi32>
      %lt3A_1962 = arith.cmpi slt, %broadcast_in_dim3A_1959, %lt3A_1961 : vector<16xi32>
      %add3A_1963 = arith.constant 16 : i32
      %add3A_1964 = vector.broadcast %add3A_1963 : i32 to vector<16xi32>
      %add3A_1965 = arith.addi %broadcast_in_dim3A_1959, %add3A_1964 : vector<16xi32>
      %select_n3A_1966 = arith.select %lt3A_1962, %add3A_1965, %broadcast_in_dim3A_1959 : vector<16xi1>, vector<16xi32>
      %broadcast_in_dim3A_1967 = vector.shape_cast %select_n3A_1966 : vector<16xi32> to vector<16x1xi32>
      %gather3A_1968 = vector.shape_cast %broadcast_in_dim3A_1967 : vector<16x1xi32> to vector<16xi32>
      %gather3A_1969 = tpu.dynamic_gather %get3A_167[%gather3A_1968] in [0] : vector<16xf32>, vector<16xi32> -> vector<16xf32>
      %lt3A_1970 = arith.constant 0 : i32
      %lt3A_1971 = vector.broadcast %lt3A_1970 : i32 to vector<16xi32>
      %lt3A_1972 = arith.cmpi slt, %broadcast_in_dim3A_1959, %lt3A_1971 : vector<16xi32>
      %add3A_1973 = arith.constant 16 : i32
      %add3A_1974 = vector.broadcast %add3A_1973 : i32 to vector<16xi32>
      %add3A_1975 = arith.addi %broadcast_in_dim3A_1959, %add3A_1974 : vector<16xi32>
      %select_n3A_1976 = arith.select %lt3A_1972, %add3A_1975, %broadcast_in_dim3A_1959 : vector<16xi1>, vector<16xi32>
      %broadcast_in_dim3A_1977 = vector.shape_cast %select_n3A_1976 : vector<16xi32> to vector<16x1xi32>
      %gather3A_1978 = vector.shape_cast %broadcast_in_dim3A_1977 : vector<16x1xi32> to vector<16xi32>
      %gather3A_1979 = tpu.dynamic_gather %get3A_175[%gather3A_1978] in [0] : vector<16xf32>, vector<16xi32> -> vector<16xf32>
      %gather3A_1980 = tpu.vector_load_idx %arg11[%add3A_187, %broadcast_in_dim3A_1957] : memref<512x64xf32, #tpu.memory_space<vmem>>[vector<16xi32>, vector<16xi32>], vector<16xf32>,
      %gather3A_1981 = tpu.vector_load_idx %arg12[%add3A_187, %broadcast_in_dim3A_1957] : memref<512x64xf32, #tpu.memory_space<vmem>>[vector<16xi32>, vector<16xi32>], vector<16xf32>,
      %mul3A_1982 = arith.mulf %gather3A_1980, %gather3A_1969 : vector<16xf32>
      %add3A_1983 = arith.addf %add3A_1955, %mul3A_1982 : vector<16xf32>
      %mul3A_1984 = arith.mulf %gather3A_1981, %gather3A_1979 : vector<16xf32>
      %add3A_1985 = arith.addf %add3A_1983, %mul3A_1984 : vector<16xf32>
      %broadcast_in_dim3A_1986 = arith.constant 60 : i32
      %broadcast_in_dim3A_1987 = vector.broadcast %broadcast_in_dim3A_1986 : i32 to vector<16xi32>
      %broadcast_in_dim3A_1988 = arith.constant 12 : i32
      %broadcast_in_dim3A_1989 = vector.broadcast %broadcast_in_dim3A_1988 : i32 to vector<16xi32>
      %lt3A_1990 = arith.constant 0 : i32
      %lt3A_1991 = vector.broadcast %lt3A_1990 : i32 to vector<16xi32>
      %lt3A_1992 = arith.cmpi slt, %broadcast_in_dim3A_1989, %lt3A_1991 : vector<16xi32>
      %add3A_1993 = arith.constant 16 : i32
      %add3A_1994 = vector.broadcast %add3A_1993 : i32 to vector<16xi32>
      %add3A_1995 = arith.addi %broadcast_in_dim3A_1989, %add3A_1994 : vector<16xi32>
      %select_n3A_1996 = arith.select %lt3A_1992, %add3A_1995, %broadcast_in_dim3A_1989 : vector<16xi1>, vector<16xi32>
      %broadcast_in_dim3A_1997 = vector.shape_cast %select_n3A_1996 : vector<16xi32> to vector<16x1xi32>
      %gather3A_1998 = vector.shape_cast %broadcast_in_dim3A_1997 : vector<16x1xi32> to vector<16xi32>
      %gather3A_1999 = tpu.dynamic_gather %get3A_167[%gather3A_1998] in [0] : vector<16xf32>, vector<16xi32> -> vector<16xf32>
      %lt3A_2000 = arith.constant 0 : i32
      %lt3A_2001 = vector.broadcast %lt3A_2000 : i32 to vector<16xi32>
      %lt3A_2002 = arith.cmpi slt, %broadcast_in_dim3A_1989, %lt3A_2001 : vector<16xi32>
      %add3A_2003 = arith.constant 16 : i32
      %add3A_2004 = vector.broadcast %add3A_2003 : i32 to vector<16xi32>
      %add3A_2005 = arith.addi %broadcast_in_dim3A_1989, %add3A_2004 : vector<16xi32>
      %select_n3A_2006 = arith.select %lt3A_2002, %add3A_2005, %broadcast_in_dim3A_1989 : vector<16xi1>, vector<16xi32>
      %broadcast_in_dim3A_2007 = vector.shape_cast %select_n3A_2006 : vector<16xi32> to vector<16x1xi32>
      %gather3A_2008 = vector.shape_cast %broadcast_in_dim3A_2007 : vector<16x1xi32> to vector<16xi32>
      %gather3A_2009 = tpu.dynamic_gather %get3A_175[%gather3A_2008] in [0] : vector<16xf32>, vector<16xi32> -> vector<16xf32>
      %gather3A_2010 = tpu.vector_load_idx %arg11[%add3A_187, %broadcast_in_dim3A_1987] : memref<512x64xf32, #tpu.memory_space<vmem>>[vector<16xi32>, vector<16xi32>], vector<16xf32>,
      %gather3A_2011 = tpu.vector_load_idx %arg12[%add3A_187, %broadcast_in_dim3A_1987] : memref<512x64xf32, #tpu.memory_space<vmem>>[vector<16xi32>, vector<16xi32>], vector<16xf32>,
      %mul3A_2012 = arith.mulf %gather3A_2010, %gather3A_1999 : vector<16xf32>
      %add3A_2013 = arith.addf %add3A_1985, %mul3A_2012 : vector<16xf32>
      %mul3A_2014 = arith.mulf %gather3A_2011, %gather3A_2009 : vector<16xf32>
      %add3A_2015 = arith.addf %add3A_2013, %mul3A_2014 : vector<16xf32>
      %broadcast_in_dim3A_2016 = arith.constant 61 : i32
      %broadcast_in_dim3A_2017 = vector.broadcast %broadcast_in_dim3A_2016 : i32 to vector<16xi32>
      %broadcast_in_dim3A_2018 = arith.constant 13 : i32
      %broadcast_in_dim3A_2019 = vector.broadcast %broadcast_in_dim3A_2018 : i32 to vector<16xi32>
      %lt3A_2020 = arith.constant 0 : i32
      %lt3A_2021 = vector.broadcast %lt3A_2020 : i32 to vector<16xi32>
      %lt3A_2022 = arith.cmpi slt, %broadcast_in_dim3A_2019, %lt3A_2021 : vector<16xi32>
      %add3A_2023 = arith.constant 16 : i32
      %add3A_2024 = vector.broadcast %add3A_2023 : i32 to vector<16xi32>
      %add3A_2025 = arith.addi %broadcast_in_dim3A_2019, %add3A_2024 : vector<16xi32>
      %select_n3A_2026 = arith.select %lt3A_2022, %add3A_2025, %broadcast_in_dim3A_2019 : vector<16xi1>, vector<16xi32>
      %broadcast_in_dim3A_2027 = vector.shape_cast %select_n3A_2026 : vector<16xi32> to vector<16x1xi32>
      %gather3A_2028 = vector.shape_cast %broadcast_in_dim3A_2027 : vector<16x1xi32> to vector<16xi32>
      %gather3A_2029 = tpu.dynamic_gather %get3A_167[%gather3A_2028] in [0] : vector<16xf32>, vector<16xi32> -> vector<16xf32>
      %lt3A_2030 = arith.constant 0 : i32
      %lt3A_2031 = vector.broadcast %lt3A_2030 : i32 to vector<16xi32>
      %lt3A_2032 = arith.cmpi slt, %broadcast_in_dim3A_2019, %lt3A_2031 : vector<16xi32>
      %add3A_2033 = arith.constant 16 : i32
      %add3A_2034 = vector.broadcast %add3A_2033 : i32 to vector<16xi32>
      %add3A_2035 = arith.addi %broadcast_in_dim3A_2019, %add3A_2034 : vector<16xi32>
      %select_n3A_2036 = arith.select %lt3A_2032, %add3A_2035, %broadcast_in_dim3A_2019 : vector<16xi1>, vector<16xi32>
      %broadcast_in_dim3A_2037 = vector.shape_cast %select_n3A_2036 : vector<16xi32> to vector<16x1xi32>
      %gather3A_2038 = vector.shape_cast %broadcast_in_dim3A_2037 : vector<16x1xi32> to vector<16xi32>
      %gather3A_2039 = tpu.dynamic_gather %get3A_175[%gather3A_2038] in [0] : vector<16xf32>, vector<16xi32> -> vector<16xf32>
      %gather3A_2040 = tpu.vector_load_idx %arg11[%add3A_187, %broadcast_in_dim3A_2017] : memref<512x64xf32, #tpu.memory_space<vmem>>[vector<16xi32>, vector<16xi32>], vector<16xf32>,
      %gather3A_2041 = tpu.vector_load_idx %arg12[%add3A_187, %broadcast_in_dim3A_2017] : memref<512x64xf32, #tpu.memory_space<vmem>>[vector<16xi32>, vector<16xi32>], vector<16xf32>,
      %mul3A_2042 = arith.mulf %gather3A_2040, %gather3A_2029 : vector<16xf32>
      %add3A_2043 = arith.addf %add3A_2015, %mul3A_2042 : vector<16xf32>
      %mul3A_2044 = arith.mulf %gather3A_2041, %gather3A_2039 : vector<16xf32>
      %add3A_2045 = arith.addf %add3A_2043, %mul3A_2044 : vector<16xf32>
      %broadcast_in_dim3A_2046 = arith.constant 62 : i32
      %broadcast_in_dim3A_2047 = vector.broadcast %broadcast_in_dim3A_2046 : i32 to vector<16xi32>
      %broadcast_in_dim3A_2048 = arith.constant 14 : i32
      %broadcast_in_dim3A_2049 = vector.broadcast %broadcast_in_dim3A_2048 : i32 to vector<16xi32>
      %lt3A_2050 = arith.constant 0 : i32
      %lt3A_2051 = vector.broadcast %lt3A_2050 : i32 to vector<16xi32>
      %lt3A_2052 = arith.cmpi slt, %broadcast_in_dim3A_2049, %lt3A_2051 : vector<16xi32>
      %add3A_2053 = arith.constant 16 : i32
      %add3A_2054 = vector.broadcast %add3A_2053 : i32 to vector<16xi32>
      %add3A_2055 = arith.addi %broadcast_in_dim3A_2049, %add3A_2054 : vector<16xi32>
      %select_n3A_2056 = arith.select %lt3A_2052, %add3A_2055, %broadcast_in_dim3A_2049 : vector<16xi1>, vector<16xi32>
      %broadcast_in_dim3A_2057 = vector.shape_cast %select_n3A_2056 : vector<16xi32> to vector<16x1xi32>
      %gather3A_2058 = vector.shape_cast %broadcast_in_dim3A_2057 : vector<16x1xi32> to vector<16xi32>
      %gather3A_2059 = tpu.dynamic_gather %get3A_167[%gather3A_2058] in [0] : vector<16xf32>, vector<16xi32> -> vector<16xf32>
      %lt3A_2060 = arith.constant 0 : i32
      %lt3A_2061 = vector.broadcast %lt3A_2060 : i32 to vector<16xi32>
      %lt3A_2062 = arith.cmpi slt, %broadcast_in_dim3A_2049, %lt3A_2061 : vector<16xi32>
      %add3A_2063 = arith.constant 16 : i32
      %add3A_2064 = vector.broadcast %add3A_2063 : i32 to vector<16xi32>
      %add3A_2065 = arith.addi %broadcast_in_dim3A_2049, %add3A_2064 : vector<16xi32>
      %select_n3A_2066 = arith.select %lt3A_2062, %add3A_2065, %broadcast_in_dim3A_2049 : vector<16xi1>, vector<16xi32>
      %broadcast_in_dim3A_2067 = vector.shape_cast %select_n3A_2066 : vector<16xi32> to vector<16x1xi32>
      %gather3A_2068 = vector.shape_cast %broadcast_in_dim3A_2067 : vector<16x1xi32> to vector<16xi32>
      %gather3A_2069 = tpu.dynamic_gather %get3A_175[%gather3A_2068] in [0] : vector<16xf32>, vector<16xi32> -> vector<16xf32>
      %gather3A_2070 = tpu.vector_load_idx %arg11[%add3A_187, %broadcast_in_dim3A_2047] : memref<512x64xf32, #tpu.memory_space<vmem>>[vector<16xi32>, vector<16xi32>], vector<16xf32>,
      %gather3A_2071 = tpu.vector_load_idx %arg12[%add3A_187, %broadcast_in_dim3A_2047] : memref<512x64xf32, #tpu.memory_space<vmem>>[vector<16xi32>, vector<16xi32>], vector<16xf32>,
      %mul3A_2072 = arith.mulf %gather3A_2070, %gather3A_2059 : vector<16xf32>
      %add3A_2073 = arith.addf %add3A_2045, %mul3A_2072 : vector<16xf32>
      %mul3A_2074 = arith.mulf %gather3A_2071, %gather3A_2069 : vector<16xf32>
      %add3A_2075 = arith.addf %add3A_2073, %mul3A_2074 : vector<16xf32>
      %broadcast_in_dim3A_2076 = arith.constant 63 : i32
      %broadcast_in_dim3A_2077 = vector.broadcast %broadcast_in_dim3A_2076 : i32 to vector<16xi32>
      %broadcast_in_dim3A_2078 = arith.constant 15 : i32
      %broadcast_in_dim3A_2079 = vector.broadcast %broadcast_in_dim3A_2078 : i32 to vector<16xi32>
      %lt3A_2080 = arith.constant 0 : i32
      %lt3A_2081 = vector.broadcast %lt3A_2080 : i32 to vector<16xi32>
      %lt3A_2082 = arith.cmpi slt, %broadcast_in_dim3A_2079, %lt3A_2081 : vector<16xi32>
      %add3A_2083 = arith.constant 16 : i32
      %add3A_2084 = vector.broadcast %add3A_2083 : i32 to vector<16xi32>
      %add3A_2085 = arith.addi %broadcast_in_dim3A_2079, %add3A_2084 : vector<16xi32>
      %select_n3A_2086 = arith.select %lt3A_2082, %add3A_2085, %broadcast_in_dim3A_2079 : vector<16xi1>, vector<16xi32>
      %broadcast_in_dim3A_2087 = vector.shape_cast %select_n3A_2086 : vector<16xi32> to vector<16x1xi32>
      %gather3A_2088 = vector.shape_cast %broadcast_in_dim3A_2087 : vector<16x1xi32> to vector<16xi32>
      %gather3A_2089 = tpu.dynamic_gather %get3A_167[%gather3A_2088] in [0] : vector<16xf32>, vector<16xi32> -> vector<16xf32>
      %lt3A_2090 = arith.constant 0 : i32
      %lt3A_2091 = vector.broadcast %lt3A_2090 : i32 to vector<16xi32>
      %lt3A_2092 = arith.cmpi slt, %broadcast_in_dim3A_2079, %lt3A_2091 : vector<16xi32>
      %add3A_2093 = arith.constant 16 : i32
      %add3A_2094 = vector.broadcast %add3A_2093 : i32 to vector<16xi32>
      %add3A_2095 = arith.addi %broadcast_in_dim3A_2079, %add3A_2094 : vector<16xi32>
      %select_n3A_2096 = arith.select %lt3A_2092, %add3A_2095, %broadcast_in_dim3A_2079 : vector<16xi1>, vector<16xi32>
      %broadcast_in_dim3A_2097 = vector.shape_cast %select_n3A_2096 : vector<16xi32> to vector<16x1xi32>
      %gather3A_2098 = vector.shape_cast %broadcast_in_dim3A_2097 : vector<16x1xi32> to vector<16xi32>
      %gather3A_2099 = tpu.dynamic_gather %get3A_175[%gather3A_2098] in [0] : vector<16xf32>, vector<16xi32> -> vector<16xf32>
      %gather3A_2100 = tpu.vector_load_idx %arg11[%add3A_187, %broadcast_in_dim3A_2077] : memref<512x64xf32, #tpu.memory_space<vmem>>[vector<16xi32>, vector<16xi32>], vector<16xf32>,
      %gather3A_2101 = tpu.vector_load_idx %arg12[%add3A_187, %broadcast_in_dim3A_2077] : memref<512x64xf32, #tpu.memory_space<vmem>>[vector<16xi32>, vector<16xi32>], vector<16xf32>,
      %mul3A_2102 = arith.mulf %gather3A_2100, %gather3A_2089 : vector<16xf32>
      %add3A_2103 = arith.addf %add3A_2075, %mul3A_2102 : vector<16xf32>
      %mul3A_2104 = arith.mulf %gather3A_2101, %gather3A_2099 : vector<16xf32>
      %add3A_2105 = arith.addf %add3A_2103, %mul3A_2104 : vector<16xf32>
      %mul3A_2106 = arith.constant 16 : i32
      %mul3A_2107 = arith.muli %scan3A_183, %mul3A_2106 : i32
      %swap3A = arith.index_cast %mul3A_2107 : i32 to index
      %swap3A_2108 = tpu.vector_load %arg15[%swap3A] {strides = array<i32>} : memref<512xf32, #tpu.memory_space<vmem>>, vector<16xf32>,
      tpu.vector_store %arg15[%swap3A], %add3A_2105 {strides = array<i32>} : memref<512xf32, #tpu.memory_space<vmem>>, vector<16xf32>,
    }
    %scan3A_180 = arith.constant 32 : i32
    %mul3A_181 = arith.constant 512 : i32
    %mul3A_182 = arith.muli %add3A, %mul3A_181 : i32
    "tpu.region"() ({
      %run_scoped3A = tpu.sem_alloc : memref<!tpu.dma_semaphore, #tpu.memory_space<semaphore_mem>>
      %dma_start3A_183 = tpu.memref_slice %arg8[%mul3A_182] : memref<16384xf32, #tpu.memory_space<hbm>> -> memref<512xf32, #tpu.memory_space<hbm>>
      %dma_start3A_184 = tpu.memref_slice %arg8[%mul3A_182] : memref<16384xf32, #tpu.memory_space<hbm>> -> memref<512xf32, #tpu.memory_space<hbm>>
      tpu.enqueue_dma source(%arg15 : memref<512xf32, #tpu.memory_space<vmem>>) target(%dma_start3A_184 : memref<512xf32, #tpu.memory_space<hbm>>) target_semaphore(%run_scoped3A : memref<!tpu.dma_semaphore, #tpu.memory_space<semaphore_mem>>)
      %dma_wait3A_185 = tpu.memref_slice %arg8[%mul3A_182] : memref<16384xf32, #tpu.memory_space<hbm>> -> memref<512xf32, #tpu.memory_space<hbm>>
      %dma_wait3A_186 = tpu.memref_slice %arg8[%mul3A_182] : memref<16384xf32, #tpu.memory_space<hbm>> -> memref<512xf32, #tpu.memory_space<hbm>>
      tpu.wait_dma2 semaphore(%run_scoped3A : memref<!tpu.dma_semaphore, #tpu.memory_space<semaphore_mem>>) src(%arg15 : memref<512xf32, #tpu.memory_space<vmem>>) dst(%dma_wait3A_186 : memref<512xf32, #tpu.memory_space<hbm>>)
      tpu.yield
    }) : () -> ()
    return
  }
}

</mosaic_0001>

<sc_bundles>
// kernel: _run.3.cloned.1.call-start
scs
__scs_entry_jumppad:
0x0: {  	(pc) =	sbr.rel $0x88, $3  }
0x1: {  	(tag) =	ssettag $0x0;
	lr =	simm.s32 $0x1  }
0x2: {  	[smem:$0x3F9B] =	sst lr;
	_ =	strace $0xD0000000  }
0x3: {  	_ = 	snop  }
0x4: {  	_ = 	snop  }
0x5: {  	_ = 	snop  }
0x6: {  	_ = 	snop  }
0x7: {  	_ = 	snop  }
__scs_overlays_trampoline_lowered:
0x8: {  	[smem:$0x3FAA] =	sst s0  }
0x9: {  	[smem:$0x3FAB] =	sst s1  }
0xa: {  	[smem:$0x3FAC] =	sst s2  }
0xb: {  	[smem:$0x3FAD] =	sst s3  }
0xc: {  	[smem:$0x3FAE] =	sst s4  }
0xd: {  	[smem:$0x3FAF] =	sst s5  }
0xe: {  	[smem:$0x3FB0] =	sst s6  }
0xf: {  	[smem:$0x3FB1] =	sst s7  }
0x10: {  	[smem:$0x3FB2] =	sst s8  }
0x11: {  	[smem:$0x3FB3] =	sst s9;
	s0 =	simm.s32 @!p0 $0x0  }
0x12: {  	s1 =	sld [smem:$0x3F99];
	s0 =	simm.s32 @p0 $0x1  }
0x13: {  	[smem:$0x3FB4] =	sst s0;
	s0 =	simm.s32 @!p1 $0x0  }
0x14: {  	s2 =	sld [smem:$0x3F98];
	s0 =	simm.s32 @p1 $0x1  }
0x15: {  	[smem:$0x3FB5] =	sst s0;
	s0 =	simm.s32 @!p2 $0x0  }
0x16: {  	s3 =	sld [smem:$0x3FDB];
	s0 =	simm.s32 @p2 $0x1  }
0x17: {  	s4 =	simm.s32 $0x1BF5;
	[smem:$0x3FB7] =	sst s0  }
0x18: {  	s0 =	sld [smem:$0x3F9A];
	_ =	swait.ge [sflag:s4], $0x0  }
0x19: {  	s7 =	sld [smem:$0x3F9B]  }
0x1a: {  	s8 =	sadd.s32 $0xFFFFE003, lr  }
0x1b: {  	s9 =	sadd.s32 $0xFFFFFEF7, lr;
	s5 =	simm.s32 $0xFFFFFFFF;
	p2 =	slt.u32 s8, $0xFFFFF086  }
0x1c: {  	p1 =	slt.u32 s9, $0xF7A;
	s5 =	simm.s32 @!p2 $0x0  }
0x1d: {  	s5 =	simm.s32 @p1 $0x1;
	p0 =	seq.s32 s7, s2  }
0x1e: {  	s7 =	smul.u32 @!p0 $0xF7A, s2;
	p2 =	seq.s32 @!p0 s5, $0x0  }
0x1f: {  	s9 =	smul.u32 $0xF7A, s1;
	s8 =	simm.s32 @!p0 $0x1BF5;
	p2 =	por !p2, p0  }
0x20: {  	[sflag:s8] =	ssyncset.s32 @!p0 $0xFFFFF086;
	s6 =	sadd.s32 @!p0 s3, s7;
	s7 =	simm.s32 @!p0 $0x108  }
0x21: {  	s3 =	sadd.s32 s3, s9;
	s6 =	sadd.s32 @!p0 $0x88, s6;
	s7 =	simm.s32 @p2 $0x1082  }
0x22: {  	[simem:s7], [sflag:s8] =	dma.local @!p0 [hbm:s6], $0xF7A  }
0x23: {  	s9 =	sor.u32 $0xD0000000, s2;
	s6 =	simm.s32 $0x108;
	_ =	swait.ge @!p0 [sflag:s8], $0x0  }
0x24: {  	s3 =	sadd.s32 $0x88, s3;
	s6 =	simm.s32 @!p1 $0x1082;
	[sflag:s4] =	ssyncset.s32 $0xFFFFF086  }
0x25: {  	[simem:s6], [sflag:s4] =	dma.local [hbm:s3], $0xF7A  }
0x26: {  	[smem:$0x3F9B] =	sst s1;
	(tag) =	ssettag s2;
	_ =	strace s9  }
0x27: {  	s1 =	sld [smem:$0x3FAB]  }
0x28: {  	s2 =	sld [smem:$0x3FAC]  }
0x29: {  	s4 =	sld [smem:$0x3FAE]  }
0x2a: {  	p0 =	seq.s32 s5, $0x0;
	s5 =	sld [smem:$0x3FAF]  }
0x2b: {  	s6 =	sld [smem:$0x3FB0]  }
0x2c: {  	s7 =	sld [smem:$0x3FB1]  }
0x2d: {  	s3 =	simm.s32 $0x108;
	s8 =	sld [smem:$0x3FB2]  }
0x2e: {  	s3 =	simm.s32 @!p0 $0x1082;
	s9 =	sld [smem:$0x3FB3]  }
0x2f: {  	lr =	sadd.s32 s0, s3;
	s0 =	sld [smem:$0x3FAA]  }
0x30: {  	s3 =	sld [smem:$0x3FAD]  }
0x31: {  	[smem:$0x3FB6] =	sst s10  }
0x32: {  	s10 =	sld [smem:$0x3FB4];
	_ =	sdelay $0x3  }
0x33: {  	p0 =	seq.s32 s10, $0x1;
	s10 =	sld [smem:$0x3FB6];
	_ =	sdelay $0x3  }
0x34: {  	[smem:$0x3FB6] =	sst s10  }
0x35: {  	s10 =	sld [smem:$0x3FB5];
	_ =	sdelay $0x3  }
0x36: {  	p1 =	seq.s32 s10, $0x1;
	s10 =	sld [smem:$0x3FB6];
	_ =	sdelay $0x3  }
0x37: {  	[smem:$0x3FB6] =	sst s10  }
0x38: {  	s10 =	sld [smem:$0x3FB7]  }
0x39: {  	_ = 	snop;
	(pc) =	sbr.ind lr, $3  }
0x3a: {  	_ = 	snop  }
0x3b: {  	_ = 	snop  }
0x3c: {  	p2 =	seq.s32 s10, $0x1;
	s10 =	sld [smem:$0x3FB6]  }
0x3d: {  	_ =	shalt  }
0x3e: {  	_ =	shalt  }
0x3f: {  	_ =	shalt  }
0x40: {  	_ =	shalt  }
0x41: {  	_ =	shalt  }
0x42: {  	_ =	shalt  }
0x43: {  	_ =	shalt  }
0x44: {  	_ =	shalt  }
0x45: {  	_ =	shalt  }
0x46: {  	_ =	shalt  }
0x47: {  	_ =	shalt  }
0x48: {  	_ =	shalt  }
0x49: {  	_ =	shalt  }
0x4a: {  	_ =	shalt  }
0x4b: {  	_ =	shalt  }
0x4c: {  	_ =	shalt  }
0x4d: {  	_ =	shalt  }
0x4e: {  	_ =	shalt  }
0x4f: {  	_ =	shalt  }
0x50: {  	_ =	shalt  }
0x51: {  	_ =	shalt  }
0x52: {  	_ =	shalt  }
0x53: {  	_ =	shalt  }
0x54: {  	_ =	shalt  }
0x55: {  	_ =	shalt  }
0x56: {  	_ =	shalt  }
0x57: {  	_ =	shalt  }
0x58: {  	_ =	shalt  }
0x59: {  	_ =	shalt  }
0x5a: {  	_ =	shalt  }
0x5b: {  	_ =	shalt  }
0x5c: {  	_ =	shalt  }
0x5d: {  	_ =	shalt  }
0x5e: {  	_ =	shalt  }
0x5f: {  	_ =	shalt  }
0x60: {  	_ =	shalt  }
0x61: {  	_ =	shalt  }
0x62: {  	_ =	shalt  }
0x63: {  	_ =	shalt  }
0x64: {  	_ =	shalt  }
0x65: {  	_ =	shalt  }
0x66: {  	_ =	shalt  }
0x67: {  	_ =	shalt  }
0x68: {  	_ =	shalt  }
0x69: {  	_ =	shalt  }
0x6a: {  	_ =	shalt  }
0x6b: {  	_ =	shalt  }
0x6c: {  	_ =	shalt  }
0x6d: {  	_ =	shalt  }
0x6e: {  	_ =	shalt  }
0x6f: {  	_ =	shalt  }
0x70: {  	_ =	shalt  }
0x71: {  	_ =	shalt  }
0x72: {  	_ =	shalt  }
0x73: {  	_ =	shalt  }
0x74: {  	_ =	shalt  }
0x75: {  	_ =	shalt  }
0x76: {  	_ =	shalt  }
0x77: {  	_ =	shalt  }
0x78: {  	_ =	shalt  }
0x79: {  	_ =	shalt  }
0x7a: {  	_ =	shalt  }
0x7b: {  	_ =	shalt  }
0x7c: {  	_ =	shalt  }
0x7d: {  	_ =	shalt  }
0x7e: {  	_ =	shalt  }
0x7f: {  	_ =	shalt  }
0x80: {  	_ =	shalt  }
0x81: {  	_ =	shalt  }
0x82: {  	_ =	shalt  }
0x83: {  	_ =	shalt  }
0x84: {  	_ =	shalt  }
0x85: {  	_ =	shalt  }
0x86: {  	_ =	shalt  }
0x87: {  	_ =	shalt  }
.Lfunc_end0:
.L_simem_size_0:
called_computation_lowered:
.L_overlay_start_0:
0x88: {  	s2 =	sld [smem:$0x3FD9]  }
0x89: {  	s3 =	sld [smem:$0x3FFE];
	_ =	sdelay $0x1  }
0x8a: {  	s1 =	srdreg.scid  }
0x8b: {  	s0 =	sand.u32 $0x1, s1  }
0x8c: {  	s17 =	sshll.u32 s0, $0xA;
	s2 =	sadd.s32 s3, s2  }
0x8d: {  	s2 =	sadd.s32 s2, s17  }
0x8e: {  	[smem:$0x3FC2] =	sst s2  }
0x8f: {  	_ = 	snop  }
0x90: {  	s2 =	sld [smem:$0x3FC9]  }
0x91: {  	s18 =	sld [smem:$0x3FC8]  }
0x92: {  	s4 =	sld [smem:$0x3FC5]  }
0x93: {  	s5 =	sld [smem:$0x3FC4]  }
0x94: {  	s6 =	sld [smem:$0x3FD0];
	(tm) =	ssettm $0x1  }
0x95: {  	s7 =	sld [smem:$0x3FFB];
	_ =	sdelay $0x3  }
0x96: {  	_ =	strace s7  }
0x97: {  	s7 =	sld [smem:$0x3FFC];
	_ =	sdelay $0x3  }
0x98: {  	_ =	strace s7  }
0x99: {  	s7 =	sld [smem:$0x3FFD];
	_ =	sdelay $0x3  }
0x9a: {  	_ =	strace s7  }
0x9b: {  	_ =	strace $0x8FFFFFFF  }
0x9c: {  	s19 =	sld [smem:$0x3FDB];
	_ =	sdelay $0x1  }
0x9d: {  	s8 =	simm.s32 $_scs_section_size  }
0x9e: {  	s9 =	simm.s32 $_size__tile_overlayer_lowered;
	s10 =	simm.s32 $_tile_overlayer_lowered  }
0x9f: {  	s22 =	simm.s32 $0x1BFF;
	s21 =	sshll.u32 s10, $0x1;
	s7 =	sadd.s32 s8, s19  }
0xa0: {  	s11 =	simm.s32 $0x0;
	s20 =	sshll.u32 s9, $0x1;
	s9 =	sadd.s32 s21, s7  }
0xa1: {  	[timem:s11], [sflag:s22] =	dma.local [hbm:s9], s20  }
0xa2: {  	_ =	swait.ge [sflag:s22], s20  }
0xa3: {  	s8 =	ssub.s32 $0x0, s20;
	[sflag:s22] =	ssyncset.done $0x0  }
0xa4: {  	[sflag:s22] =	ssyncadd.s32 s8;
	_ =	sdelay $0x1  }
0xa5: {  	s23 =	simm.s32 $0x1B8B  }
0xa6: {  	_ =	swait.ge [sflag:s23], $0x1  }
0xa7: {  	[sflag:s23] =	ssyncset.done $0x0  }
0xa8: {  	s25 =	simm.s32 $0x1B8E;
	s24 =	sld [smem:$0x3FFE];
	[sflag:s23] =	ssyncadd.s32 $0xFFFFFFFF  }
0xa9: {  	s26 =	simm.s32 $execute0_lowered;
	[smem:$0x3FD2] =	sst s25  }
0xaa: {  	s9 =	sshll.u32 s26, $0x1;
	_ =	strace $0x80000046;
	[dreg:$0x1] =	wrdreg $0xFFFFFFFF  }
0xab: {  	s28 =	simm.s32 $_size_execute0_lowered;
	s7 =	sadd.s32 s7, s9;
	[dreg:$0x0] =	wrdreg $0x0  }
0xac: {  	s9 =	sshll.u32 s28, $0x1;
	[dreg:$0x2] =	wrdreg s7  }
0xad: {  	[dreg:$0x3] =	wrdreg s9  }
0xae: {  	[dreg:$0x4] =	wrdreg $0xC0  }
0xaf: {  	_ =	task [dreg:s11], $0x5FFFF  }
0xb0: {  	[dreg:$0x1] =	wrdreg $0xFFFFFFFF  }
0xb1: {  	[dreg:$0x0] =	wrdreg $0x60  }
0xb2: {  	[dreg:$0x2] =	wrdreg s2  }
0xb3: {  	[dreg:$0x3] =	wrdreg s18  }
0xb4: {  	[dreg:$0x4] =	wrdreg s24  }
0xb5: {  	[dreg:$0x5] =	wrdreg s4  }
0xb6: {  	[dreg:$0x6] =	wrdreg s5  }
0xb7: {  	[dreg:$0x7] =	wrdreg s6  }
0xb8: {  	[dreg:$0x8] =	wrdreg $0x9  }
0xb9: {  	_ =	task.clear_ibuf [dreg:s11], $0x9FFFF;
	_ =	strace $0x90000046  }
0xba: {  	s29 =	simm.s32 $0x9;
	_ =	strace $0x80000048  }
0xbb: {  	_ =	swait.ge [sflag:s29], $0x1  }
0xbc: {  	[sflag:s29] =	ssyncadd.s32 $0xFFFFFFFF  }
0xbd: {  	_ =	strace $0x90000048  }
0xbe: {  	_ =	sfence  }
0xbf: {  	s30 =	sld [smem:$0x0];
	_ =	sdelay $0x2  }
0xc0: {  	s31 =	sshll.u32 s1, $0xD;
	s1 =	sshrl.u32 s1, $0x2  }
0xc1: {  	s3 =	sand.u32 $0x4000, s31;
	s1 =	sadd.s32 s1, s30  }
0xc2: {  	s0 =	sor.u32 s3, s0;
	s1 =	sshll.u32 s1, $0x11  }
0xc3: {  	s0 =	sor.u32 s1, s0  }
0xc4: {  	s0 =	sadd.s32 $0x8F2B, s0  }
0xc5: {  	[sflag:s0] =	ssyncadd.remote.s32 $0x1  }
0xc6: {  	_ =	sfence.sel $0xFFFF  }
0xc7: {  	[dreg:$0x0] =	wrdreg $0xFFFFFFFF;
	(pc) =	sbr.abs _section_cstart, $3  }
0xc8: {  	[dreg:$0x1] =	wrdreg $0xFFFFFFFF  }
0xc9: {  	_ =	task.clear_ibuf [dreg:s11], $0x2FFFF;
	_ =	strace $0x9FFFFFFF  }
0xca: {  	(tm) =	ssettm $0x7FFFFFFF  }
0xcb: {  	_ =	shalt  }
tec
execute0_lowered:
.L_overlay_start_1:
0x0: {  	(tag) =	ssettag $0x1  }
0x1: {  	s0 =	rddreg [dreg:$0x0]  }
0x2: {  	s1 =	rddreg [dreg:$0x1]  }
0x3: {  	s3 =	rddreg [dreg:$0x2]  }
0x4: {  	s9 =	rddreg [dreg:$0x5];
	s4 =	simm.s32 $0x0  }
0x5: {  	s5 =	srdreg.scid;
	s2 =	stileid.u32;
	s12 =	simm.s32 $0x2  }
0x6: {  	s13 =	simm.s32 $0x10480;
	s14 =	simm.s32 $0x200;
	s15 =	simm.s32 $0x80  }
0x7: {  	s16 =	simm.s32 $0x400;
	s17 =	simm.s32 $0x8400;
	s18 =	simm.s32 $0x2400  }
0x8: {  	s19 =	simm.s32 $0x280;
	s20 =	simm.s32 $0xA400;
	s21 =	simm.s32 $0x100  }
0x9: {  	s22 =	simm.s32 $0x4400;
	s23 =	simm.s32 $0x300;
	s24 =	simm.s32 $0xC400  }
0xa: {  	s25 =	simm.s32 $0x180;
	s28 =	simm.s32 $0x380;
	s29 =	simm.s32 $0xE400  }
0xb: {  	s30 =	simm.s32 $0x1;
	s31 =	simm.s32 $0x10490;
	[smem:$0x7FF] =	sst s4  }
0xc: {  	s5 =	sand.u32 $0x1, s5;
	s6 =	sshll.u32 s2, $0x7;
	s2 =	simm.s32 $0x20  }
0xd: {  	_ =	strace $0x80000047;
	s7 =	ssub.s32 $0x2, s5;
	s8 =	sshll.u32 s5, $0x6  }
0xe: {  	v0 =	vlaneseq.u32;
	s5 =	sadd.s32 $0xF42A00, s3;
	s10 =	sshrl.u32 s7, $0x1;
	s11 =	sor.u32 s8, s6  }
0xf: {  	v0 =	vmul.u32 $0x40, v0;
	s6 =	sadd.s32 $0x187000, s3;
	s26 =	ssub.s32 s7, s10;
	s7 =	sadd.s32 s0, s11  }
0x10: {  	s8 =	sadd.s32 s1, s11;
	s9 =	sadd.s32 s9, s11;
	s11 =	simm.s32 $0x10400  }
0x11: {  	[tilespmem:$0x1FFF0] =	vst v0;
	s0 =	simm.s32 $0x0;
	s10 =	smax.u32 s26, $0x1;
	s26 =	simm.s32 $0x6400  }
.LBB2_1:
0x12: {  	s1 =	rddreg [dreg:$0x3]  }
0x13: {  	[tilespmem:s11], [sflag:$0x2] =	stream.linear.gather [hbm4b:s1+s4], $0x80, $0x38;
	[tilespmem:$0x10690] =	vst v63  }
0x14: {  	_ =	swait.ge [sflag:s12], $0x80  }
0x15: {  	[sflag:s12] =	ssyncset.done $0x0  }
0x16: {  	[sflag:s12] =	ssyncadd.s32 $0xFFFFFF80  }
0x17: {  	s3 =	rddreg [dreg:$0x4]  }
0x18: {  	[tilespmem:s13], [sflag:$0x2] =	stream.linear.gather [hbm4b:s3+s4], $0x10, $0x38;
	[tilespmem:$0x10690] =	vst v63  }
0x19: {  	_ =	swait.ge [sflag:s12], $0x10  }
0x1a: {  	[sflag:s12] =	ssyncset.done $0x0  }
0x1b: {  	[sflag:s12] =	ssyncadd.s32 $0xFFFFFFF0  }
0x1c: {  	[tilespmem:s4], [sflag:$0x2] =	stream.linear.gather [hbm4b:s7+s4], $0x200, $0x38;
	[tilespmem:$0x10690] =	vst v63  }
0x1d: {  	_ =	swait.ge [sflag:s12], $0x200  }
0x1e: {  	[sflag:s12] =	ssyncset.done $0x0  }
0x1f: {  	[sflag:s12] =	ssyncadd.s32 $0xFFFFFE00  }
0x20: {  	[tilespmem:s14], [sflag:$0x2] =	stream.linear.gather [hbm4b:s8+s4], $0x200, $0x38;
	[tilespmem:$0x10690] =	vst v63  }
0x21: {  	_ =	swait.ge [sflag:s12], $0x200  }
0x22: {  	[sflag:s12] =	ssyncset.done $0x0  }
0x23: {  	[sflag:s12] =	ssyncadd.s32 $0xFFFFFE00  }
0x24: {  	[tilespmem:s16], [sflag:$0x1] =	stream.indirect.gather [hbm4b:s5+s15], $0x40, s4, s15, $0xb8;
	[tilespmem:$0x10690] =	vst v63  }
0x25: {  	_ = 	snop  }
0x26: {  	[tilespmem:s17], [sflag:$0x1] =	stream.indirect.gather [hbm4b:s6+s15], $0x40, s14, s15, $0xb8;
	[tilespmem:$0x10690] =	vst v63  }
0x27: {  	_ = 	snop  }
0x28: {  	[tilespmem:s18], [sflag:$0x1] =	stream.indirect.gather [hbm4b:s5+s15], $0x40, s15, s15, $0xb8;
	[tilespmem:$0x10690] =	vst v63  }
0x29: {  	_ = 	snop  }
0x2a: {  	[tilespmem:s20], [sflag:$0x1] =	stream.indirect.gather [hbm4b:s6+s15], $0x40, s19, s15, $0xb8;
	[tilespmem:$0x10690] =	vst v63  }
0x2b: {  	_ = 	snop  }
0x2c: {  	[tilespmem:s22], [sflag:$0x1] =	stream.indirect.gather [hbm4b:s5+s15], $0x40, s21, s15, $0xb8;
	[tilespmem:$0x10690] =	vst v63  }
0x2d: {  	_ = 	snop  }
0x2e: {  	[tilespmem:s24], [sflag:$0x1] =	stream.indirect.gather [hbm4b:s6+s15], $0x40, s23, s15, $0xb8;
	[tilespmem:$0x10690] =	vst v63  }
0x2f: {  	_ = 	snop  }
0x30: {  	[tilespmem:s26], [sflag:$0x1] =	stream.indirect.gather [hbm4b:s5+s15], $0x40, s25, s15, $0xb8;
	[tilespmem:$0x10690] =	vst v63  }
0x31: {  	_ = 	snop  }
0x32: {  	[tilespmem:s29], [sflag:$0x1] =	stream.indirect.gather [hbm4b:s6+s15], $0x40, s28, s15, $0xb8;
	[tilespmem:$0x10690] =	vst v63  }
0x33: {  	_ =	swait.ge [sflag:s30], $0x2000  }
0x34: {  	[sflag:s30] =	ssyncset.done $0x0  }
0x35: {  	[sflag:s30] =	ssyncadd.s32 $0xFFFFE000  }
0x36: {  	_ =	swait.ge [sflag:s30], $0x2000  }
0x37: {  	[sflag:s30] =	ssyncset.done $0x0  }
0x38: {  	[sflag:s30] =	ssyncadd.s32 $0xFFFFE000  }
0x39: {  	_ =	swait.ge [sflag:s30], $0x2000  }
0x3a: {  	[sflag:s30] =	ssyncset.done $0x0  }
0x3b: {  	[sflag:s30] =	ssyncadd.s32 $0xFFFFE000  }
0x3c: {  	_ =	swait.ge [sflag:s30], $0x2000  }
0x3d: {  	[sflag:s30] =	ssyncset.done $0x0  }
0x3e: {  	[sflag:s30] =	ssyncadd.s32 $0xFFFFE000  }
0x3f: {  	_ =	swait.ge [sflag:s30], $0x2000  }
0x40: {  	[sflag:s30] =	ssyncset.done $0x0  }
0x41: {  	[sflag:s30] =	ssyncadd.s32 $0xFFFFE000  }
0x42: {  	_ =	swait.ge [sflag:s30], $0x2000  }
0x43: {  	[sflag:s30] =	ssyncset.done $0x0  }
0x44: {  	[sflag:s30] =	ssyncadd.s32 $0xFFFFE000  }
0x45: {  	_ =	swait.ge [sflag:s30], $0x2000  }
0x46: {  	[sflag:s30] =	ssyncset.done $0x0  }
0x47: {  	[sflag:s30] =	ssyncadd.s32 $0xFFFFE000  }
0x48: {  	_ =	swait.ge [sflag:s30], $0x2000  }
0x49: {  	v1 =	vld [tilespmem:$0x1FFF0];
	_ =	sdelay $0x2  }
0x4a: {  	v0 =	vmov s4  }
0x4b: {  	v0 =	vshll.u32 v0, $0x6  }
0x4c: {  	v1 =	vor.u32 v1, v0  }
0x4d: {  	[sflag:s30] =	ssyncset.done $0x0  }
0x4e: {  	[sflag:s30] =	ssyncadd.s32 $0xFFFFE000  }
0x4f: {  	v2 =	vld [tilespmem:$0x10400]  }
0x50: {  	v3 =	vld [tilespmem:$0x10440];
	v0 =	vor.u32 $0x1, v1  }
0x51: {  	v4 =	vld.idx.msk [tilespmem:v1+s16+$0x0], $0xffff  }
0x52: {  	v6 =	vld [tilespmem:$0x10480]  }
0x53: {  	v11 =	vimm.s32 $0x0;
	v5 =	vld.idx.msk [tilespmem:v1+s17+$0x0], $0xffff  }
0x54: {  	v7 =	vor.u32 $0x2, v1;
	v29 =	vperm.xlane v2, v11  }
0x55: {  	v8 =	vld.idx.msk [tilespmem:v0+s16+$0x0], $0xffff  }
0x56: {  	v12 =	vperm.xlane v3, v11;
	v4 =	vmul.f32 v4, v29  }
0x57: {  	v13 =	vimm.s32 $0x1;
	v9 =	vor.u32 $0x3, v1;
	v0 =	vld.idx.msk [tilespmem:v0+s17+$0x0], $0xffff  }
0x58: {  	v10 =	vperm.xlane v2, v13;
	v5 =	vmul.f32 v5, v12;
	v4 =	vadd.f32 v4, v6  }
0x59: {  	v14 =	vimm.s32 $0x2;
	v6 =	vld.idx.msk [tilespmem:v7+s16+$0x0], $0xffff  }
0x5a: {  	v31 =	vperm.xlane v3, v13;
	v4 =	vadd.f32 v5, v4;
	v5 =	vmul.f32 v8, v10  }
0x5b: {  	v33 =	vperm.xlane v2, v14;
	v7 =	vld.idx.msk [tilespmem:v7+s17+$0x0], $0xffff  }
0x5c: {  	v0 =	vmul.f32 v0, v31;
	v8 =	vor.u32 $0x4, v1;
	v4 =	vadd.f32 v5, v4  }
0x5d: {  	v15 =	vimm.s32 $0x3;
	v5 =	vld.idx.msk [tilespmem:v9+s16+$0x0], $0xffff  }
0x5e: {  	v30 =	vperm.xlane v3, v14;
	v0 =	vadd.f32 v0, v4;
	v4 =	vmul.f32 v6, v33  }
0x5f: {  	v35 =	vperm.xlane v2, v15;
	v6 =	vld.idx.msk [tilespmem:v9+s17+$0x0], $0xffff  }
0x60: {  	v9 =	vor.u32 $0x5, v1;
	v0 =	vadd.f32 v4, v0;
	v4 =	vmul.f32 v7, v30  }
0x61: {  	v18 =	vimm.s32 $0x4;
	v7 =	vld.idx.msk [tilespmem:v8+s16+$0x0], $0xffff  }
0x62: {  	v32 =	vperm.xlane v3, v15;
	v0 =	vadd.f32 v4, v0;
	v4 =	vmul.f32 v5, v35  }
0x63: {  	v37 =	vperm.xlane v2, v18;
	v5 =	vld.idx.msk [tilespmem:v8+s17+$0x0], $0xffff  }
0x64: {  	v8 =	vor.u32 $0x6, v1;
	v0 =	vadd.f32 v4, v0;
	v4 =	vmul.f32 v6, v32  }
0x65: {  	v19 =	vimm.s32 $0x5;
	v6 =	vld.idx.msk [tilespmem:v9+s16+$0x0], $0xffff  }
0x66: {  	v34 =	vperm.xlane v3, v18;
	v0 =	vadd.f32 v4, v0;
	v4 =	vmul.f32 v7, v37  }
0x67: {  	v39 =	vperm.xlane v2, v19;
	v7 =	vld.idx.msk [tilespmem:v9+s17+$0x0], $0xffff  }
0x68: {  	v9 =	vor.u32 $0x7, v1;
	v0 =	vadd.f32 v4, v0;
	v4 =	vmul.f32 v5, v34  }
0x69: {  	v36 =	vperm.xlane v3, v19;
	v5 =	vld.idx.msk [tilespmem:v8+s16+$0x0], $0xffff  }
0x6a: {  	[tilespmem:$0x1F450] =	vst v12;
	v12 =	vimm.s32 $0x6;
	v0 =	vadd.f32 v4, v0;
	v4 =	vmul.f32 v6, v39  }
0x6b: {  	v41 =	vperm.xlane v2, v12;
	v6 =	vld.idx.msk [tilespmem:v8+s17+$0x0], $0xffff  }
0x6c: {  	v8 =	vor.u32 $0x8, v1;
	v0 =	vadd.f32 v4, v0;
	v4 =	vmul.f32 v7, v36  }
0x6d: {  	v20 =	vimm.s32 $0x7;
	v7 =	vld.idx.msk [tilespmem:v9+s16+$0x0], $0xffff  }
0x6e: {  	v38 =	vperm.xlane v3, v12;
	v0 =	vadd.f32 v4, v0;
	v4 =	vmul.f32 v5, v41  }
0x6f: {  	v43 =	vperm.xlane v2, v20;
	v5 =	vld.idx.msk [tilespmem:v9+s17+$0x0], $0xffff  }
0x70: {  	v9 =	vor.u32 $0x9, v1;
	v0 =	vadd.f32 v4, v0;
	v4 =	vmul.f32 v6, v38  }
0x71: {  	v27 =	vimm.s32 $0x8;
	v6 =	vld.idx.msk [tilespmem:v8+s16+$0x0], $0xffff  }
0x72: {  	v40 =	vperm.xlane v3, v20;
	v0 =	vadd.f32 v4, v0;
	v4 =	vmul.f32 v7, v43  }
0x73: {  	v45 =	vperm.xlane v2, v27;
	v7 =	vld.idx.msk [tilespmem:v8+s17+$0x0], $0xffff  }
0x74: {  	v8 =	vor.u32 $0xA, v1;
	v0 =	vadd.f32 v4, v0;
	v4 =	vmul.f32 v5, v40  }
0x75: {  	v23 =	vimm.s32 $0x9;
	v5 =	vld.idx.msk [tilespmem:v9+s16+$0x0], $0xffff  }
0x76: {  	v42 =	vperm.xlane v3, v27;
	v0 =	vadd.f32 v4, v0;
	v4 =	vmul.f32 v6, v45  }
0x77: {  	v47 =	vperm.xlane v2, v23;
	v6 =	vld.idx.msk [tilespmem:v9+s17+$0x0], $0xffff  }
0x78: {  	v9 =	vor.u32 $0xB, v1;
	v0 =	vadd.f32 v4, v0;
	v4 =	vmul.f32 v7, v42  }
0x79: {  	v24 =	vimm.s32 $0xA;
	v7 =	vld.idx.msk [tilespmem:v8+s16+$0x0], $0xffff  }
0x7a: {  	v44 =	vperm.xlane v3, v23;
	v0 =	vadd.f32 v4, v0;
	v4 =	vmul.f32 v5, v47  }
0x7b: {  	v49 =	vperm.xlane v2, v24;
	v5 =	vld.idx.msk [tilespmem:v8+s17+$0x0], $0xffff  }
0x7c: {  	v8 =	vor.u32 $0xC, v1;
	v0 =	vadd.f32 v4, v0;
	v4 =	vmul.f32 v6, v44  }
0x7d: {  	v46 =	vperm.xlane v3, v24;
	v6 =	vld.idx.msk [tilespmem:v9+s16+$0x0], $0xffff  }
0x7e: {  	[tilespmem:$0x1F460] =	vst v10;
	v10 =	vimm.s32 $0xB;
	v0 =	vadd.f32 v4, v0;
	v4 =	vmul.f32 v7, v49  }
0x7f: {  	v51 =	vperm.xlane v2, v10;
	v7 =	vld.idx.msk [tilespmem:v9+s17+$0x0], $0xffff  }
0x80: {  	v9 =	vor.u32 $0xD, v1;
	v0 =	vadd.f32 v4, v0;
	v4 =	vmul.f32 v5, v46  }
0x81: {  	v48 =	vperm.xlane v3, v10;
	v5 =	vld.idx.msk [tilespmem:v8+s16+$0x0], $0xffff  }
0x82: {  	v10 =	vimm.s32 $0xC;
	v0 =	vadd.f32 v4, v0;
	v4 =	vmul.f32 v6, v51  }
0x83: {  	v53 =	vperm.xlane v2, v10;
	v6 =	vld.idx.msk [tilespmem:v8+s17+$0x0], $0xffff  }
0x84: {  	v8 =	vor.u32 $0xE, v1;
	v0 =	vadd.f32 v4, v0;
	v4 =	vmul.f32 v7, v48  }
0x85: {  	v50 =	vperm.xlane v3, v10;
	v7 =	vld.idx.msk [tilespmem:v9+s16+$0x0], $0xffff  }
0x86: {  	v10 =	vimm.s32 $0xD;
	v0 =	vadd.f32 v4, v0;
	v4 =	vmul.f32 v5, v53  }
0x87: {  	v55 =	vperm.xlane v2, v10;
	v5 =	vld.idx.msk [tilespmem:v9+s17+$0x0], $0xffff  }
0x88: {  	v9 =	vor.u32 $0xF, v1;
	v0 =	vadd.f32 v4, v0;
	v4 =	vmul.f32 v6, v50  }
0x89: {  	v22 =	vimm.s32 $0xE;
	v6 =	vld.idx.msk [tilespmem:v8+s16+$0x0], $0xffff  }
0x8a: {  	v52 =	vperm.xlane v3, v10;
	v0 =	vadd.f32 v4, v0;
	v4 =	vmul.f32 v7, v55  }
0x8b: {  	v57 =	vperm.xlane v2, v22;
	v7 =	vld.idx.msk [tilespmem:v8+s17+$0x0], $0xffff  }
0x8c: {  	v8 =	vor.u32 $0x10, v1;
	v5 =	vmul.f32 v5, v52;
	v4 =	vadd.f32 v4, v0  }
0x8d: {  	v21 =	vimm.s32 $0xF;
	v10 =	vld.idx.msk [tilespmem:v9+s16+$0x0], $0xffff  }
0x8e: {  	v54 =	vperm.xlane v3, v22;
	v0 =	vld [tilespmem:$0x10410];
	v4 =	vadd.f32 v5, v4;
	v5 =	vmul.f32 v6, v57  }
0x8f: {  	v59 =	vperm.xlane v2, v21;
	v6 =	vld.idx.msk [tilespmem:v9+s17+$0x0], $0xffff  }
0x90: {  	v2 =	vld [tilespmem:$0x10450];
	v9 =	vor.u32 $0x11, v1;
	v4 =	vadd.f32 v5, v4;
	v5 =	vmul.f32 v7, v54  }
0x91: {  	v7 =	vld.idx.msk [tilespmem:v8+s16+$0x0], $0xffff  }
0x92: {  	v56 =	vperm.xlane v3, v21;
	v3 =	vadd.f32 v5, v4;
	v4 =	vmul.f32 v10, v59  }
0x93: {  	v61 =	vperm.xlane v0, v11;
	v5 =	vld.idx.msk [tilespmem:v8+s17+$0x0], $0xffff  }
0x94: {  	v8 =	vor.u32 $0x12, v1;
	v3 =	vadd.f32 v4, v3;
	v4 =	vmul.f32 v6, v56  }
0x95: {  	v6 =	vld.idx.msk [tilespmem:v9+s16+$0x0], $0xffff  }
0x96: {  	v58 =	vperm.xlane v2, v11;
	v3 =	vadd.f32 v4, v3;
	v4 =	vmul.f32 v7, v61  }
0x97: {  	v63 =	vperm.xlane v0, v13;
	v7 =	vld.idx.msk [tilespmem:v9+s17+$0x0], $0xffff  }
0x98: {  	v9 =	vor.u32 $0x13, v1;
	v3 =	vadd.f32 v4, v3;
	v4 =	vmul.f32 v5, v58  }
0x99: {  	v5 =	vld.idx.msk [tilespmem:v8+s16+$0x0], $0xffff  }
0x9a: {  	v60 =	vperm.xlane v2, v13;
	v3 =	vadd.f32 v4, v3;
	v4 =	vmul.f32 v6, v63  }
0x9b: {  	v10 =	vperm.xlane v0, v14;
	v6 =	vld.idx.msk [tilespmem:v8+s17+$0x0], $0xffff  }
0x9c: {  	v8 =	vor.u32 $0x14, v1;
	v3 =	vadd.f32 v4, v3;
	v4 =	vmul.f32 v7, v60  }
0x9d: {  	v7 =	vld.idx.msk [tilespmem:v9+s16+$0x0], $0xffff  }
0x9e: {  	v62 =	vperm.xlane v2, v14;
	v3 =	vadd.f32 v4, v3;
	v4 =	vmul.f32 v5, v10  }
0x9f: {  	[tilespmem:$0x1F470] =	vst v10;
	v10 =	vperm.xlane v0, v15;
	v5 =	vld.idx.msk [tilespmem:v9+s17+$0x0], $0xffff  }
0xa0: {  	v9 =	vor.u32 $0x15, v1;
	v3 =	vadd.f32 v4, v3;
	v4 =	vmul.f32 v6, v62  }
0xa1: {  	v6 =	vld.idx.msk [tilespmem:v8+s16+$0x0], $0xffff  }
0xa2: {  	v16 =	vperm.xlane v2, v15;
	v3 =	vadd.f32 v4, v3;
	v4 =	vmul.f32 v7, v10  }
0xa3: {  	v7 =	vld.idx.msk [tilespmem:v8+s17+$0x0], $0xffff;
	v8 =	vor.u32 $0x16, v1  }
0xa4: {  	[tilespmem:$0x1F490] =	vst v10;
	v10 =	vperm.xlane v0, v18;
	v3 =	vadd.f32 v4, v3;
	v4 =	vmul.f32 v5, v16  }
0xa5: {  	v5 =	vld.idx.msk [tilespmem:v9+s16+$0x0], $0xffff  }
0xa6: {  	[tilespmem:$0x1F4A0] =	vst v16;
	v16 =	vperm.xlane v2, v18;
	v3 =	vadd.f32 v4, v3;
	v4 =	vmul.f32 v6, v10  }
0xa7: {  	v6 =	vld.idx.msk [tilespmem:v9+s17+$0x0], $0xffff;
	v9 =	vor.u32 $0x17, v1  }
0xa8: {  	[tilespmem:$0x1F4B0] =	vst v10;
	v10 =	vperm.xlane v0, v19;
	v3 =	vadd.f32 v4, v3;
	v4 =	vmul.f32 v7, v16  }
0xa9: {  	v7 =	vld.idx.msk [tilespmem:v8+s16+$0x0], $0xffff  }
0xaa: {  	[tilespmem:$0x1F4C0] =	vst v16;
	v16 =	vperm.xlane v2, v19;
	v3 =	vadd.f32 v4, v3;
	v4 =	vmul.f32 v5, v10  }
0xab: {  	v5 =	vld.idx.msk [tilespmem:v8+s17+$0x0], $0xffff;
	v8 =	vor.u32 $0x18, v1  }
0xac: {  	[tilespmem:$0x1F4D0] =	vst v10;
	v10 =	vperm.xlane v0, v12;
	v3 =	vadd.f32 v4, v3;
	v4 =	vmul.f32 v6, v16  }
0xad: {  	v6 =	vld.idx.msk [tilespmem:v9+s16+$0x0], $0xffff  }
0xae: {  	[tilespmem:$0x1F4E0] =	vst v16;
	v16 =	vperm.xlane v2, v12;
	v3 =	vadd.f32 v4, v3;
	v4 =	vmul.f32 v7, v10  }
0xaf: {  	v7 =	vld.idx.msk [tilespmem:v9+s17+$0x0], $0xffff;
	v9 =	vor.u32 $0x19, v1  }
0xb0: {  	[tilespmem:$0x1F4F0] =	vst v10;
	v10 =	vperm.xlane v0, v20;
	v3 =	vadd.f32 v4, v3;
	v4 =	vmul.f32 v5, v16  }
0xb1: {  	v5 =	vld.idx.msk [tilespmem:v8+s16+$0x0], $0xffff  }
0xb2: {  	[tilespmem:$0x1F500] =	vst v16;
	v16 =	vperm.xlane v2, v20;
	v3 =	vadd.f32 v4, v3;
	v4 =	vmul.f32 v6, v10  }
0xb3: {  	v6 =	vld.idx.msk [tilespmem:v8+s17+$0x0], $0xffff;
	v8 =	vor.u32 $0x1A, v1  }
0xb4: {  	[tilespmem:$0x1F510] =	vst v10;
	v10 =	vperm.xlane v0, v27;
	v3 =	vadd.f32 v4, v3;
	v4 =	vmul.f32 v7, v16  }
0xb5: {  	v7 =	vld.idx.msk [tilespmem:v9+s16+$0x0], $0xffff  }
0xb6: {  	[tilespmem:$0x1F520] =	vst v16;
	v16 =	vperm.xlane v2, v27;
	v3 =	vadd.f32 v4, v3;
	v4 =	vmul.f32 v5, v10  }
0xb7: {  	v5 =	vld.idx.msk [tilespmem:v9+s17+$0x0], $0xffff  }
0xb8: {  	[tilespmem:$0x1F530] =	vst v10;
	v10 =	vperm.xlane v0, v23;
	v3 =	vadd.f32 v4, v3;
	v4 =	vmul.f32 v6, v16  }
0xb9: {  	v9 =	vor.u32 $0x1B, v1;
	v6 =	vld.idx.msk [tilespmem:v8+s16+$0x0], $0xffff  }
0xba: {  	[tilespmem:$0x1F540] =	vst v16;
	v16 =	vperm.xlane v2, v23;
	v3 =	vadd.f32 v4, v3;
	v4 =	vmul.f32 v7, v10  }
0xbb: {  	v7 =	vld.idx.msk [tilespmem:v8+s17+$0x0], $0xffff  }
0xbc: {  	[tilespmem:$0x1F550] =	vst v10;
	v10 =	vperm.xlane v0, v24;
	v3 =	vadd.f32 v4, v3;
	v4 =	vmul.f32 v5, v16  }
0xbd: {  	[tilespmem:$0x1F560] =	vst v16;
	v8 =	vor.u32 $0x1C, v1  }
0xbe: {  	v5 =	vld.idx.msk [tilespmem:v9+s16+$0x0], $0xffff;
	v16 =	vperm.xlane v2, v24;
	v3 =	vadd.f32 v4, v3;
	v4 =	vmul.f32 v6, v10;
	_ =	sdelay $0x1  }
0xbf: {  	[tilespmem:$0x1F580] =	vst v16;
	v6 =	vld.idx.msk [tilespmem:v9+s17+$0x0], $0xffff;
	v3 =	vadd.f32 v4, v3;
	v4 =	vmul.f32 v7, v16;
	v16 =	vimm.s32 $0xB  }
0xc0: {  	[tilespmem:$0x1F570] =	vst v10;
	v9 =	vor.u32 $0x1D, v1;
	v10 =	vperm.xlane v0, v16  }
0xc1: {  	v7 =	vld.idx.msk [tilespmem:v8+s16+$0x0], $0xffff  }
0xc2: {  	v3 =	vadd.f32 v4, v3;
	[tilespmem:$0x1F590] =	vst v10;
	v4 =	vmul.f32 v5, v10;
	v10 =	vperm.xlane v2, v16  }
0xc3: {  	v26 =	vimm.s32 $0xC;
	v5 =	vld.idx.msk [tilespmem:v8+s17+$0x0], $0xffff  }
0xc4: {  	[tilespmem:$0x1F5B0] =	vst v10;
	v3 =	vadd.f32 v4, v3;
	v4 =	vmul.f32 v6, v10;
	v10 =	vperm.xlane v0, v26  }
0xc5: {  	v8 =	vld.idx.msk [tilespmem:v9+s16+$0x0], $0xffff;
	v6 =	vor.u32 $0x1E, v1  }
0xc6: {  	v3 =	vadd.f32 v4, v3;
	v4 =	vmul.f32 v7, v10;
	v7 =	vperm.xlane v2, v26  }
0xc7: {  	v28 =	vimm.s32 $0xD  }
0xc8: {  	v3 =	vadd.f32 v4, v3;
	v4 =	vld.idx.msk [tilespmem:v9+s17+$0x0], $0xffff;
	v5 =	vmul.f32 v5, v7;
	v9 =	vperm.xlane v0, v28  }
0xc9: {  	[tilespmem:$0x1F5E0] =	vst v10  }
0xca: {  	[tilespmem:$0x1F5F0] =	vst v7;
	v7 =	vor.u32 $0x1F, v1;
	v3 =	vadd.f32 v5, v3;
	v5 =	vmul.f32 v8, v9;
	v8 =	vld.idx.msk [tilespmem:v6+s16+$0x0], $0xffff  }
0xcb: {  	v10 =	vperm.xlane v0, v22;
	[tilespmem:$0x1F620] =	vst v9;
	v9 =	vperm.xlane v2, v28  }
0xcc: {  	v3 =	vadd.f32 v5, v3;
	v5 =	vld.idx.msk [tilespmem:v6+s17+$0x0], $0xffff  }
0xcd: {  	[tilespmem:$0x1F660] =	vst v10;
	v4 =	vmul.f32 v4, v9  }
0xce: {  	[tilespmem:$0x1F650] =	vst v9;
	v6 =	vor.u32 $0x20, v1  }
0xcf: {  	v9 =	vld.idx.msk [tilespmem:v7+s16+$0x0], $0xffff;
	v4 =	vadd.f32 v4, v3;
	v8 =	vmul.f32 v8, v10;
	v10 =	vperm.xlane v2, v22  }
0xd0: {  	v7 =	vld.idx.msk [tilespmem:v7+s17+$0x0], $0xffff  }
0xd1: {  	v3 =	vld [tilespmem:$0x10420];
	v4 =	vadd.f32 v8, v4;
	v5 =	vmul.f32 v5, v10  }
0xd2: {  	v0 =	vperm.xlane v0, v21  }
0xd3: {  	[tilespmem:$0x1F690] =	vst v10;
	v8 =	vor.u32 $0x21, v1;
	v10 =	vld.idx.msk [tilespmem:v6+s16+$0x0], $0xffff;
	v4 =	vadd.f32 v5, v4;
	v5 =	vperm.xlane v2, v21  }
0xd4: {  	[tilespmem:$0x1F6C0] =	vst v0;
	v2 =	vmul.f32 v9, v0;
	v0 =	vld [tilespmem:$0x10460]  }
0xd5: {  	[tilespmem:$0x1F6D0] =	vst v5  }
0xd6: {  	v2 =	vadd.f32 v2, v4;
	v4 =	vld.idx.msk [tilespmem:v6+s17+$0x0], $0xffff;
	v5 =	vmul.f32 v7, v5;
	v7 =	vperm.xlane v3, v11  }
0xd7: {  	v6 =	vor.u32 $0x22, v1  }
0xd8: {  	[tilespmem:$0x1F700] =	vst v7;
	v2 =	vadd.f32 v5, v2;
	v5 =	vmul.f32 v10, v7;
	v7 =	vld.idx.msk [tilespmem:v8+s16+$0x0], $0xffff  }
0xd9: {  	v9 =	vperm.xlane v0, v11  }
0xda: {  	v2 =	vadd.f32 v5, v2;
	v5 =	vld.idx.msk [tilespmem:v8+s17+$0x0], $0xffff  }
0xdb: {  	v10 =	vperm.xlane v3, v13;
	v4 =	vmul.f32 v4, v9  }
0xdc: {  	v8 =	vor.u32 $0x23, v1;
	[tilespmem:$0x1F730] =	vst v9;
	v9 =	vld.idx.msk [tilespmem:v6+s16+$0x0], $0xffff  }
0xdd: {  	v2 =	vadd.f32 v4, v2;
	v4 =	vmul.f32 v7, v10;
	v7 =	vperm.xlane v0, v13  }
0xde: {  	[tilespmem:$0x1F740] =	vst v10  }
0xdf: {  	v6 =	vld.idx.msk [tilespmem:v6+s17+$0x0], $0xffff;
	v10 =	vperm.xlane v3, v14;
	v2 =	vadd.f32 v4, v2;
	v4 =	vmul.f32 v5, v7  }
0xe0: {  	[tilespmem:$0x1F770] =	vst v7;
	v5 =	vor.u32 $0x24, v1  }
0xe1: {  	v7 =	vld.idx.msk [tilespmem:v8+s16+$0x0], $0xffff;
	v2 =	vadd.f32 v4, v2;
	v4 =	vmul.f32 v9, v10;
	v9 =	vperm.xlane v0, v14;
	_ =	sdelay $0x1  }
0xe2: {  	[tilespmem:$0x1F7B0] =	vst v9  }
0xe3: {  	v2 =	vadd.f32 v4, v2;
	v4 =	vld.idx.msk [tilespmem:v8+s17+$0x0], $0xffff;
	v6 =	vmul.f32 v6, v9;
	v9 =	vperm.xlane v3, v15  }
0xe4: {  	v8 =	vor.u32 $0x25, v1  }
0xe5: {  	v2 =	vadd.f32 v6, v2;
	v6 =	vmul.f32 v7, v9;
	v7 =	vld.idx.msk [tilespmem:v5+s16+$0x0], $0xffff  }
0xe6: {  	[tilespmem:$0x1F7E0] =	vst v9;
	v9 =	vperm.xlane v0, v15  }
0xe7: {  	v5 =	vld.idx.msk [tilespmem:v5+s17+$0x0], $0xffff  }
0xe8: {  	[tilespmem:$0x1F7A0] =	vst v10;
	v10 =	vperm.xlane v3, v18;
	v2 =	vadd.f32 v6, v2;
	v4 =	vmul.f32 v4, v9  }
0xe9: {  	[tilespmem:$0x1F810] =	vst v9;
	v6 =	vor.u32 $0x26, v1;
	v9 =	vld.idx.msk [tilespmem:v8+s16+$0x0], $0xffff  }
0xea: {  	[tilespmem:$0x1F820] =	vst v10;
	v2 =	vadd.f32 v4, v2;
	v4 =	vmul.f32 v7, v10;
	v10 =	vperm.xlane v0, v18  }
0xeb: {  	v7 =	vld.idx.msk [tilespmem:v8+s17+$0x0], $0xffff  }
0xec: {  	[tilespmem:$0x1F850] =	vst v10;
	v2 =	vadd.f32 v4, v2;
	v4 =	vmul.f32 v5, v10;
	v10 =	vperm.xlane v3, v19  }
0xed: {  	v5 =	vor.u32 $0x27, v1  }
0xee: {  	v8 =	vld.idx.msk [tilespmem:v6+s16+$0x0], $0xffff;
	v2 =	vadd.f32 v4, v2;
	v4 =	vmul.f32 v9, v10;
	v9 =	vperm.xlane v0, v19;
	_ =	sdelay $0x1  }
0xef: {  	[tilespmem:$0x1F890] =	vst v9  }
0xf0: {  	v2 =	vadd.f32 v4, v2;
	v4 =	vld.idx.msk [tilespmem:v6+s17+$0x0], $0xffff;
	v6 =	vmul.f32 v7, v9;
	v9 =	vperm.xlane v3, v12  }
0xf1: {  	v7 =	vor.u32 $0x28, v1  }
0xf2: {  	v2 =	vadd.f32 v6, v2;
	v6 =	vmul.f32 v8, v9;
	v8 =	vld.idx.msk [tilespmem:v5+s16+$0x0], $0xffff  }
0xf3: {  	[tilespmem:$0x1F8C0] =	vst v9;
	v9 =	vperm.xlane v0, v12  }
0xf4: {  	v5 =	vld.idx.msk [tilespmem:v5+s17+$0x0], $0xffff  }
0xf5: {  	[tilespmem:$0x1F880] =	vst v10;
	v10 =	vperm.xlane v3, v20;
	v2 =	vadd.f32 v6, v2;
	v4 =	vmul.f32 v4, v9  }
0xf6: {  	[tilespmem:$0x1F8F0] =	vst v9;
	v6 =	vor.u32 $0x29, v1;
	v9 =	vld.idx.msk [tilespmem:v7+s16+$0x0], $0xffff  }
0xf7: {  	v2 =	vadd.f32 v4, v2;
	v4 =	vmul.f32 v8, v10;
	v8 =	vperm.xlane v0, v20  }
0xf8: {  	[tilespmem:$0x1F900] =	vst v10  }
0xf9: {  	v7 =	vld.idx.msk [tilespmem:v7+s17+$0x0], $0xffff;
	v10 =	vperm.xlane v3, v27;
	v2 =	vadd.f32 v4, v2;
	v4 =	vmul.f32 v5, v8  }
0xfa: {  	[tilespmem:$0x1F930] =	vst v8;
	v5 =	vor.u32 $0x2A, v1  }
0xfb: {  	v8 =	vld.idx.msk [tilespmem:v6+s16+$0x0], $0xffff;
	v2 =	vadd.f32 v4, v2;
	v4 =	vmul.f32 v9, v10;
	v9 =	vperm.xlane v0, v27  }
0xfc: {  	[tilespmem:$0x1F960] =	vst v10  }
0xfd: {  	[tilespmem:$0x1F970] =	vst v9  }
0xfe: {  	v2 =	vadd.f32 v4, v2;
	v4 =	vld.idx.msk [tilespmem:v6+s17+$0x0], $0xffff;
	v6 =	vmul.f32 v7, v9;
	v9 =	vperm.xlane v3, v23  }
0xff: {  	v7 =	vor.u32 $0x2B, v1  }
0x100: {  	v2 =	vadd.f32 v6, v2;
	v6 =	vmul.f32 v8, v9;
	v8 =	vld.idx.msk [tilespmem:v5+s16+$0x0], $0xffff  }
0x101: {  	[tilespmem:$0x1F9A0] =	vst v9;
	v9 =	vperm.xlane v0, v23  }
0x102: {  	v5 =	vld.idx.msk [tilespmem:v5+s17+$0x0], $0xffff  }
0x103: {  	v10 =	vperm.xlane v3, v24;
	v2 =	vadd.f32 v6, v2;
	v4 =	vmul.f32 v4, v9  }
0x104: {  	[tilespmem:$0x1F9D0] =	vst v9;
	v6 =	vor.u32 $0x2C, v1;
	v9 =	vld.idx.msk [tilespmem:v7+s16+$0x0], $0xffff  }
0x105: {  	v2 =	vadd.f32 v4, v2;
	v4 =	vmul.f32 v8, v10;
	v8 =	vperm.xlane v0, v24  }
0x106: {  	v25 =	vimm.s32 $0xB;
	[tilespmem:$0x1F9E0] =	vst v10  }
0x107: {  	v7 =	vld.idx.msk [tilespmem:v7+s17+$0x0], $0xffff;
	v10 =	vperm.xlane v3, v25;
	v2 =	vadd.f32 v4, v2;
	v4 =	vmul.f32 v5, v8  }
0x108: {  	[tilespmem:$0x1FA10] =	vst v8;
	v5 =	vor.u32 $0x2D, v1  }
0x109: {  	v8 =	vld.idx.msk [tilespmem:v6+s16+$0x0], $0xffff;
	v2 =	vadd.f32 v4, v2;
	v4 =	vmul.f32 v9, v10;
	v9 =	vperm.xlane v0, v25;
	_ =	sdelay $0x1  }
0x10a: {  	[tilespmem:$0x1FA50] =	vst v9  }
0x10b: {  	v2 =	vadd.f32 v4, v2;
	v4 =	vld.idx.msk [tilespmem:v6+s17+$0x0], $0xffff;
	v6 =	vmul.f32 v7, v9;
	v9 =	vperm.xlane v3, v26  }
0x10c: {  	v7 =	vor.u32 $0x2E, v1  }
0x10d: {  	v2 =	vadd.f32 v6, v2;
	v6 =	vmul.f32 v8, v9;
	v8 =	vld.idx.msk [tilespmem:v5+s16+$0x0], $0xffff  }
0x10e: {  	[tilespmem:$0x1FA80] =	vst v9;
	v9 =	vperm.xlane v0, v26  }
0x10f: {  	[tilespmem:$0x1FA40] =	vst v10;
	v10 =	vperm.xlane v3, v28;
	v5 =	vld.idx.msk [tilespmem:v5+s17+$0x0], $0xffff  }
0x110: {  	v2 =	vadd.f32 v6, v2;
	v6 =	vor.u32 $0x2F, v1;
	v4 =	vmul.f32 v4, v9  }
0x111: {  	[tilespmem:$0x1FAB0] =	vst v9;
	v9 =	vld.idx.msk [tilespmem:v7+s16+$0x0], $0xffff  }
0x112: {  	v2 =	vadd.f32 v4, v2;
	v4 =	vmul.f32 v8, v10;
	v8 =	vperm.xlane v0, v28  }
0x113: {  	v7 =	vld.idx.msk [tilespmem:v7+s17+$0x0], $0xffff  }
0x114: {  	[tilespmem:$0x1FAC0] =	vst v10;
	v10 =	vperm.xlane v3, v22;
	v2 =	vadd.f32 v4, v2;
	v4 =	vmul.f32 v5, v8  }
0x115: {  	[tilespmem:$0x1FAF0] =	vst v8;
	v5 =	vor.u32 $0x30, v1;
	v8 =	vld.idx.msk [tilespmem:v6+s16+$0x0], $0xffff  }
0x116: {  	v2 =	vadd.f32 v4, v2;
	v4 =	vmul.f32 v9, v10;
	v9 =	vperm.xlane v0, v22  }
0x117: {  	v16 =	vld [tilespmem:$0x10430]  }
0x118: {  	v6 =	vld.idx.msk [tilespmem:v6+s17+$0x0], $0xffff;
	v2 =	vadd.f32 v4, v2;
	v4 =	vmul.f32 v7, v9;
	v7 =	vperm.xlane v3, v21  }
0x119: {  	v17 =	vld [tilespmem:$0x10470];
	v3 =	vor.u32 $0x31, v1  }
0x11a: {  	[tilespmem:$0x1FB60] =	vst v7;
	v2 =	vadd.f32 v4, v2;
	v4 =	vmul.f32 v8, v7;
	v7 =	vld.idx.msk [tilespmem:v5+s16+$0x0], $0xffff  }
0x11b: {  	v8 =	vperm.xlane v0, v21  }
0x11c: {  	v0 =	vadd.f32 v4, v2;
	v2 =	vld.idx.msk [tilespmem:v5+s17+$0x0], $0xffff  }
0x11d: {  	[tilespmem:$0x1FB90] =	vst v8;
	v4 =	vmul.f32 v6, v8;
	v8 =	vperm.xlane v16, v11  }
0x11e: {  	v5 =	vor.u32 $0x32, v1;
	v6 =	vld.idx.msk [tilespmem:v3+s16+$0x0], $0xffff  }
0x11f: {  	v0 =	vadd.f32 v4, v0;
	v4 =	vmul.f32 v7, v8;
	v7 =	vperm.xlane v17, v11  }
0x120: {  	v3 =	vld.idx.msk [tilespmem:v3+s17+$0x0], $0xffff  }
0x121: {  	[tilespmem:$0x1FBA0] =	vst v8;
	v8 =	vperm.xlane v16, v13;
	v0 =	vadd.f32 v4, v0;
	v2 =	vmul.f32 v2, v7  }
0x122: {  	[tilespmem:$0x1FBD0] =	vst v7;
	v4 =	vor.u32 $0x33, v1  }
0x123: {  	v7 =	vld.idx.msk [tilespmem:v5+s16+$0x0], $0xffff;
	v0 =	vadd.f32 v2, v0;
	v2 =	vmul.f32 v6, v8;
	v6 =	vperm.xlane v17, v13;
	_ =	sdelay $0x1  }
0x124: {  	[tilespmem:$0x1FC10] =	vst v6  }
0x125: {  	v0 =	vadd.f32 v2, v0;
	v2 =	vld.idx.msk [tilespmem:v5+s17+$0x0], $0xffff;
	v3 =	vmul.f32 v3, v6;
	v6 =	vperm.xlane v16, v14  }
0x126: {  	v5 =	vor.u32 $0x34, v1  }
0x127: {  	[tilespmem:$0x1FC40] =	vst v6;
	v0 =	vadd.f32 v3, v0;
	v3 =	vmul.f32 v7, v6;
	v6 =	vld.idx.msk [tilespmem:v4+s16+$0x0], $0xffff  }
0x128: {  	v7 =	vperm.xlane v17, v14  }
0x129: {  	v0 =	vadd.f32 v3, v0;
	v3 =	vld.idx.msk [tilespmem:v4+s17+$0x0], $0xffff  }
0x12a: {  	[tilespmem:$0x1FC00] =	vst v8;
	v8 =	vperm.xlane v16, v15;
	v2 =	vmul.f32 v2, v7  }
0x12b: {  	[tilespmem:$0x1FC70] =	vst v7;
	v4 =	vor.u32 $0x35, v1;
	v7 =	vld.idx.msk [tilespmem:v5+s16+$0x0], $0xffff  }
0x12c: {  	v0 =	vadd.f32 v2, v0;
	v2 =	vmul.f32 v6, v8;
	v6 =	vperm.xlane v17, v15  }
0x12d: {  	[tilespmem:$0x1FC80] =	vst v8  }
0x12e: {  	v5 =	vld.idx.msk [tilespmem:v5+s17+$0x0], $0xffff;
	v8 =	vperm.xlane v16, v18;
	v0 =	vadd.f32 v2, v0;
	v2 =	vmul.f32 v3, v6  }
0x12f: {  	[tilespmem:$0x1FCB0] =	vst v6;
	v3 =	vor.u32 $0x36, v1  }
0x130: {  	v6 =	vld.idx.msk [tilespmem:v4+s16+$0x0], $0xffff;
	v0 =	vadd.f32 v2, v0;
	v2 =	vmul.f32 v7, v8;
	v7 =	vperm.xlane v17, v18;
	_ =	sdelay $0x1  }
0x131: {  	[tilespmem:$0x1FCF0] =	vst v7  }
0x132: {  	v0 =	vadd.f32 v2, v0;
	v2 =	vld.idx.msk [tilespmem:v4+s17+$0x0], $0xffff;
	v4 =	vmul.f32 v5, v7;
	v7 =	vperm.xlane v16, v19;
	_ =	sdelay $0x1  }
0x133: {  	v5 =	vor.u32 $0x37, v1;
	v0 =	vadd.f32 v4, v0;
	v4 =	vmul.f32 v6, v7;
	v6 =	vld.idx.msk [tilespmem:v3+s16+$0x0], $0xffff  }
0x134: {  	[tilespmem:$0x1FD20] =	vst v7;
	v7 =	vperm.xlane v17, v19  }
0x135: {  	[tilespmem:$0x1FCE0] =	vst v8  }
0x136: {  	v8 =	vperm.xlane v16, v12;
	v3 =	vld.idx.msk [tilespmem:v3+s17+$0x0], $0xffff;
	v0 =	vadd.f32 v4, v0;
	v2 =	vmul.f32 v2, v7  }
0x137: {  	v4 =	vor.u32 $0x38, v1  }
0x138: {  	[tilespmem:$0x1FD50] =	vst v7;
	v7 =	vld.idx.msk [tilespmem:v5+s16+$0x0], $0xffff;
	v0 =	vadd.f32 v2, v0;
	v2 =	vmul.f32 v6, v8  }
0x139: {  	v6 =	vperm.xlane v17, v12  }
0x13a: {  	v5 =	vld.idx.msk [tilespmem:v5+s17+$0x0], $0xffff;
	v2 =	vadd.f32 v2, v0  }
0x13b: {  	[tilespmem:$0x1FD90] =	vst v6;
	v3 =	vmul.f32 v3, v6;
	v0 =	vperm.xlane v16, v20;
	v6 =	vor.u32 $0x39, v1  }
0x13c: {  	[tilespmem:$0x1FD60] =	vst v8;
	v8 =	vld.idx.msk [tilespmem:v4+s16+$0x0], $0xffff  }
0x13d: {  	[tilespmem:$0x1FDC0] =	vst v0;
	v2 =	vadd.f32 v3, v2;
	v3 =	vmul.f32 v7, v0;
	v0 =	vperm.xlane v17, v20  }
0x13e: {  	v4 =	vld.idx.msk [tilespmem:v4+s17+$0x0], $0xffff;
	v7 =	vor.u32 $0x3A, v1  }
0x13f: {  	[tilespmem:$0x1FDD0] =	vst v0;
	v3 =	vadd.f32 v3, v2;
	v5 =	vmul.f32 v5, v0;
	v0 =	vperm.xlane v16, v27  }
0x140: {  	[tilespmem:$0x1FB30] =	vst v9;
	v9 =	vld.idx.msk [tilespmem:v6+s16+$0x0], $0xffff  }
0x141: {  	[tilespmem:$0x1FE00] =	vst v0;
	v5 =	vadd.f32 v5, v3;
	v8 =	vmul.f32 v8, v0;
	v0 =	vperm.xlane v17, v27  }
0x142: {  	[tilespmem:$0x1FB20] =	vst v10;
	v10 =	vor.u32 $0x3B, v1;
	v6 =	vld.idx.msk [tilespmem:v6+s17+$0x0], $0xffff  }
0x143: {  	[tilespmem:$0x1FE30] =	vst v0;
	v5 =	vadd.f32 v8, v5;
	v8 =	vmul.f32 v4, v0;
	v0 =	vperm.xlane v16, v23  }
0x144: {  	v11 =	vld.idx.msk [tilespmem:v7+s16+$0x0], $0xffff  }
0x145: {  	[tilespmem:$0x1FE40] =	vst v0;
	v8 =	vadd.f32 v8, v5;
	v9 =	vmul.f32 v9, v0;
	v0 =	vperm.xlane v17, v23  }
0x146: {  	v12 =	vld.idx.msk [tilespmem:v7+s17+$0x0], $0xffff  }
0x147: {  	[tilespmem:$0x1FE70] =	vst v0;
	v7 =	vadd.f32 v9, v8;
	v8 =	vmul.f32 v6, v0;
	v0 =	vperm.xlane v16, v24  }
0x148: {  	v13 =	vor.u32 $0x3C, v1;
	v9 =	vld.idx.msk [tilespmem:v10+s16+$0x0], $0xffff  }
0x149: {  	[tilespmem:$0x1FEA0] =	vst v0;
	v8 =	vadd.f32 v8, v7;
	v11 =	vmul.f32 v11, v0;
	v0 =	vperm.xlane v17, v24  }
0x14a: {  	v10 =	vld.idx.msk [tilespmem:v10+s17+$0x0], $0xffff  }
0x14b: {  	[tilespmem:$0x1FEC0] =	vst v0;
	v11 =	vadd.f32 v11, v8;
	v12 =	vmul.f32 v12, v0;
	v0 =	vperm.xlane v16, v25  }
0x14c: {  	v14 =	vor.u32 $0x3D, v1  }
0x14d: {  	v15 =	vld.idx.msk [tilespmem:v13+s16+$0x0], $0xffff;
	v11 =	vadd.f32 v12, v11;
	v12 =	vmul.f32 v9, v0  }
0x14e: {  	[tilespmem:$0x1FEE0] =	vst v0;
	v0 =	vperm.xlane v17, v25  }
0x14f: {  	v11 =	vadd.f32 v12, v11;
	v12 =	vld.idx.msk [tilespmem:v13+s17+$0x0], $0xffff  }
0x150: {  	v18 =	vor.u32 $0x3E, v1;
	[tilespmem:$0x1FF10] =	vst v0;
	v13 =	vmul.f32 v10, v0;
	v0 =	vperm.xlane v16, v26  }
0x151: {  	v19 =	vld.idx.msk [tilespmem:v14+s16+$0x0], $0xffff  }
0x152: {  	[tilespmem:$0x1FF40] =	vst v0;
	v13 =	vadd.f32 v13, v11;
	v15 =	vmul.f32 v15, v0;
	v0 =	vperm.xlane v17, v26  }
0x153: {  	v14 =	vld.idx.msk [tilespmem:v14+s17+$0x0], $0xffff  }
0x154: {  	[tilespmem:$0x1FF70] =	vst v0;
	v13 =	vadd.f32 v15, v13;
	v15 =	vmul.f32 v12, v0;
	v0 =	vperm.xlane v16, v28  }
0x155: {  	v1 =	vor.u32 $0x3F, v1;
	v20 =	vld.idx.msk [tilespmem:v18+s16+$0x0], $0xffff  }
0x156: {  	v2 =	vperm.xlane v17, v28;
	v15 =	vadd.f32 v15, v13;
	v19 =	vmul.f32 v19, v0  }
0x157: {  	v23 =	vperm.xlane v16, v22  }
0x158: {  	[tilespmem:$0x1FF80] =	vst v0;
	v0 =	vld.idx.msk [tilespmem:v18+s17+$0x0], $0xffff;
	v15 =	vadd.f32 v19, v15;
	v19 =	vmul.f32 v14, v2;
	_ =	sdelay $0x1  }
0x159: {  	v20 =	vmul.f32 v20, v23;
	v19 =	vadd.f32 v19, v15  }
0x15a: {  	v22 =	vperm.xlane v17, v22;
	v18 =	vld.idx.msk [tilespmem:v1+s16+$0x0], $0xffff  }
0x15b: {  	v19 =	vadd.f32 v20, v19;
	v20 =	vld.idx.msk [tilespmem:v1+s17+$0x0], $0xffff  }
0x15c: {  	v1 =	vmul.f32 v0, v22;
	v0 =	vld [tilespmem:$0x1FFF0]  }
0x15d: {  	v24 =	vperm.xlane v16, v21  }
0x15e: {  	s3 =	simm.s32 $0x10;
	v19 =	vadd.f32 v1, v19  }
0x15f: {  	v1 =	vperm.xlane v17, v21;
	v17 =	vmul.f32 v18, v24;
	v18 =	vmov s3  }
0x160: {  	v18 =	vshll.u32 v18, $0x6  }
0x161: {  	v19 =	vadd.f32 v17, v19;
	v17 =	vor.u32 v0, v18;
	v18 =	vmul.f32 v20, v1;
	_ =	sdelay $0x1  }
0x162: {  	v18 =	vadd.f32 v18, v19;
	_ =	sdelay $0x1  }
0x163: {  	[tilespmem:s31+$0x0] =	vst v18  }
0x164: {  	v0 =	vmov v1;
	v1 =	vld.idx.msk [tilespmem:v17+s16+$0x0], $0xffff;
	_ =	sdelay $0x2  }
0x165: {  	v4 =	vld.idx.msk [tilespmem:v17+s17+$0x0], $0xffff  }
0x166: {  	v18 =	vor.u32 $0x1, v17;
	v5 =	vld [tilespmem:$0x10480]  }
0x167: {  	v20 =	vmul.f32 v1, v29;
	v1 =	vld [tilespmem:$0x1F450];
	_ =	sdelay $0x3  }
0x168: {  	[tilespmem:$0x1FFA0] =	vst v2;
	v19 =	vor.u32 $0x2, v17;
	v2 =	vld.idx.msk [tilespmem:v18+s16+$0x0], $0xffff  }
0x169: {  	v5 =	vadd.f32 v20, v5;
	v27 =	vmov v1;
	v20 =	vmul.f32 v4, v1;
	v1 =	vld [tilespmem:$0x1F460];
	_ =	sdelay $0x1  }
0x16a: {  	v3 =	vld.idx.msk [tilespmem:v18+s17+$0x0], $0xffff  }
0x16b: {  	v18 =	vor.u32 $0x3, v17  }
0x16c: {  	v4 =	vld.idx.msk [tilespmem:v19+s16+$0x0], $0xffff  }
0x16d: {  	v5 =	vadd.f32 v20, v5;
	v20 =	vmul.f32 v2, v1  }
0x16e: {  	v25 =	vmov v1;
	v1 =	vld.idx.msk [tilespmem:v19+s17+$0x0], $0xffff  }
0x16f: {  	v19 =	vor.u32 $0x4, v17;
	v2 =	vadd.f32 v20, v5;
	v20 =	vmul.f32 v3, v31  }
0x170: {  	v3 =	vld.idx.msk [tilespmem:v18+s16+$0x0], $0xffff  }
0x171: {  	v2 =	vadd.f32 v20, v2;
	v20 =	vmul.f32 v4, v33  }
0x172: {  	v4 =	vld.idx.msk [tilespmem:v18+s17+$0x0], $0xffff  }
0x173: {  	v18 =	vor.u32 $0x5, v17;
	v2 =	vadd.f32 v20, v2;
	v20 =	vmul.f32 v1, v30  }
0x174: {  	v1 =	vld.idx.msk [tilespmem:v19+s16+$0x0], $0xffff  }
0x175: {  	v2 =	vadd.f32 v20, v2;
	v20 =	vmul.f32 v3, v35  }
0x176: {  	v3 =	vld.idx.msk [tilespmem:v19+s17+$0x0], $0xffff  }
0x177: {  	v19 =	vor.u32 $0x6, v17;
	v2 =	vadd.f32 v20, v2;
	v20 =	vmul.f32 v4, v32  }
0x178: {  	v4 =	vld.idx.msk [tilespmem:v18+s16+$0x0], $0xffff  }
0x179: {  	v2 =	vadd.f32 v20, v2;
	v20 =	vmul.f32 v1, v37  }
0x17a: {  	v1 =	vld.idx.msk [tilespmem:v18+s17+$0x0], $0xffff  }
0x17b: {  	v18 =	vor.u32 $0x7, v17;
	v2 =	vadd.f32 v20, v2;
	v20 =	vmul.f32 v3, v34  }
0x17c: {  	v3 =	vld.idx.msk [tilespmem:v19+s16+$0x0], $0xffff  }
0x17d: {  	v2 =	vadd.f32 v20, v2;
	v20 =	vmul.f32 v4, v39  }
0x17e: {  	v4 =	vld.idx.msk [tilespmem:v19+s17+$0x0], $0xffff  }
0x17f: {  	v19 =	vor.u32 $0x8, v17;
	v2 =	vadd.f32 v20, v2;
	v20 =	vmul.f32 v1, v36  }
0x180: {  	v1 =	vld.idx.msk [tilespmem:v18+s16+$0x0], $0xffff  }
0x181: {  	v2 =	vadd.f32 v20, v2;
	v20 =	vmul.f32 v3, v41  }
0x182: {  	v3 =	vld.idx.msk [tilespmem:v18+s17+$0x0], $0xffff  }
0x183: {  	v18 =	vor.u32 $0x9, v17;
	v2 =	vadd.f32 v20, v2;
	v20 =	vmul.f32 v4, v38  }
0x184: {  	v4 =	vld.idx.msk [tilespmem:v19+s16+$0x0], $0xffff  }
0x185: {  	v2 =	vadd.f32 v20, v2;
	v20 =	vmul.f32 v1, v43  }
0x186: {  	v1 =	vld.idx.msk [tilespmem:v19+s17+$0x0], $0xffff  }
0x187: {  	v19 =	vor.u32 $0xA, v17;
	v2 =	vadd.f32 v20, v2;
	v20 =	vmul.f32 v3, v40  }
0x188: {  	v3 =	vld.idx.msk [tilespmem:v18+s16+$0x0], $0xffff  }
0x189: {  	v2 =	vadd.f32 v20, v2;
	v20 =	vmul.f32 v4, v45  }
0x18a: {  	v4 =	vld.idx.msk [tilespmem:v18+s17+$0x0], $0xffff  }
0x18b: {  	v18 =	vor.u32 $0xB, v17;
	v2 =	vadd.f32 v20, v2;
	v20 =	vmul.f32 v1, v42  }
0x18c: {  	v1 =	vld.idx.msk [tilespmem:v19+s16+$0x0], $0xffff  }
0x18d: {  	v2 =	vadd.f32 v20, v2;
	v20 =	vmul.f32 v3, v47  }
0x18e: {  	v3 =	vld.idx.msk [tilespmem:v19+s17+$0x0], $0xffff  }
0x18f: {  	v19 =	vor.u32 $0xC, v17;
	v2 =	vadd.f32 v20, v2;
	v20 =	vmul.f32 v4, v44  }
0x190: {  	v4 =	vld.idx.msk [tilespmem:v18+s16+$0x0], $0xffff  }
0x191: {  	v2 =	vadd.f32 v20, v2;
	v20 =	vmul.f32 v1, v49  }
0x192: {  	v1 =	vld.idx.msk [tilespmem:v18+s17+$0x0], $0xffff  }
0x193: {  	v18 =	vor.u32 $0xD, v17;
	v2 =	vadd.f32 v20, v2;
	v20 =	vmul.f32 v3, v46  }
0x194: {  	v3 =	vld.idx.msk [tilespmem:v19+s16+$0x0], $0xffff  }
0x195: {  	v2 =	vadd.f32 v20, v2;
	v20 =	vmul.f32 v4, v51  }
0x196: {  	v4 =	vld.idx.msk [tilespmem:v19+s17+$0x0], $0xffff  }
0x197: {  	v19 =	vor.u32 $0xE, v17;
	v2 =	vadd.f32 v20, v2;
	v20 =	vmul.f32 v1, v48  }
0x198: {  	v1 =	vld.idx.msk [tilespmem:v18+s16+$0x0], $0xffff  }
0x199: {  	v2 =	vadd.f32 v20, v2;
	v20 =	vmul.f32 v3, v53  }
0x19a: {  	v3 =	vld.idx.msk [tilespmem:v18+s17+$0x0], $0xffff  }
0x19b: {  	v18 =	vor.u32 $0xF, v17;
	v2 =	vadd.f32 v20, v2;
	v20 =	vmul.f32 v4, v50  }
0x19c: {  	v4 =	vld.idx.msk [tilespmem:v19+s16+$0x0], $0xffff  }
0x19d: {  	v2 =	vadd.f32 v20, v2;
	v20 =	vmul.f32 v1, v55  }
0x19e: {  	v1 =	vld.idx.msk [tilespmem:v19+s17+$0x0], $0xffff  }
0x19f: {  	v19 =	vor.u32 $0x10, v17;
	v2 =	vadd.f32 v20, v2;
	v20 =	vmul.f32 v3, v52  }
0x1a0: {  	v3 =	vld.idx.msk [tilespmem:v18+s16+$0x0], $0xffff  }
0x1a1: {  	v2 =	vadd.f32 v20, v2;
	v20 =	vmul.f32 v4, v57  }
0x1a2: {  	v4 =	vld.idx.msk [tilespmem:v18+s17+$0x0], $0xffff  }
0x1a3: {  	v18 =	vor.u32 $0x11, v17;
	v2 =	vadd.f32 v20, v2;
	v20 =	vmul.f32 v1, v54  }
0x1a4: {  	v1 =	vld.idx.msk [tilespmem:v19+s16+$0x0], $0xffff  }
0x1a5: {  	v2 =	vadd.f32 v20, v2;
	v20 =	vmul.f32 v3, v59  }
0x1a6: {  	v3 =	vld.idx.msk [tilespmem:v19+s17+$0x0], $0xffff  }
0x1a7: {  	v2 =	vadd.f32 v20, v2;
	v20 =	vmul.f32 v4, v56  }
0x1a8: {  	v4 =	vld.idx.msk [tilespmem:v18+s16+$0x0], $0xffff  }
0x1a9: {  	v19 =	vor.u32 $0x12, v17;
	v2 =	vadd.f32 v20, v2;
	v20 =	vmul.f32 v1, v61  }
0x1aa: {  	v1 =	vld.idx.msk [tilespmem:v18+s17+$0x0], $0xffff  }
0x1ab: {  	v2 =	vadd.f32 v20, v2;
	v20 =	vmul.f32 v3, v58;
	_ =	sdelay $0x1  }
0x1ac: {  	v2 =	vadd.f32 v20, v2;
	v20 =	vmul.f32 v4, v63  }
0x1ad: {  	v3 =	vld.idx.msk [tilespmem:v19+s16+$0x0], $0xffff  }
0x1ae: {  	v2 =	vadd.f32 v20, v2;
	v20 =	vmul.f32 v1, v60;
	v1 =	vld [tilespmem:$0x1F470];
	_ =	sdelay $0x1  }
0x1af: {  	v4 =	vld.idx.msk [tilespmem:v19+s17+$0x0], $0xffff  }
0x1b0: {  	v28 =	vmov v33;
	v18 =	vor.u32 $0x13, v17  }
0x1b1: {  	v33 =	vmovc v32;
	v32 =	vmovc v37;
	v37 =	vmov v36;
	v36 =	vmov v41;
	v41 =	vmov v40  }
0x1b2: {  	v40 =	vmovc v45;
	v45 =	vmovc v44;
	v44 =	vmov v49;
	v2 =	vadd.f32 v20, v2;
	v20 =	vmul.f32 v3, v1  }
0x1b3: {  	v49 =	vmovc v48;
	v48 =	vmovc v53;
	v53 =	vmov v52;
	v52 =	vmov v57;
	v57 =	vmov v56  }
0x1b4: {  	v56 =	vmovc v61;
	v61 =	vmovc v60;
	v60 =	vmov v1;
	v1 =	vadd.f32 v20, v2;
	v20 =	vmul.f32 v4, v62  }
0x1b5: {  	v5 =	vld.idx.msk [tilespmem:v18+s16+$0x0], $0xffff  }
0x1b6: {  	v2 =	vadd.f32 v20, v1;
	v1 =	vld [tilespmem:$0x1F490];
	_ =	sdelay $0x3  }
0x1b7: {  	v19 =	vor.u32 $0x14, v17;
	v3 =	vld.idx.msk [tilespmem:v18+s17+$0x0], $0xffff  }
0x1b8: {  	[tilespmem:$0x1F480] =	vst v62;
	v62 =	vmov v1;
	v20 =	vmul.f32 v5, v1;
	v1 =	vld [tilespmem:$0x1F4A0]  }
0x1b9: {  	v26 =	vmov v29  }
0x1ba: {  	v29 =	vmovc v31;
	v31 =	vmovc v30;
	v30 =	vmov v35;
	v35 =	vmov v34;
	v34 =	vmov v39  }
0x1bb: {  	v39 =	vmovc v38;
	v38 =	vmovc v43;
	v43 =	vmov v42;
	v42 =	vmov v47;
	v47 =	vmov v46  }
0x1bc: {  	v46 =	vmovc v51;
	v51 =	vmovc v50;
	v50 =	vmov v55;
	v55 =	vmov v54;
	v54 =	vmov v59;
	v4 =	vld.idx.msk [tilespmem:v19+s16+$0x0], $0xffff  }
0x1bd: {  	v59 =	vmovc v58;
	v58 =	vmovc v63;
	v2 =	vadd.f32 v20, v2;
	v63 =	vmov v1;
	v20 =	vmul.f32 v3, v1;
	v1 =	vld [tilespmem:$0x1F4B0];
	_ =	sdelay $0x3  }
0x1be: {  	v18 =	vor.u32 $0x15, v17;
	v5 =	vld.idx.msk [tilespmem:v19+s17+$0x0], $0xffff  }
0x1bf: {  	v2 =	vadd.f32 v20, v2;
	v20 =	vmul.f32 v4, v1;
	v1 =	vld [tilespmem:$0x1F4C0];
	_ =	sdelay $0x3  }
0x1c0: {  	v6 =	vld.idx.msk [tilespmem:v18+s16+$0x0], $0xffff  }
0x1c1: {  	v2 =	vadd.f32 v20, v2;
	v3 =	vmov v1;
	v20 =	vmul.f32 v5, v1;
	v1 =	vld [tilespmem:$0x1F4D0];
	_ =	sdelay $0x3  }
0x1c2: {  	v7 =	vld.idx.msk [tilespmem:v18+s17+$0x0], $0xffff;
	v19 =	vor.u32 $0x16, v17  }
0x1c3: {  	v2 =	vadd.f32 v20, v2;
	v4 =	vmov v1;
	v20 =	vmul.f32 v6, v1;
	v1 =	vld [tilespmem:$0x1F4E0];
	_ =	sdelay $0x3  }
0x1c4: {  	v8 =	vld.idx.msk [tilespmem:v19+s16+$0x0], $0xffff  }
0x1c5: {  	v2 =	vadd.f32 v20, v2;
	v5 =	vmov v1;
	v20 =	vmul.f32 v7, v1;
	v1 =	vld [tilespmem:$0x1F4F0];
	_ =	sdelay $0x3  }
0x1c6: {  	v18 =	vor.u32 $0x17, v17;
	v9 =	vld.idx.msk [tilespmem:v19+s17+$0x0], $0xffff  }
0x1c7: {  	v2 =	vadd.f32 v20, v2;
	v6 =	vmov v1;
	v20 =	vmul.f32 v8, v1;
	v1 =	vld [tilespmem:$0x1F500];
	_ =	sdelay $0x3  }
0x1c8: {  	v10 =	vld.idx.msk [tilespmem:v18+s16+$0x0], $0xffff  }
0x1c9: {  	v2 =	vadd.f32 v20, v2;
	v7 =	vmov v1;
	v20 =	vmul.f32 v9, v1;
	v1 =	vld [tilespmem:$0x1F510];
	_ =	sdelay $0x3  }
0x1ca: {  	v11 =	vld.idx.msk [tilespmem:v18+s17+$0x0], $0xffff;
	v19 =	vor.u32 $0x18, v17  }
0x1cb: {  	v2 =	vadd.f32 v20, v2;
	v8 =	vmov v1;
	v20 =	vmul.f32 v10, v1;
	v1 =	vld [tilespmem:$0x1F520];
	_ =	sdelay $0x3  }
0x1cc: {  	v12 =	vld.idx.msk [tilespmem:v19+s16+$0x0], $0xffff  }
0x1cd: {  	v2 =	vadd.f32 v20, v2;
	v9 =	vmov v1;
	v20 =	vmul.f32 v11, v1;
	v1 =	vld [tilespmem:$0x1F530];
	_ =	sdelay $0x3  }
0x1ce: {  	v18 =	vor.u32 $0x19, v17;
	v13 =	vld.idx.msk [tilespmem:v19+s17+$0x0], $0xffff  }
0x1cf: {  	v2 =	vadd.f32 v20, v2;
	v10 =	vmov v1;
	v20 =	vmul.f32 v12, v1;
	v1 =	vld [tilespmem:$0x1F540];
	_ =	sdelay $0x3  }
0x1d0: {  	v14 =	vld.idx.msk [tilespmem:v18+s16+$0x0], $0xffff  }
0x1d1: {  	v2 =	vadd.f32 v20, v2;
	v11 =	vmov v1;
	v20 =	vmul.f32 v13, v1;
	v1 =	vld [tilespmem:$0x1F550];
	_ =	sdelay $0x3  }
0x1d2: {  	v15 =	vld.idx.msk [tilespmem:v18+s17+$0x0], $0xffff  }
0x1d3: {  	v18 =	vor.u32 $0x1B, v17;
	v2 =	vadd.f32 v20, v2;
	v12 =	vmovc v1;
	v20 =	vmul.f32 v14, v1;
	v1 =	vld [tilespmem:$0x1F560];
	_ =	sdelay $0x3  }
0x1d4: {  	v19 =	vor.u32 $0x1A, v17  }
0x1d5: {  	v2 =	vadd.f32 v20, v2;
	v13 =	vmov v1;
	v20 =	vmul.f32 v15, v1;
	v1 =	vld.idx.msk [tilespmem:v18+s16+$0x0], $0xffff;
	_ =	sdelay $0x3  }
0x1d6: {  	v16 =	vld.idx.msk [tilespmem:v19+s16+$0x0], $0xffff  }
0x1d7: {  	[tilespmem:$0x1F5A0] =	vst v1;
	v1 =	vld [tilespmem:$0x1F570];
	_ =	sdelay $0x4  }
0x1d8: {  	v2 =	vadd.f32 v20, v2;
	v14 =	vmov v1;
	v20 =	vmul.f32 v16, v1;
	v1 =	vld.idx.msk [tilespmem:v18+s17+$0x0], $0xffff;
	_ =	sdelay $0x3  }
0x1d9: {  	v21 =	vld.idx.msk [tilespmem:v19+s17+$0x0], $0xffff  }
0x1da: {  	[tilespmem:$0x1F5C0] =	vst v1;
	v1 =	vld [tilespmem:$0x1F580];
	_ =	sdelay $0x4  }
0x1db: {  	v2 =	vadd.f32 v20, v2;
	v20 =	vmul.f32 v21, v1  }
0x1dc: {  	v15 =	vmov v1;
	v1 =	vld [tilespmem:$0x1F590]  }
0x1dd: {  	v19 =	vor.u32 $0x1C, v17;
	v2 =	vadd.f32 v20, v2;
	v20 =	vld [tilespmem:$0x1F5A0];
	_ =	sdelay $0x4  }
0x1de: {  	v18 =	vor.u32 $0x1D, v17;
	v16 =	vmov v1;
	v20 =	vmul.f32 v20, v1;
	v1 =	vld.idx.msk [tilespmem:v19+s17+$0x0], $0xffff;
	_ =	sdelay $0x4  }
0x1df: {  	[tilespmem:$0x1F600] =	vst v1;
	v1 =	vadd.f32 v20, v2;
	v2 =	vld.idx.msk [tilespmem:v18+s16+$0x0], $0xffff  }
0x1e0: {  	v21 =	vld.idx.msk [tilespmem:v19+s16+$0x0], $0xffff  }
0x1e1: {  	v19 =	vld [tilespmem:$0x1F5B0]  }
0x1e2: {  	v20 =	vld [tilespmem:$0x1F5C0]  }
0x1e3: {  	[tilespmem:$0x1F5D0] =	vst v1  }
0x1e4: {  	[tilespmem:$0x1F630] =	vst v2;
	v2 =	vld [tilespmem:$0x1F5D0];
	_ =	sdelay $0x2  }
0x1e5: {  	v20 =	vmul.f32 v20, v19;
	_ =	sdelay $0x1  }
0x1e6: {  	v2 =	vadd.f32 v20, v2;
	v20 =	vld [tilespmem:$0x1F5E0];
	_ =	sdelay $0x3  }
0x1e7: {  	v1 =	vmov v19;
	v19 =	vor.u32 $0x1E, v17  }
0x1e8: {  	v20 =	vmul.f32 v21, v20;
	_ =	sdelay $0x1  }
0x1e9: {  	v2 =	vadd.f32 v20, v2;
	_ =	sdelay $0x1  }
0x1ea: {  	[tilespmem:$0x1F610] =	vst v2;
	v2 =	vld.idx.msk [tilespmem:v19+s16+$0x0], $0xffff  }
0x1eb: {  	v21 =	vld.idx.msk [tilespmem:v18+s17+$0x0], $0xffff  }
0x1ec: {  	v18 =	vld [tilespmem:$0x1F5F0]  }
0x1ed: {  	v20 =	vld [tilespmem:$0x1F600];
	_ =	sdelay $0x1  }
0x1ee: {  	[tilespmem:$0x1F670] =	vst v2;
	v2 =	vld [tilespmem:$0x1F610];
	_ =	sdelay $0x2  }
0x1ef: {  	v20 =	vmul.f32 v20, v18;
	_ =	sdelay $0x1  }
0x1f0: {  	v2 =	vadd.f32 v20, v2  }
0x1f1: {  	v20 =	vld [tilespmem:$0x1F620]  }
0x1f2: {  	[tilespmem:$0x1F640] =	vst v2;
	v2 =	vld [tilespmem:$0x1F630];
	_ =	sdelay $0x4  }
0x1f3: {  	v20 =	vmul.f32 v2, v20;
	v2 =	vld.idx.msk [tilespmem:v19+s17+$0x0], $0xffff;
	_ =	sdelay $0x3  }
0x1f4: {  	v19 =	vld [tilespmem:$0x1F650]  }
0x1f5: {  	[tilespmem:$0x1F6A0] =	vst v2;
	v2 =	vld [tilespmem:$0x1F640];
	_ =	sdelay $0x4  }
0x1f6: {  	v2 =	vadd.f32 v20, v2;
	v20 =	vmul.f32 v21, v19;
	_ =	sdelay $0x1  }
0x1f7: {  	v2 =	vadd.f32 v20, v2  }
0x1f8: {  	v20 =	vld [tilespmem:$0x1F660]  }
0x1f9: {  	v18 =	vor.u32 $0x1F, v17;
	[tilespmem:$0x1F680] =	vst v2;
	v2 =	vld [tilespmem:$0x1F670];
	_ =	sdelay $0x4  }
0x1fa: {  	v20 =	vmul.f32 v2, v20;
	v2 =	vld.idx.msk [tilespmem:v18+s17+$0x0], $0xffff;
	_ =	sdelay $0x4  }
0x1fb: {  	[tilespmem:$0x1F6E0] =	vst v2;
	v2 =	vld [tilespmem:$0x1F680];
	_ =	sdelay $0x4  }
0x1fc: {  	v21 =	vld.idx.msk [tilespmem:v18+s16+$0x0], $0xffff;
	v2 =	vadd.f32 v20, v2  }
0x1fd: {  	v18 =	vld [tilespmem:$0x1F690]  }
0x1fe: {  	v19 =	vor.u32 $0x20, v17;
	[tilespmem:$0x1F6B0] =	vst v2;
	v2 =	vld [tilespmem:$0x1F6A0];
	_ =	sdelay $0x4  }
0x1ff: {  	v20 =	vmul.f32 v2, v18;
	v2 =	vld.idx.msk [tilespmem:v19+s16+$0x0], $0xffff;
	_ =	sdelay $0x4  }
0x200: {  	[tilespmem:$0x1F710] =	vst v2;
	v2 =	vld [tilespmem:$0x1F6B0];
	_ =	sdelay $0x4  }
0x201: {  	v2 =	vadd.f32 v20, v2;
	v20 =	vld [tilespmem:$0x1F6C0];
	_ =	sdelay $0x4  }
0x202: {  	v20 =	vmul.f32 v21, v20;
	_ =	sdelay $0x1  }
0x203: {  	v21 =	vld.idx.msk [tilespmem:v19+s17+$0x0], $0xffff;
	v2 =	vadd.f32 v20, v2  }
0x204: {  	v19 =	vld [tilespmem:$0x1F6D0]  }
0x205: {  	v18 =	vor.u32 $0x21, v17;
	[tilespmem:$0x1F6F0] =	vst v2;
	v2 =	vld [tilespmem:$0x1F6E0];
	_ =	sdelay $0x4  }
0x206: {  	v20 =	vmul.f32 v2, v19;
	v2 =	vld.idx.msk [tilespmem:v18+s16+$0x0], $0xffff;
	_ =	sdelay $0x4  }
0x207: {  	[tilespmem:$0x1F750] =	vst v2;
	v2 =	vld [tilespmem:$0x1F6F0];
	_ =	sdelay $0x4  }
0x208: {  	v2 =	vadd.f32 v20, v2  }
0x209: {  	v20 =	vld [tilespmem:$0x1F700]  }
0x20a: {  	[tilespmem:$0x1F720] =	vst v2;
	v2 =	vld [tilespmem:$0x1F710];
	_ =	sdelay $0x4  }
0x20b: {  	v20 =	vmul.f32 v2, v20;
	v2 =	vld.idx.msk [tilespmem:v18+s17+$0x0], $0xffff;
	_ =	sdelay $0x3  }
0x20c: {  	v18 =	vld [tilespmem:$0x1F730]  }
0x20d: {  	[tilespmem:$0x1F780] =	vst v2;
	v2 =	vld [tilespmem:$0x1F720];
	_ =	sdelay $0x4  }
0x20e: {  	v2 =	vadd.f32 v20, v2;
	v20 =	vmul.f32 v21, v18;
	_ =	sdelay $0x1  }
0x20f: {  	v2 =	vadd.f32 v20, v2  }
0x210: {  	v20 =	vld [tilespmem:$0x1F740]  }
0x211: {  	v19 =	vor.u32 $0x22, v17;
	[tilespmem:$0x1F760] =	vst v2;
	v2 =	vld [tilespmem:$0x1F750];
	_ =	sdelay $0x4  }
0x212: {  	v20 =	vmul.f32 v2, v20;
	v2 =	vld.idx.msk [tilespmem:v19+s17+$0x0], $0xffff;
	_ =	sdelay $0x4  }
0x213: {  	[tilespmem:$0x1F7C0] =	vst v2;
	v2 =	vld [tilespmem:$0x1F760];
	_ =	sdelay $0x4  }
0x214: {  	v21 =	vld.idx.msk [tilespmem:v19+s16+$0x0], $0xffff;
	v2 =	vadd.f32 v20, v2  }
0x215: {  	v19 =	vld [tilespmem:$0x1F770]  }
0x216: {  	v18 =	vor.u32 $0x23, v17;
	[tilespmem:$0x1F790] =	vst v2;
	v2 =	vld [tilespmem:$0x1F780];
	_ =	sdelay $0x4  }
0x217: {  	v20 =	vmul.f32 v2, v19;
	v2 =	vld.idx.msk [tilespmem:v18+s16+$0x0], $0xffff;
	_ =	sdelay $0x4  }
0x218: {  	[tilespmem:$0x1F7F0] =	vst v2;
	v2 =	vld [tilespmem:$0x1F790];
	_ =	sdelay $0x4  }
0x219: {  	v2 =	vadd.f32 v20, v2;
	v20 =	vld [tilespmem:$0x1F7A0];
	_ =	sdelay $0x4  }
0x21a: {  	v20 =	vmul.f32 v21, v20;
	_ =	sdelay $0x1  }
0x21b: {  	v21 =	vld.idx.msk [tilespmem:v18+s17+$0x0], $0xffff;
	v2 =	vadd.f32 v20, v2  }
0x21c: {  	v18 =	vld [tilespmem:$0x1F7B0]  }
0x21d: {  	v19 =	vor.u32 $0x24, v17;
	[tilespmem:$0x1F7D0] =	vst v2;
	v2 =	vld [tilespmem:$0x1F7C0];
	_ =	sdelay $0x4  }
0x21e: {  	v20 =	vmul.f32 v2, v18;
	v2 =	vld.idx.msk [tilespmem:v19+s16+$0x0], $0xffff;
	_ =	sdelay $0x4  }
0x21f: {  	[tilespmem:$0x1F830] =	vst v2;
	v2 =	vld [tilespmem:$0x1F7D0];
	_ =	sdelay $0x4  }
0x220: {  	v2 =	vadd.f32 v20, v2  }
0x221: {  	v20 =	vld [tilespmem:$0x1F7E0]  }
0x222: {  	[tilespmem:$0x1F800] =	vst v2;
	v2 =	vld [tilespmem:$0x1F7F0];
	_ =	sdelay $0x4  }
0x223: {  	v20 =	vmul.f32 v2, v20;
	v2 =	vld.idx.msk [tilespmem:v19+s17+$0x0], $0xffff;
	_ =	sdelay $0x3  }
0x224: {  	v19 =	vld [tilespmem:$0x1F810]  }
0x225: {  	[tilespmem:$0x1F860] =	vst v2;
	v2 =	vld [tilespmem:$0x1F800];
	_ =	sdelay $0x4  }
0x226: {  	v2 =	vadd.f32 v20, v2;
	v20 =	vmul.f32 v21, v19;
	_ =	sdelay $0x1  }
0x227: {  	v2 =	vadd.f32 v20, v2  }
0x228: {  	v20 =	vld [tilespmem:$0x1F820]  }
0x229: {  	v18 =	vor.u32 $0x25, v17;
	[tilespmem:$0x1F840] =	vst v2;
	v2 =	vld [tilespmem:$0x1F830];
	_ =	sdelay $0x4  }
0x22a: {  	v20 =	vmul.f32 v2, v20;
	v2 =	vld.idx.msk [tilespmem:v18+s17+$0x0], $0xffff;
	_ =	sdelay $0x4  }
0x22b: {  	[tilespmem:$0x1F8A0] =	vst v2;
	v2 =	vld [tilespmem:$0x1F840];
	_ =	sdelay $0x4  }
0x22c: {  	v21 =	vld.idx.msk [tilespmem:v18+s16+$0x0], $0xffff;
	v2 =	vadd.f32 v20, v2  }
0x22d: {  	v18 =	vld [tilespmem:$0x1F850]  }
0x22e: {  	v19 =	vor.u32 $0x26, v17;
	[tilespmem:$0x1F870] =	vst v2;
	v2 =	vld [tilespmem:$0x1F860];
	_ =	sdelay $0x4  }
0x22f: {  	v20 =	vmul.f32 v2, v18;
	v2 =	vld.idx.msk [tilespmem:v19+s16+$0x0], $0xffff;
	_ =	sdelay $0x4  }
0x230: {  	[tilespmem:$0x1F8D0] =	vst v2;
	v2 =	vld [tilespmem:$0x1F870];
	_ =	sdelay $0x4  }
0x231: {  	v2 =	vadd.f32 v20, v2;
	v20 =	vld [tilespmem:$0x1F880];
	_ =	sdelay $0x4  }
0x232: {  	v20 =	vmul.f32 v21, v20;
	_ =	sdelay $0x1  }
0x233: {  	v21 =	vld.idx.msk [tilespmem:v19+s17+$0x0], $0xffff;
	v2 =	vadd.f32 v20, v2  }
0x234: {  	v19 =	vld [tilespmem:$0x1F890]  }
0x235: {  	v18 =	vor.u32 $0x27, v17;
	[tilespmem:$0x1F8B0] =	vst v2;
	v2 =	vld [tilespmem:$0x1F8A0];
	_ =	sdelay $0x4  }
0x236: {  	v20 =	vmul.f32 v2, v19;
	v2 =	vld.idx.msk [tilespmem:v18+s16+$0x0], $0xffff;
	_ =	sdelay $0x4  }
0x237: {  	[tilespmem:$0x1F910] =	vst v2;
	v2 =	vld [tilespmem:$0x1F8B0];
	_ =	sdelay $0x4  }
0x238: {  	v2 =	vadd.f32 v20, v2  }
0x239: {  	v20 =	vld [tilespmem:$0x1F8C0]  }
0x23a: {  	[tilespmem:$0x1F8E0] =	vst v2;
	v2 =	vld [tilespmem:$0x1F8D0];
	_ =	sdelay $0x4  }
0x23b: {  	v20 =	vmul.f32 v2, v20;
	v2 =	vld.idx.msk [tilespmem:v18+s17+$0x0], $0xffff;
	_ =	sdelay $0x3  }
0x23c: {  	v18 =	vld [tilespmem:$0x1F8F0]  }
0x23d: {  	[tilespmem:$0x1F940] =	vst v2;
	v2 =	vld [tilespmem:$0x1F8E0];
	_ =	sdelay $0x4  }
0x23e: {  	v2 =	vadd.f32 v20, v2;
	v20 =	vmul.f32 v21, v18;
	_ =	sdelay $0x1  }
0x23f: {  	v2 =	vadd.f32 v20, v2  }
0x240: {  	v20 =	vld [tilespmem:$0x1F900]  }
0x241: {  	v19 =	vor.u32 $0x28, v17;
	[tilespmem:$0x1F920] =	vst v2;
	v2 =	vld [tilespmem:$0x1F910];
	_ =	sdelay $0x4  }
0x242: {  	v20 =	vmul.f32 v2, v20;
	v2 =	vld.idx.msk [tilespmem:v19+s17+$0x0], $0xffff;
	_ =	sdelay $0x4  }
0x243: {  	[tilespmem:$0x1F980] =	vst v2;
	v2 =	vld [tilespmem:$0x1F920];
	_ =	sdelay $0x4  }
0x244: {  	v21 =	vld.idx.msk [tilespmem:v19+s16+$0x0], $0xffff;
	v2 =	vadd.f32 v20, v2  }
0x245: {  	v19 =	vld [tilespmem:$0x1F930]  }
0x246: {  	v18 =	vor.u32 $0x29, v17;
	[tilespmem:$0x1F950] =	vst v2;
	v2 =	vld [tilespmem:$0x1F940];
	_ =	sdelay $0x4  }
0x247: {  	v20 =	vmul.f32 v2, v19;
	v2 =	vld.idx.msk [tilespmem:v18+s16+$0x0], $0xffff;
	_ =	sdelay $0x4  }
0x248: {  	[tilespmem:$0x1F9B0] =	vst v2;
	v2 =	vld [tilespmem:$0x1F950];
	_ =	sdelay $0x4  }
0x249: {  	v2 =	vadd.f32 v20, v2;
	v20 =	vld [tilespmem:$0x1F960];
	_ =	sdelay $0x4  }
0x24a: {  	v20 =	vmul.f32 v21, v20;
	_ =	sdelay $0x1  }
0x24b: {  	v21 =	vld.idx.msk [tilespmem:v18+s17+$0x0], $0xffff;
	v2 =	vadd.f32 v20, v2  }
0x24c: {  	v18 =	vld [tilespmem:$0x1F970]  }
0x24d: {  	v19 =	vor.u32 $0x2A, v17;
	[tilespmem:$0x1F990] =	vst v2;
	v2 =	vld [tilespmem:$0x1F980];
	_ =	sdelay $0x4  }
0x24e: {  	v20 =	vmul.f32 v2, v18;
	v2 =	vld.idx.msk [tilespmem:v19+s16+$0x0], $0xffff;
	_ =	sdelay $0x4  }
0x24f: {  	[tilespmem:$0x1F9F0] =	vst v2;
	v2 =	vld [tilespmem:$0x1F990];
	_ =	sdelay $0x4  }
0x250: {  	v2 =	vadd.f32 v20, v2  }
0x251: {  	v20 =	vld [tilespmem:$0x1F9A0]  }
0x252: {  	[tilespmem:$0x1F9C0] =	vst v2;
	v2 =	vld [tilespmem:$0x1F9B0];
	_ =	sdelay $0x4  }
0x253: {  	v20 =	vmul.f32 v2, v20;
	v2 =	vld.idx.msk [tilespmem:v19+s17+$0x0], $0xffff;
	_ =	sdelay $0x3  }
0x254: {  	v19 =	vld [tilespmem:$0x1F9D0]  }
0x255: {  	[tilespmem:$0x1FA20] =	vst v2;
	v2 =	vld [tilespmem:$0x1F9C0];
	_ =	sdelay $0x4  }
0x256: {  	v2 =	vadd.f32 v20, v2;
	v20 =	vmul.f32 v21, v19;
	_ =	sdelay $0x1  }
0x257: {  	v2 =	vadd.f32 v20, v2  }
0x258: {  	v20 =	vld [tilespmem:$0x1F9E0]  }
0x259: {  	v18 =	vor.u32 $0x2B, v17;
	[tilespmem:$0x1FA00] =	vst v2;
	v2 =	vld [tilespmem:$0x1F9F0];
	_ =	sdelay $0x4  }
0x25a: {  	v20 =	vmul.f32 v2, v20;
	v2 =	vld.idx.msk [tilespmem:v18+s17+$0x0], $0xffff;
	_ =	sdelay $0x4  }
0x25b: {  	[tilespmem:$0x1FA60] =	vst v2;
	v2 =	vld [tilespmem:$0x1FA00];
	_ =	sdelay $0x4  }
0x25c: {  	v21 =	vld.idx.msk [tilespmem:v18+s16+$0x0], $0xffff;
	v2 =	vadd.f32 v20, v2  }
0x25d: {  	v18 =	vld [tilespmem:$0x1FA10]  }
0x25e: {  	v19 =	vor.u32 $0x2C, v17;
	[tilespmem:$0x1FA30] =	vst v2;
	v2 =	vld [tilespmem:$0x1FA20];
	_ =	sdelay $0x4  }
0x25f: {  	v20 =	vmul.f32 v2, v18;
	v2 =	vld.idx.msk [tilespmem:v19+s16+$0x0], $0xffff;
	_ =	sdelay $0x4  }
0x260: {  	[tilespmem:$0x1FA90] =	vst v2;
	v2 =	vld [tilespmem:$0x1FA30];
	_ =	sdelay $0x4  }
0x261: {  	v2 =	vadd.f32 v20, v2;
	v20 =	vld [tilespmem:$0x1FA40];
	_ =	sdelay $0x4  }
0x262: {  	v20 =	vmul.f32 v21, v20;
	_ =	sdelay $0x1  }
0x263: {  	v21 =	vld.idx.msk [tilespmem:v19+s17+$0x0], $0xffff;
	v2 =	vadd.f32 v20, v2  }
0x264: {  	v19 =	vld [tilespmem:$0x1FA50]  }
0x265: {  	v18 =	vor.u32 $0x2D, v17;
	[tilespmem:$0x1FA70] =	vst v2;
	v2 =	vld [tilespmem:$0x1FA60];
	_ =	sdelay $0x4  }
0x266: {  	v20 =	vmul.f32 v2, v19;
	v2 =	vld.idx.msk [tilespmem:v18+s16+$0x0], $0xffff;
	_ =	sdelay $0x4  }
0x267: {  	[tilespmem:$0x1FAD0] =	vst v2;
	v2 =	vld [tilespmem:$0x1FA70];
	_ =	sdelay $0x4  }
0x268: {  	v2 =	vadd.f32 v20, v2  }
0x269: {  	v20 =	vld [tilespmem:$0x1FA80]  }
0x26a: {  	[tilespmem:$0x1FAA0] =	vst v2;
	v2 =	vld [tilespmem:$0x1FA90];
	_ =	sdelay $0x4  }
0x26b: {  	v20 =	vmul.f32 v2, v20;
	v2 =	vld.idx.msk [tilespmem:v18+s17+$0x0], $0xffff;
	_ =	sdelay $0x3  }
0x26c: {  	v18 =	vld [tilespmem:$0x1FAB0]  }
0x26d: {  	[tilespmem:$0x1FB00] =	vst v2;
	v2 =	vld [tilespmem:$0x1FAA0];
	_ =	sdelay $0x4  }
0x26e: {  	v2 =	vadd.f32 v20, v2;
	v20 =	vmul.f32 v21, v18;
	_ =	sdelay $0x1  }
0x26f: {  	v2 =	vadd.f32 v20, v2  }
0x270: {  	v20 =	vld [tilespmem:$0x1FAC0]  }
0x271: {  	v19 =	vor.u32 $0x2E, v17;
	[tilespmem:$0x1FAE0] =	vst v2;
	v2 =	vld [tilespmem:$0x1FAD0];
	_ =	sdelay $0x4  }
0x272: {  	v20 =	vmul.f32 v2, v20;
	v2 =	vld.idx.msk [tilespmem:v19+s17+$0x0], $0xffff;
	_ =	sdelay $0x4  }
0x273: {  	[tilespmem:$0x1FB40] =	vst v2;
	v2 =	vld [tilespmem:$0x1FAE0];
	_ =	sdelay $0x4  }
0x274: {  	v21 =	vld.idx.msk [tilespmem:v19+s16+$0x0], $0xffff;
	v2 =	vadd.f32 v20, v2  }
0x275: {  	v19 =	vld [tilespmem:$0x1FAF0]  }
0x276: {  	v18 =	vor.u32 $0x2F, v17;
	[tilespmem:$0x1FB10] =	vst v2;
	v2 =	vld [tilespmem:$0x1FB00];
	_ =	sdelay $0x4  }
0x277: {  	v20 =	vmul.f32 v2, v19;
	v2 =	vld.idx.msk [tilespmem:v18+s16+$0x0], $0xffff;
	_ =	sdelay $0x4  }
0x278: {  	[tilespmem:$0x1FB70] =	vst v2;
	v2 =	vld [tilespmem:$0x1FB10];
	_ =	sdelay $0x4  }
0x279: {  	v2 =	vadd.f32 v20, v2;
	v20 =	vld [tilespmem:$0x1FB20];
	_ =	sdelay $0x4  }
0x27a: {  	v20 =	vmul.f32 v21, v20;
	_ =	sdelay $0x1  }
0x27b: {  	v21 =	vld.idx.msk [tilespmem:v18+s17+$0x0], $0xffff;
	v2 =	vadd.f32 v20, v2  }
0x27c: {  	v18 =	vld [tilespmem:$0x1FB30]  }
0x27d: {  	v19 =	vor.u32 $0x30, v17;
	[tilespmem:$0x1FB50] =	vst v2;
	v2 =	vld [tilespmem:$0x1FB40];
	_ =	sdelay $0x4  }
0x27e: {  	v20 =	vmul.f32 v2, v18;
	v2 =	vld.idx.msk [tilespmem:v19+s16+$0x0], $0xffff;
	_ =	sdelay $0x4  }
0x27f: {  	[tilespmem:$0x1FBB0] =	vst v2;
	v2 =	vld [tilespmem:$0x1FB50];
	_ =	sdelay $0x4  }
0x280: {  	v2 =	vadd.f32 v20, v2  }
0x281: {  	v20 =	vld [tilespmem:$0x1FB60]  }
0x282: {  	[tilespmem:$0x1FB80] =	vst v2;
	v2 =	vld [tilespmem:$0x1FB70];
	_ =	sdelay $0x4  }
0x283: {  	v20 =	vmul.f32 v2, v20;
	v2 =	vld.idx.msk [tilespmem:v19+s17+$0x0], $0xffff;
	_ =	sdelay $0x3  }
0x284: {  	v19 =	vld [tilespmem:$0x1FB90]  }
0x285: {  	[tilespmem:$0x1FBE0] =	vst v2;
	v2 =	vld [tilespmem:$0x1FB80];
	_ =	sdelay $0x4  }
0x286: {  	v2 =	vadd.f32 v20, v2;
	v20 =	vmul.f32 v21, v19;
	_ =	sdelay $0x1  }
0x287: {  	v2 =	vadd.f32 v20, v2  }
0x288: {  	v20 =	vld [tilespmem:$0x1FBA0]  }
0x289: {  	v18 =	vor.u32 $0x31, v17;
	[tilespmem:$0x1FBC0] =	vst v2;
	v2 =	vld [tilespmem:$0x1FBB0];
	_ =	sdelay $0x4  }
0x28a: {  	v20 =	vmul.f32 v2, v20;
	v2 =	vld.idx.msk [tilespmem:v18+s17+$0x0], $0xffff;
	_ =	sdelay $0x4  }
0x28b: {  	[tilespmem:$0x1FC20] =	vst v2;
	v2 =	vld [tilespmem:$0x1FBC0];
	_ =	sdelay $0x4  }
0x28c: {  	v21 =	vld.idx.msk [tilespmem:v18+s16+$0x0], $0xffff;
	v2 =	vadd.f32 v20, v2  }
0x28d: {  	v18 =	vld [tilespmem:$0x1FBD0]  }
0x28e: {  	v19 =	vor.u32 $0x32, v17;
	[tilespmem:$0x1FBF0] =	vst v2;
	v2 =	vld [tilespmem:$0x1FBE0];
	_ =	sdelay $0x4  }
0x28f: {  	v20 =	vmul.f32 v2, v18;
	v2 =	vld.idx.msk [tilespmem:v19+s16+$0x0], $0xffff;
	_ =	sdelay $0x4  }
0x290: {  	[tilespmem:$0x1FC50] =	vst v2;
	v2 =	vld [tilespmem:$0x1FBF0];
	_ =	sdelay $0x4  }
0x291: {  	v2 =	vadd.f32 v20, v2;
	v20 =	vld [tilespmem:$0x1FC00];
	_ =	sdelay $0x4  }
0x292: {  	v20 =	vmul.f32 v21, v20;
	_ =	sdelay $0x1  }
0x293: {  	v21 =	vld.idx.msk [tilespmem:v19+s17+$0x0], $0xffff;
	v2 =	vadd.f32 v20, v2  }
0x294: {  	v19 =	vld [tilespmem:$0x1FC10]  }
0x295: {  	v18 =	vor.u32 $0x33, v17;
	[tilespmem:$0x1FC30] =	vst v2;
	v2 =	vld [tilespmem:$0x1FC20];
	_ =	sdelay $0x4  }
0x296: {  	v20 =	vmul.f32 v2, v19;
	v2 =	vld.idx.msk [tilespmem:v18+s16+$0x0], $0xffff;
	_ =	sdelay $0x4  }
0x297: {  	[tilespmem:$0x1FC90] =	vst v2;
	v2 =	vld [tilespmem:$0x1FC30];
	_ =	sdelay $0x4  }
0x298: {  	v2 =	vadd.f32 v20, v2  }
0x299: {  	v20 =	vld [tilespmem:$0x1FC40]  }
0x29a: {  	[tilespmem:$0x1FC60] =	vst v2;
	v2 =	vld [tilespmem:$0x1FC50];
	_ =	sdelay $0x4  }
0x29b: {  	v20 =	vmul.f32 v2, v20;
	v2 =	vld.idx.msk [tilespmem:v18+s17+$0x0], $0xffff;
	_ =	sdelay $0x3  }
0x29c: {  	v18 =	vld [tilespmem:$0x1FC70]  }
0x29d: {  	[tilespmem:$0x1FCC0] =	vst v2;
	v2 =	vld [tilespmem:$0x1FC60];
	_ =	sdelay $0x4  }
0x29e: {  	v2 =	vadd.f32 v20, v2;
	v20 =	vmul.f32 v21, v18;
	_ =	sdelay $0x1  }
0x29f: {  	v2 =	vadd.f32 v20, v2  }
0x2a0: {  	v20 =	vld [tilespmem:$0x1FC80]  }
0x2a1: {  	v19 =	vor.u32 $0x34, v17;
	[tilespmem:$0x1FCA0] =	vst v2;
	v2 =	vld [tilespmem:$0x1FC90];
	_ =	sdelay $0x4  }
0x2a2: {  	v20 =	vmul.f32 v2, v20;
	v2 =	vld.idx.msk [tilespmem:v19+s17+$0x0], $0xffff;
	_ =	sdelay $0x4  }
0x2a3: {  	[tilespmem:$0x1FD00] =	vst v2;
	v2 =	vld [tilespmem:$0x1FCA0];
	_ =	sdelay $0x4  }
0x2a4: {  	v21 =	vld.idx.msk [tilespmem:v19+s16+$0x0], $0xffff;
	v2 =	vadd.f32 v20, v2  }
0x2a5: {  	v19 =	vld [tilespmem:$0x1FCB0]  }
0x2a6: {  	v18 =	vor.u32 $0x35, v17;
	[tilespmem:$0x1FCD0] =	vst v2;
	v2 =	vld [tilespmem:$0x1FCC0];
	_ =	sdelay $0x4  }
0x2a7: {  	v20 =	vmul.f32 v2, v19;
	v2 =	vld.idx.msk [tilespmem:v18+s16+$0x0], $0xffff;
	_ =	sdelay $0x4  }
0x2a8: {  	[tilespmem:$0x1FD30] =	vst v2;
	v2 =	vld [tilespmem:$0x1FCD0];
	_ =	sdelay $0x4  }
0x2a9: {  	v2 =	vadd.f32 v20, v2;
	v20 =	vld [tilespmem:$0x1FCE0];
	_ =	sdelay $0x4  }
0x2aa: {  	v20 =	vmul.f32 v21, v20;
	_ =	sdelay $0x1  }
0x2ab: {  	v21 =	vld.idx.msk [tilespmem:v18+s17+$0x0], $0xffff;
	v2 =	vadd.f32 v20, v2  }
0x2ac: {  	v18 =	vld [tilespmem:$0x1FCF0]  }
0x2ad: {  	v19 =	vor.u32 $0x36, v17;
	[tilespmem:$0x1FD10] =	vst v2;
	v2 =	vld [tilespmem:$0x1FD00];
	_ =	sdelay $0x4  }
0x2ae: {  	v20 =	vmul.f32 v2, v18;
	v2 =	vld.idx.msk [tilespmem:v19+s16+$0x0], $0xffff;
	_ =	sdelay $0x4  }
0x2af: {  	[tilespmem:$0x1FD70] =	vst v2;
	v2 =	vld [tilespmem:$0x1FD10];
	_ =	sdelay $0x4  }
0x2b0: {  	v2 =	vadd.f32 v20, v2  }
0x2b1: {  	v20 =	vld [tilespmem:$0x1FD20]  }
0x2b2: {  	[tilespmem:$0x1FD40] =	vst v2;
	v2 =	vld [tilespmem:$0x1FD30];
	_ =	sdelay $0x4  }
0x2b3: {  	v20 =	vmul.f32 v2, v20;
	v2 =	vld.idx.msk [tilespmem:v19+s17+$0x0], $0xffff;
	_ =	sdelay $0x3  }
0x2b4: {  	v19 =	vld [tilespmem:$0x1FD50]  }
0x2b5: {  	[tilespmem:$0x1FDA0] =	vst v2;
	v2 =	vld [tilespmem:$0x1FD40];
	_ =	sdelay $0x4  }
0x2b6: {  	v2 =	vadd.f32 v20, v2;
	v20 =	vmul.f32 v21, v19;
	_ =	sdelay $0x1  }
0x2b7: {  	v2 =	vadd.f32 v20, v2  }
0x2b8: {  	v20 =	vld [tilespmem:$0x1FD60]  }
0x2b9: {  	v18 =	vor.u32 $0x37, v17;
	[tilespmem:$0x1FD80] =	vst v2;
	v2 =	vld [tilespmem:$0x1FD70];
	_ =	sdelay $0x4  }
0x2ba: {  	v20 =	vmul.f32 v2, v20;
	v2 =	vld.idx.msk [tilespmem:v18+s17+$0x0], $0xffff;
	_ =	sdelay $0x4  }
0x2bb: {  	[tilespmem:$0x1FDE0] =	vst v2;
	v2 =	vld [tilespmem:$0x1FD80];
	_ =	sdelay $0x4  }
0x2bc: {  	v21 =	vld.idx.msk [tilespmem:v18+s16+$0x0], $0xffff;
	v2 =	vadd.f32 v20, v2  }
0x2bd: {  	v18 =	vld [tilespmem:$0x1FD90]  }
0x2be: {  	v19 =	vor.u32 $0x38, v17;
	[tilespmem:$0x1FDB0] =	vst v2;
	v2 =	vld [tilespmem:$0x1FDA0];
	_ =	sdelay $0x4  }
0x2bf: {  	v20 =	vmul.f32 v2, v18;
	v2 =	vld.idx.msk [tilespmem:v19+s16+$0x0], $0xffff;
	_ =	sdelay $0x4  }
0x2c0: {  	[tilespmem:$0x1FE10] =	vst v2;
	v2 =	vld [tilespmem:$0x1FDB0];
	_ =	sdelay $0x4  }
0x2c1: {  	v2 =	vadd.f32 v20, v2;
	v20 =	vld [tilespmem:$0x1FDC0];
	_ =	sdelay $0x4  }
0x2c2: {  	v20 =	vmul.f32 v21, v20;
	_ =	sdelay $0x1  }
0x2c3: {  	v21 =	vld.idx.msk [tilespmem:v19+s17+$0x0], $0xffff;
	v2 =	vadd.f32 v20, v2  }
0x2c4: {  	v19 =	vld [tilespmem:$0x1FDD0]  }
0x2c5: {  	v18 =	vor.u32 $0x39, v17;
	[tilespmem:$0x1FDF0] =	vst v2;
	v2 =	vld [tilespmem:$0x1FDE0];
	_ =	sdelay $0x4  }
0x2c6: {  	v20 =	vmul.f32 v2, v19;
	v2 =	vld.idx.msk [tilespmem:v18+s16+$0x0], $0xffff;
	_ =	sdelay $0x4  }
0x2c7: {  	[tilespmem:$0x1FE50] =	vst v2;
	v2 =	vld [tilespmem:$0x1FDF0];
	_ =	sdelay $0x4  }
0x2c8: {  	v2 =	vadd.f32 v20, v2  }
0x2c9: {  	v20 =	vld [tilespmem:$0x1FE00]  }
0x2ca: {  	[tilespmem:$0x1FE20] =	vst v2;
	v2 =	vld [tilespmem:$0x1FE10];
	_ =	sdelay $0x4  }
0x2cb: {  	v20 =	vmul.f32 v2, v20;
	v2 =	vld.idx.msk [tilespmem:v18+s17+$0x0], $0xffff;
	_ =	sdelay $0x3  }
0x2cc: {  	v18 =	vld [tilespmem:$0x1FE30]  }
0x2cd: {  	[tilespmem:$0x1FE80] =	vst v2;
	v2 =	vld [tilespmem:$0x1FE20];
	_ =	sdelay $0x4  }
0x2ce: {  	v2 =	vadd.f32 v20, v2;
	v20 =	vmul.f32 v21, v18;
	_ =	sdelay $0x1  }
0x2cf: {  	v2 =	vadd.f32 v20, v2  }
0x2d0: {  	v20 =	vld [tilespmem:$0x1FE40]  }
0x2d1: {  	v19 =	vor.u32 $0x3A, v17;
	[tilespmem:$0x1FE60] =	vst v2;
	v2 =	vld [tilespmem:$0x1FE50];
	_ =	sdelay $0x4  }
0x2d2: {  	v20 =	vmul.f32 v2, v20;
	v2 =	vld.idx.msk [tilespmem:v19+s17+$0x0], $0xffff;
	_ =	sdelay $0x4  }
0x2d3: {  	[tilespmem:$0x1FED0] =	vst v2;
	v2 =	vld [tilespmem:$0x1FE60];
	_ =	sdelay $0x4  }
0x2d4: {  	v21 =	vld.idx.msk [tilespmem:v19+s16+$0x0], $0xffff;
	v2 =	vadd.f32 v20, v2  }
0x2d5: {  	v19 =	vld [tilespmem:$0x1FE70]  }
0x2d6: {  	v18 =	vor.u32 $0x3B, v17;
	[tilespmem:$0x1FE90] =	vst v2;
	v2 =	vld [tilespmem:$0x1FE80];
	_ =	sdelay $0x4  }
0x2d7: {  	v20 =	vmul.f32 v2, v19;
	v2 =	vld.idx.msk [tilespmem:v18+s16+$0x0], $0xffff;
	_ =	sdelay $0x4  }
0x2d8: {  	[tilespmem:$0x1FEF0] =	vst v2;
	v2 =	vld [tilespmem:$0x1FE90];
	_ =	sdelay $0x4  }
0x2d9: {  	v2 =	vadd.f32 v20, v2;
	_ =	sdelay $0x1  }
0x2da: {  	[tilespmem:$0x1FEB0] =	vst v2;
	v2 =	vld.idx.msk [tilespmem:v18+s17+$0x0], $0xffff;
	_ =	sdelay $0x2  }
0x2db: {  	v20 =	vld [tilespmem:$0x1FEA0];
	_ =	sdelay $0x1  }
0x2dc: {  	[tilespmem:$0x1FF20] =	vst v2;
	v2 =	vld [tilespmem:$0x1FEB0];
	_ =	sdelay $0x2  }
0x2dd: {  	v20 =	vmul.f32 v21, v20  }
0x2de: {  	v18 =	vld [tilespmem:$0x1FEC0]  }
0x2df: {  	v19 =	vor.u32 $0x3C, v17;
	v21 =	vadd.f32 v20, v2;
	v2 =	vld [tilespmem:$0x1FED0];
	_ =	sdelay $0x4  }
0x2e0: {  	v20 =	vmul.f32 v2, v18;
	v2 =	vld.idx.msk [tilespmem:v19+s16+$0x0], $0xffff;
	_ =	sdelay $0x4  }
0x2e1: {  	[tilespmem:$0x1FF50] =	vst v2;
	v2 =	vadd.f32 v20, v21  }
0x2e2: {  	v20 =	vld [tilespmem:$0x1FEE0]  }
0x2e3: {  	[tilespmem:$0x1FF00] =	vst v2;
	v2 =	vld [tilespmem:$0x1FEF0];
	_ =	sdelay $0x4  }
0x2e4: {  	v20 =	vmul.f32 v2, v20;
	v2 =	vld [tilespmem:$0x1FF00];
	_ =	sdelay $0x4  }
0x2e5: {  	v21 =	vld.idx.msk [tilespmem:v19+s17+$0x0], $0xffff;
	v2 =	vadd.f32 v20, v2  }
0x2e6: {  	v19 =	vld [tilespmem:$0x1FF10]  }
0x2e7: {  	v18 =	vor.u32 $0x3D, v17;
	[tilespmem:$0x1FF30] =	vst v2;
	v2 =	vld [tilespmem:$0x1FF20];
	_ =	sdelay $0x4  }
0x2e8: {  	v20 =	vmul.f32 v2, v19;
	v2 =	vld.idx.msk [tilespmem:v18+s16+$0x0], $0xffff;
	_ =	sdelay $0x4  }
0x2e9: {  	[tilespmem:$0x1FF90] =	vst v2;
	v2 =	vld [tilespmem:$0x1FF30];
	_ =	sdelay $0x4  }
0x2ea: {  	v2 =	vadd.f32 v20, v2  }
0x2eb: {  	v20 =	vld [tilespmem:$0x1FF40]  }
0x2ec: {  	[tilespmem:$0x1FF60] =	vst v2;
	v2 =	vld [tilespmem:$0x1FF50];
	_ =	sdelay $0x4  }
0x2ed: {  	v20 =	vmul.f32 v2, v20;
	v2 =	vld.idx.msk [tilespmem:v18+s17+$0x0], $0xffff;
	_ =	sdelay $0x4  }
0x2ee: {  	v19 =	vor.u32 $0x3E, v17;
	[tilespmem:$0x1FFB0] =	vst v2;
	v2 =	vld [tilespmem:$0x1FF60];
	_ =	sdelay $0x1  }
0x2ef: {  	v18 =	vld [tilespmem:$0x1FF70];
	_ =	sdelay $0x2  }
0x2f0: {  	v20 =	vadd.f32 v20, v2;
	v2 =	vld.idx.msk [tilespmem:v19+s16+$0x0], $0xffff;
	_ =	sdelay $0x1  }
0x2f1: {  	v18 =	vmul.f32 v21, v18;
	_ =	sdelay $0x1  }
0x2f2: {  	v18 =	vadd.f32 v18, v20;
	v20 =	vld [tilespmem:$0x1FF80]  }
0x2f3: {  	[tilespmem:$0x1FFD0] =	vst v2;
	v2 =	vld [tilespmem:$0x1FF90];
	_ =	sdelay $0x4  }
0x2f4: {  	v20 =	vmul.f32 v2, v20  }
0x2f5: {  	v2 =	vld [tilespmem:$0x1FFA0]  }
0x2f6: {  	v18 =	vadd.f32 v20, v18;
	v20 =	vld [tilespmem:$0x1FFB0];
	_ =	sdelay $0x3  }
0x2f7: {  	v17 =	vor.u32 $0x3F, v17  }
0x2f8: {  	v20 =	vmul.f32 v20, v2;
	v2 =	vld [tilespmem:$0x1FFD0];
	_ =	sdelay $0x1  }
0x2f9: {  	v19 =	vld.idx.msk [tilespmem:v19+s17+$0x0], $0xffff;
	_ =	sdelay $0x1  }
0x2fa: {  	v21 =	vld.idx.msk [tilespmem:v17+s16+$0x0], $0xffff  }
0x2fb: {  	v18 =	vadd.f32 v20, v18;
	v20 =	vmul.f32 v2, v23;
	_ =	sdelay $0x1  }
0x2fc: {  	v19 =	vmul.f32 v19, v22;
	v18 =	vadd.f32 v20, v18  }
0x2fd: {  	[tilespmem:$0x1FFC0] =	vst v23  }
0x2fe: {  	s1 =	simm.s32 $0x30;
	[tilespmem:$0x1FFE0] =	vst v22;
	s3 =	simm.s32 $0x10490;
	v2 =	vmovc v24;
	v20 =	vmul.f32 v21, v24;
	v19 =	vadd.f32 v19, v18;
	v18 =	vld.idx.msk [tilespmem:v17+s17+$0x0], $0xffff;
	v17 =	vmov s2  }
.LBB2_2:
0x2ff: {  	v21 =	vld [tilespmem:$0x1FFF0];
	_ =	sdelay $0x3  }
0x300: {  	v17 =	vshll.u32 v17, $0x6  }
0x301: {  	v18 =	vmul.f32 v18, v0;
	v19 =	vadd.f32 v20, v19;
	v17 =	vor.u32 v21, v17;
	_ =	sdelay $0x1  }
0x302: {  	v18 =	vadd.f32 v18, v19  }
0x303: {  	s3 =	sadd.s32 $0x10, s3  }
0x304: {  	[tilespmem:s3+$0x0] =	vst v18;
	v19 =	vor.u32 $0x1, v17  }
0x305: {  	v18 =	vld.idx.msk [tilespmem:v17+s16+$0x0], $0xffff  }
0x306: {  	v21 =	vld [tilespmem:$0x10480]  }
0x307: {  	v20 =	vld.idx.msk [tilespmem:v17+s17+$0x0], $0xffff  }
0x308: {  	v22 =	vor.u32 $0x2, v17  }
0x309: {  	v23 =	vld.idx.msk [tilespmem:v19+s16+$0x0], $0xffff  }
0x30a: {  	v18 =	vmul.f32 v18, v26  }
0x30b: {  	v19 =	vld.idx.msk [tilespmem:v19+s17+$0x0], $0xffff  }
0x30c: {  	v24 =	vor.u32 $0x3, v17;
	v20 =	vmul.f32 v20, v27;
	v18 =	vadd.f32 v18, v21  }
0x30d: {  	v21 =	vld.idx.msk [tilespmem:v22+s16+$0x0], $0xffff  }
0x30e: {  	v18 =	vadd.f32 v20, v18;
	v20 =	vmul.f32 v23, v25  }
0x30f: {  	v22 =	vld.idx.msk [tilespmem:v22+s17+$0x0], $0xffff  }
0x310: {  	v19 =	vmul.f32 v19, v29;
	v23 =	vor.u32 $0x4, v17;
	v18 =	vadd.f32 v20, v18  }
0x311: {  	v20 =	vld.idx.msk [tilespmem:v24+s16+$0x0], $0xffff  }
0x312: {  	v18 =	vadd.f32 v19, v18;
	v19 =	vmul.f32 v21, v28  }
0x313: {  	v21 =	vld.idx.msk [tilespmem:v24+s17+$0x0], $0xffff  }
0x314: {  	v24 =	vor.u32 $0x5, v17;
	v18 =	vadd.f32 v19, v18;
	v19 =	vmul.f32 v22, v31  }
0x315: {  	v22 =	vld.idx.msk [tilespmem:v23+s16+$0x0], $0xffff  }
0x316: {  	v18 =	vadd.f32 v19, v18;
	v19 =	vmul.f32 v20, v30  }
0x317: {  	v20 =	vld.idx.msk [tilespmem:v23+s17+$0x0], $0xffff  }
0x318: {  	v23 =	vor.u32 $0x6, v17;
	v18 =	vadd.f32 v19, v18;
	v19 =	vmul.f32 v21, v33  }
0x319: {  	v21 =	vld.idx.msk [tilespmem:v24+s16+$0x0], $0xffff  }
0x31a: {  	v18 =	vadd.f32 v19, v18;
	v19 =	vmul.f32 v22, v32  }
0x31b: {  	v22 =	vld.idx.msk [tilespmem:v24+s17+$0x0], $0xffff  }
0x31c: {  	v24 =	vor.u32 $0x7, v17;
	v18 =	vadd.f32 v19, v18;
	v19 =	vmul.f32 v20, v35  }
0x31d: {  	v20 =	vld.idx.msk [tilespmem:v23+s16+$0x0], $0xffff  }
0x31e: {  	v18 =	vadd.f32 v19, v18;
	v19 =	vmul.f32 v21, v34  }
0x31f: {  	v21 =	vld.idx.msk [tilespmem:v23+s17+$0x0], $0xffff  }
0x320: {  	v23 =	vor.u32 $0x8, v17;
	v18 =	vadd.f32 v19, v18;
	v19 =	vmul.f32 v22, v37  }
0x321: {  	v22 =	vld.idx.msk [tilespmem:v24+s16+$0x0], $0xffff  }
0x322: {  	v18 =	vadd.f32 v19, v18;
	v19 =	vmul.f32 v20, v36  }
0x323: {  	v20 =	vld.idx.msk [tilespmem:v24+s17+$0x0], $0xffff  }
0x324: {  	v24 =	vor.u32 $0x9, v17;
	v18 =	vadd.f32 v19, v18;
	v19 =	vmul.f32 v21, v39  }
0x325: {  	v21 =	vld.idx.msk [tilespmem:v23+s16+$0x0], $0xffff  }
0x326: {  	v18 =	vadd.f32 v19, v18;
	v19 =	vmul.f32 v22, v38  }
0x327: {  	v22 =	vld.idx.msk [tilespmem:v23+s17+$0x0], $0xffff  }
0x328: {  	v23 =	vor.u32 $0xA, v17;
	v18 =	vadd.f32 v19, v18;
	v19 =	vmul.f32 v20, v41  }
0x329: {  	v20 =	vld.idx.msk [tilespmem:v24+s16+$0x0], $0xffff  }
0x32a: {  	v18 =	vadd.f32 v19, v18;
	v19 =	vmul.f32 v21, v40  }
0x32b: {  	v21 =	vld.idx.msk [tilespmem:v24+s17+$0x0], $0xffff  }
0x32c: {  	v24 =	vor.u32 $0xB, v17;
	v18 =	vadd.f32 v19, v18;
	v19 =	vmul.f32 v22, v43  }
0x32d: {  	v22 =	vld.idx.msk [tilespmem:v23+s16+$0x0], $0xffff  }
0x32e: {  	v18 =	vadd.f32 v19, v18;
	v19 =	vmul.f32 v20, v42  }
0x32f: {  	v20 =	vld.idx.msk [tilespmem:v23+s17+$0x0], $0xffff  }
0x330: {  	v23 =	vor.u32 $0xC, v17;
	v18 =	vadd.f32 v19, v18;
	v19 =	vmul.f32 v21, v45  }
0x331: {  	v21 =	vld.idx.msk [tilespmem:v24+s16+$0x0], $0xffff  }
0x332: {  	v18 =	vadd.f32 v19, v18;
	v19 =	vmul.f32 v22, v44  }
0x333: {  	v22 =	vld.idx.msk [tilespmem:v24+s17+$0x0], $0xffff  }
0x334: {  	v24 =	vor.u32 $0xD, v17;
	v18 =	vadd.f32 v19, v18;
	v19 =	vmul.f32 v20, v47  }
0x335: {  	v20 =	vld.idx.msk [tilespmem:v23+s16+$0x0], $0xffff  }
0x336: {  	v18 =	vadd.f32 v19, v18;
	v19 =	vmul.f32 v21, v46  }
0x337: {  	v21 =	vld.idx.msk [tilespmem:v23+s17+$0x0], $0xffff  }
0x338: {  	v23 =	vor.u32 $0xE, v17;
	v18 =	vadd.f32 v19, v18;
	v19 =	vmul.f32 v22, v49  }
0x339: {  	v22 =	vld.idx.msk [tilespmem:v24+s16+$0x0], $0xffff  }
0x33a: {  	v18 =	vadd.f32 v19, v18;
	v19 =	vmul.f32 v20, v48  }
0x33b: {  	v20 =	vld.idx.msk [tilespmem:v24+s17+$0x0], $0xffff  }
0x33c: {  	v24 =	vor.u32 $0xF, v17;
	v18 =	vadd.f32 v19, v18;
	v19 =	vmul.f32 v21, v51  }
0x33d: {  	v21 =	vld.idx.msk [tilespmem:v23+s16+$0x0], $0xffff  }
0x33e: {  	v18 =	vadd.f32 v19, v18;
	v19 =	vmul.f32 v22, v50  }
0x33f: {  	v22 =	vld.idx.msk [tilespmem:v23+s17+$0x0], $0xffff  }
0x340: {  	v23 =	vor.u32 $0x10, v17;
	v18 =	vadd.f32 v19, v18;
	v19 =	vmul.f32 v20, v53  }
0x341: {  	v20 =	vld.idx.msk [tilespmem:v24+s16+$0x0], $0xffff  }
0x342: {  	v18 =	vadd.f32 v19, v18;
	v19 =	vmul.f32 v21, v52  }
0x343: {  	v21 =	vld.idx.msk [tilespmem:v24+s17+$0x0], $0xffff  }
0x344: {  	v24 =	vor.u32 $0x11, v17;
	v18 =	vadd.f32 v19, v18;
	v19 =	vmul.f32 v22, v55  }
0x345: {  	v22 =	vld.idx.msk [tilespmem:v23+s16+$0x0], $0xffff  }
0x346: {  	v18 =	vadd.f32 v19, v18;
	v19 =	vmul.f32 v20, v54  }
0x347: {  	v20 =	vld.idx.msk [tilespmem:v23+s17+$0x0], $0xffff  }
0x348: {  	v23 =	vor.u32 $0x12, v17;
	v18 =	vadd.f32 v19, v18;
	v19 =	vmul.f32 v21, v57  }
0x349: {  	v21 =	vld.idx.msk [tilespmem:v24+s16+$0x0], $0xffff  }
0x34a: {  	v18 =	vadd.f32 v19, v18;
	v19 =	vmul.f32 v22, v56  }
0x34b: {  	v22 =	vld.idx.msk [tilespmem:v24+s17+$0x0], $0xffff  }
0x34c: {  	v18 =	vadd.f32 v19, v18;
	v19 =	vmul.f32 v20, v59  }
0x34d: {  	v20 =	vld.idx.msk [tilespmem:v23+s16+$0x0], $0xffff  }
0x34e: {  	v18 =	vadd.f32 v19, v18;
	v19 =	vmul.f32 v21, v58;
	_ =	sdelay $0x1  }
0x34f: {  	v18 =	vadd.f32 v19, v18;
	v19 =	vmul.f32 v22, v61  }
0x350: {  	v24 =	vor.u32 $0x13, v17  }
0x351: {  	v18 =	vadd.f32 v19, v18;
	v19 =	vmul.f32 v20, v60  }
0x352: {  	v21 =	vld.idx.msk [tilespmem:v23+s17+$0x0], $0xffff  }
0x353: {  	v18 =	vadd.f32 v19, v18;
	v19 =	vld [tilespmem:$0x1F480];
	_ =	sdelay $0x1  }
0x354: {  	v22 =	vld.idx.msk [tilespmem:v24+s16+$0x0], $0xffff;
	_ =	sdelay $0x1  }
0x355: {  	v20 =	vld.idx.msk [tilespmem:v24+s17+$0x0], $0xffff  }
0x356: {  	v23 =	vor.u32 $0x14, v17;
	v19 =	vmul.f32 v21, v19;
	_ =	sdelay $0x1  }
0x357: {  	v18 =	vadd.f32 v19, v18;
	v19 =	vmul.f32 v22, v62;
	_ =	sdelay $0x1  }
0x358: {  	v18 =	vadd.f32 v19, v18;
	v19 =	vmul.f32 v20, v63  }
0x359: {  	v24 =	vor.u32 $0x15, v17;
	v21 =	vld.idx.msk [tilespmem:v23+s16+$0x0], $0xffff  }
0x35a: {  	v18 =	vadd.f32 v19, v18;
	v19 =	vld [tilespmem:$0x1F4B0];
	_ =	sdelay $0x1  }
0x35b: {  	v22 =	vld.idx.msk [tilespmem:v23+s17+$0x0], $0xffff  }
0x35c: {  	v23 =	vor.u32 $0x16, v17  }
0x35d: {  	v20 =	vld.idx.msk [tilespmem:v24+s16+$0x0], $0xffff  }
0x35e: {  	v19 =	vmul.f32 v21, v19  }
0x35f: {  	v21 =	vld.idx.msk [tilespmem:v24+s17+$0x0], $0xffff  }
0x360: {  	v24 =	vor.u32 $0x17, v17;
	v18 =	vadd.f32 v19, v18;
	v19 =	vmul.f32 v22, v3  }
0x361: {  	v22 =	vld.idx.msk [tilespmem:v23+s16+$0x0], $0xffff  }
0x362: {  	v18 =	vadd.f32 v19, v18;
	v19 =	vmul.f32 v20, v4  }
0x363: {  	v20 =	vld.idx.msk [tilespmem:v23+s17+$0x0], $0xffff  }
0x364: {  	v23 =	vor.u32 $0x18, v17;
	v18 =	vadd.f32 v19, v18;
	v19 =	vmul.f32 v21, v5  }
0x365: {  	v21 =	vld.idx.msk [tilespmem:v24+s16+$0x0], $0xffff  }
0x366: {  	v18 =	vadd.f32 v19, v18;
	v19 =	vmul.f32 v22, v6  }
0x367: {  	v22 =	vld.idx.msk [tilespmem:v24+s17+$0x0], $0xffff  }
0x368: {  	v24 =	vor.u32 $0x19, v17;
	v18 =	vadd.f32 v19, v18;
	v19 =	vmul.f32 v20, v7  }
0x369: {  	v20 =	vld.idx.msk [tilespmem:v23+s16+$0x0], $0xffff  }
0x36a: {  	v18 =	vadd.f32 v19, v18;
	v19 =	vmul.f32 v21, v8  }
0x36b: {  	v21 =	vld.idx.msk [tilespmem:v23+s17+$0x0], $0xffff  }
0x36c: {  	v23 =	vor.u32 $0x1A, v17;
	v18 =	vadd.f32 v19, v18;
	v19 =	vmul.f32 v22, v9  }
0x36d: {  	v22 =	vld.idx.msk [tilespmem:v24+s16+$0x0], $0xffff  }
0x36e: {  	v18 =	vadd.f32 v19, v18;
	v19 =	vmul.f32 v20, v10  }
0x36f: {  	v20 =	vld.idx.msk [tilespmem:v24+s17+$0x0], $0xffff  }
0x370: {  	v24 =	vor.u32 $0x1B, v17;
	v18 =	vadd.f32 v19, v18;
	v19 =	vmul.f32 v21, v11  }
0x371: {  	v21 =	vld.idx.msk [tilespmem:v23+s16+$0x0], $0xffff  }
0x372: {  	v18 =	vadd.f32 v19, v18;
	v19 =	vmul.f32 v22, v12  }
0x373: {  	v22 =	vld.idx.msk [tilespmem:v23+s17+$0x0], $0xffff  }
0x374: {  	v18 =	vadd.f32 v19, v18;
	v19 =	vmul.f32 v20, v13  }
0x375: {  	v20 =	vld.idx.msk [tilespmem:v24+s16+$0x0], $0xffff  }
0x376: {  	v18 =	vadd.f32 v19, v18;
	v19 =	vmul.f32 v21, v14  }
0x377: {  	v21 =	vld.idx.msk [tilespmem:v24+s17+$0x0], $0xffff  }
0x378: {  	v23 =	vor.u32 $0x1C, v17;
	v18 =	vadd.f32 v19, v18;
	v19 =	vmul.f32 v22, v15;
	_ =	sdelay $0x1  }
0x379: {  	v18 =	vadd.f32 v19, v18;
	v19 =	vmul.f32 v20, v16;
	_ =	sdelay $0x1  }
0x37a: {  	v18 =	vadd.f32 v19, v18;
	v19 =	vmul.f32 v21, v1  }
0x37b: {  	v22 =	vld.idx.msk [tilespmem:v23+s16+$0x0], $0xffff  }
0x37c: {  	v18 =	vadd.f32 v19, v18;
	v19 =	vld [tilespmem:$0x1F5E0];
	_ =	sdelay $0x4  }
0x37d: {  	v19 =	vmul.f32 v22, v19  }
0x37e: {  	v20 =	vld.idx.msk [tilespmem:v23+s17+$0x0], $0xffff  }
0x37f: {  	v18 =	vadd.f32 v19, v18;
	v19 =	vld [tilespmem:$0x1F5F0]  }
0x380: {  	v24 =	vor.u32 $0x1D, v17;
	_ =	sdelay $0x3  }
0x381: {  	v19 =	vmul.f32 v20, v19  }
0x382: {  	v21 =	vld.idx.msk [tilespmem:v24+s16+$0x0], $0xffff  }
0x383: {  	v18 =	vadd.f32 v19, v18;
	v19 =	vld [tilespmem:$0x1F620];
	_ =	sdelay $0x4  }
0x384: {  	v19 =	vmul.f32 v21, v19  }
0x385: {  	v22 =	vld.idx.msk [tilespmem:v24+s17+$0x0], $0xffff  }
0x386: {  	v18 =	vadd.f32 v19, v18;
	v19 =	vld [tilespmem:$0x1F650]  }
0x387: {  	v23 =	vor.u32 $0x1E, v17;
	_ =	sdelay $0x3  }
0x388: {  	v19 =	vmul.f32 v22, v19  }
0x389: {  	v20 =	vld.idx.msk [tilespmem:v23+s16+$0x0], $0xffff  }
0x38a: {  	v18 =	vadd.f32 v19, v18;
	v19 =	vld [tilespmem:$0x1F660];
	_ =	sdelay $0x4  }
0x38b: {  	v19 =	vmul.f32 v20, v19  }
0x38c: {  	v21 =	vld.idx.msk [tilespmem:v23+s17+$0x0], $0xffff  }
0x38d: {  	v18 =	vadd.f32 v19, v18;
	v19 =	vld [tilespmem:$0x1F690]  }
0x38e: {  	v24 =	vor.u32 $0x1F, v17;
	_ =	sdelay $0x3  }
0x38f: {  	v19 =	vmul.f32 v21, v19  }
0x390: {  	v22 =	vld.idx.msk [tilespmem:v24+s16+$0x0], $0xffff  }
0x391: {  	v18 =	vadd.f32 v19, v18;
	v19 =	vld [tilespmem:$0x1F6C0];
	_ =	sdelay $0x4  }
0x392: {  	v19 =	vmul.f32 v22, v19  }
0x393: {  	v20 =	vld.idx.msk [tilespmem:v24+s17+$0x0], $0xffff  }
0x394: {  	v18 =	vadd.f32 v19, v18;
	v19 =	vld [tilespmem:$0x1F6D0]  }
0x395: {  	v23 =	vor.u32 $0x20, v17;
	_ =	sdelay $0x3  }
0x396: {  	v19 =	vmul.f32 v20, v19  }
0x397: {  	v21 =	vld.idx.msk [tilespmem:v23+s16+$0x0], $0xffff  }
0x398: {  	v18 =	vadd.f32 v19, v18;
	v19 =	vld [tilespmem:$0x1F700];
	_ =	sdelay $0x4  }
0x399: {  	v19 =	vmul.f32 v21, v19  }
0x39a: {  	v22 =	vld.idx.msk [tilespmem:v23+s17+$0x0], $0xffff  }
0x39b: {  	v18 =	vadd.f32 v19, v18;
	v19 =	vld [tilespmem:$0x1F730]  }
0x39c: {  	v24 =	vor.u32 $0x21, v17;
	_ =	sdelay $0x3  }
0x39d: {  	v19 =	vmul.f32 v22, v19  }
0x39e: {  	v20 =	vld.idx.msk [tilespmem:v24+s16+$0x0], $0xffff  }
0x39f: {  	v18 =	vadd.f32 v19, v18;
	v19 =	vld [tilespmem:$0x1F740];
	_ =	sdelay $0x4  }
0x3a0: {  	v19 =	vmul.f32 v20, v19  }
0x3a1: {  	v21 =	vld.idx.msk [tilespmem:v24+s17+$0x0], $0xffff  }
0x3a2: {  	v18 =	vadd.f32 v19, v18;
	v19 =	vld [tilespmem:$0x1F770]  }
0x3a3: {  	v23 =	vor.u32 $0x22, v17;
	_ =	sdelay $0x3  }
0x3a4: {  	v19 =	vmul.f32 v21, v19  }
0x3a5: {  	v22 =	vld.idx.msk [tilespmem:v23+s16+$0x0], $0xffff  }
0x3a6: {  	v18 =	vadd.f32 v19, v18;
	v19 =	vld [tilespmem:$0x1F7A0];
	_ =	sdelay $0x4  }
0x3a7: {  	v19 =	vmul.f32 v22, v19  }
0x3a8: {  	v20 =	vld.idx.msk [tilespmem:v23+s17+$0x0], $0xffff  }
0x3a9: {  	v18 =	vadd.f32 v19, v18;
	v19 =	vld [tilespmem:$0x1F7B0]  }
0x3aa: {  	v24 =	vor.u32 $0x23, v17;
	_ =	sdelay $0x3  }
0x3ab: {  	v19 =	vmul.f32 v20, v19  }
0x3ac: {  	v21 =	vld.idx.msk [tilespmem:v24+s16+$0x0], $0xffff  }
0x3ad: {  	v18 =	vadd.f32 v19, v18;
	v19 =	vld [tilespmem:$0x1F7E0];
	_ =	sdelay $0x4  }
0x3ae: {  	v19 =	vmul.f32 v21, v19  }
0x3af: {  	v22 =	vld.idx.msk [tilespmem:v24+s17+$0x0], $0xffff  }
0x3b0: {  	v18 =	vadd.f32 v19, v18;
	v19 =	vld [tilespmem:$0x1F810]  }
0x3b1: {  	v23 =	vor.u32 $0x24, v17;
	_ =	sdelay $0x3  }
0x3b2: {  	v19 =	vmul.f32 v22, v19  }
0x3b3: {  	v20 =	vld.idx.msk [tilespmem:v23+s16+$0x0], $0xffff  }
0x3b4: {  	v18 =	vadd.f32 v19, v18;
	v19 =	vld [tilespmem:$0x1F820];
	_ =	sdelay $0x4  }
0x3b5: {  	v19 =	vmul.f32 v20, v19  }
0x3b6: {  	v21 =	vld.idx.msk [tilespmem:v23+s17+$0x0], $0xffff  }
0x3b7: {  	v18 =	vadd.f32 v19, v18;
	v19 =	vld [tilespmem:$0x1F850]  }
0x3b8: {  	v24 =	vor.u32 $0x25, v17;
	_ =	sdelay $0x3  }
0x3b9: {  	v19 =	vmul.f32 v21, v19  }
0x3ba: {  	v22 =	vld.idx.msk [tilespmem:v24+s16+$0x0], $0xffff  }
0x3bb: {  	v18 =	vadd.f32 v19, v18;
	v19 =	vld [tilespmem:$0x1F880];
	_ =	sdelay $0x4  }
0x3bc: {  	v19 =	vmul.f32 v22, v19  }
0x3bd: {  	v20 =	vld.idx.msk [tilespmem:v24+s17+$0x0], $0xffff  }
0x3be: {  	v18 =	vadd.f32 v19, v18;
	v19 =	vld [tilespmem:$0x1F890]  }
0x3bf: {  	v23 =	vor.u32 $0x26, v17;
	_ =	sdelay $0x3  }
0x3c0: {  	v19 =	vmul.f32 v20, v19  }
0x3c1: {  	v21 =	vld.idx.msk [tilespmem:v23+s16+$0x0], $0xffff  }
0x3c2: {  	v18 =	vadd.f32 v19, v18;
	v19 =	vld [tilespmem:$0x1F8C0];
	_ =	sdelay $0x4  }
0x3c3: {  	v19 =	vmul.f32 v21, v19  }
0x3c4: {  	v22 =	vld.idx.msk [tilespmem:v23+s17+$0x0], $0xffff  }
0x3c5: {  	v18 =	vadd.f32 v19, v18;
	v19 =	vld [tilespmem:$0x1F8F0]  }
0x3c6: {  	v24 =	vor.u32 $0x27, v17;
	_ =	sdelay $0x3  }
0x3c7: {  	v19 =	vmul.f32 v22, v19  }
0x3c8: {  	v20 =	vld.idx.msk [tilespmem:v24+s16+$0x0], $0xffff  }
0x3c9: {  	v18 =	vadd.f32 v19, v18;
	v19 =	vld [tilespmem:$0x1F900];
	_ =	sdelay $0x4  }
0x3ca: {  	v19 =	vmul.f32 v20, v19  }
0x3cb: {  	v21 =	vld.idx.msk [tilespmem:v24+s17+$0x0], $0xffff  }
0x3cc: {  	v18 =	vadd.f32 v19, v18;
	v19 =	vld [tilespmem:$0x1F930]  }
0x3cd: {  	v23 =	vor.u32 $0x28, v17;
	_ =	sdelay $0x3  }
0x3ce: {  	v19 =	vmul.f32 v21, v19  }
0x3cf: {  	v22 =	vld.idx.msk [tilespmem:v23+s16+$0x0], $0xffff  }
0x3d0: {  	v18 =	vadd.f32 v19, v18;
	v19 =	vld [tilespmem:$0x1F960];
	_ =	sdelay $0x4  }
0x3d1: {  	v19 =	vmul.f32 v22, v19  }
0x3d2: {  	v20 =	vld.idx.msk [tilespmem:v23+s17+$0x0], $0xffff  }
0x3d3: {  	v18 =	vadd.f32 v19, v18;
	v19 =	vld [tilespmem:$0x1F970]  }
0x3d4: {  	v24 =	vor.u32 $0x29, v17;
	_ =	sdelay $0x3  }
0x3d5: {  	v19 =	vmul.f32 v20, v19  }
0x3d6: {  	v21 =	vld.idx.msk [tilespmem:v24+s16+$0x0], $0xffff  }
0x3d7: {  	v18 =	vadd.f32 v19, v18;
	v19 =	vld [tilespmem:$0x1F9A0];
	_ =	sdelay $0x4  }
0x3d8: {  	v19 =	vmul.f32 v21, v19  }
0x3d9: {  	v22 =	vld.idx.msk [tilespmem:v24+s17+$0x0], $0xffff  }
0x3da: {  	v18 =	vadd.f32 v19, v18;
	v19 =	vld [tilespmem:$0x1F9D0]  }
0x3db: {  	v23 =	vor.u32 $0x2A, v17;
	_ =	sdelay $0x3  }
0x3dc: {  	v19 =	vmul.f32 v22, v19  }
0x3dd: {  	v20 =	vld.idx.msk [tilespmem:v23+s16+$0x0], $0xffff  }
0x3de: {  	v18 =	vadd.f32 v19, v18;
	v19 =	vld [tilespmem:$0x1F9E0];
	_ =	sdelay $0x4  }
0x3df: {  	v19 =	vmul.f32 v20, v19  }
0x3e0: {  	v21 =	vld.idx.msk [tilespmem:v23+s17+$0x0], $0xffff  }
0x3e1: {  	v18 =	vadd.f32 v19, v18;
	v19 =	vld [tilespmem:$0x1FA10]  }
0x3e2: {  	v24 =	vor.u32 $0x2B, v17;
	_ =	sdelay $0x3  }
0x3e3: {  	v19 =	vmul.f32 v21, v19  }
0x3e4: {  	v22 =	vld.idx.msk [tilespmem:v24+s16+$0x0], $0xffff  }
0x3e5: {  	v18 =	vadd.f32 v19, v18;
	v19 =	vld [tilespmem:$0x1FA40];
	_ =	sdelay $0x4  }
0x3e6: {  	v19 =	vmul.f32 v22, v19  }
0x3e7: {  	v20 =	vld.idx.msk [tilespmem:v24+s17+$0x0], $0xffff  }
0x3e8: {  	v18 =	vadd.f32 v19, v18;
	v19 =	vld [tilespmem:$0x1FA50]  }
0x3e9: {  	v23 =	vor.u32 $0x2C, v17;
	_ =	sdelay $0x3  }
0x3ea: {  	v19 =	vmul.f32 v20, v19  }
0x3eb: {  	v21 =	vld.idx.msk [tilespmem:v23+s16+$0x0], $0xffff  }
0x3ec: {  	v18 =	vadd.f32 v19, v18;
	v19 =	vld [tilespmem:$0x1FA80];
	_ =	sdelay $0x4  }
0x3ed: {  	v19 =	vmul.f32 v21, v19  }
0x3ee: {  	v22 =	vld.idx.msk [tilespmem:v23+s17+$0x0], $0xffff  }
0x3ef: {  	v18 =	vadd.f32 v19, v18;
	v19 =	vld [tilespmem:$0x1FAB0]  }
0x3f0: {  	v24 =	vor.u32 $0x2D, v17;
	_ =	sdelay $0x3  }
0x3f1: {  	v19 =	vmul.f32 v22, v19  }
0x3f2: {  	v20 =	vld.idx.msk [tilespmem:v24+s16+$0x0], $0xffff  }
0x3f3: {  	v18 =	vadd.f32 v19, v18;
	v19 =	vld [tilespmem:$0x1FAC0];
	_ =	sdelay $0x4  }
0x3f4: {  	v19 =	vmul.f32 v20, v19  }
0x3f5: {  	v21 =	vld.idx.msk [tilespmem:v24+s17+$0x0], $0xffff  }
0x3f6: {  	v18 =	vadd.f32 v19, v18;
	v19 =	vld [tilespmem:$0x1FAF0]  }
0x3f7: {  	v23 =	vor.u32 $0x2E, v17;
	_ =	sdelay $0x3  }
0x3f8: {  	v19 =	vmul.f32 v21, v19  }
0x3f9: {  	v22 =	vld.idx.msk [tilespmem:v23+s16+$0x0], $0xffff  }
0x3fa: {  	v18 =	vadd.f32 v19, v18;
	v19 =	vld [tilespmem:$0x1FB20];
	_ =	sdelay $0x4  }
0x3fb: {  	v19 =	vmul.f32 v22, v19  }
0x3fc: {  	v20 =	vld.idx.msk [tilespmem:v23+s17+$0x0], $0xffff  }
0x3fd: {  	v18 =	vadd.f32 v19, v18;
	v19 =	vld [tilespmem:$0x1FB30]  }
0x3fe: {  	v24 =	vor.u32 $0x2F, v17;
	_ =	sdelay $0x3  }
0x3ff: {  	v19 =	vmul.f32 v20, v19  }
0x400: {  	v21 =	vld.idx.msk [tilespmem:v24+s16+$0x0], $0xffff  }
0x401: {  	v18 =	vadd.f32 v19, v18;
	v19 =	vld [tilespmem:$0x1FB60];
	_ =	sdelay $0x4  }
0x402: {  	v19 =	vmul.f32 v21, v19  }
0x403: {  	v22 =	vld.idx.msk [tilespmem:v24+s17+$0x0], $0xffff  }
0x404: {  	v18 =	vadd.f32 v19, v18;
	v19 =	vld [tilespmem:$0x1FB90]  }
0x405: {  	v23 =	vor.u32 $0x30, v17;
	_ =	sdelay $0x3  }
0x406: {  	v19 =	vmul.f32 v22, v19  }
0x407: {  	v20 =	vld.idx.msk [tilespmem:v23+s16+$0x0], $0xffff  }
0x408: {  	v18 =	vadd.f32 v19, v18;
	v19 =	vld [tilespmem:$0x1FBA0];
	_ =	sdelay $0x4  }
0x409: {  	v19 =	vmul.f32 v20, v19  }
0x40a: {  	v21 =	vld.idx.msk [tilespmem:v23+s17+$0x0], $0xffff  }
0x40b: {  	v18 =	vadd.f32 v19, v18;
	v19 =	vld [tilespmem:$0x1FBD0]  }
0x40c: {  	v24 =	vor.u32 $0x31, v17;
	_ =	sdelay $0x3  }
0x40d: {  	v19 =	vmul.f32 v21, v19  }
0x40e: {  	v22 =	vld.idx.msk [tilespmem:v24+s16+$0x0], $0xffff  }
0x40f: {  	v18 =	vadd.f32 v19, v18;
	v19 =	vld [tilespmem:$0x1FC00];
	_ =	sdelay $0x4  }
0x410: {  	v19 =	vmul.f32 v22, v19  }
0x411: {  	v20 =	vld.idx.msk [tilespmem:v24+s17+$0x0], $0xffff  }
0x412: {  	v18 =	vadd.f32 v19, v18;
	v19 =	vld [tilespmem:$0x1FC10]  }
0x413: {  	v23 =	vor.u32 $0x32, v17;
	_ =	sdelay $0x3  }
0x414: {  	v19 =	vmul.f32 v20, v19  }
0x415: {  	v21 =	vld.idx.msk [tilespmem:v23+s16+$0x0], $0xffff  }
0x416: {  	v18 =	vadd.f32 v19, v18;
	v19 =	vld [tilespmem:$0x1FC40];
	_ =	sdelay $0x4  }
0x417: {  	v19 =	vmul.f32 v21, v19  }
0x418: {  	v22 =	vld.idx.msk [tilespmem:v23+s17+$0x0], $0xffff  }
0x419: {  	v18 =	vadd.f32 v19, v18;
	v19 =	vld [tilespmem:$0x1FC70]  }
0x41a: {  	v24 =	vor.u32 $0x33, v17;
	_ =	sdelay $0x3  }
0x41b: {  	v19 =	vmul.f32 v22, v19  }
0x41c: {  	v20 =	vld.idx.msk [tilespmem:v24+s16+$0x0], $0xffff  }
0x41d: {  	v18 =	vadd.f32 v19, v18;
	v19 =	vld [tilespmem:$0x1FC80];
	_ =	sdelay $0x4  }
0x41e: {  	v19 =	vmul.f32 v20, v19  }
0x41f: {  	v21 =	vld.idx.msk [tilespmem:v24+s17+$0x0], $0xffff  }
0x420: {  	v18 =	vadd.f32 v19, v18;
	v19 =	vld [tilespmem:$0x1FCB0]  }
0x421: {  	v23 =	vor.u32 $0x34, v17;
	_ =	sdelay $0x3  }
0x422: {  	v19 =	vmul.f32 v21, v19  }
0x423: {  	v22 =	vld.idx.msk [tilespmem:v23+s16+$0x0], $0xffff  }
0x424: {  	v18 =	vadd.f32 v19, v18;
	v19 =	vld [tilespmem:$0x1FCE0];
	_ =	sdelay $0x4  }
0x425: {  	v19 =	vmul.f32 v22, v19  }
0x426: {  	v20 =	vld.idx.msk [tilespmem:v23+s17+$0x0], $0xffff  }
0x427: {  	v18 =	vadd.f32 v19, v18;
	v19 =	vld [tilespmem:$0x1FCF0]  }
0x428: {  	v24 =	vor.u32 $0x35, v17;
	_ =	sdelay $0x3  }
0x429: {  	v19 =	vmul.f32 v20, v19  }
0x42a: {  	v21 =	vld.idx.msk [tilespmem:v24+s16+$0x0], $0xffff  }
0x42b: {  	v18 =	vadd.f32 v19, v18;
	v19 =	vld [tilespmem:$0x1FD20];
	_ =	sdelay $0x4  }
0x42c: {  	v19 =	vmul.f32 v21, v19  }
0x42d: {  	v22 =	vld.idx.msk [tilespmem:v24+s17+$0x0], $0xffff  }
0x42e: {  	v18 =	vadd.f32 v19, v18;
	v19 =	vld [tilespmem:$0x1FD50]  }
0x42f: {  	v23 =	vor.u32 $0x36, v17;
	_ =	sdelay $0x3  }
0x430: {  	v19 =	vmul.f32 v22, v19  }
0x431: {  	v20 =	vld.idx.msk [tilespmem:v23+s16+$0x0], $0xffff  }
0x432: {  	v18 =	vadd.f32 v19, v18;
	v19 =	vld [tilespmem:$0x1FD60];
	_ =	sdelay $0x4  }
0x433: {  	v19 =	vmul.f32 v20, v19  }
0x434: {  	v21 =	vld.idx.msk [tilespmem:v23+s17+$0x0], $0xffff  }
0x435: {  	v18 =	vadd.f32 v19, v18;
	v19 =	vld [tilespmem:$0x1FD90]  }
0x436: {  	v24 =	vor.u32 $0x37, v17;
	_ =	sdelay $0x3  }
0x437: {  	v19 =	vmul.f32 v21, v19  }
0x438: {  	v22 =	vld.idx.msk [tilespmem:v24+s16+$0x0], $0xffff  }
0x439: {  	v18 =	vadd.f32 v19, v18;
	v19 =	vld [tilespmem:$0x1FDC0];
	_ =	sdelay $0x4  }
0x43a: {  	v19 =	vmul.f32 v22, v19  }
0x43b: {  	v20 =	vld.idx.msk [tilespmem:v24+s17+$0x0], $0xffff  }
0x43c: {  	v18 =	vadd.f32 v19, v18;
	v19 =	vld [tilespmem:$0x1FDD0]  }
0x43d: {  	v23 =	vor.u32 $0x38, v17;
	_ =	sdelay $0x3  }
0x43e: {  	v19 =	vmul.f32 v20, v19  }
0x43f: {  	v21 =	vld.idx.msk [tilespmem:v23+s16+$0x0], $0xffff  }
0x440: {  	v18 =	vadd.f32 v19, v18;
	v19 =	vld [tilespmem:$0x1FE00];
	_ =	sdelay $0x4  }
0x441: {  	v19 =	vmul.f32 v21, v19  }
0x442: {  	v22 =	vld.idx.msk [tilespmem:v23+s17+$0x0], $0xffff  }
0x443: {  	v18 =	vadd.f32 v19, v18;
	v19 =	vld [tilespmem:$0x1FE30]  }
0x444: {  	v24 =	vor.u32 $0x39, v17;
	_ =	sdelay $0x3  }
0x445: {  	v19 =	vmul.f32 v22, v19  }
0x446: {  	v20 =	vld.idx.msk [tilespmem:v24+s16+$0x0], $0xffff  }
0x447: {  	v18 =	vadd.f32 v19, v18;
	v19 =	vld [tilespmem:$0x1FE40];
	_ =	sdelay $0x4  }
0x448: {  	v19 =	vmul.f32 v20, v19  }
0x449: {  	v21 =	vld.idx.msk [tilespmem:v24+s17+$0x0], $0xffff  }
0x44a: {  	v18 =	vadd.f32 v19, v18;
	v19 =	vld [tilespmem:$0x1FE70]  }
0x44b: {  	v23 =	vor.u32 $0x3A, v17;
	_ =	sdelay $0x3  }
0x44c: {  	v19 =	vmul.f32 v21, v19  }
0x44d: {  	v22 =	vld.idx.msk [tilespmem:v23+s16+$0x0], $0xffff  }
0x44e: {  	v18 =	vadd.f32 v19, v18;
	v19 =	vld [tilespmem:$0x1FEA0];
	_ =	sdelay $0x4  }
0x44f: {  	v19 =	vmul.f32 v22, v19  }
0x450: {  	v20 =	vld.idx.msk [tilespmem:v23+s17+$0x0], $0xffff  }
0x451: {  	v18 =	vadd.f32 v19, v18;
	v19 =	vld [tilespmem:$0x1FEC0]  }
0x452: {  	v24 =	vor.u32 $0x3B, v17;
	_ =	sdelay $0x3  }
0x453: {  	v19 =	vmul.f32 v20, v19  }
0x454: {  	v21 =	vld.idx.msk [tilespmem:v24+s16+$0x0], $0xffff  }
0x455: {  	v18 =	vadd.f32 v19, v18;
	v19 =	vld [tilespmem:$0x1FEE0];
	_ =	sdelay $0x4  }
0x456: {  	v19 =	vmul.f32 v21, v19  }
0x457: {  	v22 =	vld.idx.msk [tilespmem:v24+s17+$0x0], $0xffff  }
0x458: {  	v18 =	vadd.f32 v19, v18;
	v19 =	vld [tilespmem:$0x1FF10]  }
0x459: {  	v23 =	vor.u32 $0x3C, v17;
	_ =	sdelay $0x3  }
0x45a: {  	v19 =	vmul.f32 v22, v19  }
0x45b: {  	v20 =	vld.idx.msk [tilespmem:v23+s16+$0x0], $0xffff  }
0x45c: {  	v18 =	vadd.f32 v19, v18;
	v19 =	vld [tilespmem:$0x1FF40];
	_ =	sdelay $0x4  }
0x45d: {  	v19 =	vmul.f32 v20, v19  }
0x45e: {  	v21 =	vld.idx.msk [tilespmem:v23+s17+$0x0], $0xffff  }
0x45f: {  	v18 =	vadd.f32 v19, v18;
	v19 =	vld [tilespmem:$0x1FF70]  }
0x460: {  	v24 =	vor.u32 $0x3D, v17;
	_ =	sdelay $0x3  }
0x461: {  	v19 =	vmul.f32 v21, v19  }
0x462: {  	v22 =	vld.idx.msk [tilespmem:v24+s16+$0x0], $0xffff  }
0x463: {  	v18 =	vadd.f32 v19, v18;
	v19 =	vld [tilespmem:$0x1FF80];
	_ =	sdelay $0x4  }
0x464: {  	v19 =	vmul.f32 v22, v19  }
0x465: {  	v20 =	vld.idx.msk [tilespmem:v24+s17+$0x0], $0xffff  }
0x466: {  	v18 =	vadd.f32 v19, v18;
	v19 =	vld [tilespmem:$0x1FFA0]  }
0x467: {  	v23 =	vor.u32 $0x3E, v17;
	_ =	sdelay $0x3  }
0x468: {  	v19 =	vmul.f32 v20, v19  }
0x469: {  	v17 =	vor.u32 $0x3F, v17;
	v21 =	vld.idx.msk [tilespmem:v23+s16+$0x0], $0xffff  }
0x46a: {  	v19 =	vadd.f32 v19, v18;
	v18 =	vld [tilespmem:$0x1FFC0];
	_ =	sdelay $0x2  }
0x46b: {  	v22 =	vld.idx.msk [tilespmem:v23+s17+$0x0], $0xffff  }
0x46c: {  	v20 =	vld.idx.msk [tilespmem:v17+s16+$0x0], $0xffff  }
0x46d: {  	v21 =	vmul.f32 v21, v18;
	v18 =	vld.idx.msk [tilespmem:v17+s17+$0x0], $0xffff  }
0x46e: {  	v17 =	vld [tilespmem:$0x1FFE0];
	_ =	sdelay $0x1  }
0x46f: {  	p0 =	sne.s32 s1, $0x1F0  }
.Ltmp0:
0x470: {  	_ = 	snop;
	(pc) =	sbr.rel @p0 .LBB2_2-.Ltmp0, $3  }
0x471: {  	_ = 	snop  }
0x472: {  	v19 =	vadd.f32 v21, v19;
	v21 =	vmul.f32 v22, v17;
	_ =	sdelay $0x1  }
0x473: {  	v20 =	vmul.f32 v20, v2;
	v17 =	vmov s1;
	s1 =	sadd.s32 $0x10, s1;
	v19 =	vadd.f32 v21, v19  }
0x474: {  	v24 =	vld [tilespmem:$0x1FFF0];
	_ =	sdelay $0x3  }
0x475: {  	v17 =	vshll.u32 v17, $0x6  }
0x476: {  	v18 =	vmul.f32 v18, v0;
	v19 =	vadd.f32 v20, v19;
	v17 =	vor.u32 v24, v17;
	_ =	sdelay $0x1  }
0x477: {  	v18 =	vadd.f32 v18, v19  }
0x478: {  	[tilespmem:$0x1F440] =	vst v0;
	s1 =	sadd.s32 $0x10, s3  }
0x479: {  	[tilespmem:s1+$0x0] =	vst v18;
	v0 =	vor.u32 $0x1, v17  }
0x47a: {  	v24 =	vld.idx.msk [tilespmem:v17+s16+$0x0], $0xffff  }
0x47b: {  	v21 =	vld [tilespmem:$0x10480]  }
0x47c: {  	v20 =	vld.idx.msk [tilespmem:v17+s17+$0x0], $0xffff  }
0x47d: {  	v22 =	vor.u32 $0x2, v17  }
0x47e: {  	v23 =	vld.idx.msk [tilespmem:v0+s16+$0x0], $0xffff  }
0x47f: {  	v19 =	vmul.f32 v24, v26  }
0x480: {  	v18 =	vld.idx.msk [tilespmem:v0+s17+$0x0], $0xffff  }
0x481: {  	v0 =	vor.u32 $0x3, v17;
	v20 =	vmul.f32 v20, v27;
	v19 =	vadd.f32 v19, v21  }
0x482: {  	v24 =	vld.idx.msk [tilespmem:v22+s16+$0x0], $0xffff  }
0x483: {  	v27 =	vmul.f32 v23, v25;
	v19 =	vadd.f32 v20, v19  }
0x484: {  	v22 =	vld.idx.msk [tilespmem:v22+s17+$0x0], $0xffff  }
0x485: {  	v18 =	vmul.f32 v18, v29;
	v20 =	vor.u32 $0x4, v17;
	v19 =	vadd.f32 v27, v19  }
0x486: {  	v23 =	vld.idx.msk [tilespmem:v0+s16+$0x0], $0xffff  }
0x487: {  	v29 =	vmul.f32 v24, v28;
	v18 =	vadd.f32 v18, v19  }
0x488: {  	v21 =	vld.idx.msk [tilespmem:v0+s17+$0x0], $0xffff  }
0x489: {  	v31 =	vmul.f32 v22, v31;
	v22 =	vor.u32 $0x5, v17;
	v18 =	vadd.f32 v29, v18  }
0x48a: {  	v0 =	vld.idx.msk [tilespmem:v20+s16+$0x0], $0xffff  }
0x48b: {  	v28 =	vmul.f32 v23, v30;
	v18 =	vadd.f32 v31, v18  }
0x48c: {  	v20 =	vld.idx.msk [tilespmem:v20+s17+$0x0], $0xffff  }
0x48d: {  	v30 =	vor.u32 $0x6, v17;
	v29 =	vmul.f32 v21, v33;
	v18 =	vadd.f32 v28, v18  }
0x48e: {  	v31 =	vld.idx.msk [tilespmem:v22+s16+$0x0], $0xffff  }
0x48f: {  	v32 =	vmul.f32 v0, v32;
	v18 =	vadd.f32 v29, v18  }
0x490: {  	v22 =	vld.idx.msk [tilespmem:v22+s17+$0x0], $0xffff  }
0x491: {  	v33 =	vmul.f32 v20, v35;
	v35 =	vor.u32 $0x7, v17;
	v18 =	vadd.f32 v32, v18  }
0x492: {  	v0 =	vld.idx.msk [tilespmem:v30+s16+$0x0], $0xffff  }
0x493: {  	v28 =	vmul.f32 v31, v34;
	v18 =	vadd.f32 v33, v18  }
0x494: {  	v21 =	vld.idx.msk [tilespmem:v30+s17+$0x0], $0xffff  }
0x495: {  	v30 =	vor.u32 $0x8, v17;
	v29 =	vmul.f32 v22, v37;
	v18 =	vadd.f32 v28, v18  }
0x496: {  	v31 =	vld.idx.msk [tilespmem:v35+s16+$0x0], $0xffff  }
0x497: {  	v32 =	vmul.f32 v0, v36;
	v18 =	vadd.f32 v29, v18  }
0x498: {  	v20 =	vld.idx.msk [tilespmem:v35+s17+$0x0], $0xffff  }
0x499: {  	v34 =	vor.u32 $0x9, v17;
	v33 =	vmul.f32 v21, v39;
	v18 =	vadd.f32 v32, v18  }
0x49a: {  	v35 =	vld.idx.msk [tilespmem:v30+s16+$0x0], $0xffff  }
0x49b: {  	v36 =	vmul.f32 v31, v38;
	v18 =	vadd.f32 v33, v18  }
0x49c: {  	v22 =	vld.idx.msk [tilespmem:v30+s17+$0x0], $0xffff  }
0x49d: {  	v37 =	vmul.f32 v20, v41;
	v38 =	vor.u32 $0xA, v17;
	v18 =	vadd.f32 v36, v18  }
0x49e: {  	v39 =	vld.idx.msk [tilespmem:v34+s16+$0x0], $0xffff  }
0x49f: {  	v41 =	vmul.f32 v35, v40;
	v18 =	vadd.f32 v37, v18  }
0x4a0: {  	v21 =	vld.idx.msk [tilespmem:v34+s17+$0x0], $0xffff  }
0x4a1: {  	v28 =	vor.u32 $0xB, v17;
	v0 =	vmul.f32 v22, v43;
	v18 =	vadd.f32 v41, v18  }
0x4a2: {  	v29 =	vld.idx.msk [tilespmem:v38+s16+$0x0], $0xffff  }
0x4a3: {  	v30 =	vmul.f32 v39, v42;
	v18 =	vadd.f32 v0, v18  }
0x4a4: {  	v20 =	vld.idx.msk [tilespmem:v38+s17+$0x0], $0xffff  }
0x4a5: {  	v32 =	vor.u32 $0xC, v17;
	v31 =	vmul.f32 v21, v45;
	v18 =	vadd.f32 v30, v18  }
0x4a6: {  	v33 =	vld.idx.msk [tilespmem:v28+s16+$0x0], $0xffff  }
0x4a7: {  	v34 =	vmul.f32 v29, v44;
	v18 =	vadd.f32 v31, v18  }
0x4a8: {  	v22 =	vld.idx.msk [tilespmem:v28+s17+$0x0], $0xffff  }
0x4a9: {  	v36 =	vor.u32 $0xD, v17;
	v35 =	vmul.f32 v20, v47;
	v18 =	vadd.f32 v34, v18  }
0x4aa: {  	v37 =	vld.idx.msk [tilespmem:v32+s16+$0x0], $0xffff  }
0x4ab: {  	v38 =	vmul.f32 v33, v46;
	v18 =	vadd.f32 v35, v18  }
0x4ac: {  	v21 =	vld.idx.msk [tilespmem:v32+s17+$0x0], $0xffff  }
0x4ad: {  	v40 =	vor.u32 $0xE, v17;
	v39 =	vmul.f32 v22, v49;
	v18 =	vadd.f32 v38, v18  }
0x4ae: {  	v41 =	vld.idx.msk [tilespmem:v36+s16+$0x0], $0xffff  }
0x4af: {  	v42 =	vmul.f32 v37, v48;
	v18 =	vadd.f32 v39, v18  }
0x4b0: {  	v20 =	vld.idx.msk [tilespmem:v36+s17+$0x0], $0xffff  }
0x4b1: {  	v44 =	vor.u32 $0xF, v17;
	v43 =	vmul.f32 v21, v51;
	v18 =	vadd.f32 v42, v18  }
0x4b2: {  	v45 =	vld.idx.msk [tilespmem:v40+s16+$0x0], $0xffff  }
0x4b3: {  	v46 =	vmul.f32 v41, v50;
	v18 =	vadd.f32 v43, v18  }
0x4b4: {  	v22 =	vld.idx.msk [tilespmem:v40+s17+$0x0], $0xffff  }
0x4b5: {  	v48 =	vor.u32 $0x10, v17;
	v47 =	vmul.f32 v20, v53;
	v18 =	vadd.f32 v46, v18  }
0x4b6: {  	v49 =	vld.idx.msk [tilespmem:v44+s16+$0x0], $0xffff  }
0x4b7: {  	v50 =	vmul.f32 v45, v52;
	v18 =	vadd.f32 v47, v18  }
0x4b8: {  	v21 =	vld.idx.msk [tilespmem:v44+s17+$0x0], $0xffff  }
0x4b9: {  	v51 =	vmul.f32 v22, v55;
	v52 =	vor.u32 $0x11, v17;
	v18 =	vadd.f32 v50, v18  }
0x4ba: {  	v53 =	vld.idx.msk [tilespmem:v48+s16+$0x0], $0xffff  }
0x4bb: {  	v54 =	vmul.f32 v49, v54;
	v18 =	vadd.f32 v51, v18  }
0x4bc: {  	v20 =	vld.idx.msk [tilespmem:v48+s17+$0x0], $0xffff  }
0x4bd: {  	v55 =	vmul.f32 v21, v57;
	v57 =	vor.u32 $0x12, v17;
	v18 =	vadd.f32 v54, v18  }
0x4be: {  	v0 =	vld.idx.msk [tilespmem:v52+s16+$0x0], $0xffff  }
0x4bf: {  	v28 =	vmul.f32 v53, v56;
	v18 =	vadd.f32 v55, v18  }
0x4c0: {  	v22 =	vld.idx.msk [tilespmem:v52+s17+$0x0], $0xffff  }
0x4c1: {  	v30 =	vor.u32 $0x13, v17;
	v29 =	vmul.f32 v20, v59;
	v18 =	vadd.f32 v28, v18  }
0x4c2: {  	v31 =	vld.idx.msk [tilespmem:v57+s16+$0x0], $0xffff  }
0x4c3: {  	v37 =	vld [tilespmem:$0x1F480];
	v32 =	vmul.f32 v0, v58;
	v18 =	vadd.f32 v29, v18  }
0x4c4: {  	v21 =	vld.idx.msk [tilespmem:v57+s17+$0x0], $0xffff  }
0x4c5: {  	v34 =	vor.u32 $0x14, v17;
	v33 =	vmul.f32 v22, v61;
	v18 =	vadd.f32 v32, v18  }
0x4c6: {  	v35 =	vld.idx.msk [tilespmem:v30+s16+$0x0], $0xffff  }
0x4c7: {  	v36 =	vmul.f32 v31, v60;
	v18 =	vadd.f32 v33, v18  }
0x4c8: {  	v20 =	vld.idx.msk [tilespmem:v30+s17+$0x0], $0xffff  }
0x4c9: {  	v45 =	vld [tilespmem:$0x1F4B0];
	v39 =	vor.u32 $0x15, v17;
	v38 =	vmul.f32 v21, v37;
	v18 =	vadd.f32 v36, v18  }
0x4ca: {  	v40 =	vld.idx.msk [tilespmem:v34+s16+$0x0], $0xffff  }
0x4cb: {  	v41 =	vmul.f32 v35, v62;
	v18 =	vadd.f32 v38, v18  }
0x4cc: {  	v22 =	vld.idx.msk [tilespmem:v34+s17+$0x0], $0xffff  }
0x4cd: {  	v42 =	vmul.f32 v20, v63;
	v43 =	vor.u32 $0x16, v17;
	v18 =	vadd.f32 v41, v18  }
0x4ce: {  	v44 =	vld.idx.msk [tilespmem:v39+s16+$0x0], $0xffff  }
0x4cf: {  	v46 =	vmul.f32 v40, v45;
	v18 =	vadd.f32 v42, v18  }
0x4d0: {  	v21 =	vld.idx.msk [tilespmem:v39+s17+$0x0], $0xffff  }
0x4d1: {  	v48 =	vor.u32 $0x17, v17;
	v47 =	vmul.f32 v22, v3;
	v18 =	vadd.f32 v46, v18  }
0x4d2: {  	v49 =	vld.idx.msk [tilespmem:v43+s16+$0x0], $0xffff  }
0x4d3: {  	v50 =	vmul.f32 v44, v4;
	v18 =	vadd.f32 v47, v18  }
0x4d4: {  	v20 =	vld.idx.msk [tilespmem:v43+s17+$0x0], $0xffff  }
0x4d5: {  	v52 =	vor.u32 $0x18, v17;
	v51 =	vmul.f32 v21, v5;
	v18 =	vadd.f32 v50, v18  }
0x4d6: {  	v53 =	vld.idx.msk [tilespmem:v48+s16+$0x0], $0xffff  }
0x4d7: {  	v54 =	vmul.f32 v49, v6;
	v18 =	vadd.f32 v51, v18  }
0x4d8: {  	v22 =	vld.idx.msk [tilespmem:v48+s17+$0x0], $0xffff  }
0x4d9: {  	v56 =	vor.u32 $0x19, v17;
	v55 =	vmul.f32 v20, v7;
	v18 =	vadd.f32 v54, v18  }
0x4da: {  	v57 =	vld.idx.msk [tilespmem:v52+s16+$0x0], $0xffff  }
0x4db: {  	v58 =	vmul.f32 v53, v8;
	v18 =	vadd.f32 v55, v18  }
0x4dc: {  	v21 =	vld.idx.msk [tilespmem:v52+s17+$0x0], $0xffff  }
0x4dd: {  	v60 =	vor.u32 $0x1A, v17;
	v59 =	vmul.f32 v22, v9;
	v18 =	vadd.f32 v58, v18  }
0x4de: {  	v61 =	vld.idx.msk [tilespmem:v56+s16+$0x0], $0xffff  }
0x4df: {  	v62 =	vmul.f32 v57, v10;
	v18 =	vadd.f32 v59, v18  }
0x4e0: {  	v20 =	vld.idx.msk [tilespmem:v56+s17+$0x0], $0xffff  }
0x4e1: {  	v0 =	vor.u32 $0x1B, v17;
	v63 =	vmul.f32 v21, v11;
	v18 =	vadd.f32 v62, v18  }
0x4e2: {  	v3 =	vld.idx.msk [tilespmem:v60+s16+$0x0], $0xffff  }
0x4e3: {  	v4 =	vmul.f32 v61, v12;
	v18 =	vadd.f32 v63, v18  }
0x4e4: {  	v22 =	vld.idx.msk [tilespmem:v60+s17+$0x0], $0xffff  }
0x4e5: {  	v6 =	vor.u32 $0x1C, v17;
	v5 =	vmul.f32 v20, v13;
	v18 =	vadd.f32 v4, v18  }
0x4e6: {  	v7 =	vld.idx.msk [tilespmem:v0+s16+$0x0], $0xffff  }
0x4e7: {  	v8 =	vmul.f32 v3, v14;
	v18 =	vadd.f32 v5, v18  }
0x4e8: {  	v21 =	vld.idx.msk [tilespmem:v0+s17+$0x0], $0xffff  }
0x4e9: {  	v25 =	vld [tilespmem:$0x1F5E0];
	v10 =	vor.u32 $0x1D, v17;
	v9 =	vmul.f32 v22, v15;
	v18 =	vadd.f32 v8, v18  }
0x4ea: {  	v11 =	vld.idx.msk [tilespmem:v6+s16+$0x0], $0xffff  }
0x4eb: {  	v27 =	vld [tilespmem:$0x1F5F0];
	v12 =	vmul.f32 v7, v16;
	v18 =	vadd.f32 v9, v18  }
0x4ec: {  	v20 =	vld.idx.msk [tilespmem:v6+s17+$0x0], $0xffff  }
0x4ed: {  	v31 =	vld [tilespmem:$0x1F620];
	v14 =	vor.u32 $0x1E, v17;
	v13 =	vmul.f32 v21, v1;
	v18 =	vadd.f32 v12, v18  }
0x4ee: {  	v15 =	vld.idx.msk [tilespmem:v10+s16+$0x0], $0xffff  }
0x4ef: {  	v22 =	vld.idx.msk [tilespmem:v10+s17+$0x0], $0xffff;
	v26 =	vmul.f32 v11, v25;
	v18 =	vadd.f32 v13, v18  }
0x4f0: {  	v33 =	vld [tilespmem:$0x1F650]  }
0x4f1: {  	v37 =	vld [tilespmem:$0x1F660];
	v29 =	vor.u32 $0x1F, v17;
	v28 =	vmul.f32 v20, v27;
	v18 =	vadd.f32 v26, v18  }
0x4f2: {  	v30 =	vld.idx.msk [tilespmem:v14+s16+$0x0], $0xffff  }
0x4f3: {  	v39 =	vld [tilespmem:$0x1F690];
	v32 =	vmul.f32 v15, v31;
	v18 =	vadd.f32 v28, v18  }
0x4f4: {  	v21 =	vld.idx.msk [tilespmem:v14+s17+$0x0], $0xffff  }
0x4f5: {  	v35 =	vor.u32 $0x20, v17;
	v43 =	vld [tilespmem:$0x1F6C0];
	v34 =	vmul.f32 v22, v33;
	v18 =	vadd.f32 v32, v18  }
0x4f6: {  	v36 =	vld.idx.msk [tilespmem:v29+s16+$0x0], $0xffff  }
0x4f7: {  	v45 =	vld [tilespmem:$0x1F6D0];
	v38 =	vmul.f32 v30, v37;
	v18 =	vadd.f32 v34, v18  }
0x4f8: {  	v20 =	vld.idx.msk [tilespmem:v29+s17+$0x0], $0xffff;
	v41 =	vor.u32 $0x21, v17  }
0x4f9: {  	v49 =	vld [tilespmem:$0x1F700];
	v40 =	vmul.f32 v21, v39;
	v18 =	vadd.f32 v38, v18  }
0x4fa: {  	v42 =	vld.idx.msk [tilespmem:v35+s16+$0x0], $0xffff  }
0x4fb: {  	v22 =	vld.idx.msk [tilespmem:v35+s17+$0x0], $0xffff;
	v44 =	vmul.f32 v36, v43;
	v18 =	vadd.f32 v40, v18  }
0x4fc: {  	v51 =	vld [tilespmem:$0x1F730]  }
0x4fd: {  	v46 =	vmul.f32 v20, v45;
	v48 =	vld.idx.msk [tilespmem:v41+s16+$0x0], $0xffff;
	v47 =	vor.u32 $0x22, v17;
	v18 =	vadd.f32 v44, v18  }
0x4fe: {  	v55 =	vld [tilespmem:$0x1F740]  }
0x4ff: {  	v57 =	vld [tilespmem:$0x1F770];
	v50 =	vmul.f32 v42, v49;
	v18 =	vadd.f32 v46, v18  }
0x500: {  	v53 =	vor.u32 $0x23, v17;
	v21 =	vld.idx.msk [tilespmem:v41+s17+$0x0], $0xffff  }
0x501: {  	v61 =	vld [tilespmem:$0x1F7A0];
	v52 =	vmul.f32 v22, v51;
	v18 =	vadd.f32 v50, v18  }
0x502: {  	v54 =	vld.idx.msk [tilespmem:v47+s16+$0x0], $0xffff  }
0x503: {  	v20 =	vld.idx.msk [tilespmem:v47+s17+$0x0], $0xffff;
	v56 =	vmul.f32 v48, v55;
	v18 =	vadd.f32 v52, v18  }
0x504: {  	v63 =	vld [tilespmem:$0x1F7B0]  }
0x505: {  	v60 =	vld.idx.msk [tilespmem:v53+s16+$0x0], $0xffff;
	v58 =	vmul.f32 v21, v57;
	v59 =	vor.u32 $0x24, v17;
	v18 =	vadd.f32 v56, v18  }
0x506: {  	v6 =	vld [tilespmem:$0x1F7E0]  }
0x507: {  	v22 =	vld.idx.msk [tilespmem:v53+s17+$0x0], $0xffff;
	v62 =	vmul.f32 v54, v61;
	v18 =	vadd.f32 v58, v18  }
0x508: {  	v4 =	vor.u32 $0x25, v17;
	v9 =	vld [tilespmem:$0x1F810]  }
0x509: {  	v11 =	vld [tilespmem:$0x1F820];
	v3 =	vmul.f32 v20, v63;
	v18 =	vadd.f32 v62, v18  }
0x50a: {  	v5 =	vld.idx.msk [tilespmem:v59+s16+$0x0], $0xffff  }
0x50b: {  	v14 =	vld [tilespmem:$0x1F850];
	v7 =	vmul.f32 v60, v6;
	v18 =	vadd.f32 v3, v18  }
0x50c: {  	v21 =	vld.idx.msk [tilespmem:v59+s17+$0x0], $0xffff  }
0x50d: {  	v8 =	vor.u32 $0x26, v17;
	v10 =	vld.idx.msk [tilespmem:v4+s16+$0x0], $0xffff;
	v22 =	vmul.f32 v22, v9;
	v18 =	vadd.f32 v7, v18  }
0x50e: {  	v28 =	vld [tilespmem:$0x1F880]  }
0x50f: {  	v31 =	vld [tilespmem:$0x1F890];
	v12 =	vmul.f32 v5, v11;
	v18 =	vadd.f32 v22, v18  }
0x510: {  	v20 =	vld.idx.msk [tilespmem:v4+s17+$0x0], $0xffff;
	v13 =	vor.u32 $0x27, v17  }
0x511: {  	v33 =	vld [tilespmem:$0x1F8C0];
	v21 =	vmul.f32 v21, v14;
	v18 =	vadd.f32 v12, v18  }
0x512: {  	v15 =	vld.idx.msk [tilespmem:v8+s16+$0x0], $0xffff  }
0x513: {  	v36 =	vld [tilespmem:$0x1F8F0];
	v29 =	vmul.f32 v10, v28;
	v18 =	vadd.f32 v21, v18  }
0x514: {  	v19 =	vld.idx.msk [tilespmem:v8+s17+$0x0], $0xffff  }
0x515: {  	v30 =	vor.u32 $0x28, v17;
	v20 =	vmul.f32 v20, v31;
	v32 =	vld.idx.msk [tilespmem:v13+s16+$0x0], $0xffff;
	v18 =	vadd.f32 v29, v18  }
0x516: {  	v38 =	vld [tilespmem:$0x1F900]  }
0x517: {  	v41 =	vld [tilespmem:$0x1F930];
	v34 =	vmul.f32 v15, v33;
	v18 =	vadd.f32 v20, v18  }
0x518: {  	v35 =	vor.u32 $0x29, v17;
	v22 =	vld.idx.msk [tilespmem:v13+s17+$0x0], $0xffff  }
0x519: {  	v43 =	vld [tilespmem:$0x1F960];
	v19 =	vmul.f32 v19, v36;
	v18 =	vadd.f32 v34, v18  }
0x51a: {  	v37 =	vld.idx.msk [tilespmem:v30+s16+$0x0], $0xffff  }
0x51b: {  	v39 =	vmul.f32 v32, v38;
	v46 =	vld [tilespmem:$0x1F970];
	v18 =	vadd.f32 v19, v18  }
0x51c: {  	v21 =	vld.idx.msk [tilespmem:v30+s17+$0x0], $0xffff  }
0x51d: {  	v42 =	vld.idx.msk [tilespmem:v35+s16+$0x0], $0xffff;
	v40 =	vor.u32 $0x2A, v17;
	v22 =	vmul.f32 v22, v41;
	v18 =	vadd.f32 v39, v18  }
0x51e: {  	v48 =	vld [tilespmem:$0x1F9A0]  }
0x51f: {  	v51 =	vld [tilespmem:$0x1F9D0];
	v44 =	vmul.f32 v37, v43;
	v18 =	vadd.f32 v22, v18  }
0x520: {  	v45 =	vor.u32 $0x2B, v17;
	v20 =	vld.idx.msk [tilespmem:v35+s17+$0x0], $0xffff  }
0x521: {  	v53 =	vld [tilespmem:$0x1F9E0];
	v21 =	vmul.f32 v21, v46;
	v18 =	vadd.f32 v44, v18  }
0x522: {  	v47 =	vld.idx.msk [tilespmem:v40+s16+$0x0], $0xffff  }
0x523: {  	v49 =	vmul.f32 v42, v48;
	v56 =	vld [tilespmem:$0x1FA10];
	v18 =	vadd.f32 v21, v18  }
0x524: {  	v19 =	vld.idx.msk [tilespmem:v40+s17+$0x0], $0xffff  }
0x525: {  	v50 =	vor.u32 $0x2C, v17;
	v52 =	vld.idx.msk [tilespmem:v45+s16+$0x0], $0xffff;
	v20 =	vmul.f32 v20, v51;
	v18 =	vadd.f32 v49, v18  }
0x526: {  	v58 =	vld [tilespmem:$0x1FA40]  }
0x527: {  	v61 =	vld [tilespmem:$0x1FA50];
	v54 =	vmul.f32 v47, v53;
	v18 =	vadd.f32 v20, v18  }
0x528: {  	v22 =	vld.idx.msk [tilespmem:v45+s17+$0x0], $0xffff  }
0x529: {  	v55 =	vor.u32 $0x2D, v17;
	v63 =	vld [tilespmem:$0x1FA80];
	v19 =	vmul.f32 v19, v56;
	v18 =	vadd.f32 v54, v18  }
0x52a: {  	v57 =	vld.idx.msk [tilespmem:v50+s16+$0x0], $0xffff  }
0x52b: {  	v6 =	vld [tilespmem:$0x1FAB0];
	v59 =	vmul.f32 v52, v58;
	v18 =	vadd.f32 v19, v18  }
0x52c: {  	v60 =	vor.u32 $0x2E, v17;
	v21 =	vld.idx.msk [tilespmem:v50+s17+$0x0], $0xffff  }
0x52d: {  	v8 =	vld [tilespmem:$0x1FAC0];
	v22 =	vmul.f32 v22, v61;
	v18 =	vadd.f32 v59, v18  }
0x52e: {  	v62 =	vld.idx.msk [tilespmem:v55+s16+$0x0], $0xffff  }
0x52f: {  	v11 =	vld [tilespmem:$0x1FAF0];
	v4 =	vmul.f32 v57, v63;
	v18 =	vadd.f32 v22, v18  }
0x530: {  	v5 =	vor.u32 $0x2F, v17;
	v20 =	vld.idx.msk [tilespmem:v55+s17+$0x0], $0xffff  }
0x531: {  	v7 =	vld.idx.msk [tilespmem:v60+s16+$0x0], $0xffff;
	v21 =	vmul.f32 v21, v6;
	v18 =	vadd.f32 v4, v18  }
0x532: {  	v13 =	vld [tilespmem:$0x1FB20]  }
0x533: {  	v28 =	vld [tilespmem:$0x1FB30];
	v9 =	vmul.f32 v62, v8;
	v18 =	vadd.f32 v21, v18  }
0x534: {  	v10 =	vor.u32 $0x30, v17;
	v19 =	vld.idx.msk [tilespmem:v60+s17+$0x0], $0xffff  }
0x535: {  	v12 =	vld.idx.msk [tilespmem:v5+s16+$0x0], $0xffff;
	v20 =	vmul.f32 v20, v11;
	v18 =	vadd.f32 v9, v18  }
0x536: {  	v30 =	vld [tilespmem:$0x1FB60]  }
0x537: {  	v33 =	vld [tilespmem:$0x1FB90];
	v14 =	vmul.f32 v7, v13;
	v18 =	vadd.f32 v20, v18  }
0x538: {  	v15 =	vor.u32 $0x31, v17;
	v22 =	vld.idx.msk [tilespmem:v5+s17+$0x0], $0xffff  }
0x539: {  	v29 =	vld.idx.msk [tilespmem:v10+s16+$0x0], $0xffff;
	v19 =	vmul.f32 v19, v28;
	v18 =	vadd.f32 v14, v18  }
0x53a: {  	v35 =	vld [tilespmem:$0x1FBA0]  }
0x53b: {  	v38 =	vld [tilespmem:$0x1FBD0];
	v31 =	vmul.f32 v12, v30;
	v18 =	vadd.f32 v19, v18  }
0x53c: {  	v32 =	vor.u32 $0x32, v17;
	v21 =	vld.idx.msk [tilespmem:v10+s17+$0x0], $0xffff  }
0x53d: {  	v34 =	vld.idx.msk [tilespmem:v15+s16+$0x0], $0xffff;
	v22 =	vmul.f32 v22, v33;
	v18 =	vadd.f32 v31, v18  }
0x53e: {  	v40 =	vld [tilespmem:$0x1FC00]  }
0x53f: {  	v43 =	vld [tilespmem:$0x1FC10];
	v36 =	vmul.f32 v29, v35;
	v18 =	vadd.f32 v22, v18  }
0x540: {  	v37 =	vor.u32 $0x33, v17;
	v20 =	vld.idx.msk [tilespmem:v15+s17+$0x0], $0xffff  }
0x541: {  	v39 =	vld.idx.msk [tilespmem:v32+s16+$0x0], $0xffff;
	v21 =	vmul.f32 v21, v38;
	v18 =	vadd.f32 v36, v18  }
0x542: {  	v45 =	vld [tilespmem:$0x1FC40]  }
0x543: {  	v48 =	vld [tilespmem:$0x1FC70];
	v41 =	vmul.f32 v34, v40;
	v18 =	vadd.f32 v21, v18  }
0x544: {  	v42 =	vor.u32 $0x34, v17;
	v19 =	vld.idx.msk [tilespmem:v32+s17+$0x0], $0xffff  }
0x545: {  	v44 =	vld.idx.msk [tilespmem:v37+s16+$0x0], $0xffff;
	v20 =	vmul.f32 v20, v43;
	v18 =	vadd.f32 v41, v18  }
0x546: {  	v50 =	vld [tilespmem:$0x1FC80]  }
0x547: {  	v53 =	vld [tilespmem:$0x1FCB0];
	v46 =	vmul.f32 v39, v45;
	v18 =	vadd.f32 v20, v18  }
0x548: {  	v47 =	vor.u32 $0x35, v17;
	v22 =	vld.idx.msk [tilespmem:v37+s17+$0x0], $0xffff  }
0x549: {  	v49 =	vld.idx.msk [tilespmem:v42+s16+$0x0], $0xffff;
	v19 =	vmul.f32 v19, v48;
	v18 =	vadd.f32 v46, v18  }
0x54a: {  	v55 =	vld [tilespmem:$0x1FCE0]  }
0x54b: {  	v58 =	vld [tilespmem:$0x1FCF0];
	v51 =	vmul.f32 v44, v50;
	v18 =	vadd.f32 v19, v18  }
0x54c: {  	v52 =	vor.u32 $0x36, v17;
	v21 =	vld.idx.msk [tilespmem:v42+s17+$0x0], $0xffff  }
0x54d: {  	v54 =	vld.idx.msk [tilespmem:v47+s16+$0x0], $0xffff;
	v22 =	vmul.f32 v22, v53;
	v18 =	vadd.f32 v51, v18  }
0x54e: {  	v60 =	vld [tilespmem:$0x1FD20]  }
0x54f: {  	v63 =	vld [tilespmem:$0x1FD50];
	v56 =	vmul.f32 v49, v55;
	v18 =	vadd.f32 v22, v18  }
0x550: {  	v57 =	vor.u32 $0x37, v17;
	v20 =	vld.idx.msk [tilespmem:v47+s17+$0x0], $0xffff  }
0x551: {  	v59 =	vld.idx.msk [tilespmem:v52+s16+$0x0], $0xffff;
	v21 =	vmul.f32 v21, v58;
	v18 =	vadd.f32 v56, v18  }
0x552: {  	v5 =	vld [tilespmem:$0x1FD60]  }
0x553: {  	v8 =	vld [tilespmem:$0x1FD90];
	v61 =	vmul.f32 v54, v60;
	v18 =	vadd.f32 v21, v18  }
0x554: {  	v19 =	vld.idx.msk [tilespmem:v52+s17+$0x0], $0xffff  }
0x555: {  	v62 =	vor.u32 $0x38, v17;
	v4 =	vld.idx.msk [tilespmem:v57+s16+$0x0], $0xffff;
	v20 =	vmul.f32 v20, v63;
	v18 =	vadd.f32 v61, v18  }
0x556: {  	v10 =	vld [tilespmem:$0x1FDC0]  }
0x557: {  	v13 =	vld [tilespmem:$0x1FDD0];
	v6 =	vmul.f32 v59, v5;
	v18 =	vadd.f32 v20, v18  }
0x558: {  	v22 =	vld.idx.msk [tilespmem:v57+s17+$0x0], $0xffff  }
0x559: {  	v25 =	vld [tilespmem:$0x1FE00];
	v7 =	vor.u32 $0x39, v17;
	v19 =	vmul.f32 v19, v8;
	v18 =	vadd.f32 v6, v18  }
0x55a: {  	v9 =	vld.idx.msk [tilespmem:v62+s16+$0x0], $0xffff  }
0x55b: {  	v27 =	vld [tilespmem:$0x1FE30];
	v0 =	vmul.f32 v4, v10;
	v18 =	vadd.f32 v19, v18  }
0x55c: {  	v12 =	vor.u32 $0x3A, v17;
	v11 =	vld.idx.msk [tilespmem:v62+s17+$0x0], $0xffff  }
0x55d: {  	v30 =	vld [tilespmem:$0x1FE40];
	v14 =	vmul.f32 v22, v13;
	v0 =	vadd.f32 v0, v18  }
0x55e: {  	v15 =	vld.idx.msk [tilespmem:v7+s16+$0x0], $0xffff  }
0x55f: {  	v34 =	vld [tilespmem:$0x1FE70];
	v1 =	vmul.f32 v9, v25;
	v0 =	vadd.f32 v14, v0  }
0x560: {  	v20 =	vld.idx.msk [tilespmem:v7+s17+$0x0], $0xffff  }
0x561: {  	v26 =	vor.u32 $0x3B, v17;
	v29 =	vld.idx.msk [tilespmem:v12+s16+$0x0], $0xffff;
	v28 =	vmul.f32 v11, v27;
	v0 =	vadd.f32 v1, v0  }
0x562: {  	v37 =	vld [tilespmem:$0x1FEA0]  }
0x563: {  	v32 =	vld.idx.msk [tilespmem:v12+s17+$0x0], $0xffff;
	v31 =	vmul.f32 v15, v30;
	v0 =	vadd.f32 v28, v0  }
0x564: {  	v41 =	vld [tilespmem:$0x1FEC0]  }
0x565: {  	v33 =	vor.u32 $0x3C, v17;
	v43 =	vld [tilespmem:$0x1FEE0];
	v35 =	vmul.f32 v20, v34;
	v0 =	vadd.f32 v31, v0  }
0x566: {  	v36 =	vld.idx.msk [tilespmem:v26+s16+$0x0], $0xffff  }
0x567: {  	v39 =	vld.idx.msk [tilespmem:v26+s17+$0x0], $0xffff;
	v38 =	vmul.f32 v29, v37;
	v0 =	vadd.f32 v35, v0  }
0x568: {  	v40 =	vor.u32 $0x3D, v17;
	v46 =	vld [tilespmem:$0x1FF10]  }
0x569: {  	v48 =	vld [tilespmem:$0x1FF40];
	v4 =	vmul.f32 v32, v41;
	v0 =	vadd.f32 v38, v0  }
0x56a: {  	v42 =	vld.idx.msk [tilespmem:v33+s16+$0x0], $0xffff  }
0x56b: {  	v50 =	vld [tilespmem:$0x1FF70];
	v44 =	vmul.f32 v36, v43;
	v0 =	vadd.f32 v4, v0  }
0x56c: {  	v45 =	vor.u32 $0x3E, v17;
	v3 =	vld.idx.msk [tilespmem:v33+s17+$0x0], $0xffff  }
0x56d: {  	v47 =	vld.idx.msk [tilespmem:v40+s16+$0x0], $0xffff;
	v1 =	vmul.f32 v39, v46;
	v0 =	vadd.f32 v44, v0  }
0x56e: {  	v52 =	vld [tilespmem:$0x1FF80]  }
0x56f: {  	v54 =	vld [tilespmem:$0x1FFA0];
	v0 =	vadd.f32 v1, v0;
	v1 =	vmul.f32 v42, v48  }
0x570: {  	v5 =	vld.idx.msk [tilespmem:v40+s17+$0x0], $0xffff  }
0x571: {  	v49 =	vor.u32 $0x3F, v17;
	v3 =	vmul.f32 v3, v50;
	v51 =	vld.idx.msk [tilespmem:v45+s16+$0x0], $0xffff;
	v0 =	vadd.f32 v1, v0  }
0x572: {  	v57 =	vld [tilespmem:$0x1FFC0]  }
0x573: {  	v60 =	vld [tilespmem:$0x1FFE0];
	v53 =	vmul.f32 v47, v52;
	v0 =	vadd.f32 v3, v0  }
0x574: {  	v4 =	vld.idx.msk [tilespmem:v45+s17+$0x0], $0xffff  }
0x575: {  	v55 =	vmul.f32 v5, v54;
	v0 =	vadd.f32 v53, v0  }
0x576: {  	v56 =	vld.idx.msk [tilespmem:v49+s16+$0x0], $0xffff  }
0x577: {  	v59 =	vld.idx.msk [tilespmem:v49+s17+$0x0], $0xffff;
	v58 =	vmul.f32 v51, v57;
	v0 =	vadd.f32 v55, v0  }
0x578: {  	v63 =	vld [tilespmem:$0x1F440]  }
0x579: {  	v61 =	vmul.f32 v4, v60;
	v0 =	vadd.f32 v58, v0;
	_ =	sdelay $0x1  }
0x57a: {  	v62 =	vmul.f32 v56, v2;
	v0 =	vadd.f32 v61, v0;
	_ =	sdelay $0x1  }
0x57b: {  	v1 =	vmul.f32 v59, v63;
	v0 =	vadd.f32 v62, v0;
	_ =	sdelay $0x1  }
0x57c: {  	s0 =	sadd.s32 $0x1, s0;
	v0 =	vadd.f32 v1, v0  }
0x57d: {  	p0 =	sne.s32 s0, s10;
	s1 =	sadd.s32 $0x10, s1  }
.Ltmp1:
0x57e: {  	[tilespmem:s1+$0x0] =	vst v0;
	(pc) =	sbr.rel @p0 .LBB2_1-.Ltmp1, $4  }
0x57f: {  	[hbm4b:s9+s4] =	stream.linear.scatter [tilespmem:s31], [sflag:$0x2], $0x200, $0x38;
	[tilespmem:$0x10690] =	vst v63  }
0x580: {  	_ =	swait.ge [sflag:s12], $0x200  }
0x581: {  	[sflag:s12] =	ssyncset.done $0x0  }
0x582: {  	[sflag:s12] =	ssyncadd.s32 $0xFFFFFE00  }
0x583: {  	_ =	sfence.sel $0x180000  }
0x584: {  	[bflag:$0x0] =	sbarrier.arrive $0xFFFF  }
0x585: {  	_ =	strace $0x90000047  }
0x586: {  	s0 =	stileid.u32;
	[bflag:$0x2] =	sbarrier.arrive $0xFFFF  }
0x587: {  	p0 =	sne.s32 s0, $0x0;
	s0 =	rddreg [dreg:$0x6]  }
0x588: {  	s0 =	sadd.s32 @!p0 $0x100000, s0  }
0x589: {  	[sflag:s0] =	ssyncadd.tile.s32 @!p0 $0x1;
	_ =	shalt  }
.Lfunc_end2:
_tile_overlayer_lowered:
.L_overlay_start_2:
0x58a: {  	(tag) =	ssettag $0x2  }
0x58b: {  	s0 =	rddreg [dreg:$0x0];
	s2 =	stileid.u32  }
0x58c: {  	s1 =	rddreg [dreg:$0x1];
	p0 =	sne.s32 s2, $0x0  }
0x58d: {  	s3 =	rddreg [dreg:$0x2];
	[bflag:$0x3] =	sbarrier.arrive $0xFFFF;
	s2 =	simm.s32 @!p0 $0x1C02  }
0x58e: {  	[timem:s3], [sflag:s2] =	dma.local @!p0 [hbm:s0], s1  }
0x58f: {  	s0 =	simm.s32 @!p0 $0x2  }
0x590: {  	_ =	swait.ge @!p0 [sflag:s0], s1  }
0x591: {  	s1 =	ssub.s32 @!p0 $0x0, s1;
	[sflag:s0] =	ssyncset.done @!p0 $0x0  }
0x592: {  	[sflag:s0] =	ssyncadd.s32 @!p0 s1  }
0x593: {  	[bflag:$0x3] =	sbarrier.arrive $0xFFFF  }
0x594: {  	_ =	shalt  }

</sc_bundles>
